<compile_context>
chip_gen: v7x
topology: tpu7x:2x2x1
jax: 0.10.2.dev20260603
libtpu: 0.0.44.dev20260713+nightly
codegen_flags: <defaults>
</compile_context>

<pallas_src>
import functools

import numpy as np
import jax
import jax.numpy as jnp
from jax import lax
from jax.experimental import pallas as pl
from jax.experimental.pallas import tpu as pltpu
from jax.experimental.pallas import tpu_sc as plsc

_COS2 = float(np.cos(np.deg2rad(20.0)) ** 2)
_TAN = float(np.tan(np.deg2rad(20.0)))
_LANES = 128
_SC_L = 16
_CH = 64



def _tc_body(scal_ref, x_ref, y_ref, v_ref, p_ref, o_ref, vx_ref, vy_ref,
             *, n_veh: int, n_pad: int):
    X = x_ref[...]
    Y = y_ref[...]
    V = v_ref[...]
    P = p_ref[...]
    C = jnp.cos(P)
    S = jnp.sin(P)
    VX = V * C
    VY = V * S
    vx_ref[...] = VX
    vy_ref[...] = VY
    inf = jnp.float32(np.inf)
    cnd = jnp.full((n_pad, _LANES), inf, jnp.float32)
    lvx = jnp.zeros((n_pad, _LANES), jnp.float32)
    lvy = jnp.zeros((n_pad, _LANES), jnp.float32)

    for a in range(n_veh):
        xa = x_ref[a:a + 1, :]
        ya = y_ref[a:a + 1, :]
        vxa = vx_ref[a:a + 1, :]
        vya = vy_ref[a:a + 1, :]
        dx = xa - X
        dy = ya - Y
        nd = dx * C + dy * S
        h = dy * C - dx * S
        cone = jnp.abs(h) < nd * _TAN
        upd = cone & (nd < cnd)
        cnd = jnp.where(upd, nd, cnd)
        lvx = jnp.where(upd, vxa, lvx)
        lvy = jnp.where(upd, vya, lvy)

    L = scal_ref[0]
    v0 = scal_ref[1]
    s0 = scal_ref[2]
    dth = scal_ref[3]
    amax = scal_ref[4]
    bb = scal_ref[5]
    inv2 = 0.5 * lax.rsqrt(amax * bb)
    dvx = lvx - VX
    dvy = lvy - VY
    ndv = dvx * C + dvy * S
    sstar = s0 + V * dth + V * ndv * inv2
    sal = cnd - L
    t = V * (1.0 / v0)
    t2 = t * t
    af = amax * (1.0 - t2 * t2)
    r = sstar / sal
    act = af - amax * (r * r)
    o_ref[...] = jnp.where(sal == inf, af, act)


def _tc_idm(state, scal, n, n_pad):
    B = state.shape[0]
    st = state.reshape(B, -1, 5)
    pad = ((0, n_pad - n), (0, 0))
    xt = jnp.pad(st[..., 0].T, pad)
    yt = jnp.pad(st[..., 1].T, pad)
    vt = jnp.pad(st[..., 2].T, pad)
    pt = jnp.pad(st[..., 3].T, pad)
    grid = (B // _LANES,)
    body = functools.partial(_tc_body, n_veh=n, n_pad=n_pad)
    vspec = pl.BlockSpec((n_pad, _LANES), lambda i: (0, i))
    out = pl.pallas_call(
        body,
        grid=grid,
        in_specs=[
            pl.BlockSpec(memory_space=pltpu.SMEM),
            vspec, vspec, vspec, vspec,
        ],
        out_specs=vspec,
        out_shape=jax.ShapeDtypeStruct((n_pad, B), jnp.float32),
        scratch_shapes=[
            pltpu.VMEM((n_pad, _LANES), jnp.float32),
            pltpu.VMEM((n_pad, _LANES), jnp.float32),
        ],
        compiler_params=pltpu.CompilerParams(
            dimension_semantics=("parallel",)),
    )(scal, xt, yt, vt, pt)
    return out[:n].T



def _prep_body(scal_ref, v_ref, p_ref,
               c_ref, s_ref, vx_ref, vy_ref, ap_ref, bp_ref, af_ref):
    v = v_ref[...]
    p = p_ref[...]
    c = jnp.cos(p)
    s = jnp.sin(p)
    v0 = scal_ref[1]
    s0 = scal_ref[2]
    dth = scal_ref[3]
    amax = scal_ref[4]
    bb = scal_ref[5]
    c_ref[...] = c
    s_ref[...] = s
    vx_ref[...] = v * c
    vy_ref[...] = v * s
    sqa = jnp.sqrt(amax)
    ap_ref[...] = sqa * (s0 + v * dth)
    bp_ref[...] = (0.5 * lax.rsqrt(bb)) * v
    t = v * (1.0 / v0)
    t2 = t * t
    af_ref[...] = amax * (1.0 - t2 * t2)


def _tc_prep(x, y, v, p, scal):
    B, npad = v.shape
    blk = next(c for c in (512, 448, 384, 320, 256, 192, 128, 64, 32, 16, 8)
               if B % c == 0)
    vspec = pl.BlockSpec((blk, npad), lambda i: (i, 0))
    shp = jax.ShapeDtypeStruct((B, npad), jnp.float32)
    return pl.pallas_call(
        _prep_body,
        grid=(B // blk,),
        in_specs=[pl.BlockSpec(memory_space=pltpu.SMEM), vspec, vspec],
        out_specs=[vspec] * 7,
        out_shape=[shp] * 7,
        compiler_params=pltpu.CompilerParams(
            dimension_semantics=("parallel",)),
    )(scal, v, p)



def _sc_idm_call(x, y, c, s, vx, vy, ap, bp, af, l16, n_veh, npad):
    B = x.shape[0] // npad
    ng = npad // _SC_L
    n_workers = 32
    per_w = B // n_workers
    ch = min(_CH, per_w)
    chw = ch * npad
    mesh = plsc.VectorSubcoreMesh(core_axis_name="c", subcore_axis_name="s")

    @functools.partial(
        pl.kernel, mesh=mesh,
        out_type=jax.ShapeDtypeStruct((B * npad,), jnp.float32),
        scratch_types=[pltpu.VMEM((chw,), jnp.float32)] * 10
                      + [pltpu.VMEM((_SC_L,), jnp.float32)],
        compiler_params=pltpu.CompilerParams(needs_layout_passes=False),
    )
    def sck(x_h, y_h, c_h, s_h, vx_h, vy_h, ap_h, bp_h, af_h, l_h, out_h,
            xv, yv, cv, sv, vxv, vyv, apv, bpv, afv, ov, lv):
        wid = lax.axis_index("s") * 2 + lax.axis_index("c")
        base0 = wid * (per_w * npad)
        pltpu.sync_copy(l_h, lv)
        L16 = lv[...]
        inf16 = jnp.full((_SC_L,), np.inf, jnp.float32)
        z16 = jnp.zeros((_SC_L,), jnp.float32)
        zi = jnp.zeros((_SC_L,), jnp.int32)

        for ci in range(per_w // ch):
            cb = base0 + ci * chw
            for src, dst in ((x_h, xv), (y_h, yv), (c_h, cv), (s_h, sv),
                             (vx_h, vxv), (vy_h, vyv), (ap_h, apv),
                             (bp_h, bpv), (af_h, afv)):
                pltpu.sync_copy(src.at[pl.ds(cb, chw)], dst)

            def batch_body(bi, _):
                off = bi * npad

                def cand(a, carry):
                    ia = zi + (off + a)
                    xa = plsc.load_gather(xv, [ia])
                    ya = plsc.load_gather(yv, [ia])
                    vxa = plsc.load_gather(vxv, [ia])
                    vya = plsc.load_gather(vyv, [ia])
                    nc = []
                    for g in range(ng):
                        cnd, lx, ly = carry[3 * g:3 * g + 3]
                        sl = pl.ds(off + g * _SC_L, _SC_L)
                        dx = xa - xv[sl]
                        dy = ya - yv[sl]
                        nd = dx * cv[sl] + dy * sv[sl]
                        dr2 = dx * dx + dy * dy
                        cone = nd * jnp.abs(nd) > dr2 * _COS2
                        upd = cone & (nd < cnd)
                        cnd = jnp.where(upd, nd, cnd)
                        lx = jnp.where(upd, vxa, lx)
                        ly = jnp.where(upd, vya, ly)
                        nc += [cnd, lx, ly]
                    return tuple(nc)

                res = lax.fori_loop(0, n_veh, cand, (inf16, z16, z16) * ng)
                for g in range(ng):
                    cnd, lx, ly = res[3 * g:3 * g + 3]
                    sl = pl.ds(off + g * _SC_L, _SC_L)
                    dvx = lx - vxv[sl]
                    dvy = ly - vyv[sl]
                    ndv = dvx * cv[sl] + dvy * sv[sl]
                    ss = apv[sl] + bpv[sl] * ndv
                    sal = cnd - L16
                    r = ss / sal
                    afg = afv[sl]
                    ov[sl] = jnp.where(sal == inf16, afg, afg - r * r)
                return 0

            lax.fori_loop(0, ch, batch_body, 0)
            pltpu.sync_copy(ov, out_h.at[pl.ds(cb, chw)])

    return sck(x, y, c, s, vx, vy, ap, bp, af, l16)


def _sc_idm(state, lengths, scal, n, npad):
    B = state.shape[0]
    st = state.reshape(B, -1, 5)
    pad = ((0, 0), (0, npad - n))
    x = jnp.pad(st[..., 0], pad)
    y = jnp.pad(st[..., 1], pad)
    v = jnp.pad(st[..., 2], pad)
    p = jnp.pad(st[..., 3], pad)
    c, s, vx, vy, ap, bp, af = _tc_prep(x, y, v, p, scal)
    l16 = jnp.full((_SC_L,), lengths[0], jnp.float32)
    flat = [a.reshape(-1) for a in (x, y, c, s, vx, vy, ap, bp, af)]
    out = _sc_idm_call(*flat, l16, n, npad)
    return out.reshape(B, npad)[:, :n]


_TC_SHARE = 0.84375


def kernel(state, lengths, v0, s0, dth, amax, b):
    B = state.shape[0]
    st = state.reshape(B, -1, 5)
    n = st.shape[1]
    n_pad8 = ((n + 7) // 8) * 8
    npad = ((n + _SC_L - 1) // _SC_L) * _SC_L
    scal = jnp.concatenate(
        [lengths, v0, s0, dth, amax, b]).astype(jnp.float32)

    b_tc = int(round(B * _TC_SHARE / _LANES)) * _LANES
    b_sc = B - b_tc
    if b_sc % 32 != 0 or b_sc == 0 or b_tc == 0:
        b_tc, b_sc = B, 0

    out_tc = _tc_idm(state[:b_tc], scal, n, n_pad8)
    if b_sc:
        out_sc = _sc_idm(state[b_tc:], lengths, scal, n, npad)
        out = jnp.concatenate([out_tc, out_sc], axis=0)
    else:
        out = out_tc
    return out[..., None]

# --- scband reference (transcript-rebuilt; emitter-appended) ---
"""Pipeline reference for scband-idm-43748536877069 (READ-ONLY COPY).

The authoritative reference and input builder live on the scoring server;
editing this copy changes nothing except your own understanding.
"""

import jax, jax.numpy as jnp
import numpy as np

HALF_ANGLE = 20.0
EXPDEL = 4.0


def to_circle(x):
    return jnp.remainder(x + np.pi, 2.0 * np.pi) - np.pi


def setup_inputs(seed: int = 0) -> dict:
    key = jax.random.key(seed)
    state = jax.random.normal(jax.random.fold_in(key, 0), (4096, 500), dtype=jnp.float32)
    lengths = jnp.array([4.5], dtype=jnp.float32)
    v0 = jnp.array([11.17], dtype=jnp.float32)
    s0 = jnp.array([3.0], dtype=jnp.float32)
    dth = jnp.array([5.0], dtype=jnp.float32)
    amax = jnp.array([1.5], dtype=jnp.float32)
    b = jnp.array([4.0], dtype=jnp.float32)
    return {"state": state, "lengths": lengths, "v0": v0, "s0": s0, "dth": dth, "amax": amax, "b": b}


def reference(state, lengths, v0, s0, dth, amax, b):
    ndim = state.ndim
    lead_dims = state.shape[:-1]
    st = state.reshape(lead_dims + (-1, 5))
    L = lengths.reshape((1,) * (ndim - 1) + (-1, 1))
    x = st[..., 0:1]
    y = st[..., 1:2]
    v = st[..., 2:3]
    psi = st[..., 3:4]
    psidot = st[..., 4:5]
    dx = jnp.expand_dims(x, -2) - jnp.expand_dims(x, -3)
    dy = jnp.expand_dims(y, -2) - jnp.expand_dims(y, -3)
    dr = jnp.sqrt(dx ** 2 + dy ** 2)
    delpsi = to_circle(jnp.arctan2(dy, dx) - jnp.expand_dims(psi, -3))
    dpsi = to_circle(jnp.expand_dims(psi, -2) - jnp.expand_dims(psi, -3))
    dcp = jnp.cos(dpsi)
    dsp = jnp.sin(dpsi)
    ndist = dr * jnp.cos(delpsi)
    ndisth = dr * jnp.sin(delpsi)
    cone = (ndist > 0) & (jnp.abs(delpsi) < HALF_ANGLE * np.pi / 180.0)
    ndist_ = jnp.where(cone, ndist, jnp.inf)
    cndist = jnp.min(ndist_, axis=-3)
    inds = jnp.argmin(ndist_, axis=-3)
    vx = v * jnp.cos(psi)
    vy = v * jnp.sin(psi)
    dvx = jnp.take_along_axis(vx, inds, axis=-2) - vx
    dvy = jnp.take_along_axis(vy, inds, axis=-2) - vy
    dv = jnp.sqrt(dvx ** 2 + dvy ** 2)
    vdelpsi = to_circle(jnp.arctan2(dvy, dvx) - psi)
    ndv = dv * jnp.cos(vdelpsi)
    sstar = s0 + v * dth + v * ndv / (2.0 * jnp.sqrt(amax * b))
    sal = cndist - L
    action_free = amax * (1.0 - (v / v0) ** EXPDEL)
    action_int = -amax * (sstar / sal) ** 2
    action = jnp.where(jnp.isinf(sal) | jnp.isnan(sal), action_free, action_free + action_int)
    return action

if __name__ == "__main__":
    import jax
    _d = setup_inputs()
    print(jax.jit(kernel)(*tuple(_d.values())))

</pallas_src>

<mosaic_0001>
#map = affine_map<(d0, d1) -> (0)>
module attributes {stable_mosaic.version = 14 : i64} {
  func.func @sck(%arg0: i32, %arg1: i32, %arg2: memref<71680xf32, #tpu.memory_space<hbm>>, %arg3: memref<71680xf32, #tpu.memory_space<hbm>>, %arg4: memref<71680xf32, #tpu.memory_space<hbm>>, %arg5: memref<71680xf32, #tpu.memory_space<hbm>>, %arg6: memref<71680xf32, #tpu.memory_space<hbm>>, %arg7: memref<71680xf32, #tpu.memory_space<hbm>>, %arg8: memref<71680xf32, #tpu.memory_space<hbm>>, %arg9: memref<71680xf32, #tpu.memory_space<hbm>>, %arg10: memref<71680xf32, #tpu.memory_space<hbm>>, %arg11: memref<16xf32, #tpu.memory_space<hbm>>, %arg12: memref<71680xf32, #tpu.memory_space<hbm>>, %arg13: memref<2240xf32, #tpu.memory_space<vmem>>, %arg14: memref<2240xf32, #tpu.memory_space<vmem>>, %arg15: memref<2240xf32, #tpu.memory_space<vmem>>, %arg16: memref<2240xf32, #tpu.memory_space<vmem>>, %arg17: memref<2240xf32, #tpu.memory_space<vmem>>, %arg18: memref<2240xf32, #tpu.memory_space<vmem>>, %arg19: memref<2240xf32, #tpu.memory_space<vmem>>, %arg20: memref<2240xf32, #tpu.memory_space<vmem>>, %arg21: memref<2240xf32, #tpu.memory_space<vmem>>, %arg22: memref<2240xf32, #tpu.memory_space<vmem>>, %arg23: memref<16xf32, #tpu.memory_space<vmem>>) attributes {dimension_semantics = [#tpu.dimension_semantics<core_parallel>, #tpu.dimension_semantics<subcore_parallel>], iteration_bounds = array<i64: 2, 16>, scalar_prefetch = 0 : i64, scratch_operands = 11 : i64, tpu.core_type = #tpu.core_type<sc_vector_subcore>, window_params = [{transform_indices = #map}, {transform_indices = #map}, {transform_indices = #map}, {transform_indices = #map}, {transform_indices = #map}, {transform_indices = #map}, {transform_indices = #map}, {transform_indices = #map}, {transform_indices = #map}, {transform_indices = #map}, {transform_indices = #map}]} {
    %mul3A = arith.constant 2 : i32
    %mul3A_0 = arith.muli %arg1, %mul3A : i32
    %add3A = arith.addi %mul3A_0, %arg0 : i32
    %mul3A_1 = arith.constant 2240 : i32
    %mul3A_2 = arith.muli %add3A, %mul3A_1 : i32
    "tpu.region"() ({
      %run_scoped3A = tpu.sem_alloc : memref<!tpu.dma_semaphore, #tpu.memory_space<semaphore_mem>>
      tpu.enqueue_dma source(%arg11 : memref<16xf32, #tpu.memory_space<hbm>>) target(%arg23 : memref<16xf32, #tpu.memory_space<vmem>>) target_semaphore(%run_scoped3A : memref<!tpu.dma_semaphore, #tpu.memory_space<semaphore_mem>>)
      tpu.wait_dma2 semaphore(%run_scoped3A : memref<!tpu.dma_semaphore, #tpu.memory_space<semaphore_mem>>) src(%arg11 : memref<16xf32, #tpu.memory_space<hbm>>) dst(%arg23 : memref<16xf32, #tpu.memory_space<vmem>>)
      tpu.yield
    }) : () -> ()
    %get3A = arith.constant 0 : index
    %get3A_3 = tpu.vector_load %arg23[%get3A] {strides = array<i32>} : memref<16xf32, #tpu.memory_space<vmem>>, vector<16xf32>,
    %broadcast_in_dim3A = arith.constant 0x7F800000 : f32
    %broadcast_in_dim3A_4 = vector.broadcast %broadcast_in_dim3A : f32 to vector<16xf32>
    %broadcast_in_dim3A_5 = arith.constant 0.000000e+00 : f32
    %broadcast_in_dim3A_6 = vector.broadcast %broadcast_in_dim3A_5 : f32 to vector<16xf32>
    %broadcast_in_dim3A_7 = arith.constant 0 : i32
    %broadcast_in_dim3A_8 = vector.broadcast %broadcast_in_dim3A_7 : i32 to vector<16xi32>
    %add3A_9 = arith.constant 0 : i32
    %add3A_10 = arith.addi %mul3A_2, %add3A_9 : i32
    "tpu.region"() ({
      %run_scoped3A = tpu.sem_alloc : memref<!tpu.dma_semaphore, #tpu.memory_space<semaphore_mem>>
      %dma_start3A = tpu.memref_slice %arg2[%add3A_10] : memref<71680xf32, #tpu.memory_space<hbm>> -> memref<2240xf32, #tpu.memory_space<hbm>>
      %dma_start3A_17 = tpu.memref_slice %arg2[%add3A_10] : memref<71680xf32, #tpu.memory_space<hbm>> -> memref<2240xf32, #tpu.memory_space<hbm>>
      tpu.enqueue_dma source(%dma_start3A_17 : memref<2240xf32, #tpu.memory_space<hbm>>) target(%arg13 : memref<2240xf32, #tpu.memory_space<vmem>>) target_semaphore(%run_scoped3A : memref<!tpu.dma_semaphore, #tpu.memory_space<semaphore_mem>>)
      %dma_wait3A = tpu.memref_slice %arg2[%add3A_10] : memref<71680xf32, #tpu.memory_space<hbm>> -> memref<2240xf32, #tpu.memory_space<hbm>>
      %dma_wait3A_18 = tpu.memref_slice %arg2[%add3A_10] : memref<71680xf32, #tpu.memory_space<hbm>> -> memref<2240xf32, #tpu.memory_space<hbm>>
      tpu.wait_dma2 semaphore(%run_scoped3A : memref<!tpu.dma_semaphore, #tpu.memory_space<semaphore_mem>>) src(%dma_wait3A_18 : memref<2240xf32, #tpu.memory_space<hbm>>) dst(%arg13 : memref<2240xf32, #tpu.memory_space<vmem>>)
      tpu.yield
    }) : () -> ()
    "tpu.region"() ({
      %run_scoped3A = tpu.sem_alloc : memref<!tpu.dma_semaphore, #tpu.memory_space<semaphore_mem>>
      %dma_start3A = tpu.memref_slice %arg3[%add3A_10] : memref<71680xf32, #tpu.memory_space<hbm>> -> memref<2240xf32, #tpu.memory_space<hbm>>
      %dma_start3A_17 = tpu.memref_slice %arg3[%add3A_10] : memref<71680xf32, #tpu.memory_space<hbm>> -> memref<2240xf32, #tpu.memory_space<hbm>>
      tpu.enqueue_dma source(%dma_start3A_17 : memref<2240xf32, #tpu.memory_space<hbm>>) target(%arg14 : memref<2240xf32, #tpu.memory_space<vmem>>) target_semaphore(%run_scoped3A : memref<!tpu.dma_semaphore, #tpu.memory_space<semaphore_mem>>)
      %dma_wait3A = tpu.memref_slice %arg3[%add3A_10] : memref<71680xf32, #tpu.memory_space<hbm>> -> memref<2240xf32, #tpu.memory_space<hbm>>
      %dma_wait3A_18 = tpu.memref_slice %arg3[%add3A_10] : memref<71680xf32, #tpu.memory_space<hbm>> -> memref<2240xf32, #tpu.memory_space<hbm>>
      tpu.wait_dma2 semaphore(%run_scoped3A : memref<!tpu.dma_semaphore, #tpu.memory_space<semaphore_mem>>) src(%dma_wait3A_18 : memref<2240xf32, #tpu.memory_space<hbm>>) dst(%arg14 : memref<2240xf32, #tpu.memory_space<vmem>>)
      tpu.yield
    }) : () -> ()
    "tpu.region"() ({
      %run_scoped3A = tpu.sem_alloc : memref<!tpu.dma_semaphore, #tpu.memory_space<semaphore_mem>>
      %dma_start3A = tpu.memref_slice %arg4[%add3A_10] : memref<71680xf32, #tpu.memory_space<hbm>> -> memref<2240xf32, #tpu.memory_space<hbm>>
      %dma_start3A_17 = tpu.memref_slice %arg4[%add3A_10] : memref<71680xf32, #tpu.memory_space<hbm>> -> memref<2240xf32, #tpu.memory_space<hbm>>
      tpu.enqueue_dma source(%dma_start3A_17 : memref<2240xf32, #tpu.memory_space<hbm>>) target(%arg15 : memref<2240xf32, #tpu.memory_space<vmem>>) target_semaphore(%run_scoped3A : memref<!tpu.dma_semaphore, #tpu.memory_space<semaphore_mem>>)
      %dma_wait3A = tpu.memref_slice %arg4[%add3A_10] : memref<71680xf32, #tpu.memory_space<hbm>> -> memref<2240xf32, #tpu.memory_space<hbm>>
      %dma_wait3A_18 = tpu.memref_slice %arg4[%add3A_10] : memref<71680xf32, #tpu.memory_space<hbm>> -> memref<2240xf32, #tpu.memory_space<hbm>>
      tpu.wait_dma2 semaphore(%run_scoped3A : memref<!tpu.dma_semaphore, #tpu.memory_space<semaphore_mem>>) src(%dma_wait3A_18 : memref<2240xf32, #tpu.memory_space<hbm>>) dst(%arg15 : memref<2240xf32, #tpu.memory_space<vmem>>)
      tpu.yield
    }) : () -> ()
    "tpu.region"() ({
      %run_scoped3A = tpu.sem_alloc : memref<!tpu.dma_semaphore, #tpu.memory_space<semaphore_mem>>
      %dma_start3A = tpu.memref_slice %arg5[%add3A_10] : memref<71680xf32, #tpu.memory_space<hbm>> -> memref<2240xf32, #tpu.memory_space<hbm>>
      %dma_start3A_17 = tpu.memref_slice %arg5[%add3A_10] : memref<71680xf32, #tpu.memory_space<hbm>> -> memref<2240xf32, #tpu.memory_space<hbm>>
      tpu.enqueue_dma source(%dma_start3A_17 : memref<2240xf32, #tpu.memory_space<hbm>>) target(%arg16 : memref<2240xf32, #tpu.memory_space<vmem>>) target_semaphore(%run_scoped3A : memref<!tpu.dma_semaphore, #tpu.memory_space<semaphore_mem>>)
      %dma_wait3A = tpu.memref_slice %arg5[%add3A_10] : memref<71680xf32, #tpu.memory_space<hbm>> -> memref<2240xf32, #tpu.memory_space<hbm>>
      %dma_wait3A_18 = tpu.memref_slice %arg5[%add3A_10] : memref<71680xf32, #tpu.memory_space<hbm>> -> memref<2240xf32, #tpu.memory_space<hbm>>
      tpu.wait_dma2 semaphore(%run_scoped3A : memref<!tpu.dma_semaphore, #tpu.memory_space<semaphore_mem>>) src(%dma_wait3A_18 : memref<2240xf32, #tpu.memory_space<hbm>>) dst(%arg16 : memref<2240xf32, #tpu.memory_space<vmem>>)
      tpu.yield
    }) : () -> ()
    "tpu.region"() ({
      %run_scoped3A = tpu.sem_alloc : memref<!tpu.dma_semaphore, #tpu.memory_space<semaphore_mem>>
      %dma_start3A = tpu.memref_slice %arg6[%add3A_10] : memref<71680xf32, #tpu.memory_space<hbm>> -> memref<2240xf32, #tpu.memory_space<hbm>>
      %dma_start3A_17 = tpu.memref_slice %arg6[%add3A_10] : memref<71680xf32, #tpu.memory_space<hbm>> -> memref<2240xf32, #tpu.memory_space<hbm>>
      tpu.enqueue_dma source(%dma_start3A_17 : memref<2240xf32, #tpu.memory_space<hbm>>) target(%arg17 : memref<2240xf32, #tpu.memory_space<vmem>>) target_semaphore(%run_scoped3A : memref<!tpu.dma_semaphore, #tpu.memory_space<semaphore_mem>>)
      %dma_wait3A = tpu.memref_slice %arg6[%add3A_10] : memref<71680xf32, #tpu.memory_space<hbm>> -> memref<2240xf32, #tpu.memory_space<hbm>>
      %dma_wait3A_18 = tpu.memref_slice %arg6[%add3A_10] : memref<71680xf32, #tpu.memory_space<hbm>> -> memref<2240xf32, #tpu.memory_space<hbm>>
      tpu.wait_dma2 semaphore(%run_scoped3A : memref<!tpu.dma_semaphore, #tpu.memory_space<semaphore_mem>>) src(%dma_wait3A_18 : memref<2240xf32, #tpu.memory_space<hbm>>) dst(%arg17 : memref<2240xf32, #tpu.memory_space<vmem>>)
      tpu.yield
    }) : () -> ()
    "tpu.region"() ({
      %run_scoped3A = tpu.sem_alloc : memref<!tpu.dma_semaphore, #tpu.memory_space<semaphore_mem>>
      %dma_start3A = tpu.memref_slice %arg7[%add3A_10] : memref<71680xf32, #tpu.memory_space<hbm>> -> memref<2240xf32, #tpu.memory_space<hbm>>
      %dma_start3A_17 = tpu.memref_slice %arg7[%add3A_10] : memref<71680xf32, #tpu.memory_space<hbm>> -> memref<2240xf32, #tpu.memory_space<hbm>>
      tpu.enqueue_dma source(%dma_start3A_17 : memref<2240xf32, #tpu.memory_space<hbm>>) target(%arg18 : memref<2240xf32, #tpu.memory_space<vmem>>) target_semaphore(%run_scoped3A : memref<!tpu.dma_semaphore, #tpu.memory_space<semaphore_mem>>)
      %dma_wait3A = tpu.memref_slice %arg7[%add3A_10] : memref<71680xf32, #tpu.memory_space<hbm>> -> memref<2240xf32, #tpu.memory_space<hbm>>
      %dma_wait3A_18 = tpu.memref_slice %arg7[%add3A_10] : memref<71680xf32, #tpu.memory_space<hbm>> -> memref<2240xf32, #tpu.memory_space<hbm>>
      tpu.wait_dma2 semaphore(%run_scoped3A : memref<!tpu.dma_semaphore, #tpu.memory_space<semaphore_mem>>) src(%dma_wait3A_18 : memref<2240xf32, #tpu.memory_space<hbm>>) dst(%arg18 : memref<2240xf32, #tpu.memory_space<vmem>>)
      tpu.yield
    }) : () -> ()
    "tpu.region"() ({
      %run_scoped3A = tpu.sem_alloc : memref<!tpu.dma_semaphore, #tpu.memory_space<semaphore_mem>>
      %dma_start3A = tpu.memref_slice %arg8[%add3A_10] : memref<71680xf32, #tpu.memory_space<hbm>> -> memref<2240xf32, #tpu.memory_space<hbm>>
      %dma_start3A_17 = tpu.memref_slice %arg8[%add3A_10] : memref<71680xf32, #tpu.memory_space<hbm>> -> memref<2240xf32, #tpu.memory_space<hbm>>
      tpu.enqueue_dma source(%dma_start3A_17 : memref<2240xf32, #tpu.memory_space<hbm>>) target(%arg19 : memref<2240xf32, #tpu.memory_space<vmem>>) target_semaphore(%run_scoped3A : memref<!tpu.dma_semaphore, #tpu.memory_space<semaphore_mem>>)
      %dma_wait3A = tpu.memref_slice %arg8[%add3A_10] : memref<71680xf32, #tpu.memory_space<hbm>> -> memref<2240xf32, #tpu.memory_space<hbm>>
      %dma_wait3A_18 = tpu.memref_slice %arg8[%add3A_10] : memref<71680xf32, #tpu.memory_space<hbm>> -> memref<2240xf32, #tpu.memory_space<hbm>>
      tpu.wait_dma2 semaphore(%run_scoped3A : memref<!tpu.dma_semaphore, #tpu.memory_space<semaphore_mem>>) src(%dma_wait3A_18 : memref<2240xf32, #tpu.memory_space<hbm>>) dst(%arg19 : memref<2240xf32, #tpu.memory_space<vmem>>)
      tpu.yield
    }) : () -> ()
    "tpu.region"() ({
      %run_scoped3A = tpu.sem_alloc : memref<!tpu.dma_semaphore, #tpu.memory_space<semaphore_mem>>
      %dma_start3A = tpu.memref_slice %arg9[%add3A_10] : memref<71680xf32, #tpu.memory_space<hbm>> -> memref<2240xf32, #tpu.memory_space<hbm>>
      %dma_start3A_17 = tpu.memref_slice %arg9[%add3A_10] : memref<71680xf32, #tpu.memory_space<hbm>> -> memref<2240xf32, #tpu.memory_space<hbm>>
      tpu.enqueue_dma source(%dma_start3A_17 : memref<2240xf32, #tpu.memory_space<hbm>>) target(%arg20 : memref<2240xf32, #tpu.memory_space<vmem>>) target_semaphore(%run_scoped3A : memref<!tpu.dma_semaphore, #tpu.memory_space<semaphore_mem>>)
      %dma_wait3A = tpu.memref_slice %arg9[%add3A_10] : memref<71680xf32, #tpu.memory_space<hbm>> -> memref<2240xf32, #tpu.memory_space<hbm>>
      %dma_wait3A_18 = tpu.memref_slice %arg9[%add3A_10] : memref<71680xf32, #tpu.memory_space<hbm>> -> memref<2240xf32, #tpu.memory_space<hbm>>
      tpu.wait_dma2 semaphore(%run_scoped3A : memref<!tpu.dma_semaphore, #tpu.memory_space<semaphore_mem>>) src(%dma_wait3A_18 : memref<2240xf32, #tpu.memory_space<hbm>>) dst(%arg20 : memref<2240xf32, #tpu.memory_space<vmem>>)
      tpu.yield
    }) : () -> ()
    "tpu.region"() ({
      %run_scoped3A = tpu.sem_alloc : memref<!tpu.dma_semaphore, #tpu.memory_space<semaphore_mem>>
      %dma_start3A = tpu.memref_slice %arg10[%add3A_10] : memref<71680xf32, #tpu.memory_space<hbm>> -> memref<2240xf32, #tpu.memory_space<hbm>>
      %dma_start3A_17 = tpu.memref_slice %arg10[%add3A_10] : memref<71680xf32, #tpu.memory_space<hbm>> -> memref<2240xf32, #tpu.memory_space<hbm>>
      tpu.enqueue_dma source(%dma_start3A_17 : memref<2240xf32, #tpu.memory_space<hbm>>) target(%arg21 : memref<2240xf32, #tpu.memory_space<vmem>>) target_semaphore(%run_scoped3A : memref<!tpu.dma_semaphore, #tpu.memory_space<semaphore_mem>>)
      %dma_wait3A = tpu.memref_slice %arg10[%add3A_10] : memref<71680xf32, #tpu.memory_space<hbm>> -> memref<2240xf32, #tpu.memory_space<hbm>>
      %dma_wait3A_18 = tpu.memref_slice %arg10[%add3A_10] : memref<71680xf32, #tpu.memory_space<hbm>> -> memref<2240xf32, #tpu.memory_space<hbm>>
      tpu.wait_dma2 semaphore(%run_scoped3A : memref<!tpu.dma_semaphore, #tpu.memory_space<semaphore_mem>>) src(%dma_wait3A_18 : memref<2240xf32, #tpu.memory_space<hbm>>) dst(%arg21 : memref<2240xf32, #tpu.memory_space<vmem>>)
      tpu.yield
    }) : () -> ()
    %scan3A = arith.constant 0 : i32
    %scan3A_11 = arith.constant 0 : i32
    %scan3A_12 = arith.constant 20 : i32
    %scan3A_13 = arith.addi %scan3A_11, %scan3A_12 : i32
    %scan3A_14 = arith.constant 1 : i32
    %scan3A_15 = scf.for %scan3A_17 = %scan3A_11 to %scan3A_13 step %scan3A_14 iter_args(%scan3A_18 = %scan3A) -> (i32)  : i32 {
      %mul3A_19 = arith.constant 112 : i32
      %mul3A_20 = arith.muli %scan3A_17, %mul3A_19 : i32
      %scan3A_21 = arith.constant 0 : i32
      %scan3A_22 = arith.constant 100 : i32
      %scan3A_23 = arith.addi %scan3A_21, %scan3A_22 : i32
      %scan3A_24 = arith.constant 1 : i32
      %scan3A_25:21 = scf.for %scan3A_240 = %scan3A_21 to %scan3A_23 step %scan3A_24 iter_args(%scan3A_241 = %broadcast_in_dim3A_4, %scan3A_242 = %broadcast_in_dim3A_6, %scan3A_243 = %broadcast_in_dim3A_6, %scan3A_244 = %broadcast_in_dim3A_4, %scan3A_245 = %broadcast_in_dim3A_6, %scan3A_246 = %broadcast_in_dim3A_6, %scan3A_247 = %broadcast_in_dim3A_4, %scan3A_248 = %broadcast_in_dim3A_6, %scan3A_249 = %broadcast_in_dim3A_6, %scan3A_250 = %broadcast_in_dim3A_4, %scan3A_251 = %broadcast_in_dim3A_6, %scan3A_252 = %broadcast_in_dim3A_6, %scan3A_253 = %broadcast_in_dim3A_4, %scan3A_254 = %broadcast_in_dim3A_6, %scan3A_255 = %broadcast_in_dim3A_6, %scan3A_256 = %broadcast_in_dim3A_4, %scan3A_257 = %broadcast_in_dim3A_6, %scan3A_258 = %broadcast_in_dim3A_6, %scan3A_259 = %broadcast_in_dim3A_4, %scan3A_260 = %broadcast_in_dim3A_6, %scan3A_261 = %broadcast_in_dim3A_6) -> (vector<16xf32>, vector<16xf32>, vector<16xf32>, vector<16xf32>, vector<16xf32>, vector<16xf32>, vector<16xf32>, vector<16xf32>, vector<16xf32>, vector<16xf32>, vector<16xf32>, vector<16xf32>, vector<16xf32>, vector<16xf32>, vector<16xf32>, vector<16xf32>, vector<16xf32>, vector<16xf32>, vector<16xf32>, vector<16xf32>, vector<16xf32>)  : i32 {
        %add3A_262 = arith.addi %mul3A_20, %scan3A_240 : i32
        %add3A_263 = vector.broadcast %add3A_262 : i32 to vector<16xi32>
        %add3A_264 = arith.addi %broadcast_in_dim3A_8, %add3A_263 : vector<16xi32>
        %gather3A = tpu.vector_load_idx %arg13[%add3A_264] : memref<2240xf32, #tpu.memory_space<vmem>>[vector<16xi32>], vector<16xf32>,
        %gather3A_265 = tpu.vector_load_idx %arg14[%add3A_264] : memref<2240xf32, #tpu.memory_space<vmem>>[vector<16xi32>], vector<16xf32>,
        %gather3A_266 = tpu.vector_load_idx %arg17[%add3A_264] : memref<2240xf32, #tpu.memory_space<vmem>>[vector<16xi32>], vector<16xf32>,
        %gather3A_267 = tpu.vector_load_idx %arg18[%add3A_264] : memref<2240xf32, #tpu.memory_space<vmem>>[vector<16xi32>], vector<16xf32>,
        %add3A_268 = arith.constant 0 : i32
        %add3A_269 = arith.addi %mul3A_20, %add3A_268 : i32
        %get3A_270 = arith.index_cast %add3A_269 : i32 to index
        %get3A_271 = tpu.vector_load %arg13[%get3A_270] {strides = array<i32>} : memref<2240xf32, #tpu.memory_space<vmem>>, vector<16xf32>,
        %sub3A_272 = arith.subf %gather3A, %get3A_271 : vector<16xf32>
        %get3A_273 = arith.index_cast %add3A_269 : i32 to index
        %get3A_274 = tpu.vector_load %arg14[%get3A_273] {strides = array<i32>} : memref<2240xf32, #tpu.memory_space<vmem>>, vector<16xf32>,
        %sub3A_275 = arith.subf %gather3A_265, %get3A_274 : vector<16xf32>
        %get3A_276 = arith.index_cast %add3A_269 : i32 to index
        %get3A_277 = tpu.vector_load %arg15[%get3A_276] {strides = array<i32>} : memref<2240xf32, #tpu.memory_space<vmem>>, vector<16xf32>,
        %mul3A_278 = arith.mulf %sub3A_272, %get3A_277 : vector<16xf32>
        %get3A_279 = arith.index_cast %add3A_269 : i32 to index
        %get3A_280 = tpu.vector_load %arg16[%get3A_279] {strides = array<i32>} : memref<2240xf32, #tpu.memory_space<vmem>>, vector<16xf32>,
        %mul3A_281 = arith.mulf %sub3A_275, %get3A_280 : vector<16xf32>
        %add3A_282 = arith.addf %mul3A_278, %mul3A_281 : vector<16xf32>
        %mul3A_283 = arith.mulf %sub3A_272, %sub3A_272 : vector<16xf32>
        %mul3A_284 = arith.mulf %sub3A_275, %sub3A_275 : vector<16xf32>
        %add3A_285 = arith.addf %mul3A_283, %mul3A_284 : vector<16xf32>
        %abs3A = math.absf %add3A_282 : vector<16xf32>
        %mul3A_286 = arith.mulf %add3A_282, %abs3A : vector<16xf32>
        %mul3A_287 = arith.constant 0.883022248 : f32
        %mul3A_288 = vector.broadcast %mul3A_287 : f32 to vector<16xf32>
        %mul3A_289 = arith.mulf %add3A_285, %mul3A_288 : vector<16xf32>
        %gt3A = arith.cmpf ogt, %mul3A_286, %mul3A_289 : vector<16xf32>
        %lt3A = arith.cmpf olt, %add3A_282, %scan3A_241 : vector<16xf32>
        %and3A = arith.andi %gt3A, %lt3A : vector<16xi1>
        %select_n3A_290 = arith.select %and3A, %add3A_282, %scan3A_241 : vector<16xi1>, vector<16xf32>
        %select_n3A_291 = arith.select %and3A, %gather3A_266, %scan3A_242 : vector<16xi1>, vector<16xf32>
        %select_n3A_292 = arith.select %and3A, %gather3A_267, %scan3A_243 : vector<16xi1>, vector<16xf32>
        %add3A_293 = arith.constant 16 : i32
        %add3A_294 = arith.addi %mul3A_20, %add3A_293 : i32
        %get3A_295 = arith.index_cast %add3A_294 : i32 to index
        %get3A_296 = tpu.vector_load %arg13[%get3A_295] {strides = array<i32>} : memref<2240xf32, #tpu.memory_space<vmem>>, vector<16xf32>,
        %sub3A_297 = arith.subf %gather3A, %get3A_296 : vector<16xf32>
        %get3A_298 = arith.index_cast %add3A_294 : i32 to index
        %get3A_299 = tpu.vector_load %arg14[%get3A_298] {strides = array<i32>} : memref<2240xf32, #tpu.memory_space<vmem>>, vector<16xf32>,
        %sub3A_300 = arith.subf %gather3A_265, %get3A_299 : vector<16xf32>
        %get3A_301 = arith.index_cast %add3A_294 : i32 to index
        %get3A_302 = tpu.vector_load %arg15[%get3A_301] {strides = array<i32>} : memref<2240xf32, #tpu.memory_space<vmem>>, vector<16xf32>,
        %mul3A_303 = arith.mulf %sub3A_297, %get3A_302 : vector<16xf32>
        %get3A_304 = arith.index_cast %add3A_294 : i32 to index
        %get3A_305 = tpu.vector_load %arg16[%get3A_304] {strides = array<i32>} : memref<2240xf32, #tpu.memory_space<vmem>>, vector<16xf32>,
        %mul3A_306 = arith.mulf %sub3A_300, %get3A_305 : vector<16xf32>
        %add3A_307 = arith.addf %mul3A_303, %mul3A_306 : vector<16xf32>
        %mul3A_308 = arith.mulf %sub3A_297, %sub3A_297 : vector<16xf32>
        %mul3A_309 = arith.mulf %sub3A_300, %sub3A_300 : vector<16xf32>
        %add3A_310 = arith.addf %mul3A_308, %mul3A_309 : vector<16xf32>
        %abs3A_311 = math.absf %add3A_307 : vector<16xf32>
        %mul3A_312 = arith.mulf %add3A_307, %abs3A_311 : vector<16xf32>
        %mul3A_313 = arith.constant 0.883022248 : f32
        %mul3A_314 = vector.broadcast %mul3A_313 : f32 to vector<16xf32>
        %mul3A_315 = arith.mulf %add3A_310, %mul3A_314 : vector<16xf32>
        %gt3A_316 = arith.cmpf ogt, %mul3A_312, %mul3A_315 : vector<16xf32>
        %lt3A_317 = arith.cmpf olt, %add3A_307, %scan3A_244 : vector<16xf32>
        %and3A_318 = arith.andi %gt3A_316, %lt3A_317 : vector<16xi1>
        %select_n3A_319 = arith.select %and3A_318, %add3A_307, %scan3A_244 : vector<16xi1>, vector<16xf32>
        %select_n3A_320 = arith.select %and3A_318, %gather3A_266, %scan3A_245 : vector<16xi1>, vector<16xf32>
        %select_n3A_321 = arith.select %and3A_318, %gather3A_267, %scan3A_246 : vector<16xi1>, vector<16xf32>
        %add3A_322 = arith.constant 32 : i32
        %add3A_323 = arith.addi %mul3A_20, %add3A_322 : i32
        %get3A_324 = arith.index_cast %add3A_323 : i32 to index
        %get3A_325 = tpu.vector_load %arg13[%get3A_324] {strides = array<i32>} : memref<2240xf32, #tpu.memory_space<vmem>>, vector<16xf32>,
        %sub3A_326 = arith.subf %gather3A, %get3A_325 : vector<16xf32>
        %get3A_327 = arith.index_cast %add3A_323 : i32 to index
        %get3A_328 = tpu.vector_load %arg14[%get3A_327] {strides = array<i32>} : memref<2240xf32, #tpu.memory_space<vmem>>, vector<16xf32>,
        %sub3A_329 = arith.subf %gather3A_265, %get3A_328 : vector<16xf32>
        %get3A_330 = arith.index_cast %add3A_323 : i32 to index
        %get3A_331 = tpu.vector_load %arg15[%get3A_330] {strides = array<i32>} : memref<2240xf32, #tpu.memory_space<vmem>>, vector<16xf32>,
        %mul3A_332 = arith.mulf %sub3A_326, %get3A_331 : vector<16xf32>
        %get3A_333 = arith.index_cast %add3A_323 : i32 to index
        %get3A_334 = tpu.vector_load %arg16[%get3A_333] {strides = array<i32>} : memref<2240xf32, #tpu.memory_space<vmem>>, vector<16xf32>,
        %mul3A_335 = arith.mulf %sub3A_329, %get3A_334 : vector<16xf32>
        %add3A_336 = arith.addf %mul3A_332, %mul3A_335 : vector<16xf32>
        %mul3A_337 = arith.mulf %sub3A_326, %sub3A_326 : vector<16xf32>
        %mul3A_338 = arith.mulf %sub3A_329, %sub3A_329 : vector<16xf32>
        %add3A_339 = arith.addf %mul3A_337, %mul3A_338 : vector<16xf32>
        %abs3A_340 = math.absf %add3A_336 : vector<16xf32>
        %mul3A_341 = arith.mulf %add3A_336, %abs3A_340 : vector<16xf32>
        %mul3A_342 = arith.constant 0.883022248 : f32
        %mul3A_343 = vector.broadcast %mul3A_342 : f32 to vector<16xf32>
        %mul3A_344 = arith.mulf %add3A_339, %mul3A_343 : vector<16xf32>
        %gt3A_345 = arith.cmpf ogt, %mul3A_341, %mul3A_344 : vector<16xf32>
        %lt3A_346 = arith.cmpf olt, %add3A_336, %scan3A_247 : vector<16xf32>
        %and3A_347 = arith.andi %gt3A_345, %lt3A_346 : vector<16xi1>
        %select_n3A_348 = arith.select %and3A_347, %add3A_336, %scan3A_247 : vector<16xi1>, vector<16xf32>
        %select_n3A_349 = arith.select %and3A_347, %gather3A_266, %scan3A_248 : vector<16xi1>, vector<16xf32>
        %select_n3A_350 = arith.select %and3A_347, %gather3A_267, %scan3A_249 : vector<16xi1>, vector<16xf32>
        %add3A_351 = arith.constant 48 : i32
        %add3A_352 = arith.addi %mul3A_20, %add3A_351 : i32
        %get3A_353 = arith.index_cast %add3A_352 : i32 to index
        %get3A_354 = tpu.vector_load %arg13[%get3A_353] {strides = array<i32>} : memref<2240xf32, #tpu.memory_space<vmem>>, vector<16xf32>,
        %sub3A_355 = arith.subf %gather3A, %get3A_354 : vector<16xf32>
        %get3A_356 = arith.index_cast %add3A_352 : i32 to index
        %get3A_357 = tpu.vector_load %arg14[%get3A_356] {strides = array<i32>} : memref<2240xf32, #tpu.memory_space<vmem>>, vector<16xf32>,
        %sub3A_358 = arith.subf %gather3A_265, %get3A_357 : vector<16xf32>
        %get3A_359 = arith.index_cast %add3A_352 : i32 to index
        %get3A_360 = tpu.vector_load %arg15[%get3A_359] {strides = array<i32>} : memref<2240xf32, #tpu.memory_space<vmem>>, vector<16xf32>,
        %mul3A_361 = arith.mulf %sub3A_355, %get3A_360 : vector<16xf32>
        %get3A_362 = arith.index_cast %add3A_352 : i32 to index
        %get3A_363 = tpu.vector_load %arg16[%get3A_362] {strides = array<i32>} : memref<2240xf32, #tpu.memory_space<vmem>>, vector<16xf32>,
        %mul3A_364 = arith.mulf %sub3A_358, %get3A_363 : vector<16xf32>
        %add3A_365 = arith.addf %mul3A_361, %mul3A_364 : vector<16xf32>
        %mul3A_366 = arith.mulf %sub3A_355, %sub3A_355 : vector<16xf32>
        %mul3A_367 = arith.mulf %sub3A_358, %sub3A_358 : vector<16xf32>
        %add3A_368 = arith.addf %mul3A_366, %mul3A_367 : vector<16xf32>
        %abs3A_369 = math.absf %add3A_365 : vector<16xf32>
        %mul3A_370 = arith.mulf %add3A_365, %abs3A_369 : vector<16xf32>
        %mul3A_371 = arith.constant 0.883022248 : f32
        %mul3A_372 = vector.broadcast %mul3A_371 : f32 to vector<16xf32>
        %mul3A_373 = arith.mulf %add3A_368, %mul3A_372 : vector<16xf32>
        %gt3A_374 = arith.cmpf ogt, %mul3A_370, %mul3A_373 : vector<16xf32>
        %lt3A_375 = arith.cmpf olt, %add3A_365, %scan3A_250 : vector<16xf32>
        %and3A_376 = arith.andi %gt3A_374, %lt3A_375 : vector<16xi1>
        %select_n3A_377 = arith.select %and3A_376, %add3A_365, %scan3A_250 : vector<16xi1>, vector<16xf32>
        %select_n3A_378 = arith.select %and3A_376, %gather3A_266, %scan3A_251 : vector<16xi1>, vector<16xf32>
        %select_n3A_379 = arith.select %and3A_376, %gather3A_267, %scan3A_252 : vector<16xi1>, vector<16xf32>
        %add3A_380 = arith.constant 64 : i32
        %add3A_381 = arith.addi %mul3A_20, %add3A_380 : i32
        %get3A_382 = arith.index_cast %add3A_381 : i32 to index
        %get3A_383 = tpu.vector_load %arg13[%get3A_382] {strides = array<i32>} : memref<2240xf32, #tpu.memory_space<vmem>>, vector<16xf32>,
        %sub3A_384 = arith.subf %gather3A, %get3A_383 : vector<16xf32>
        %get3A_385 = arith.index_cast %add3A_381 : i32 to index
        %get3A_386 = tpu.vector_load %arg14[%get3A_385] {strides = array<i32>} : memref<2240xf32, #tpu.memory_space<vmem>>, vector<16xf32>,
        %sub3A_387 = arith.subf %gather3A_265, %get3A_386 : vector<16xf32>
        %get3A_388 = arith.index_cast %add3A_381 : i32 to index
        %get3A_389 = tpu.vector_load %arg15[%get3A_388] {strides = array<i32>} : memref<2240xf32, #tpu.memory_space<vmem>>, vector<16xf32>,
        %mul3A_390 = arith.mulf %sub3A_384, %get3A_389 : vector<16xf32>
        %get3A_391 = arith.index_cast %add3A_381 : i32 to index
        %get3A_392 = tpu.vector_load %arg16[%get3A_391] {strides = array<i32>} : memref<2240xf32, #tpu.memory_space<vmem>>, vector<16xf32>,
        %mul3A_393 = arith.mulf %sub3A_387, %get3A_392 : vector<16xf32>
        %add3A_394 = arith.addf %mul3A_390, %mul3A_393 : vector<16xf32>
        %mul3A_395 = arith.mulf %sub3A_384, %sub3A_384 : vector<16xf32>
        %mul3A_396 = arith.mulf %sub3A_387, %sub3A_387 : vector<16xf32>
        %add3A_397 = arith.addf %mul3A_395, %mul3A_396 : vector<16xf32>
        %abs3A_398 = math.absf %add3A_394 : vector<16xf32>
        %mul3A_399 = arith.mulf %add3A_394, %abs3A_398 : vector<16xf32>
        %mul3A_400 = arith.constant 0.883022248 : f32
        %mul3A_401 = vector.broadcast %mul3A_400 : f32 to vector<16xf32>
        %mul3A_402 = arith.mulf %add3A_397, %mul3A_401 : vector<16xf32>
        %gt3A_403 = arith.cmpf ogt, %mul3A_399, %mul3A_402 : vector<16xf32>
        %lt3A_404 = arith.cmpf olt, %add3A_394, %scan3A_253 : vector<16xf32>
        %and3A_405 = arith.andi %gt3A_403, %lt3A_404 : vector<16xi1>
        %select_n3A_406 = arith.select %and3A_405, %add3A_394, %scan3A_253 : vector<16xi1>, vector<16xf32>
        %select_n3A_407 = arith.select %and3A_405, %gather3A_266, %scan3A_254 : vector<16xi1>, vector<16xf32>
        %select_n3A_408 = arith.select %and3A_405, %gather3A_267, %scan3A_255 : vector<16xi1>, vector<16xf32>
        %add3A_409 = arith.constant 80 : i32
        %add3A_410 = arith.addi %mul3A_20, %add3A_409 : i32
        %get3A_411 = arith.index_cast %add3A_410 : i32 to index
        %get3A_412 = tpu.vector_load %arg13[%get3A_411] {strides = array<i32>} : memref<2240xf32, #tpu.memory_space<vmem>>, vector<16xf32>,
        %sub3A_413 = arith.subf %gather3A, %get3A_412 : vector<16xf32>
        %get3A_414 = arith.index_cast %add3A_410 : i32 to index
        %get3A_415 = tpu.vector_load %arg14[%get3A_414] {strides = array<i32>} : memref<2240xf32, #tpu.memory_space<vmem>>, vector<16xf32>,
        %sub3A_416 = arith.subf %gather3A_265, %get3A_415 : vector<16xf32>
        %get3A_417 = arith.index_cast %add3A_410 : i32 to index
        %get3A_418 = tpu.vector_load %arg15[%get3A_417] {strides = array<i32>} : memref<2240xf32, #tpu.memory_space<vmem>>, vector<16xf32>,
        %mul3A_419 = arith.mulf %sub3A_413, %get3A_418 : vector<16xf32>
        %get3A_420 = arith.index_cast %add3A_410 : i32 to index
        %get3A_421 = tpu.vector_load %arg16[%get3A_420] {strides = array<i32>} : memref<2240xf32, #tpu.memory_space<vmem>>, vector<16xf32>,
        %mul3A_422 = arith.mulf %sub3A_416, %get3A_421 : vector<16xf32>
        %add3A_423 = arith.addf %mul3A_419, %mul3A_422 : vector<16xf32>
        %mul3A_424 = arith.mulf %sub3A_413, %sub3A_413 : vector<16xf32>
        %mul3A_425 = arith.mulf %sub3A_416, %sub3A_416 : vector<16xf32>
        %add3A_426 = arith.addf %mul3A_424, %mul3A_425 : vector<16xf32>
        %abs3A_427 = math.absf %add3A_423 : vector<16xf32>
        %mul3A_428 = arith.mulf %add3A_423, %abs3A_427 : vector<16xf32>
        %mul3A_429 = arith.constant 0.883022248 : f32
        %mul3A_430 = vector.broadcast %mul3A_429 : f32 to vector<16xf32>
        %mul3A_431 = arith.mulf %add3A_426, %mul3A_430 : vector<16xf32>
        %gt3A_432 = arith.cmpf ogt, %mul3A_428, %mul3A_431 : vector<16xf32>
        %lt3A_433 = arith.cmpf olt, %add3A_423, %scan3A_256 : vector<16xf32>
        %and3A_434 = arith.andi %gt3A_432, %lt3A_433 : vector<16xi1>
        %select_n3A_435 = arith.select %and3A_434, %add3A_423, %scan3A_256 : vector<16xi1>, vector<16xf32>
        %select_n3A_436 = arith.select %and3A_434, %gather3A_266, %scan3A_257 : vector<16xi1>, vector<16xf32>
        %select_n3A_437 = arith.select %and3A_434, %gather3A_267, %scan3A_258 : vector<16xi1>, vector<16xf32>
        %add3A_438 = arith.constant 96 : i32
        %add3A_439 = arith.addi %mul3A_20, %add3A_438 : i32
        %get3A_440 = arith.index_cast %add3A_439 : i32 to index
        %get3A_441 = tpu.vector_load %arg13[%get3A_440] {strides = array<i32>} : memref<2240xf32, #tpu.memory_space<vmem>>, vector<16xf32>,
        %sub3A_442 = arith.subf %gather3A, %get3A_441 : vector<16xf32>
        %get3A_443 = arith.index_cast %add3A_439 : i32 to index
        %get3A_444 = tpu.vector_load %arg14[%get3A_443] {strides = array<i32>} : memref<2240xf32, #tpu.memory_space<vmem>>, vector<16xf32>,
        %sub3A_445 = arith.subf %gather3A_265, %get3A_444 : vector<16xf32>
        %get3A_446 = arith.index_cast %add3A_439 : i32 to index
        %get3A_447 = tpu.vector_load %arg15[%get3A_446] {strides = array<i32>} : memref<2240xf32, #tpu.memory_space<vmem>>, vector<16xf32>,
        %mul3A_448 = arith.mulf %sub3A_442, %get3A_447 : vector<16xf32>
        %get3A_449 = arith.index_cast %add3A_439 : i32 to index
        %get3A_450 = tpu.vector_load %arg16[%get3A_449] {strides = array<i32>} : memref<2240xf32, #tpu.memory_space<vmem>>, vector<16xf32>,
        %mul3A_451 = arith.mulf %sub3A_445, %get3A_450 : vector<16xf32>
        %add3A_452 = arith.addf %mul3A_448, %mul3A_451 : vector<16xf32>
        %mul3A_453 = arith.mulf %sub3A_442, %sub3A_442 : vector<16xf32>
        %mul3A_454 = arith.mulf %sub3A_445, %sub3A_445 : vector<16xf32>
        %add3A_455 = arith.addf %mul3A_453, %mul3A_454 : vector<16xf32>
        %abs3A_456 = math.absf %add3A_452 : vector<16xf32>
        %mul3A_457 = arith.mulf %add3A_452, %abs3A_456 : vector<16xf32>
        %mul3A_458 = arith.constant 0.883022248 : f32
        %mul3A_459 = vector.broadcast %mul3A_458 : f32 to vector<16xf32>
        %mul3A_460 = arith.mulf %add3A_455, %mul3A_459 : vector<16xf32>
        %gt3A_461 = arith.cmpf ogt, %mul3A_457, %mul3A_460 : vector<16xf32>
        %lt3A_462 = arith.cmpf olt, %add3A_452, %scan3A_259 : vector<16xf32>
        %and3A_463 = arith.andi %gt3A_461, %lt3A_462 : vector<16xi1>
        %select_n3A_464 = arith.select %and3A_463, %add3A_452, %scan3A_259 : vector<16xi1>, vector<16xf32>
        %select_n3A_465 = arith.select %and3A_463, %gather3A_266, %scan3A_260 : vector<16xi1>, vector<16xf32>
        %select_n3A_466 = arith.select %and3A_463, %gather3A_267, %scan3A_261 : vector<16xi1>, vector<16xf32>
        scf.yield %select_n3A_290, %select_n3A_291, %select_n3A_292, %select_n3A_319, %select_n3A_320, %select_n3A_321, %select_n3A_348, %select_n3A_349, %select_n3A_350, %select_n3A_377, %select_n3A_378, %select_n3A_379, %select_n3A_406, %select_n3A_407, %select_n3A_408, %select_n3A_435, %select_n3A_436, %select_n3A_437, %select_n3A_464, %select_n3A_465, %select_n3A_466 : vector<16xf32>, vector<16xf32>, vector<16xf32>, vector<16xf32>, vector<16xf32>, vector<16xf32>, vector<16xf32>, vector<16xf32>, vector<16xf32>, vector<16xf32>, vector<16xf32>, vector<16xf32>, vector<16xf32>, vector<16xf32>, vector<16xf32>, vector<16xf32>, vector<16xf32>, vector<16xf32>, vector<16xf32>, vector<16xf32>, vector<16xf32>
      }
      %scan3A_26 = arith.constant 100 : i32
      %add3A_27 = arith.constant 0 : i32
      %add3A_28 = arith.addi %mul3A_20, %add3A_27 : i32
      %get3A_29 = arith.index_cast %add3A_28 : i32 to index
      %get3A_30 = tpu.vector_load %arg17[%get3A_29] {strides = array<i32>} : memref<2240xf32, #tpu.memory_space<vmem>>, vector<16xf32>,
      %sub3A = arith.subf %scan3A_25#1, %get3A_30 : vector<16xf32>
      %get3A_31 = arith.index_cast %add3A_28 : i32 to index
      %get3A_32 = tpu.vector_load %arg18[%get3A_31] {strides = array<i32>} : memref<2240xf32, #tpu.memory_space<vmem>>, vector<16xf32>,
      %sub3A_33 = arith.subf %scan3A_25#2, %get3A_32 : vector<16xf32>
      %get3A_34 = arith.index_cast %add3A_28 : i32 to index
      %get3A_35 = tpu.vector_load %arg15[%get3A_34] {strides = array<i32>} : memref<2240xf32, #tpu.memory_space<vmem>>, vector<16xf32>,
      %mul3A_36 = arith.mulf %sub3A, %get3A_35 : vector<16xf32>
      %get3A_37 = arith.index_cast %add3A_28 : i32 to index
      %get3A_38 = tpu.vector_load %arg16[%get3A_37] {strides = array<i32>} : memref<2240xf32, #tpu.memory_space<vmem>>, vector<16xf32>,
      %mul3A_39 = arith.mulf %sub3A_33, %get3A_38 : vector<16xf32>
      %add3A_40 = arith.addf %mul3A_36, %mul3A_39 : vector<16xf32>
      %get3A_41 = arith.index_cast %add3A_28 : i32 to index
      %get3A_42 = tpu.vector_load %arg19[%get3A_41] {strides = array<i32>} : memref<2240xf32, #tpu.memory_space<vmem>>, vector<16xf32>,
      %get3A_43 = arith.index_cast %add3A_28 : i32 to index
      %get3A_44 = tpu.vector_load %arg20[%get3A_43] {strides = array<i32>} : memref<2240xf32, #tpu.memory_space<vmem>>, vector<16xf32>,
      %mul3A_45 = arith.mulf %get3A_44, %add3A_40 : vector<16xf32>
      %add3A_46 = arith.addf %get3A_42, %mul3A_45 : vector<16xf32>
      %sub3A_47 = arith.subf %scan3A_25#0, %get3A_3 : vector<16xf32>
      %div3A = arith.divf %add3A_46, %sub3A_47 : vector<16xf32>
      %get3A_48 = arith.index_cast %add3A_28 : i32 to index
      %get3A_49 = tpu.vector_load %arg21[%get3A_48] {strides = array<i32>} : memref<2240xf32, #tpu.memory_space<vmem>>, vector<16xf32>,
      %eq3A = arith.cmpf oeq, %sub3A_47, %broadcast_in_dim3A_4 : vector<16xf32>
      %mul3A_50 = arith.mulf %div3A, %div3A : vector<16xf32>
      %sub3A_51 = arith.subf %get3A_49, %mul3A_50 : vector<16xf32>
      %select_n3A = arith.select %eq3A, %get3A_49, %sub3A_51 : vector<16xi1>, vector<16xf32>
      %swap3A = arith.index_cast %add3A_28 : i32 to index
      %swap3A_52 = tpu.vector_load %arg22[%swap3A] {strides = array<i32>} : memref<2240xf32, #tpu.memory_space<vmem>>, vector<16xf32>,
      tpu.vector_store %arg22[%swap3A], %select_n3A {strides = array<i32>} : memref<2240xf32, #tpu.memory_space<vmem>>, vector<16xf32>,
      %add3A_53 = arith.constant 16 : i32
      %add3A_54 = arith.addi %mul3A_20, %add3A_53 : i32
      %get3A_55 = arith.index_cast %add3A_54 : i32 to index
      %get3A_56 = tpu.vector_load %arg17[%get3A_55] {strides = array<i32>} : memref<2240xf32, #tpu.memory_space<vmem>>, vector<16xf32>,
      %sub3A_57 = arith.subf %scan3A_25#4, %get3A_56 : vector<16xf32>
      %get3A_58 = arith.index_cast %add3A_54 : i32 to index
      %get3A_59 = tpu.vector_load %arg18[%get3A_58] {strides = array<i32>} : memref<2240xf32, #tpu.memory_space<vmem>>, vector<16xf32>,
      %sub3A_60 = arith.subf %scan3A_25#5, %get3A_59 : vector<16xf32>
      %get3A_61 = arith.index_cast %add3A_54 : i32 to index
      %get3A_62 = tpu.vector_load %arg15[%get3A_61] {strides = array<i32>} : memref<2240xf32, #tpu.memory_space<vmem>>, vector<16xf32>,
      %mul3A_63 = arith.mulf %sub3A_57, %get3A_62 : vector<16xf32>
      %get3A_64 = arith.index_cast %add3A_54 : i32 to index
      %get3A_65 = tpu.vector_load %arg16[%get3A_64] {strides = array<i32>} : memref<2240xf32, #tpu.memory_space<vmem>>, vector<16xf32>,
      %mul3A_66 = arith.mulf %sub3A_60, %get3A_65 : vector<16xf32>
      %add3A_67 = arith.addf %mul3A_63, %mul3A_66 : vector<16xf32>
      %get3A_68 = arith.index_cast %add3A_54 : i32 to index
      %get3A_69 = tpu.vector_load %arg19[%get3A_68] {strides = array<i32>} : memref<2240xf32, #tpu.memory_space<vmem>>, vector<16xf32>,
      %get3A_70 = arith.index_cast %add3A_54 : i32 to index
      %get3A_71 = tpu.vector_load %arg20[%get3A_70] {strides = array<i32>} : memref<2240xf32, #tpu.memory_space<vmem>>, vector<16xf32>,
      %mul3A_72 = arith.mulf %get3A_71, %add3A_67 : vector<16xf32>
      %add3A_73 = arith.addf %get3A_69, %mul3A_72 : vector<16xf32>
      %sub3A_74 = arith.subf %scan3A_25#3, %get3A_3 : vector<16xf32>
      %div3A_75 = arith.divf %add3A_73, %sub3A_74 : vector<16xf32>
      %get3A_76 = arith.index_cast %add3A_54 : i32 to index
      %get3A_77 = tpu.vector_load %arg21[%get3A_76] {strides = array<i32>} : memref<2240xf32, #tpu.memory_space<vmem>>, vector<16xf32>,
      %eq3A_78 = arith.cmpf oeq, %sub3A_74, %broadcast_in_dim3A_4 : vector<16xf32>
      %mul3A_79 = arith.mulf %div3A_75, %div3A_75 : vector<16xf32>
      %sub3A_80 = arith.subf %get3A_77, %mul3A_79 : vector<16xf32>
      %select_n3A_81 = arith.select %eq3A_78, %get3A_77, %sub3A_80 : vector<16xi1>, vector<16xf32>
      %swap3A_82 = arith.index_cast %add3A_54 : i32 to index
      %swap3A_83 = tpu.vector_load %arg22[%swap3A_82] {strides = array<i32>} : memref<2240xf32, #tpu.memory_space<vmem>>, vector<16xf32>,
      tpu.vector_store %arg22[%swap3A_82], %select_n3A_81 {strides = array<i32>} : memref<2240xf32, #tpu.memory_space<vmem>>, vector<16xf32>,
      %add3A_84 = arith.constant 32 : i32
      %add3A_85 = arith.addi %mul3A_20, %add3A_84 : i32
      %get3A_86 = arith.index_cast %add3A_85 : i32 to index
      %get3A_87 = tpu.vector_load %arg17[%get3A_86] {strides = array<i32>} : memref<2240xf32, #tpu.memory_space<vmem>>, vector<16xf32>,
      %sub3A_88 = arith.subf %scan3A_25#7, %get3A_87 : vector<16xf32>
      %get3A_89 = arith.index_cast %add3A_85 : i32 to index
      %get3A_90 = tpu.vector_load %arg18[%get3A_89] {strides = array<i32>} : memref<2240xf32, #tpu.memory_space<vmem>>, vector<16xf32>,
      %sub3A_91 = arith.subf %scan3A_25#8, %get3A_90 : vector<16xf32>
      %get3A_92 = arith.index_cast %add3A_85 : i32 to index
      %get3A_93 = tpu.vector_load %arg15[%get3A_92] {strides = array<i32>} : memref<2240xf32, #tpu.memory_space<vmem>>, vector<16xf32>,
      %mul3A_94 = arith.mulf %sub3A_88, %get3A_93 : vector<16xf32>
      %get3A_95 = arith.index_cast %add3A_85 : i32 to index
      %get3A_96 = tpu.vector_load %arg16[%get3A_95] {strides = array<i32>} : memref<2240xf32, #tpu.memory_space<vmem>>, vector<16xf32>,
      %mul3A_97 = arith.mulf %sub3A_91, %get3A_96 : vector<16xf32>
      %add3A_98 = arith.addf %mul3A_94, %mul3A_97 : vector<16xf32>
      %get3A_99 = arith.index_cast %add3A_85 : i32 to index
      %get3A_100 = tpu.vector_load %arg19[%get3A_99] {strides = array<i32>} : memref<2240xf32, #tpu.memory_space<vmem>>, vector<16xf32>,
      %get3A_101 = arith.index_cast %add3A_85 : i32 to index
      %get3A_102 = tpu.vector_load %arg20[%get3A_101] {strides = array<i32>} : memref<2240xf32, #tpu.memory_space<vmem>>, vector<16xf32>,
      %mul3A_103 = arith.mulf %get3A_102, %add3A_98 : vector<16xf32>
      %add3A_104 = arith.addf %get3A_100, %mul3A_103 : vector<16xf32>
      %sub3A_105 = arith.subf %scan3A_25#6, %get3A_3 : vector<16xf32>
      %div3A_106 = arith.divf %add3A_104, %sub3A_105 : vector<16xf32>
      %get3A_107 = arith.index_cast %add3A_85 : i32 to index
      %get3A_108 = tpu.vector_load %arg21[%get3A_107] {strides = array<i32>} : memref<2240xf32, #tpu.memory_space<vmem>>, vector<16xf32>,
      %eq3A_109 = arith.cmpf oeq, %sub3A_105, %broadcast_in_dim3A_4 : vector<16xf32>
      %mul3A_110 = arith.mulf %div3A_106, %div3A_106 : vector<16xf32>
      %sub3A_111 = arith.subf %get3A_108, %mul3A_110 : vector<16xf32>
      %select_n3A_112 = arith.select %eq3A_109, %get3A_108, %sub3A_111 : vector<16xi1>, vector<16xf32>
      %swap3A_113 = arith.index_cast %add3A_85 : i32 to index
      %swap3A_114 = tpu.vector_load %arg22[%swap3A_113] {strides = array<i32>} : memref<2240xf32, #tpu.memory_space<vmem>>, vector<16xf32>,
      tpu.vector_store %arg22[%swap3A_113], %select_n3A_112 {strides = array<i32>} : memref<2240xf32, #tpu.memory_space<vmem>>, vector<16xf32>,
      %add3A_115 = arith.constant 48 : i32
      %add3A_116 = arith.addi %mul3A_20, %add3A_115 : i32
      %get3A_117 = arith.index_cast %add3A_116 : i32 to index
      %get3A_118 = tpu.vector_load %arg17[%get3A_117] {strides = array<i32>} : memref<2240xf32, #tpu.memory_space<vmem>>, vector<16xf32>,
      %sub3A_119 = arith.subf %scan3A_25#10, %get3A_118 : vector<16xf32>
      %get3A_120 = arith.index_cast %add3A_116 : i32 to index
      %get3A_121 = tpu.vector_load %arg18[%get3A_120] {strides = array<i32>} : memref<2240xf32, #tpu.memory_space<vmem>>, vector<16xf32>,
      %sub3A_122 = arith.subf %scan3A_25#11, %get3A_121 : vector<16xf32>
      %get3A_123 = arith.index_cast %add3A_116 : i32 to index
      %get3A_124 = tpu.vector_load %arg15[%get3A_123] {strides = array<i32>} : memref<2240xf32, #tpu.memory_space<vmem>>, vector<16xf32>,
      %mul3A_125 = arith.mulf %sub3A_119, %get3A_124 : vector<16xf32>
      %get3A_126 = arith.index_cast %add3A_116 : i32 to index
      %get3A_127 = tpu.vector_load %arg16[%get3A_126] {strides = array<i32>} : memref<2240xf32, #tpu.memory_space<vmem>>, vector<16xf32>,
      %mul3A_128 = arith.mulf %sub3A_122, %get3A_127 : vector<16xf32>
      %add3A_129 = arith.addf %mul3A_125, %mul3A_128 : vector<16xf32>
      %get3A_130 = arith.index_cast %add3A_116 : i32 to index
      %get3A_131 = tpu.vector_load %arg19[%get3A_130] {strides = array<i32>} : memref<2240xf32, #tpu.memory_space<vmem>>, vector<16xf32>,
      %get3A_132 = arith.index_cast %add3A_116 : i32 to index
      %get3A_133 = tpu.vector_load %arg20[%get3A_132] {strides = array<i32>} : memref<2240xf32, #tpu.memory_space<vmem>>, vector<16xf32>,
      %mul3A_134 = arith.mulf %get3A_133, %add3A_129 : vector<16xf32>
      %add3A_135 = arith.addf %get3A_131, %mul3A_134 : vector<16xf32>
      %sub3A_136 = arith.subf %scan3A_25#9, %get3A_3 : vector<16xf32>
      %div3A_137 = arith.divf %add3A_135, %sub3A_136 : vector<16xf32>
      %get3A_138 = arith.index_cast %add3A_116 : i32 to index
      %get3A_139 = tpu.vector_load %arg21[%get3A_138] {strides = array<i32>} : memref<2240xf32, #tpu.memory_space<vmem>>, vector<16xf32>,
      %eq3A_140 = arith.cmpf oeq, %sub3A_136, %broadcast_in_dim3A_4 : vector<16xf32>
      %mul3A_141 = arith.mulf %div3A_137, %div3A_137 : vector<16xf32>
      %sub3A_142 = arith.subf %get3A_139, %mul3A_141 : vector<16xf32>
      %select_n3A_143 = arith.select %eq3A_140, %get3A_139, %sub3A_142 : vector<16xi1>, vector<16xf32>
      %swap3A_144 = arith.index_cast %add3A_116 : i32 to index
      %swap3A_145 = tpu.vector_load %arg22[%swap3A_144] {strides = array<i32>} : memref<2240xf32, #tpu.memory_space<vmem>>, vector<16xf32>,
      tpu.vector_store %arg22[%swap3A_144], %select_n3A_143 {strides = array<i32>} : memref<2240xf32, #tpu.memory_space<vmem>>, vector<16xf32>,
      %add3A_146 = arith.constant 64 : i32
      %add3A_147 = arith.addi %mul3A_20, %add3A_146 : i32
      %get3A_148 = arith.index_cast %add3A_147 : i32 to index
      %get3A_149 = tpu.vector_load %arg17[%get3A_148] {strides = array<i32>} : memref<2240xf32, #tpu.memory_space<vmem>>, vector<16xf32>,
      %sub3A_150 = arith.subf %scan3A_25#13, %get3A_149 : vector<16xf32>
      %get3A_151 = arith.index_cast %add3A_147 : i32 to index
      %get3A_152 = tpu.vector_load %arg18[%get3A_151] {strides = array<i32>} : memref<2240xf32, #tpu.memory_space<vmem>>, vector<16xf32>,
      %sub3A_153 = arith.subf %scan3A_25#14, %get3A_152 : vector<16xf32>
      %get3A_154 = arith.index_cast %add3A_147 : i32 to index
      %get3A_155 = tpu.vector_load %arg15[%get3A_154] {strides = array<i32>} : memref<2240xf32, #tpu.memory_space<vmem>>, vector<16xf32>,
      %mul3A_156 = arith.mulf %sub3A_150, %get3A_155 : vector<16xf32>
      %get3A_157 = arith.index_cast %add3A_147 : i32 to index
      %get3A_158 = tpu.vector_load %arg16[%get3A_157] {strides = array<i32>} : memref<2240xf32, #tpu.memory_space<vmem>>, vector<16xf32>,
      %mul3A_159 = arith.mulf %sub3A_153, %get3A_158 : vector<16xf32>
      %add3A_160 = arith.addf %mul3A_156, %mul3A_159 : vector<16xf32>
      %get3A_161 = arith.index_cast %add3A_147 : i32 to index
      %get3A_162 = tpu.vector_load %arg19[%get3A_161] {strides = array<i32>} : memref<2240xf32, #tpu.memory_space<vmem>>, vector<16xf32>,
      %get3A_163 = arith.index_cast %add3A_147 : i32 to index
      %get3A_164 = tpu.vector_load %arg20[%get3A_163] {strides = array<i32>} : memref<2240xf32, #tpu.memory_space<vmem>>, vector<16xf32>,
      %mul3A_165 = arith.mulf %get3A_164, %add3A_160 : vector<16xf32>
      %add3A_166 = arith.addf %get3A_162, %mul3A_165 : vector<16xf32>
      %sub3A_167 = arith.subf %scan3A_25#12, %get3A_3 : vector<16xf32>
      %div3A_168 = arith.divf %add3A_166, %sub3A_167 : vector<16xf32>
      %get3A_169 = arith.index_cast %add3A_147 : i32 to index
      %get3A_170 = tpu.vector_load %arg21[%get3A_169] {strides = array<i32>} : memref<2240xf32, #tpu.memory_space<vmem>>, vector<16xf32>,
      %eq3A_171 = arith.cmpf oeq, %sub3A_167, %broadcast_in_dim3A_4 : vector<16xf32>
      %mul3A_172 = arith.mulf %div3A_168, %div3A_168 : vector<16xf32>
      %sub3A_173 = arith.subf %get3A_170, %mul3A_172 : vector<16xf32>
      %select_n3A_174 = arith.select %eq3A_171, %get3A_170, %sub3A_173 : vector<16xi1>, vector<16xf32>
      %swap3A_175 = arith.index_cast %add3A_147 : i32 to index
      %swap3A_176 = tpu.vector_load %arg22[%swap3A_175] {strides = array<i32>} : memref<2240xf32, #tpu.memory_space<vmem>>, vector<16xf32>,
      tpu.vector_store %arg22[%swap3A_175], %select_n3A_174 {strides = array<i32>} : memref<2240xf32, #tpu.memory_space<vmem>>, vector<16xf32>,
      %add3A_177 = arith.constant 80 : i32
      %add3A_178 = arith.addi %mul3A_20, %add3A_177 : i32
      %get3A_179 = arith.index_cast %add3A_178 : i32 to index
      %get3A_180 = tpu.vector_load %arg17[%get3A_179] {strides = array<i32>} : memref<2240xf32, #tpu.memory_space<vmem>>, vector<16xf32>,
      %sub3A_181 = arith.subf %scan3A_25#16, %get3A_180 : vector<16xf32>
      %get3A_182 = arith.index_cast %add3A_178 : i32 to index
      %get3A_183 = tpu.vector_load %arg18[%get3A_182] {strides = array<i32>} : memref<2240xf32, #tpu.memory_space<vmem>>, vector<16xf32>,
      %sub3A_184 = arith.subf %scan3A_25#17, %get3A_183 : vector<16xf32>
      %get3A_185 = arith.index_cast %add3A_178 : i32 to index
      %get3A_186 = tpu.vector_load %arg15[%get3A_185] {strides = array<i32>} : memref<2240xf32, #tpu.memory_space<vmem>>, vector<16xf32>,
      %mul3A_187 = arith.mulf %sub3A_181, %get3A_186 : vector<16xf32>
      %get3A_188 = arith.index_cast %add3A_178 : i32 to index
      %get3A_189 = tpu.vector_load %arg16[%get3A_188] {strides = array<i32>} : memref<2240xf32, #tpu.memory_space<vmem>>, vector<16xf32>,
      %mul3A_190 = arith.mulf %sub3A_184, %get3A_189 : vector<16xf32>
      %add3A_191 = arith.addf %mul3A_187, %mul3A_190 : vector<16xf32>
      %get3A_192 = arith.index_cast %add3A_178 : i32 to index
      %get3A_193 = tpu.vector_load %arg19[%get3A_192] {strides = array<i32>} : memref<2240xf32, #tpu.memory_space<vmem>>, vector<16xf32>,
      %get3A_194 = arith.index_cast %add3A_178 : i32 to index
      %get3A_195 = tpu.vector_load %arg20[%get3A_194] {strides = array<i32>} : memref<2240xf32, #tpu.memory_space<vmem>>, vector<16xf32>,
      %mul3A_196 = arith.mulf %get3A_195, %add3A_191 : vector<16xf32>
      %add3A_197 = arith.addf %get3A_193, %mul3A_196 : vector<16xf32>
      %sub3A_198 = arith.subf %scan3A_25#15, %get3A_3 : vector<16xf32>
      %div3A_199 = arith.divf %add3A_197, %sub3A_198 : vector<16xf32>
      %get3A_200 = arith.index_cast %add3A_178 : i32 to index
      %get3A_201 = tpu.vector_load %arg21[%get3A_200] {strides = array<i32>} : memref<2240xf32, #tpu.memory_space<vmem>>, vector<16xf32>,
      %eq3A_202 = arith.cmpf oeq, %sub3A_198, %broadcast_in_dim3A_4 : vector<16xf32>
      %mul3A_203 = arith.mulf %div3A_199, %div3A_199 : vector<16xf32>
      %sub3A_204 = arith.subf %get3A_201, %mul3A_203 : vector<16xf32>
      %select_n3A_205 = arith.select %eq3A_202, %get3A_201, %sub3A_204 : vector<16xi1>, vector<16xf32>
      %swap3A_206 = arith.index_cast %add3A_178 : i32 to index
      %swap3A_207 = tpu.vector_load %arg22[%swap3A_206] {strides = array<i32>} : memref<2240xf32, #tpu.memory_space<vmem>>, vector<16xf32>,
      tpu.vector_store %arg22[%swap3A_206], %select_n3A_205 {strides = array<i32>} : memref<2240xf32, #tpu.memory_space<vmem>>, vector<16xf32>,
      %add3A_208 = arith.constant 96 : i32
      %add3A_209 = arith.addi %mul3A_20, %add3A_208 : i32
      %get3A_210 = arith.index_cast %add3A_209 : i32 to index
      %get3A_211 = tpu.vector_load %arg17[%get3A_210] {strides = array<i32>} : memref<2240xf32, #tpu.memory_space<vmem>>, vector<16xf32>,
      %sub3A_212 = arith.subf %scan3A_25#19, %get3A_211 : vector<16xf32>
      %get3A_213 = arith.index_cast %add3A_209 : i32 to index
      %get3A_214 = tpu.vector_load %arg18[%get3A_213] {strides = array<i32>} : memref<2240xf32, #tpu.memory_space<vmem>>, vector<16xf32>,
      %sub3A_215 = arith.subf %scan3A_25#20, %get3A_214 : vector<16xf32>
      %get3A_216 = arith.index_cast %add3A_209 : i32 to index
      %get3A_217 = tpu.vector_load %arg15[%get3A_216] {strides = array<i32>} : memref<2240xf32, #tpu.memory_space<vmem>>, vector<16xf32>,
      %mul3A_218 = arith.mulf %sub3A_212, %get3A_217 : vector<16xf32>
      %get3A_219 = arith.index_cast %add3A_209 : i32 to index
      %get3A_220 = tpu.vector_load %arg16[%get3A_219] {strides = array<i32>} : memref<2240xf32, #tpu.memory_space<vmem>>, vector<16xf32>,
      %mul3A_221 = arith.mulf %sub3A_215, %get3A_220 : vector<16xf32>
      %add3A_222 = arith.addf %mul3A_218, %mul3A_221 : vector<16xf32>
      %get3A_223 = arith.index_cast %add3A_209 : i32 to index
      %get3A_224 = tpu.vector_load %arg19[%get3A_223] {strides = array<i32>} : memref<2240xf32, #tpu.memory_space<vmem>>, vector<16xf32>,
      %get3A_225 = arith.index_cast %add3A_209 : i32 to index
      %get3A_226 = tpu.vector_load %arg20[%get3A_225] {strides = array<i32>} : memref<2240xf32, #tpu.memory_space<vmem>>, vector<16xf32>,
      %mul3A_227 = arith.mulf %get3A_226, %add3A_222 : vector<16xf32>
      %add3A_228 = arith.addf %get3A_224, %mul3A_227 : vector<16xf32>
      %sub3A_229 = arith.subf %scan3A_25#18, %get3A_3 : vector<16xf32>
      %div3A_230 = arith.divf %add3A_228, %sub3A_229 : vector<16xf32>
      %get3A_231 = arith.index_cast %add3A_209 : i32 to index
      %get3A_232 = tpu.vector_load %arg21[%get3A_231] {strides = array<i32>} : memref<2240xf32, #tpu.memory_space<vmem>>, vector<16xf32>,
      %eq3A_233 = arith.cmpf oeq, %sub3A_229, %broadcast_in_dim3A_4 : vector<16xf32>
      %mul3A_234 = arith.mulf %div3A_230, %div3A_230 : vector<16xf32>
      %sub3A_235 = arith.subf %get3A_232, %mul3A_234 : vector<16xf32>
      %select_n3A_236 = arith.select %eq3A_233, %get3A_232, %sub3A_235 : vector<16xi1>, vector<16xf32>
      %swap3A_237 = arith.index_cast %add3A_209 : i32 to index
      %swap3A_238 = tpu.vector_load %arg22[%swap3A_237] {strides = array<i32>} : memref<2240xf32, #tpu.memory_space<vmem>>, vector<16xf32>,
      tpu.vector_store %arg22[%swap3A_237], %select_n3A_236 {strides = array<i32>} : memref<2240xf32, #tpu.memory_space<vmem>>, vector<16xf32>,
      %scan3A_239 = arith.constant 0 : i32
      scf.yield %scan3A_239 : i32
    }
    %scan3A_16 = arith.constant 20 : i32
    "tpu.region"() ({
      %run_scoped3A = tpu.sem_alloc : memref<!tpu.dma_semaphore, #tpu.memory_space<semaphore_mem>>
      %dma_start3A = tpu.memref_slice %arg12[%add3A_10] : memref<71680xf32, #tpu.memory_space<hbm>> -> memref<2240xf32, #tpu.memory_space<hbm>>
      %dma_start3A_17 = tpu.memref_slice %arg12[%add3A_10] : memref<71680xf32, #tpu.memory_space<hbm>> -> memref<2240xf32, #tpu.memory_space<hbm>>
      tpu.enqueue_dma source(%arg22 : memref<2240xf32, #tpu.memory_space<vmem>>) target(%dma_start3A_17 : memref<2240xf32, #tpu.memory_space<hbm>>) target_semaphore(%run_scoped3A : memref<!tpu.dma_semaphore, #tpu.memory_space<semaphore_mem>>)
      %dma_wait3A = tpu.memref_slice %arg12[%add3A_10] : memref<71680xf32, #tpu.memory_space<hbm>> -> memref<2240xf32, #tpu.memory_space<hbm>>
      %dma_wait3A_18 = tpu.memref_slice %arg12[%add3A_10] : memref<71680xf32, #tpu.memory_space<hbm>> -> memref<2240xf32, #tpu.memory_space<hbm>>
      tpu.wait_dma2 semaphore(%run_scoped3A : memref<!tpu.dma_semaphore, #tpu.memory_space<semaphore_mem>>) src(%arg22 : memref<2240xf32, #tpu.memory_space<vmem>>) dst(%dma_wait3A_18 : memref<2240xf32, #tpu.memory_space<hbm>>)
      tpu.yield
    }) : () -> ()
    return
  }
}

module attributes {stable_mosaic.version = 14 : i64} {
  func.func @_prep_body(%arg0: i32, %arg1: memref<6xf32, #tpu.memory_space<smem>>, %arg2: memref<320x112xf32, #tpu.memory_space<vmem>>, %arg3: memref<320x112xf32, #tpu.memory_space<vmem>>, %arg4: memref<320x112xf32, #tpu.memory_space<vmem>>, %arg5: memref<320x112xf32, #tpu.memory_space<vmem>>, %arg6: memref<320x112xf32, #tpu.memory_space<vmem>>, %arg7: memref<320x112xf32, #tpu.memory_space<vmem>>, %arg8: memref<320x112xf32, #tpu.memory_space<vmem>>, %arg9: memref<320x112xf32, #tpu.memory_space<vmem>>, %arg10: memref<320x112xf32, #tpu.memory_space<vmem>>) attributes {dimension_semantics = [#tpu.dimension_semantics<parallel>], iteration_bounds = array<i64: 2>, scalar_prefetch = 0 : i64, scratch_operands = 0 : i64, tpu.core_type = #tpu.core_type<tc>, window_params = [{transform_indices = @transform_0, window_bounds = array<i64: 6>}, {transform_indices = @transform_1, window_bounds = array<i64: 320, 112>}, {transform_indices = @transform_2, window_bounds = array<i64: 320, 112>}, {transform_indices = @transform_3, window_bounds = array<i64: 320, 112>}, {transform_indices = @transform_4, window_bounds = array<i64: 320, 112>}, {transform_indices = @transform_5, window_bounds = array<i64: 320, 112>}, {transform_indices = @transform_6, window_bounds = array<i64: 320, 112>}, {transform_indices = @transform_7, window_bounds = array<i64: 320, 112>}, {transform_indices = @transform_8, window_bounds = array<i64: 320, 112>}, {transform_indices = @transform_9, window_bounds = array<i64: 320, 112>}]} {
    %get3A = arith.constant 0 : index
    %get3A_0 = arith.constant 0 : index
    %get3A_1 = vector.load %arg2[%get3A, %get3A_0] : memref<320x112xf32, #tpu.memory_space<vmem>>, vector<320x112xf32>
    %get3A_2 = arith.constant 0 : index
    %get3A_3 = arith.constant 0 : index
    %get3A_4 = vector.load %arg3[%get3A_2, %get3A_3] : memref<320x112xf32, #tpu.memory_space<vmem>>, vector<320x112xf32>
    %cos3A = math.cos %get3A_4 : vector<320x112xf32>
    %sin3A = math.sin %get3A_4 : vector<320x112xf32>
    %get3A_5 = arith.constant 1 : index
    %get3A_6 = memref.load %arg1[%get3A_5] : memref<6xf32, #tpu.memory_space<smem>>
    %get3A_7 = arith.constant 2 : index
    %get3A_8 = memref.load %arg1[%get3A_7] : memref<6xf32, #tpu.memory_space<smem>>
    %get3A_9 = arith.constant 3 : index
    %get3A_10 = memref.load %arg1[%get3A_9] : memref<6xf32, #tpu.memory_space<smem>>
    %get3A_11 = arith.constant 4 : index
    %get3A_12 = memref.load %arg1[%get3A_11] : memref<6xf32, #tpu.memory_space<smem>>
    %get3A_13 = arith.constant 5 : index
    %get3A_14 = memref.load %arg1[%get3A_13] : memref<6xf32, #tpu.memory_space<smem>>
    %swap3A = arith.constant 0 : index
    %swap3A_15 = arith.constant 0 : index
    %swap3A_16 = vector.load %arg4[%swap3A, %swap3A_15] : memref<320x112xf32, #tpu.memory_space<vmem>>, vector<320x112xf32>
    tpu.vector_store %arg4[%swap3A, %swap3A_15], %cos3A {strides = array<i32>} : memref<320x112xf32, #tpu.memory_space<vmem>>, vector<320x112xf32>,
    %swap3A_17 = arith.constant 0 : index
    %swap3A_18 = arith.constant 0 : index
    %swap3A_19 = vector.load %arg5[%swap3A_17, %swap3A_18] : memref<320x112xf32, #tpu.memory_space<vmem>>, vector<320x112xf32>
    tpu.vector_store %arg5[%swap3A_17, %swap3A_18], %sin3A {strides = array<i32>} : memref<320x112xf32, #tpu.memory_space<vmem>>, vector<320x112xf32>,
    %mul3A = arith.mulf %get3A_1, %cos3A : vector<320x112xf32>
    %swap3A_20 = arith.constant 0 : index
    %swap3A_21 = arith.constant 0 : index
    %swap3A_22 = vector.load %arg6[%swap3A_20, %swap3A_21] : memref<320x112xf32, #tpu.memory_space<vmem>>, vector<320x112xf32>
    tpu.vector_store %arg6[%swap3A_20, %swap3A_21], %mul3A {strides = array<i32>} : memref<320x112xf32, #tpu.memory_space<vmem>>, vector<320x112xf32>,
    %mul3A_23 = arith.mulf %get3A_1, %sin3A : vector<320x112xf32>
    %swap3A_24 = arith.constant 0 : index
    %swap3A_25 = arith.constant 0 : index
    %swap3A_26 = vector.load %arg7[%swap3A_24, %swap3A_25] : memref<320x112xf32, #tpu.memory_space<vmem>>, vector<320x112xf32>
    tpu.vector_store %arg7[%swap3A_24, %swap3A_25], %mul3A_23 {strides = array<i32>} : memref<320x112xf32, #tpu.memory_space<vmem>>, vector<320x112xf32>,
    %sqrt3A = math.sqrt %get3A_12 : f32
    %mul3A_27 = vector.broadcast %get3A_10 : f32 to vector<320x112xf32>
    %mul3A_28 = arith.mulf %get3A_1, %mul3A_27 : vector<320x112xf32>
    %add3A = vector.broadcast %get3A_8 : f32 to vector<320x112xf32>
    %add3A_29 = arith.addf %add3A, %mul3A_28 : vector<320x112xf32>
    %mul3A_30 = vector.broadcast %sqrt3A : f32 to vector<320x112xf32>
    %mul3A_31 = arith.mulf %mul3A_30, %add3A_29 : vector<320x112xf32>
    %swap3A_32 = arith.constant 0 : index
    %swap3A_33 = arith.constant 0 : index
    %swap3A_34 = vector.load %arg8[%swap3A_32, %swap3A_33] : memref<320x112xf32, #tpu.memory_space<vmem>>, vector<320x112xf32>
    tpu.vector_store %arg8[%swap3A_32, %swap3A_33], %mul3A_31 {strides = array<i32>} : memref<320x112xf32, #tpu.memory_space<vmem>>, vector<320x112xf32>,
    %rsqrt3A = math.rsqrt %get3A_14 : f32
    %mul3A_35 = arith.constant 5.000000e-01 : f32
    %mul3A_36 = arith.mulf %mul3A_35, %rsqrt3A : f32
    %mul3A_37 = vector.broadcast %mul3A_36 : f32 to vector<320x112xf32>
    %mul3A_38 = arith.mulf %mul3A_37, %get3A_1 : vector<320x112xf32>
    %swap3A_39 = arith.constant 0 : index
    %swap3A_40 = arith.constant 0 : index
    %swap3A_41 = vector.load %arg9[%swap3A_39, %swap3A_40] : memref<320x112xf32, #tpu.memory_space<vmem>>, vector<320x112xf32>
    tpu.vector_store %arg9[%swap3A_39, %swap3A_40], %mul3A_38 {strides = array<i32>} : memref<320x112xf32, #tpu.memory_space<vmem>>, vector<320x112xf32>,
    %div3A = arith.constant 1.000000e+00 : f32
    %div3A_42 = arith.divf %div3A, %get3A_6 : f32
    %mul3A_43 = vector.broadcast %div3A_42 : f32 to vector<320x112xf32>
    %mul3A_44 = arith.mulf %get3A_1, %mul3A_43 : vector<320x112xf32>
    %mul3A_45 = arith.mulf %mul3A_44, %mul3A_44 : vector<320x112xf32>
    %mul3A_46 = arith.mulf %mul3A_45, %mul3A_45 : vector<320x112xf32>
    %sub3A = arith.constant 1.000000e+00 : f32
    %sub3A_47 = vector.broadcast %sub3A : f32 to vector<320x112xf32>
    %sub3A_48 = arith.subf %sub3A_47, %mul3A_46 : vector<320x112xf32>
    %mul3A_49 = vector.broadcast %get3A_12 : f32 to vector<320x112xf32>
    %mul3A_50 = arith.mulf %mul3A_49, %sub3A_48 : vector<320x112xf32>
    %swap3A_51 = arith.constant 0 : index
    %swap3A_52 = arith.constant 0 : index
    %swap3A_53 = vector.load %arg10[%swap3A_51, %swap3A_52] : memref<320x112xf32, #tpu.memory_space<vmem>>, vector<320x112xf32>
    tpu.vector_store %arg10[%swap3A_51, %swap3A_52], %mul3A_50 {strides = array<i32>} : memref<320x112xf32, #tpu.memory_space<vmem>>, vector<320x112xf32>,
    return
  }
  func.func @transform_0(%arg0: i32) -> i32 {
    %c0_i32 = arith.constant 0 : i32
    %c0_i32_0 = arith.constant 0 : i32
    return %c0_i32 : i32
  }
  func.func @transform_1(%arg0: i32) -> (i32, i32) {
    %c0_i32 = arith.constant 0 : i32
    %c0_i32_0 = arith.constant 0 : i32
    return %arg0, %c0_i32 : i32, i32
  }
  func.func @transform_2(%arg0: i32) -> (i32, i32) {
    %c0_i32 = arith.constant 0 : i32
    %c0_i32_0 = arith.constant 0 : i32
    return %arg0, %c0_i32 : i32, i32
  }
  func.func @transform_3(%arg0: i32) -> (i32, i32) {
    %c0_i32 = arith.constant 0 : i32
    %c0_i32_0 = arith.constant 0 : i32
    return %arg0, %c0_i32 : i32, i32
  }
  func.func @transform_4(%arg0: i32) -> (i32, i32) {
    %c0_i32 = arith.constant 0 : i32
    %c0_i32_0 = arith.constant 0 : i32
    return %arg0, %c0_i32 : i32, i32
  }
  func.func @transform_5(%arg0: i32) -> (i32, i32) {
    %c0_i32 = arith.constant 0 : i32
    %c0_i32_0 = arith.constant 0 : i32
    return %arg0, %c0_i32 : i32, i32
  }
  func.func @transform_6(%arg0: i32) -> (i32, i32) {
    %c0_i32 = arith.constant 0 : i32
    %c0_i32_0 = arith.constant 0 : i32
    return %arg0, %c0_i32 : i32, i32
  }
  func.func @transform_7(%arg0: i32) -> (i32, i32) {
    %c0_i32 = arith.constant 0 : i32
    %c0_i32_0 = arith.constant 0 : i32
    return %arg0, %c0_i32 : i32, i32
  }
  func.func @transform_8(%arg0: i32) -> (i32, i32) {
    %c0_i32 = arith.constant 0 : i32
    %c0_i32_0 = arith.constant 0 : i32
    return %arg0, %c0_i32 : i32, i32
  }
  func.func @transform_9(%arg0: i32) -> (i32, i32) {
    %c0_i32 = arith.constant 0 : i32
    %c0_i32_0 = arith.constant 0 : i32
    return %arg0, %c0_i32 : i32, i32
  }
}

module attributes {stable_mosaic.version = 14 : i64} {
  func.func @_tc_body(%arg0: i32, %arg1: memref<6xf32, #tpu.memory_space<smem>>, %arg2: memref<104x128xf32, #tpu.memory_space<vmem>>, %arg3: memref<104x128xf32, #tpu.memory_space<vmem>>, %arg4: memref<104x128xf32, #tpu.memory_space<vmem>>, %arg5: memref<104x128xf32, #tpu.memory_space<vmem>>, %arg6: memref<104x128xf32, #tpu.memory_space<vmem>>, %arg7: memref<104x128xf32, #tpu.memory_space<vmem>>, %arg8: memref<104x128xf32, #tpu.memory_space<vmem>>) attributes {dimension_semantics = [#tpu.dimension_semantics<parallel>], iteration_bounds = array<i64: 27>, scalar_prefetch = 0 : i64, scratch_operands = 2 : i64, tpu.core_type = #tpu.core_type<tc>, window_params = [{transform_indices = @transform_0, window_bounds = array<i64: 6>}, {transform_indices = @transform_1, window_bounds = array<i64: 104, 128>}, {transform_indices = @transform_2, window_bounds = array<i64: 104, 128>}, {transform_indices = @transform_3, window_bounds = array<i64: 104, 128>}, {transform_indices = @transform_4, window_bounds = array<i64: 104, 128>}, {transform_indices = @transform_5, window_bounds = array<i64: 104, 128>}]} {
    %get3A = arith.constant 0 : index
    %get3A_0 = arith.constant 0 : index
    %get3A_1 = vector.load %arg2[%get3A, %get3A_0] : memref<104x128xf32, #tpu.memory_space<vmem>>, vector<104x128xf32>
    %get3A_2 = arith.constant 0 : index
    %get3A_3 = arith.constant 0 : index
    %get3A_4 = vector.load %arg3[%get3A_2, %get3A_3] : memref<104x128xf32, #tpu.memory_space<vmem>>, vector<104x128xf32>
    %get3A_5 = arith.constant 0 : index
    %get3A_6 = arith.constant 0 : index
    %get3A_7 = vector.load %arg4[%get3A_5, %get3A_6] : memref<104x128xf32, #tpu.memory_space<vmem>>, vector<104x128xf32>
    %get3A_8 = arith.constant 0 : index
    %get3A_9 = arith.constant 0 : index
    %get3A_10 = vector.load %arg5[%get3A_8, %get3A_9] : memref<104x128xf32, #tpu.memory_space<vmem>>, vector<104x128xf32>
    %cos3A = math.cos %get3A_10 : vector<104x128xf32>
    %sin3A = math.sin %get3A_10 : vector<104x128xf32>
    %mul3A = arith.mulf %get3A_7, %cos3A : vector<104x128xf32>
    %mul3A_11 = arith.mulf %get3A_7, %sin3A : vector<104x128xf32>
    %swap3A = arith.constant 0 : index
    %swap3A_12 = arith.constant 0 : index
    %swap3A_13 = vector.load %arg7[%swap3A, %swap3A_12] : memref<104x128xf32, #tpu.memory_space<vmem>>, vector<104x128xf32>
    tpu.vector_store %arg7[%swap3A, %swap3A_12], %mul3A {strides = array<i32>} : memref<104x128xf32, #tpu.memory_space<vmem>>, vector<104x128xf32>,
    %swap3A_14 = arith.constant 0 : index
    %swap3A_15 = arith.constant 0 : index
    %swap3A_16 = vector.load %arg8[%swap3A_14, %swap3A_15] : memref<104x128xf32, #tpu.memory_space<vmem>>, vector<104x128xf32>
    tpu.vector_store %arg8[%swap3A_14, %swap3A_15], %mul3A_11 {strides = array<i32>} : memref<104x128xf32, #tpu.memory_space<vmem>>, vector<104x128xf32>,
    %broadcast_in_dim3A = arith.constant 0x7F800000 : f32
    %broadcast_in_dim3A_17 = vector.broadcast %broadcast_in_dim3A : f32 to vector<104x128xf32>
    %broadcast_in_dim3A_18 = arith.constant 0.000000e+00 : f32
    %broadcast_in_dim3A_19 = vector.broadcast %broadcast_in_dim3A_18 : f32 to vector<104x128xf32>
    %broadcast_in_dim3A_20 = arith.constant 0.000000e+00 : f32
    %broadcast_in_dim3A_21 = vector.broadcast %broadcast_in_dim3A_20 : f32 to vector<104x128xf32>
    %get3A_22 = arith.constant 0 : index
    %get3A_23 = arith.constant 0 : index
    %get3A_24 = vector.load %arg2[%get3A_22, %get3A_23] : memref<104x128xf32, #tpu.memory_space<vmem>>, vector<1x128xf32>
    %get3A_25 = arith.constant 0 : index
    %get3A_26 = arith.constant 0 : index
    %get3A_27 = vector.load %arg3[%get3A_25, %get3A_26] : memref<104x128xf32, #tpu.memory_space<vmem>>, vector<1x128xf32>
    %get3A_28 = arith.constant 0 : index
    %get3A_29 = arith.constant 0 : index
    %get3A_30 = vector.load %arg7[%get3A_28, %get3A_29] : memref<104x128xf32, #tpu.memory_space<vmem>>, vector<1x128xf32>
    %get3A_31 = arith.constant 0 : index
    %get3A_32 = arith.constant 0 : index
    %get3A_33 = vector.load %arg8[%get3A_31, %get3A_32] : memref<104x128xf32, #tpu.memory_space<vmem>>, vector<1x128xf32>
    %sub3A = vector.broadcast %get3A_24 : vector<1x128xf32> to vector<104x128xf32>
    %sub3A_34 = arith.subf %sub3A, %get3A_1 : vector<104x128xf32>
    %sub3A_35 = vector.broadcast %get3A_27 : vector<1x128xf32> to vector<104x128xf32>
    %sub3A_36 = arith.subf %sub3A_35, %get3A_4 : vector<104x128xf32>
    %mul3A_37 = arith.mulf %sub3A_34, %cos3A : vector<104x128xf32>
    %mul3A_38 = arith.mulf %sub3A_36, %sin3A : vector<104x128xf32>
    %add3A = arith.addf %mul3A_37, %mul3A_38 : vector<104x128xf32>
    %mul3A_39 = arith.mulf %sub3A_36, %cos3A : vector<104x128xf32>
    %mul3A_40 = arith.mulf %sub3A_34, %sin3A : vector<104x128xf32>
    %sub3A_41 = arith.subf %mul3A_39, %mul3A_40 : vector<104x128xf32>
    %abs3A = math.absf %sub3A_41 : vector<104x128xf32>
    %mul3A_42 = arith.constant 0.36397022 : f32
    %mul3A_43 = vector.broadcast %mul3A_42 : f32 to vector<104x128xf32>
    %mul3A_44 = arith.mulf %add3A, %mul3A_43 : vector<104x128xf32>
    %lt3A = arith.cmpf olt, %abs3A, %mul3A_44 : vector<104x128xf32>
    %lt3A_45 = arith.cmpf olt, %add3A, %broadcast_in_dim3A_17 : vector<104x128xf32>
    %and3A = arith.andi %lt3A, %lt3A_45 : vector<104x128xi1>
    %select_n3A = arith.select %and3A, %add3A, %broadcast_in_dim3A_17 : vector<104x128xi1>, vector<104x128xf32>
    %broadcast_in_dim3A_46 = vector.shape_cast %get3A_30 : vector<1x128xf32> to vector<1x128xf32>
    %broadcast_in_dim3A_47 = vector.broadcast %broadcast_in_dim3A_46 : vector<1x128xf32> to vector<104x128xf32>
    %select_n3A_48 = arith.select %and3A, %broadcast_in_dim3A_47, %broadcast_in_dim3A_19 : vector<104x128xi1>, vector<104x128xf32>
    %broadcast_in_dim3A_49 = vector.shape_cast %get3A_33 : vector<1x128xf32> to vector<1x128xf32>
    %broadcast_in_dim3A_50 = vector.broadcast %broadcast_in_dim3A_49 : vector<1x128xf32> to vector<104x128xf32>
    %select_n3A_51 = arith.select %and3A, %broadcast_in_dim3A_50, %broadcast_in_dim3A_21 : vector<104x128xi1>, vector<104x128xf32>
    %get3A_52 = arith.constant 1 : index
    %get3A_53 = arith.constant 0 : index
    %get3A_54 = vector.load %arg2[%get3A_52, %get3A_53] : memref<104x128xf32, #tpu.memory_space<vmem>>, vector<1x128xf32>
    %get3A_55 = arith.constant 1 : index
    %get3A_56 = arith.constant 0 : index
    %get3A_57 = vector.load %arg3[%get3A_55, %get3A_56] : memref<104x128xf32, #tpu.memory_space<vmem>>, vector<1x128xf32>
    %get3A_58 = arith.constant 1 : index
    %get3A_59 = arith.constant 0 : index
    %get3A_60 = vector.load %arg7[%get3A_58, %get3A_59] : memref<104x128xf32, #tpu.memory_space<vmem>>, vector<1x128xf32>
    %get3A_61 = arith.constant 1 : index
    %get3A_62 = arith.constant 0 : index
    %get3A_63 = vector.load %arg8[%get3A_61, %get3A_62] : memref<104x128xf32, #tpu.memory_space<vmem>>, vector<1x128xf32>
    %sub3A_64 = vector.broadcast %get3A_54 : vector<1x128xf32> to vector<104x128xf32>
    %sub3A_65 = arith.subf %sub3A_64, %get3A_1 : vector<104x128xf32>
    %sub3A_66 = vector.broadcast %get3A_57 : vector<1x128xf32> to vector<104x128xf32>
    %sub3A_67 = arith.subf %sub3A_66, %get3A_4 : vector<104x128xf32>
    %mul3A_68 = arith.mulf %sub3A_65, %cos3A : vector<104x128xf32>
    %mul3A_69 = arith.mulf %sub3A_67, %sin3A : vector<104x128xf32>
    %add3A_70 = arith.addf %mul3A_68, %mul3A_69 : vector<104x128xf32>
    %mul3A_71 = arith.mulf %sub3A_67, %cos3A : vector<104x128xf32>
    %mul3A_72 = arith.mulf %sub3A_65, %sin3A : vector<104x128xf32>
    %sub3A_73 = arith.subf %mul3A_71, %mul3A_72 : vector<104x128xf32>
    %abs3A_74 = math.absf %sub3A_73 : vector<104x128xf32>
    %mul3A_75 = arith.constant 0.36397022 : f32
    %mul3A_76 = vector.broadcast %mul3A_75 : f32 to vector<104x128xf32>
    %mul3A_77 = arith.mulf %add3A_70, %mul3A_76 : vector<104x128xf32>
    %lt3A_78 = arith.cmpf olt, %abs3A_74, %mul3A_77 : vector<104x128xf32>
    %lt3A_79 = arith.cmpf olt, %add3A_70, %select_n3A : vector<104x128xf32>
    %and3A_80 = arith.andi %lt3A_78, %lt3A_79 : vector<104x128xi1>
    %select_n3A_81 = arith.select %and3A_80, %add3A_70, %select_n3A : vector<104x128xi1>, vector<104x128xf32>
    %broadcast_in_dim3A_82 = vector.shape_cast %get3A_60 : vector<1x128xf32> to vector<1x128xf32>
    %broadcast_in_dim3A_83 = vector.broadcast %broadcast_in_dim3A_82 : vector<1x128xf32> to vector<104x128xf32>
    %select_n3A_84 = arith.select %and3A_80, %broadcast_in_dim3A_83, %select_n3A_48 : vector<104x128xi1>, vector<104x128xf32>
    %broadcast_in_dim3A_85 = vector.shape_cast %get3A_63 : vector<1x128xf32> to vector<1x128xf32>
    %broadcast_in_dim3A_86 = vector.broadcast %broadcast_in_dim3A_85 : vector<1x128xf32> to vector<104x128xf32>
    %select_n3A_87 = arith.select %and3A_80, %broadcast_in_dim3A_86, %select_n3A_51 : vector<104x128xi1>, vector<104x128xf32>
    %get3A_88 = arith.constant 2 : index
    %get3A_89 = arith.constant 0 : index
    %get3A_90 = vector.load %arg2[%get3A_88, %get3A_89] : memref<104x128xf32, #tpu.memory_space<vmem>>, vector<1x128xf32>
    %get3A_91 = arith.constant 2 : index
    %get3A_92 = arith.constant 0 : index
    %get3A_93 = vector.load %arg3[%get3A_91, %get3A_92] : memref<104x128xf32, #tpu.memory_space<vmem>>, vector<1x128xf32>
    %get3A_94 = arith.constant 2 : index
    %get3A_95 = arith.constant 0 : index
    %get3A_96 = vector.load %arg7[%get3A_94, %get3A_95] : memref<104x128xf32, #tpu.memory_space<vmem>>, vector<1x128xf32>
    %get3A_97 = arith.constant 2 : index
    %get3A_98 = arith.constant 0 : index
    %get3A_99 = vector.load %arg8[%get3A_97, %get3A_98] : memref<104x128xf32, #tpu.memory_space<vmem>>, vector<1x128xf32>
    %sub3A_100 = vector.broadcast %get3A_90 : vector<1x128xf32> to vector<104x128xf32>
    %sub3A_101 = arith.subf %sub3A_100, %get3A_1 : vector<104x128xf32>
    %sub3A_102 = vector.broadcast %get3A_93 : vector<1x128xf32> to vector<104x128xf32>
    %sub3A_103 = arith.subf %sub3A_102, %get3A_4 : vector<104x128xf32>
    %mul3A_104 = arith.mulf %sub3A_101, %cos3A : vector<104x128xf32>
    %mul3A_105 = arith.mulf %sub3A_103, %sin3A : vector<104x128xf32>
    %add3A_106 = arith.addf %mul3A_104, %mul3A_105 : vector<104x128xf32>
    %mul3A_107 = arith.mulf %sub3A_103, %cos3A : vector<104x128xf32>
    %mul3A_108 = arith.mulf %sub3A_101, %sin3A : vector<104x128xf32>
    %sub3A_109 = arith.subf %mul3A_107, %mul3A_108 : vector<104x128xf32>
    %abs3A_110 = math.absf %sub3A_109 : vector<104x128xf32>
    %mul3A_111 = arith.constant 0.36397022 : f32
    %mul3A_112 = vector.broadcast %mul3A_111 : f32 to vector<104x128xf32>
    %mul3A_113 = arith.mulf %add3A_106, %mul3A_112 : vector<104x128xf32>
    %lt3A_114 = arith.cmpf olt, %abs3A_110, %mul3A_113 : vector<104x128xf32>
    %lt3A_115 = arith.cmpf olt, %add3A_106, %select_n3A_81 : vector<104x128xf32>
    %and3A_116 = arith.andi %lt3A_114, %lt3A_115 : vector<104x128xi1>
    %select_n3A_117 = arith.select %and3A_116, %add3A_106, %select_n3A_81 : vector<104x128xi1>, vector<104x128xf32>
    %broadcast_in_dim3A_118 = vector.shape_cast %get3A_96 : vector<1x128xf32> to vector<1x128xf32>
    %broadcast_in_dim3A_119 = vector.broadcast %broadcast_in_dim3A_118 : vector<1x128xf32> to vector<104x128xf32>
    %select_n3A_120 = arith.select %and3A_116, %broadcast_in_dim3A_119, %select_n3A_84 : vector<104x128xi1>, vector<104x128xf32>
    %broadcast_in_dim3A_121 = vector.shape_cast %get3A_99 : vector<1x128xf32> to vector<1x128xf32>
    %broadcast_in_dim3A_122 = vector.broadcast %broadcast_in_dim3A_121 : vector<1x128xf32> to vector<104x128xf32>
    %select_n3A_123 = arith.select %and3A_116, %broadcast_in_dim3A_122, %select_n3A_87 : vector<104x128xi1>, vector<104x128xf32>
    %get3A_124 = arith.constant 3 : index
    %get3A_125 = arith.constant 0 : index
    %get3A_126 = vector.load %arg2[%get3A_124, %get3A_125] : memref<104x128xf32, #tpu.memory_space<vmem>>, vector<1x128xf32>
    %get3A_127 = arith.constant 3 : index
    %get3A_128 = arith.constant 0 : index
    %get3A_129 = vector.load %arg3[%get3A_127, %get3A_128] : memref<104x128xf32, #tpu.memory_space<vmem>>, vector<1x128xf32>
    %get3A_130 = arith.constant 3 : index
    %get3A_131 = arith.constant 0 : index
    %get3A_132 = vector.load %arg7[%get3A_130, %get3A_131] : memref<104x128xf32, #tpu.memory_space<vmem>>, vector<1x128xf32>
    %get3A_133 = arith.constant 3 : index
    %get3A_134 = arith.constant 0 : index
    %get3A_135 = vector.load %arg8[%get3A_133, %get3A_134] : memref<104x128xf32, #tpu.memory_space<vmem>>, vector<1x128xf32>
    %sub3A_136 = vector.broadcast %get3A_126 : vector<1x128xf32> to vector<104x128xf32>
    %sub3A_137 = arith.subf %sub3A_136, %get3A_1 : vector<104x128xf32>
    %sub3A_138 = vector.broadcast %get3A_129 : vector<1x128xf32> to vector<104x128xf32>
    %sub3A_139 = arith.subf %sub3A_138, %get3A_4 : vector<104x128xf32>
    %mul3A_140 = arith.mulf %sub3A_137, %cos3A : vector<104x128xf32>
    %mul3A_141 = arith.mulf %sub3A_139, %sin3A : vector<104x128xf32>
    %add3A_142 = arith.addf %mul3A_140, %mul3A_141 : vector<104x128xf32>
    %mul3A_143 = arith.mulf %sub3A_139, %cos3A : vector<104x128xf32>
    %mul3A_144 = arith.mulf %sub3A_137, %sin3A : vector<104x128xf32>
    %sub3A_145 = arith.subf %mul3A_143, %mul3A_144 : vector<104x128xf32>
    %abs3A_146 = math.absf %sub3A_145 : vector<104x128xf32>
    %mul3A_147 = arith.constant 0.36397022 : f32
    %mul3A_148 = vector.broadcast %mul3A_147 : f32 to vector<104x128xf32>
    %mul3A_149 = arith.mulf %add3A_142, %mul3A_148 : vector<104x128xf32>
    %lt3A_150 = arith.cmpf olt, %abs3A_146, %mul3A_149 : vector<104x128xf32>
    %lt3A_151 = arith.cmpf olt, %add3A_142, %select_n3A_117 : vector<104x128xf32>
    %and3A_152 = arith.andi %lt3A_150, %lt3A_151 : vector<104x128xi1>
    %select_n3A_153 = arith.select %and3A_152, %add3A_142, %select_n3A_117 : vector<104x128xi1>, vector<104x128xf32>
    %broadcast_in_dim3A_154 = vector.shape_cast %get3A_132 : vector<1x128xf32> to vector<1x128xf32>
    %broadcast_in_dim3A_155 = vector.broadcast %broadcast_in_dim3A_154 : vector<1x128xf32> to vector<104x128xf32>
    %select_n3A_156 = arith.select %and3A_152, %broadcast_in_dim3A_155, %select_n3A_120 : vector<104x128xi1>, vector<104x128xf32>
    %broadcast_in_dim3A_157 = vector.shape_cast %get3A_135 : vector<1x128xf32> to vector<1x128xf32>
    %broadcast_in_dim3A_158 = vector.broadcast %broadcast_in_dim3A_157 : vector<1x128xf32> to vector<104x128xf32>
    %select_n3A_159 = arith.select %and3A_152, %broadcast_in_dim3A_158, %select_n3A_123 : vector<104x128xi1>, vector<104x128xf32>
    %get3A_160 = arith.constant 4 : index
    %get3A_161 = arith.constant 0 : index
    %get3A_162 = vector.load %arg2[%get3A_160, %get3A_161] : memref<104x128xf32, #tpu.memory_space<vmem>>, vector<1x128xf32>
    %get3A_163 = arith.constant 4 : index
    %get3A_164 = arith.constant 0 : index
    %get3A_165 = vector.load %arg3[%get3A_163, %get3A_164] : memref<104x128xf32, #tpu.memory_space<vmem>>, vector<1x128xf32>
    %get3A_166 = arith.constant 4 : index
    %get3A_167 = arith.constant 0 : index
    %get3A_168 = vector.load %arg7[%get3A_166, %get3A_167] : memref<104x128xf32, #tpu.memory_space<vmem>>, vector<1x128xf32>
    %get3A_169 = arith.constant 4 : index
    %get3A_170 = arith.constant 0 : index
    %get3A_171 = vector.load %arg8[%get3A_169, %get3A_170] : memref<104x128xf32, #tpu.memory_space<vmem>>, vector<1x128xf32>
    %sub3A_172 = vector.broadcast %get3A_162 : vector<1x128xf32> to vector<104x128xf32>
    %sub3A_173 = arith.subf %sub3A_172, %get3A_1 : vector<104x128xf32>
    %sub3A_174 = vector.broadcast %get3A_165 : vector<1x128xf32> to vector<104x128xf32>
    %sub3A_175 = arith.subf %sub3A_174, %get3A_4 : vector<104x128xf32>
    %mul3A_176 = arith.mulf %sub3A_173, %cos3A : vector<104x128xf32>
    %mul3A_177 = arith.mulf %sub3A_175, %sin3A : vector<104x128xf32>
    %add3A_178 = arith.addf %mul3A_176, %mul3A_177 : vector<104x128xf32>
    %mul3A_179 = arith.mulf %sub3A_175, %cos3A : vector<104x128xf32>
    %mul3A_180 = arith.mulf %sub3A_173, %sin3A : vector<104x128xf32>
    %sub3A_181 = arith.subf %mul3A_179, %mul3A_180 : vector<104x128xf32>
    %abs3A_182 = math.absf %sub3A_181 : vector<104x128xf32>
    %mul3A_183 = arith.constant 0.36397022 : f32
    %mul3A_184 = vector.broadcast %mul3A_183 : f32 to vector<104x128xf32>
    %mul3A_185 = arith.mulf %add3A_178, %mul3A_184 : vector<104x128xf32>
    %lt3A_186 = arith.cmpf olt, %abs3A_182, %mul3A_185 : vector<104x128xf32>
    %lt3A_187 = arith.cmpf olt, %add3A_178, %select_n3A_153 : vector<104x128xf32>
    %and3A_188 = arith.andi %lt3A_186, %lt3A_187 : vector<104x128xi1>
    %select_n3A_189 = arith.select %and3A_188, %add3A_178, %select_n3A_153 : vector<104x128xi1>, vector<104x128xf32>
    %broadcast_in_dim3A_190 = vector.shape_cast %get3A_168 : vector<1x128xf32> to vector<1x128xf32>
    %broadcast_in_dim3A_191 = vector.broadcast %broadcast_in_dim3A_190 : vector<1x128xf32> to vector<104x128xf32>
    %select_n3A_192 = arith.select %and3A_188, %broadcast_in_dim3A_191, %select_n3A_156 : vector<104x128xi1>, vector<104x128xf32>
    %broadcast_in_dim3A_193 = vector.shape_cast %get3A_171 : vector<1x128xf32> to vector<1x128xf32>
    %broadcast_in_dim3A_194 = vector.broadcast %broadcast_in_dim3A_193 : vector<1x128xf32> to vector<104x128xf32>
    %select_n3A_195 = arith.select %and3A_188, %broadcast_in_dim3A_194, %select_n3A_159 : vector<104x128xi1>, vector<104x128xf32>
    %get3A_196 = arith.constant 5 : index
    %get3A_197 = arith.constant 0 : index
    %get3A_198 = vector.load %arg2[%get3A_196, %get3A_197] : memref<104x128xf32, #tpu.memory_space<vmem>>, vector<1x128xf32>
    %get3A_199 = arith.constant 5 : index
    %get3A_200 = arith.constant 0 : index
    %get3A_201 = vector.load %arg3[%get3A_199, %get3A_200] : memref<104x128xf32, #tpu.memory_space<vmem>>, vector<1x128xf32>
    %get3A_202 = arith.constant 5 : index
    %get3A_203 = arith.constant 0 : index
    %get3A_204 = vector.load %arg7[%get3A_202, %get3A_203] : memref<104x128xf32, #tpu.memory_space<vmem>>, vector<1x128xf32>
    %get3A_205 = arith.constant 5 : index
    %get3A_206 = arith.constant 0 : index
    %get3A_207 = vector.load %arg8[%get3A_205, %get3A_206] : memref<104x128xf32, #tpu.memory_space<vmem>>, vector<1x128xf32>
    %sub3A_208 = vector.broadcast %get3A_198 : vector<1x128xf32> to vector<104x128xf32>
    %sub3A_209 = arith.subf %sub3A_208, %get3A_1 : vector<104x128xf32>
    %sub3A_210 = vector.broadcast %get3A_201 : vector<1x128xf32> to vector<104x128xf32>
    %sub3A_211 = arith.subf %sub3A_210, %get3A_4 : vector<104x128xf32>
    %mul3A_212 = arith.mulf %sub3A_209, %cos3A : vector<104x128xf32>
    %mul3A_213 = arith.mulf %sub3A_211, %sin3A : vector<104x128xf32>
    %add3A_214 = arith.addf %mul3A_212, %mul3A_213 : vector<104x128xf32>
    %mul3A_215 = arith.mulf %sub3A_211, %cos3A : vector<104x128xf32>
    %mul3A_216 = arith.mulf %sub3A_209, %sin3A : vector<104x128xf32>
    %sub3A_217 = arith.subf %mul3A_215, %mul3A_216 : vector<104x128xf32>
    %abs3A_218 = math.absf %sub3A_217 : vector<104x128xf32>
    %mul3A_219 = arith.constant 0.36397022 : f32
    %mul3A_220 = vector.broadcast %mul3A_219 : f32 to vector<104x128xf32>
    %mul3A_221 = arith.mulf %add3A_214, %mul3A_220 : vector<104x128xf32>
    %lt3A_222 = arith.cmpf olt, %abs3A_218, %mul3A_221 : vector<104x128xf32>
    %lt3A_223 = arith.cmpf olt, %add3A_214, %select_n3A_189 : vector<104x128xf32>
    %and3A_224 = arith.andi %lt3A_222, %lt3A_223 : vector<104x128xi1>
    %select_n3A_225 = arith.select %and3A_224, %add3A_214, %select_n3A_189 : vector<104x128xi1>, vector<104x128xf32>
    %broadcast_in_dim3A_226 = vector.shape_cast %get3A_204 : vector<1x128xf32> to vector<1x128xf32>
    %broadcast_in_dim3A_227 = vector.broadcast %broadcast_in_dim3A_226 : vector<1x128xf32> to vector<104x128xf32>
    %select_n3A_228 = arith.select %and3A_224, %broadcast_in_dim3A_227, %select_n3A_192 : vector<104x128xi1>, vector<104x128xf32>
    %broadcast_in_dim3A_229 = vector.shape_cast %get3A_207 : vector<1x128xf32> to vector<1x128xf32>
    %broadcast_in_dim3A_230 = vector.broadcast %broadcast_in_dim3A_229 : vector<1x128xf32> to vector<104x128xf32>
    %select_n3A_231 = arith.select %and3A_224, %broadcast_in_dim3A_230, %select_n3A_195 : vector<104x128xi1>, vector<104x128xf32>
    %get3A_232 = arith.constant 6 : index
    %get3A_233 = arith.constant 0 : index
    %get3A_234 = vector.load %arg2[%get3A_232, %get3A_233] : memref<104x128xf32, #tpu.memory_space<vmem>>, vector<1x128xf32>
    %get3A_235 = arith.constant 6 : index
    %get3A_236 = arith.constant 0 : index
    %get3A_237 = vector.load %arg3[%get3A_235, %get3A_236] : memref<104x128xf32, #tpu.memory_space<vmem>>, vector<1x128xf32>
    %get3A_238 = arith.constant 6 : index
    %get3A_239 = arith.constant 0 : index
    %get3A_240 = vector.load %arg7[%get3A_238, %get3A_239] : memref<104x128xf32, #tpu.memory_space<vmem>>, vector<1x128xf32>
    %get3A_241 = arith.constant 6 : index
    %get3A_242 = arith.constant 0 : index
    %get3A_243 = vector.load %arg8[%get3A_241, %get3A_242] : memref<104x128xf32, #tpu.memory_space<vmem>>, vector<1x128xf32>
    %sub3A_244 = vector.broadcast %get3A_234 : vector<1x128xf32> to vector<104x128xf32>
    %sub3A_245 = arith.subf %sub3A_244, %get3A_1 : vector<104x128xf32>
    %sub3A_246 = vector.broadcast %get3A_237 : vector<1x128xf32> to vector<104x128xf32>
    %sub3A_247 = arith.subf %sub3A_246, %get3A_4 : vector<104x128xf32>
    %mul3A_248 = arith.mulf %sub3A_245, %cos3A : vector<104x128xf32>
    %mul3A_249 = arith.mulf %sub3A_247, %sin3A : vector<104x128xf32>
    %add3A_250 = arith.addf %mul3A_248, %mul3A_249 : vector<104x128xf32>
    %mul3A_251 = arith.mulf %sub3A_247, %cos3A : vector<104x128xf32>
    %mul3A_252 = arith.mulf %sub3A_245, %sin3A : vector<104x128xf32>
    %sub3A_253 = arith.subf %mul3A_251, %mul3A_252 : vector<104x128xf32>
    %abs3A_254 = math.absf %sub3A_253 : vector<104x128xf32>
    %mul3A_255 = arith.constant 0.36397022 : f32
    %mul3A_256 = vector.broadcast %mul3A_255 : f32 to vector<104x128xf32>
    %mul3A_257 = arith.mulf %add3A_250, %mul3A_256 : vector<104x128xf32>
    %lt3A_258 = arith.cmpf olt, %abs3A_254, %mul3A_257 : vector<104x128xf32>
    %lt3A_259 = arith.cmpf olt, %add3A_250, %select_n3A_225 : vector<104x128xf32>
    %and3A_260 = arith.andi %lt3A_258, %lt3A_259 : vector<104x128xi1>
    %select_n3A_261 = arith.select %and3A_260, %add3A_250, %select_n3A_225 : vector<104x128xi1>, vector<104x128xf32>
    %broadcast_in_dim3A_262 = vector.shape_cast %get3A_240 : vector<1x128xf32> to vector<1x128xf32>
    %broadcast_in_dim3A_263 = vector.broadcast %broadcast_in_dim3A_262 : vector<1x128xf32> to vector<104x128xf32>
    %select_n3A_264 = arith.select %and3A_260, %broadcast_in_dim3A_263, %select_n3A_228 : vector<104x128xi1>, vector<104x128xf32>
    %broadcast_in_dim3A_265 = vector.shape_cast %get3A_243 : vector<1x128xf32> to vector<1x128xf32>
    %broadcast_in_dim3A_266 = vector.broadcast %broadcast_in_dim3A_265 : vector<1x128xf32> to vector<104x128xf32>
    %select_n3A_267 = arith.select %and3A_260, %broadcast_in_dim3A_266, %select_n3A_231 : vector<104x128xi1>, vector<104x128xf32>
    %get3A_268 = arith.constant 7 : index
    %get3A_269 = arith.constant 0 : index
    %get3A_270 = vector.load %arg2[%get3A_268, %get3A_269] : memref<104x128xf32, #tpu.memory_space<vmem>>, vector<1x128xf32>
    %get3A_271 = arith.constant 7 : index
    %get3A_272 = arith.constant 0 : index
    %get3A_273 = vector.load %arg3[%get3A_271, %get3A_272] : memref<104x128xf32, #tpu.memory_space<vmem>>, vector<1x128xf32>
    %get3A_274 = arith.constant 7 : index
    %get3A_275 = arith.constant 0 : index
    %get3A_276 = vector.load %arg7[%get3A_274, %get3A_275] : memref<104x128xf32, #tpu.memory_space<vmem>>, vector<1x128xf32>
    %get3A_277 = arith.constant 7 : index
    %get3A_278 = arith.constant 0 : index
    %get3A_279 = vector.load %arg8[%get3A_277, %get3A_278] : memref<104x128xf32, #tpu.memory_space<vmem>>, vector<1x128xf32>
    %sub3A_280 = vector.broadcast %get3A_270 : vector<1x128xf32> to vector<104x128xf32>
    %sub3A_281 = arith.subf %sub3A_280, %get3A_1 : vector<104x128xf32>
    %sub3A_282 = vector.broadcast %get3A_273 : vector<1x128xf32> to vector<104x128xf32>
    %sub3A_283 = arith.subf %sub3A_282, %get3A_4 : vector<104x128xf32>
    %mul3A_284 = arith.mulf %sub3A_281, %cos3A : vector<104x128xf32>
    %mul3A_285 = arith.mulf %sub3A_283, %sin3A : vector<104x128xf32>
    %add3A_286 = arith.addf %mul3A_284, %mul3A_285 : vector<104x128xf32>
    %mul3A_287 = arith.mulf %sub3A_283, %cos3A : vector<104x128xf32>
    %mul3A_288 = arith.mulf %sub3A_281, %sin3A : vector<104x128xf32>
    %sub3A_289 = arith.subf %mul3A_287, %mul3A_288 : vector<104x128xf32>
    %abs3A_290 = math.absf %sub3A_289 : vector<104x128xf32>
    %mul3A_291 = arith.constant 0.36397022 : f32
    %mul3A_292 = vector.broadcast %mul3A_291 : f32 to vector<104x128xf32>
    %mul3A_293 = arith.mulf %add3A_286, %mul3A_292 : vector<104x128xf32>
    %lt3A_294 = arith.cmpf olt, %abs3A_290, %mul3A_293 : vector<104x128xf32>
    %lt3A_295 = arith.cmpf olt, %add3A_286, %select_n3A_261 : vector<104x128xf32>
    %and3A_296 = arith.andi %lt3A_294, %lt3A_295 : vector<104x128xi1>
    %select_n3A_297 = arith.select %and3A_296, %add3A_286, %select_n3A_261 : vector<104x128xi1>, vector<104x128xf32>
    %broadcast_in_dim3A_298 = vector.shape_cast %get3A_276 : vector<1x128xf32> to vector<1x128xf32>
    %broadcast_in_dim3A_299 = vector.broadcast %broadcast_in_dim3A_298 : vector<1x128xf32> to vector<104x128xf32>
    %select_n3A_300 = arith.select %and3A_296, %broadcast_in_dim3A_299, %select_n3A_264 : vector<104x128xi1>, vector<104x128xf32>
    %broadcast_in_dim3A_301 = vector.shape_cast %get3A_279 : vector<1x128xf32> to vector<1x128xf32>
    %broadcast_in_dim3A_302 = vector.broadcast %broadcast_in_dim3A_301 : vector<1x128xf32> to vector<104x128xf32>
    %select_n3A_303 = arith.select %and3A_296, %broadcast_in_dim3A_302, %select_n3A_267 : vector<104x128xi1>, vector<104x128xf32>
    %get3A_304 = arith.constant 8 : index
    %get3A_305 = arith.constant 0 : index
    %get3A_306 = vector.load %arg2[%get3A_304, %get3A_305] : memref<104x128xf32, #tpu.memory_space<vmem>>, vector<1x128xf32>
    %get3A_307 = arith.constant 8 : index
    %get3A_308 = arith.constant 0 : index
    %get3A_309 = vector.load %arg3[%get3A_307, %get3A_308] : memref<104x128xf32, #tpu.memory_space<vmem>>, vector<1x128xf32>
    %get3A_310 = arith.constant 8 : index
    %get3A_311 = arith.constant 0 : index
    %get3A_312 = vector.load %arg7[%get3A_310, %get3A_311] : memref<104x128xf32, #tpu.memory_space<vmem>>, vector<1x128xf32>
    %get3A_313 = arith.constant 8 : index
    %get3A_314 = arith.constant 0 : index
    %get3A_315 = vector.load %arg8[%get3A_313, %get3A_314] : memref<104x128xf32, #tpu.memory_space<vmem>>, vector<1x128xf32>
    %sub3A_316 = vector.broadcast %get3A_306 : vector<1x128xf32> to vector<104x128xf32>
    %sub3A_317 = arith.subf %sub3A_316, %get3A_1 : vector<104x128xf32>
    %sub3A_318 = vector.broadcast %get3A_309 : vector<1x128xf32> to vector<104x128xf32>
    %sub3A_319 = arith.subf %sub3A_318, %get3A_4 : vector<104x128xf32>
    %mul3A_320 = arith.mulf %sub3A_317, %cos3A : vector<104x128xf32>
    %mul3A_321 = arith.mulf %sub3A_319, %sin3A : vector<104x128xf32>
    %add3A_322 = arith.addf %mul3A_320, %mul3A_321 : vector<104x128xf32>
    %mul3A_323 = arith.mulf %sub3A_319, %cos3A : vector<104x128xf32>
    %mul3A_324 = arith.mulf %sub3A_317, %sin3A : vector<104x128xf32>
    %sub3A_325 = arith.subf %mul3A_323, %mul3A_324 : vector<104x128xf32>
    %abs3A_326 = math.absf %sub3A_325 : vector<104x128xf32>
    %mul3A_327 = arith.constant 0.36397022 : f32
    %mul3A_328 = vector.broadcast %mul3A_327 : f32 to vector<104x128xf32>
    %mul3A_329 = arith.mulf %add3A_322, %mul3A_328 : vector<104x128xf32>
    %lt3A_330 = arith.cmpf olt, %abs3A_326, %mul3A_329 : vector<104x128xf32>
    %lt3A_331 = arith.cmpf olt, %add3A_322, %select_n3A_297 : vector<104x128xf32>
    %and3A_332 = arith.andi %lt3A_330, %lt3A_331 : vector<104x128xi1>
    %select_n3A_333 = arith.select %and3A_332, %add3A_322, %select_n3A_297 : vector<104x128xi1>, vector<104x128xf32>
    %broadcast_in_dim3A_334 = vector.shape_cast %get3A_312 : vector<1x128xf32> to vector<1x128xf32>
    %broadcast_in_dim3A_335 = vector.broadcast %broadcast_in_dim3A_334 : vector<1x128xf32> to vector<104x128xf32>
    %select_n3A_336 = arith.select %and3A_332, %broadcast_in_dim3A_335, %select_n3A_300 : vector<104x128xi1>, vector<104x128xf32>
    %broadcast_in_dim3A_337 = vector.shape_cast %get3A_315 : vector<1x128xf32> to vector<1x128xf32>
    %broadcast_in_dim3A_338 = vector.broadcast %broadcast_in_dim3A_337 : vector<1x128xf32> to vector<104x128xf32>
    %select_n3A_339 = arith.select %and3A_332, %broadcast_in_dim3A_338, %select_n3A_303 : vector<104x128xi1>, vector<104x128xf32>
    %get3A_340 = arith.constant 9 : index
    %get3A_341 = arith.constant 0 : index
    %get3A_342 = vector.load %arg2[%get3A_340, %get3A_341] : memref<104x128xf32, #tpu.memory_space<vmem>>, vector<1x128xf32>
    %get3A_343 = arith.constant 9 : index
    %get3A_344 = arith.constant 0 : index
    %get3A_345 = vector.load %arg3[%get3A_343, %get3A_344] : memref<104x128xf32, #tpu.memory_space<vmem>>, vector<1x128xf32>
    %get3A_346 = arith.constant 9 : index
    %get3A_347 = arith.constant 0 : index
    %get3A_348 = vector.load %arg7[%get3A_346, %get3A_347] : memref<104x128xf32, #tpu.memory_space<vmem>>, vector<1x128xf32>
    %get3A_349 = arith.constant 9 : index
    %get3A_350 = arith.constant 0 : index
    %get3A_351 = vector.load %arg8[%get3A_349, %get3A_350] : memref<104x128xf32, #tpu.memory_space<vmem>>, vector<1x128xf32>
    %sub3A_352 = vector.broadcast %get3A_342 : vector<1x128xf32> to vector<104x128xf32>
    %sub3A_353 = arith.subf %sub3A_352, %get3A_1 : vector<104x128xf32>
    %sub3A_354 = vector.broadcast %get3A_345 : vector<1x128xf32> to vector<104x128xf32>
    %sub3A_355 = arith.subf %sub3A_354, %get3A_4 : vector<104x128xf32>
    %mul3A_356 = arith.mulf %sub3A_353, %cos3A : vector<104x128xf32>
    %mul3A_357 = arith.mulf %sub3A_355, %sin3A : vector<104x128xf32>
    %add3A_358 = arith.addf %mul3A_356, %mul3A_357 : vector<104x128xf32>
    %mul3A_359 = arith.mulf %sub3A_355, %cos3A : vector<104x128xf32>
    %mul3A_360 = arith.mulf %sub3A_353, %sin3A : vector<104x128xf32>
    %sub3A_361 = arith.subf %mul3A_359, %mul3A_360 : vector<104x128xf32>
    %abs3A_362 = math.absf %sub3A_361 : vector<104x128xf32>
    %mul3A_363 = arith.constant 0.36397022 : f32
    %mul3A_364 = vector.broadcast %mul3A_363 : f32 to vector<104x128xf32>
    %mul3A_365 = arith.mulf %add3A_358, %mul3A_364 : vector<104x128xf32>
    %lt3A_366 = arith.cmpf olt, %abs3A_362, %mul3A_365 : vector<104x128xf32>
    %lt3A_367 = arith.cmpf olt, %add3A_358, %select_n3A_333 : vector<104x128xf32>
    %and3A_368 = arith.andi %lt3A_366, %lt3A_367 : vector<104x128xi1>
    %select_n3A_369 = arith.select %and3A_368, %add3A_358, %select_n3A_333 : vector<104x128xi1>, vector<104x128xf32>
    %broadcast_in_dim3A_370 = vector.shape_cast %get3A_348 : vector<1x128xf32> to vector<1x128xf32>
    %broadcast_in_dim3A_371 = vector.broadcast %broadcast_in_dim3A_370 : vector<1x128xf32> to vector<104x128xf32>
    %select_n3A_372 = arith.select %and3A_368, %broadcast_in_dim3A_371, %select_n3A_336 : vector<104x128xi1>, vector<104x128xf32>
    %broadcast_in_dim3A_373 = vector.shape_cast %get3A_351 : vector<1x128xf32> to vector<1x128xf32>
    %broadcast_in_dim3A_374 = vector.broadcast %broadcast_in_dim3A_373 : vector<1x128xf32> to vector<104x128xf32>
    %select_n3A_375 = arith.select %and3A_368, %broadcast_in_dim3A_374, %select_n3A_339 : vector<104x128xi1>, vector<104x128xf32>
    %get3A_376 = arith.constant 10 : index
    %get3A_377 = arith.constant 0 : index
    %get3A_378 = vector.load %arg2[%get3A_376, %get3A_377] : memref<104x128xf32, #tpu.memory_space<vmem>>, vector<1x128xf32>
    %get3A_379 = arith.constant 10 : index
    %get3A_380 = arith.constant 0 : index
    %get3A_381 = vector.load %arg3[%get3A_379, %get3A_380] : memref<104x128xf32, #tpu.memory_space<vmem>>, vector<1x128xf32>
    %get3A_382 = arith.constant 10 : index
    %get3A_383 = arith.constant 0 : index
    %get3A_384 = vector.load %arg7[%get3A_382, %get3A_383] : memref<104x128xf32, #tpu.memory_space<vmem>>, vector<1x128xf32>
    %get3A_385 = arith.constant 10 : index
    %get3A_386 = arith.constant 0 : index
    %get3A_387 = vector.load %arg8[%get3A_385, %get3A_386] : memref<104x128xf32, #tpu.memory_space<vmem>>, vector<1x128xf32>
    %sub3A_388 = vector.broadcast %get3A_378 : vector<1x128xf32> to vector<104x128xf32>
    %sub3A_389 = arith.subf %sub3A_388, %get3A_1 : vector<104x128xf32>
    %sub3A_390 = vector.broadcast %get3A_381 : vector<1x128xf32> to vector<104x128xf32>
    %sub3A_391 = arith.subf %sub3A_390, %get3A_4 : vector<104x128xf32>
    %mul3A_392 = arith.mulf %sub3A_389, %cos3A : vector<104x128xf32>
    %mul3A_393 = arith.mulf %sub3A_391, %sin3A : vector<104x128xf32>
    %add3A_394 = arith.addf %mul3A_392, %mul3A_393 : vector<104x128xf32>
    %mul3A_395 = arith.mulf %sub3A_391, %cos3A : vector<104x128xf32>
    %mul3A_396 = arith.mulf %sub3A_389, %sin3A : vector<104x128xf32>
    %sub3A_397 = arith.subf %mul3A_395, %mul3A_396 : vector<104x128xf32>
    %abs3A_398 = math.absf %sub3A_397 : vector<104x128xf32>
    %mul3A_399 = arith.constant 0.36397022 : f32
    %mul3A_400 = vector.broadcast %mul3A_399 : f32 to vector<104x128xf32>
    %mul3A_401 = arith.mulf %add3A_394, %mul3A_400 : vector<104x128xf32>
    %lt3A_402 = arith.cmpf olt, %abs3A_398, %mul3A_401 : vector<104x128xf32>
    %lt3A_403 = arith.cmpf olt, %add3A_394, %select_n3A_369 : vector<104x128xf32>
    %and3A_404 = arith.andi %lt3A_402, %lt3A_403 : vector<104x128xi1>
    %select_n3A_405 = arith.select %and3A_404, %add3A_394, %select_n3A_369 : vector<104x128xi1>, vector<104x128xf32>
    %broadcast_in_dim3A_406 = vector.shape_cast %get3A_384 : vector<1x128xf32> to vector<1x128xf32>
    %broadcast_in_dim3A_407 = vector.broadcast %broadcast_in_dim3A_406 : vector<1x128xf32> to vector<104x128xf32>
    %select_n3A_408 = arith.select %and3A_404, %broadcast_in_dim3A_407, %select_n3A_372 : vector<104x128xi1>, vector<104x128xf32>
    %broadcast_in_dim3A_409 = vector.shape_cast %get3A_387 : vector<1x128xf32> to vector<1x128xf32>
    %broadcast_in_dim3A_410 = vector.broadcast %broadcast_in_dim3A_409 : vector<1x128xf32> to vector<104x128xf32>
    %select_n3A_411 = arith.select %and3A_404, %broadcast_in_dim3A_410, %select_n3A_375 : vector<104x128xi1>, vector<104x128xf32>
    %get3A_412 = arith.constant 11 : index
    %get3A_413 = arith.constant 0 : index
    %get3A_414 = vector.load %arg2[%get3A_412, %get3A_413] : memref<104x128xf32, #tpu.memory_space<vmem>>, vector<1x128xf32>
    %get3A_415 = arith.constant 11 : index
    %get3A_416 = arith.constant 0 : index
    %get3A_417 = vector.load %arg3[%get3A_415, %get3A_416] : memref<104x128xf32, #tpu.memory_space<vmem>>, vector<1x128xf32>
    %get3A_418 = arith.constant 11 : index
    %get3A_419 = arith.constant 0 : index
    %get3A_420 = vector.load %arg7[%get3A_418, %get3A_419] : memref<104x128xf32, #tpu.memory_space<vmem>>, vector<1x128xf32>
    %get3A_421 = arith.constant 11 : index
    %get3A_422 = arith.constant 0 : index
    %get3A_423 = vector.load %arg8[%get3A_421, %get3A_422] : memref<104x128xf32, #tpu.memory_space<vmem>>, vector<1x128xf32>
    %sub3A_424 = vector.broadcast %get3A_414 : vector<1x128xf32> to vector<104x128xf32>
    %sub3A_425 = arith.subf %sub3A_424, %get3A_1 : vector<104x128xf32>
    %sub3A_426 = vector.broadcast %get3A_417 : vector<1x128xf32> to vector<104x128xf32>
    %sub3A_427 = arith.subf %sub3A_426, %get3A_4 : vector<104x128xf32>
    %mul3A_428 = arith.mulf %sub3A_425, %cos3A : vector<104x128xf32>
    %mul3A_429 = arith.mulf %sub3A_427, %sin3A : vector<104x128xf32>
    %add3A_430 = arith.addf %mul3A_428, %mul3A_429 : vector<104x128xf32>
    %mul3A_431 = arith.mulf %sub3A_427, %cos3A : vector<104x128xf32>
    %mul3A_432 = arith.mulf %sub3A_425, %sin3A : vector<104x128xf32>
    %sub3A_433 = arith.subf %mul3A_431, %mul3A_432 : vector<104x128xf32>
    %abs3A_434 = math.absf %sub3A_433 : vector<104x128xf32>
    %mul3A_435 = arith.constant 0.36397022 : f32
    %mul3A_436 = vector.broadcast %mul3A_435 : f32 to vector<104x128xf32>
    %mul3A_437 = arith.mulf %add3A_430, %mul3A_436 : vector<104x128xf32>
    %lt3A_438 = arith.cmpf olt, %abs3A_434, %mul3A_437 : vector<104x128xf32>
    %lt3A_439 = arith.cmpf olt, %add3A_430, %select_n3A_405 : vector<104x128xf32>
    %and3A_440 = arith.andi %lt3A_438, %lt3A_439 : vector<104x128xi1>
    %select_n3A_441 = arith.select %and3A_440, %add3A_430, %select_n3A_405 : vector<104x128xi1>, vector<104x128xf32>
    %broadcast_in_dim3A_442 = vector.shape_cast %get3A_420 : vector<1x128xf32> to vector<1x128xf32>
    %broadcast_in_dim3A_443 = vector.broadcast %broadcast_in_dim3A_442 : vector<1x128xf32> to vector<104x128xf32>
    %select_n3A_444 = arith.select %and3A_440, %broadcast_in_dim3A_443, %select_n3A_408 : vector<104x128xi1>, vector<104x128xf32>
    %broadcast_in_dim3A_445 = vector.shape_cast %get3A_423 : vector<1x128xf32> to vector<1x128xf32>
    %broadcast_in_dim3A_446 = vector.broadcast %broadcast_in_dim3A_445 : vector<1x128xf32> to vector<104x128xf32>
    %select_n3A_447 = arith.select %and3A_440, %broadcast_in_dim3A_446, %select_n3A_411 : vector<104x128xi1>, vector<104x128xf32>
    %get3A_448 = arith.constant 12 : index
    %get3A_449 = arith.constant 0 : index
    %get3A_450 = vector.load %arg2[%get3A_448, %get3A_449] : memref<104x128xf32, #tpu.memory_space<vmem>>, vector<1x128xf32>
    %get3A_451 = arith.constant 12 : index
    %get3A_452 = arith.constant 0 : index
    %get3A_453 = vector.load %arg3[%get3A_451, %get3A_452] : memref<104x128xf32, #tpu.memory_space<vmem>>, vector<1x128xf32>
    %get3A_454 = arith.constant 12 : index
    %get3A_455 = arith.constant 0 : index
    %get3A_456 = vector.load %arg7[%get3A_454, %get3A_455] : memref<104x128xf32, #tpu.memory_space<vmem>>, vector<1x128xf32>
    %get3A_457 = arith.constant 12 : index
    %get3A_458 = arith.constant 0 : index
    %get3A_459 = vector.load %arg8[%get3A_457, %get3A_458] : memref<104x128xf32, #tpu.memory_space<vmem>>, vector<1x128xf32>
    %sub3A_460 = vector.broadcast %get3A_450 : vector<1x128xf32> to vector<104x128xf32>
    %sub3A_461 = arith.subf %sub3A_460, %get3A_1 : vector<104x128xf32>
    %sub3A_462 = vector.broadcast %get3A_453 : vector<1x128xf32> to vector<104x128xf32>
    %sub3A_463 = arith.subf %sub3A_462, %get3A_4 : vector<104x128xf32>
    %mul3A_464 = arith.mulf %sub3A_461, %cos3A : vector<104x128xf32>
    %mul3A_465 = arith.mulf %sub3A_463, %sin3A : vector<104x128xf32>
    %add3A_466 = arith.addf %mul3A_464, %mul3A_465 : vector<104x128xf32>
    %mul3A_467 = arith.mulf %sub3A_463, %cos3A : vector<104x128xf32>
    %mul3A_468 = arith.mulf %sub3A_461, %sin3A : vector<104x128xf32>
    %sub3A_469 = arith.subf %mul3A_467, %mul3A_468 : vector<104x128xf32>
    %abs3A_470 = math.absf %sub3A_469 : vector<104x128xf32>
    %mul3A_471 = arith.constant 0.36397022 : f32
    %mul3A_472 = vector.broadcast %mul3A_471 : f32 to vector<104x128xf32>
    %mul3A_473 = arith.mulf %add3A_466, %mul3A_472 : vector<104x128xf32>
    %lt3A_474 = arith.cmpf olt, %abs3A_470, %mul3A_473 : vector<104x128xf32>
    %lt3A_475 = arith.cmpf olt, %add3A_466, %select_n3A_441 : vector<104x128xf32>
    %and3A_476 = arith.andi %lt3A_474, %lt3A_475 : vector<104x128xi1>
    %select_n3A_477 = arith.select %and3A_476, %add3A_466, %select_n3A_441 : vector<104x128xi1>, vector<104x128xf32>
    %broadcast_in_dim3A_478 = vector.shape_cast %get3A_456 : vector<1x128xf32> to vector<1x128xf32>
    %broadcast_in_dim3A_479 = vector.broadcast %broadcast_in_dim3A_478 : vector<1x128xf32> to vector<104x128xf32>
    %select_n3A_480 = arith.select %and3A_476, %broadcast_in_dim3A_479, %select_n3A_444 : vector<104x128xi1>, vector<104x128xf32>
    %broadcast_in_dim3A_481 = vector.shape_cast %get3A_459 : vector<1x128xf32> to vector<1x128xf32>
    %broadcast_in_dim3A_482 = vector.broadcast %broadcast_in_dim3A_481 : vector<1x128xf32> to vector<104x128xf32>
    %select_n3A_483 = arith.select %and3A_476, %broadcast_in_dim3A_482, %select_n3A_447 : vector<104x128xi1>, vector<104x128xf32>
    %get3A_484 = arith.constant 13 : index
    %get3A_485 = arith.constant 0 : index
    %get3A_486 = vector.load %arg2[%get3A_484, %get3A_485] : memref<104x128xf32, #tpu.memory_space<vmem>>, vector<1x128xf32>
    %get3A_487 = arith.constant 13 : index
    %get3A_488 = arith.constant 0 : index
    %get3A_489 = vector.load %arg3[%get3A_487, %get3A_488] : memref<104x128xf32, #tpu.memory_space<vmem>>, vector<1x128xf32>
    %get3A_490 = arith.constant 13 : index
    %get3A_491 = arith.constant 0 : index
    %get3A_492 = vector.load %arg7[%get3A_490, %get3A_491] : memref<104x128xf32, #tpu.memory_space<vmem>>, vector<1x128xf32>
    %get3A_493 = arith.constant 13 : index
    %get3A_494 = arith.constant 0 : index
    %get3A_495 = vector.load %arg8[%get3A_493, %get3A_494] : memref<104x128xf32, #tpu.memory_space<vmem>>, vector<1x128xf32>
    %sub3A_496 = vector.broadcast %get3A_486 : vector<1x128xf32> to vector<104x128xf32>
    %sub3A_497 = arith.subf %sub3A_496, %get3A_1 : vector<104x128xf32>
    %sub3A_498 = vector.broadcast %get3A_489 : vector<1x128xf32> to vector<104x128xf32>
    %sub3A_499 = arith.subf %sub3A_498, %get3A_4 : vector<104x128xf32>
    %mul3A_500 = arith.mulf %sub3A_497, %cos3A : vector<104x128xf32>
    %mul3A_501 = arith.mulf %sub3A_499, %sin3A : vector<104x128xf32>
    %add3A_502 = arith.addf %mul3A_500, %mul3A_501 : vector<104x128xf32>
    %mul3A_503 = arith.mulf %sub3A_499, %cos3A : vector<104x128xf32>
    %mul3A_504 = arith.mulf %sub3A_497, %sin3A : vector<104x128xf32>
    %sub3A_505 = arith.subf %mul3A_503, %mul3A_504 : vector<104x128xf32>
    %abs3A_506 = math.absf %sub3A_505 : vector<104x128xf32>
    %mul3A_507 = arith.constant 0.36397022 : f32
    %mul3A_508 = vector.broadcast %mul3A_507 : f32 to vector<104x128xf32>
    %mul3A_509 = arith.mulf %add3A_502, %mul3A_508 : vector<104x128xf32>
    %lt3A_510 = arith.cmpf olt, %abs3A_506, %mul3A_509 : vector<104x128xf32>
    %lt3A_511 = arith.cmpf olt, %add3A_502, %select_n3A_477 : vector<104x128xf32>
    %and3A_512 = arith.andi %lt3A_510, %lt3A_511 : vector<104x128xi1>
    %select_n3A_513 = arith.select %and3A_512, %add3A_502, %select_n3A_477 : vector<104x128xi1>, vector<104x128xf32>
    %broadcast_in_dim3A_514 = vector.shape_cast %get3A_492 : vector<1x128xf32> to vector<1x128xf32>
    %broadcast_in_dim3A_515 = vector.broadcast %broadcast_in_dim3A_514 : vector<1x128xf32> to vector<104x128xf32>
    %select_n3A_516 = arith.select %and3A_512, %broadcast_in_dim3A_515, %select_n3A_480 : vector<104x128xi1>, vector<104x128xf32>
    %broadcast_in_dim3A_517 = vector.shape_cast %get3A_495 : vector<1x128xf32> to vector<1x128xf32>
    %broadcast_in_dim3A_518 = vector.broadcast %broadcast_in_dim3A_517 : vector<1x128xf32> to vector<104x128xf32>
    %select_n3A_519 = arith.select %and3A_512, %broadcast_in_dim3A_518, %select_n3A_483 : vector<104x128xi1>, vector<104x128xf32>
    %get3A_520 = arith.constant 14 : index
    %get3A_521 = arith.constant 0 : index
    %get3A_522 = vector.load %arg2[%get3A_520, %get3A_521] : memref<104x128xf32, #tpu.memory_space<vmem>>, vector<1x128xf32>
    %get3A_523 = arith.constant 14 : index
    %get3A_524 = arith.constant 0 : index
    %get3A_525 = vector.load %arg3[%get3A_523, %get3A_524] : memref<104x128xf32, #tpu.memory_space<vmem>>, vector<1x128xf32>
    %get3A_526 = arith.constant 14 : index
    %get3A_527 = arith.constant 0 : index
    %get3A_528 = vector.load %arg7[%get3A_526, %get3A_527] : memref<104x128xf32, #tpu.memory_space<vmem>>, vector<1x128xf32>
    %get3A_529 = arith.constant 14 : index
    %get3A_530 = arith.constant 0 : index
    %get3A_531 = vector.load %arg8[%get3A_529, %get3A_530] : memref<104x128xf32, #tpu.memory_space<vmem>>, vector<1x128xf32>
    %sub3A_532 = vector.broadcast %get3A_522 : vector<1x128xf32> to vector<104x128xf32>
    %sub3A_533 = arith.subf %sub3A_532, %get3A_1 : vector<104x128xf32>
    %sub3A_534 = vector.broadcast %get3A_525 : vector<1x128xf32> to vector<104x128xf32>
    %sub3A_535 = arith.subf %sub3A_534, %get3A_4 : vector<104x128xf32>
    %mul3A_536 = arith.mulf %sub3A_533, %cos3A : vector<104x128xf32>
    %mul3A_537 = arith.mulf %sub3A_535, %sin3A : vector<104x128xf32>
    %add3A_538 = arith.addf %mul3A_536, %mul3A_537 : vector<104x128xf32>
    %mul3A_539 = arith.mulf %sub3A_535, %cos3A : vector<104x128xf32>
    %mul3A_540 = arith.mulf %sub3A_533, %sin3A : vector<104x128xf32>
    %sub3A_541 = arith.subf %mul3A_539, %mul3A_540 : vector<104x128xf32>
    %abs3A_542 = math.absf %sub3A_541 : vector<104x128xf32>
    %mul3A_543 = arith.constant 0.36397022 : f32
    %mul3A_544 = vector.broadcast %mul3A_543 : f32 to vector<104x128xf32>
    %mul3A_545 = arith.mulf %add3A_538, %mul3A_544 : vector<104x128xf32>
    %lt3A_546 = arith.cmpf olt, %abs3A_542, %mul3A_545 : vector<104x128xf32>
    %lt3A_547 = arith.cmpf olt, %add3A_538, %select_n3A_513 : vector<104x128xf32>
    %and3A_548 = arith.andi %lt3A_546, %lt3A_547 : vector<104x128xi1>
    %select_n3A_549 = arith.select %and3A_548, %add3A_538, %select_n3A_513 : vector<104x128xi1>, vector<104x128xf32>
    %broadcast_in_dim3A_550 = vector.shape_cast %get3A_528 : vector<1x128xf32> to vector<1x128xf32>
    %broadcast_in_dim3A_551 = vector.broadcast %broadcast_in_dim3A_550 : vector<1x128xf32> to vector<104x128xf32>
    %select_n3A_552 = arith.select %and3A_548, %broadcast_in_dim3A_551, %select_n3A_516 : vector<104x128xi1>, vector<104x128xf32>
    %broadcast_in_dim3A_553 = vector.shape_cast %get3A_531 : vector<1x128xf32> to vector<1x128xf32>
    %broadcast_in_dim3A_554 = vector.broadcast %broadcast_in_dim3A_553 : vector<1x128xf32> to vector<104x128xf32>
    %select_n3A_555 = arith.select %and3A_548, %broadcast_in_dim3A_554, %select_n3A_519 : vector<104x128xi1>, vector<104x128xf32>
    %get3A_556 = arith.constant 15 : index
    %get3A_557 = arith.constant 0 : index
    %get3A_558 = vector.load %arg2[%get3A_556, %get3A_557] : memref<104x128xf32, #tpu.memory_space<vmem>>, vector<1x128xf32>
    %get3A_559 = arith.constant 15 : index
    %get3A_560 = arith.constant 0 : index
    %get3A_561 = vector.load %arg3[%get3A_559, %get3A_560] : memref<104x128xf32, #tpu.memory_space<vmem>>, vector<1x128xf32>
    %get3A_562 = arith.constant 15 : index
    %get3A_563 = arith.constant 0 : index
    %get3A_564 = vector.load %arg7[%get3A_562, %get3A_563] : memref<104x128xf32, #tpu.memory_space<vmem>>, vector<1x128xf32>
    %get3A_565 = arith.constant 15 : index
    %get3A_566 = arith.constant 0 : index
    %get3A_567 = vector.load %arg8[%get3A_565, %get3A_566] : memref<104x128xf32, #tpu.memory_space<vmem>>, vector<1x128xf32>
    %sub3A_568 = vector.broadcast %get3A_558 : vector<1x128xf32> to vector<104x128xf32>
    %sub3A_569 = arith.subf %sub3A_568, %get3A_1 : vector<104x128xf32>
    %sub3A_570 = vector.broadcast %get3A_561 : vector<1x128xf32> to vector<104x128xf32>
    %sub3A_571 = arith.subf %sub3A_570, %get3A_4 : vector<104x128xf32>
    %mul3A_572 = arith.mulf %sub3A_569, %cos3A : vector<104x128xf32>
    %mul3A_573 = arith.mulf %sub3A_571, %sin3A : vector<104x128xf32>
    %add3A_574 = arith.addf %mul3A_572, %mul3A_573 : vector<104x128xf32>
    %mul3A_575 = arith.mulf %sub3A_571, %cos3A : vector<104x128xf32>
    %mul3A_576 = arith.mulf %sub3A_569, %sin3A : vector<104x128xf32>
    %sub3A_577 = arith.subf %mul3A_575, %mul3A_576 : vector<104x128xf32>
    %abs3A_578 = math.absf %sub3A_577 : vector<104x128xf32>
    %mul3A_579 = arith.constant 0.36397022 : f32
    %mul3A_580 = vector.broadcast %mul3A_579 : f32 to vector<104x128xf32>
    %mul3A_581 = arith.mulf %add3A_574, %mul3A_580 : vector<104x128xf32>
    %lt3A_582 = arith.cmpf olt, %abs3A_578, %mul3A_581 : vector<104x128xf32>
    %lt3A_583 = arith.cmpf olt, %add3A_574, %select_n3A_549 : vector<104x128xf32>
    %and3A_584 = arith.andi %lt3A_582, %lt3A_583 : vector<104x128xi1>
    %select_n3A_585 = arith.select %and3A_584, %add3A_574, %select_n3A_549 : vector<104x128xi1>, vector<104x128xf32>
    %broadcast_in_dim3A_586 = vector.shape_cast %get3A_564 : vector<1x128xf32> to vector<1x128xf32>
    %broadcast_in_dim3A_587 = vector.broadcast %broadcast_in_dim3A_586 : vector<1x128xf32> to vector<104x128xf32>
    %select_n3A_588 = arith.select %and3A_584, %broadcast_in_dim3A_587, %select_n3A_552 : vector<104x128xi1>, vector<104x128xf32>
    %broadcast_in_dim3A_589 = vector.shape_cast %get3A_567 : vector<1x128xf32> to vector<1x128xf32>
    %broadcast_in_dim3A_590 = vector.broadcast %broadcast_in_dim3A_589 : vector<1x128xf32> to vector<104x128xf32>
    %select_n3A_591 = arith.select %and3A_584, %broadcast_in_dim3A_590, %select_n3A_555 : vector<104x128xi1>, vector<104x128xf32>
    %get3A_592 = arith.constant 16 : index
    %get3A_593 = arith.constant 0 : index
    %get3A_594 = vector.load %arg2[%get3A_592, %get3A_593] : memref<104x128xf32, #tpu.memory_space<vmem>>, vector<1x128xf32>
    %get3A_595 = arith.constant 16 : index
    %get3A_596 = arith.constant 0 : index
    %get3A_597 = vector.load %arg3[%get3A_595, %get3A_596] : memref<104x128xf32, #tpu.memory_space<vmem>>, vector<1x128xf32>
    %get3A_598 = arith.constant 16 : index
    %get3A_599 = arith.constant 0 : index
    %get3A_600 = vector.load %arg7[%get3A_598, %get3A_599] : memref<104x128xf32, #tpu.memory_space<vmem>>, vector<1x128xf32>
    %get3A_601 = arith.constant 16 : index
    %get3A_602 = arith.constant 0 : index
    %get3A_603 = vector.load %arg8[%get3A_601, %get3A_602] : memref<104x128xf32, #tpu.memory_space<vmem>>, vector<1x128xf32>
    %sub3A_604 = vector.broadcast %get3A_594 : vector<1x128xf32> to vector<104x128xf32>
    %sub3A_605 = arith.subf %sub3A_604, %get3A_1 : vector<104x128xf32>
    %sub3A_606 = vector.broadcast %get3A_597 : vector<1x128xf32> to vector<104x128xf32>
    %sub3A_607 = arith.subf %sub3A_606, %get3A_4 : vector<104x128xf32>
    %mul3A_608 = arith.mulf %sub3A_605, %cos3A : vector<104x128xf32>
    %mul3A_609 = arith.mulf %sub3A_607, %sin3A : vector<104x128xf32>
    %add3A_610 = arith.addf %mul3A_608, %mul3A_609 : vector<104x128xf32>
    %mul3A_611 = arith.mulf %sub3A_607, %cos3A : vector<104x128xf32>
    %mul3A_612 = arith.mulf %sub3A_605, %sin3A : vector<104x128xf32>
    %sub3A_613 = arith.subf %mul3A_611, %mul3A_612 : vector<104x128xf32>
    %abs3A_614 = math.absf %sub3A_613 : vector<104x128xf32>
    %mul3A_615 = arith.constant 0.36397022 : f32
    %mul3A_616 = vector.broadcast %mul3A_615 : f32 to vector<104x128xf32>
    %mul3A_617 = arith.mulf %add3A_610, %mul3A_616 : vector<104x128xf32>
    %lt3A_618 = arith.cmpf olt, %abs3A_614, %mul3A_617 : vector<104x128xf32>
    %lt3A_619 = arith.cmpf olt, %add3A_610, %select_n3A_585 : vector<104x128xf32>
    %and3A_620 = arith.andi %lt3A_618, %lt3A_619 : vector<104x128xi1>
    %select_n3A_621 = arith.select %and3A_620, %add3A_610, %select_n3A_585 : vector<104x128xi1>, vector<104x128xf32>
    %broadcast_in_dim3A_622 = vector.shape_cast %get3A_600 : vector<1x128xf32> to vector<1x128xf32>
    %broadcast_in_dim3A_623 = vector.broadcast %broadcast_in_dim3A_622 : vector<1x128xf32> to vector<104x128xf32>
    %select_n3A_624 = arith.select %and3A_620, %broadcast_in_dim3A_623, %select_n3A_588 : vector<104x128xi1>, vector<104x128xf32>
    %broadcast_in_dim3A_625 = vector.shape_cast %get3A_603 : vector<1x128xf32> to vector<1x128xf32>
    %broadcast_in_dim3A_626 = vector.broadcast %broadcast_in_dim3A_625 : vector<1x128xf32> to vector<104x128xf32>
    %select_n3A_627 = arith.select %and3A_620, %broadcast_in_dim3A_626, %select_n3A_591 : vector<104x128xi1>, vector<104x128xf32>
    %get3A_628 = arith.constant 17 : index
    %get3A_629 = arith.constant 0 : index
    %get3A_630 = vector.load %arg2[%get3A_628, %get3A_629] : memref<104x128xf32, #tpu.memory_space<vmem>>, vector<1x128xf32>
    %get3A_631 = arith.constant 17 : index
    %get3A_632 = arith.constant 0 : index
    %get3A_633 = vector.load %arg3[%get3A_631, %get3A_632] : memref<104x128xf32, #tpu.memory_space<vmem>>, vector<1x128xf32>
    %get3A_634 = arith.constant 17 : index
    %get3A_635 = arith.constant 0 : index
    %get3A_636 = vector.load %arg7[%get3A_634, %get3A_635] : memref<104x128xf32, #tpu.memory_space<vmem>>, vector<1x128xf32>
    %get3A_637 = arith.constant 17 : index
    %get3A_638 = arith.constant 0 : index
    %get3A_639 = vector.load %arg8[%get3A_637, %get3A_638] : memref<104x128xf32, #tpu.memory_space<vmem>>, vector<1x128xf32>
    %sub3A_640 = vector.broadcast %get3A_630 : vector<1x128xf32> to vector<104x128xf32>
    %sub3A_641 = arith.subf %sub3A_640, %get3A_1 : vector<104x128xf32>
    %sub3A_642 = vector.broadcast %get3A_633 : vector<1x128xf32> to vector<104x128xf32>
    %sub3A_643 = arith.subf %sub3A_642, %get3A_4 : vector<104x128xf32>
    %mul3A_644 = arith.mulf %sub3A_641, %cos3A : vector<104x128xf32>
    %mul3A_645 = arith.mulf %sub3A_643, %sin3A : vector<104x128xf32>
    %add3A_646 = arith.addf %mul3A_644, %mul3A_645 : vector<104x128xf32>
    %mul3A_647 = arith.mulf %sub3A_643, %cos3A : vector<104x128xf32>
    %mul3A_648 = arith.mulf %sub3A_641, %sin3A : vector<104x128xf32>
    %sub3A_649 = arith.subf %mul3A_647, %mul3A_648 : vector<104x128xf32>
    %abs3A_650 = math.absf %sub3A_649 : vector<104x128xf32>
    %mul3A_651 = arith.constant 0.36397022 : f32
    %mul3A_652 = vector.broadcast %mul3A_651 : f32 to vector<104x128xf32>
    %mul3A_653 = arith.mulf %add3A_646, %mul3A_652 : vector<104x128xf32>
    %lt3A_654 = arith.cmpf olt, %abs3A_650, %mul3A_653 : vector<104x128xf32>
    %lt3A_655 = arith.cmpf olt, %add3A_646, %select_n3A_621 : vector<104x128xf32>
    %and3A_656 = arith.andi %lt3A_654, %lt3A_655 : vector<104x128xi1>
    %select_n3A_657 = arith.select %and3A_656, %add3A_646, %select_n3A_621 : vector<104x128xi1>, vector<104x128xf32>
    %broadcast_in_dim3A_658 = vector.shape_cast %get3A_636 : vector<1x128xf32> to vector<1x128xf32>
    %broadcast_in_dim3A_659 = vector.broadcast %broadcast_in_dim3A_658 : vector<1x128xf32> to vector<104x128xf32>
    %select_n3A_660 = arith.select %and3A_656, %broadcast_in_dim3A_659, %select_n3A_624 : vector<104x128xi1>, vector<104x128xf32>
    %broadcast_in_dim3A_661 = vector.shape_cast %get3A_639 : vector<1x128xf32> to vector<1x128xf32>
    %broadcast_in_dim3A_662 = vector.broadcast %broadcast_in_dim3A_661 : vector<1x128xf32> to vector<104x128xf32>
    %select_n3A_663 = arith.select %and3A_656, %broadcast_in_dim3A_662, %select_n3A_627 : vector<104x128xi1>, vector<104x128xf32>
    %get3A_664 = arith.constant 18 : index
    %get3A_665 = arith.constant 0 : index
    %get3A_666 = vector.load %arg2[%get3A_664, %get3A_665] : memref<104x128xf32, #tpu.memory_space<vmem>>, vector<1x128xf32>
    %get3A_667 = arith.constant 18 : index
    %get3A_668 = arith.constant 0 : index
    %get3A_669 = vector.load %arg3[%get3A_667, %get3A_668] : memref<104x128xf32, #tpu.memory_space<vmem>>, vector<1x128xf32>
    %get3A_670 = arith.constant 18 : index
    %get3A_671 = arith.constant 0 : index
    %get3A_672 = vector.load %arg7[%get3A_670, %get3A_671] : memref<104x128xf32, #tpu.memory_space<vmem>>, vector<1x128xf32>
    %get3A_673 = arith.constant 18 : index
    %get3A_674 = arith.constant 0 : index
    %get3A_675 = vector.load %arg8[%get3A_673, %get3A_674] : memref<104x128xf32, #tpu.memory_space<vmem>>, vector<1x128xf32>
    %sub3A_676 = vector.broadcast %get3A_666 : vector<1x128xf32> to vector<104x128xf32>
    %sub3A_677 = arith.subf %sub3A_676, %get3A_1 : vector<104x128xf32>
    %sub3A_678 = vector.broadcast %get3A_669 : vector<1x128xf32> to vector<104x128xf32>
    %sub3A_679 = arith.subf %sub3A_678, %get3A_4 : vector<104x128xf32>
    %mul3A_680 = arith.mulf %sub3A_677, %cos3A : vector<104x128xf32>
    %mul3A_681 = arith.mulf %sub3A_679, %sin3A : vector<104x128xf32>
    %add3A_682 = arith.addf %mul3A_680, %mul3A_681 : vector<104x128xf32>
    %mul3A_683 = arith.mulf %sub3A_679, %cos3A : vector<104x128xf32>
    %mul3A_684 = arith.mulf %sub3A_677, %sin3A : vector<104x128xf32>
    %sub3A_685 = arith.subf %mul3A_683, %mul3A_684 : vector<104x128xf32>
    %abs3A_686 = math.absf %sub3A_685 : vector<104x128xf32>
    %mul3A_687 = arith.constant 0.36397022 : f32
    %mul3A_688 = vector.broadcast %mul3A_687 : f32 to vector<104x128xf32>
    %mul3A_689 = arith.mulf %add3A_682, %mul3A_688 : vector<104x128xf32>
    %lt3A_690 = arith.cmpf olt, %abs3A_686, %mul3A_689 : vector<104x128xf32>
    %lt3A_691 = arith.cmpf olt, %add3A_682, %select_n3A_657 : vector<104x128xf32>
    %and3A_692 = arith.andi %lt3A_690, %lt3A_691 : vector<104x128xi1>
    %select_n3A_693 = arith.select %and3A_692, %add3A_682, %select_n3A_657 : vector<104x128xi1>, vector<104x128xf32>
    %broadcast_in_dim3A_694 = vector.shape_cast %get3A_672 : vector<1x128xf32> to vector<1x128xf32>
    %broadcast_in_dim3A_695 = vector.broadcast %broadcast_in_dim3A_694 : vector<1x128xf32> to vector<104x128xf32>
    %select_n3A_696 = arith.select %and3A_692, %broadcast_in_dim3A_695, %select_n3A_660 : vector<104x128xi1>, vector<104x128xf32>
    %broadcast_in_dim3A_697 = vector.shape_cast %get3A_675 : vector<1x128xf32> to vector<1x128xf32>
    %broadcast_in_dim3A_698 = vector.broadcast %broadcast_in_dim3A_697 : vector<1x128xf32> to vector<104x128xf32>
    %select_n3A_699 = arith.select %and3A_692, %broadcast_in_dim3A_698, %select_n3A_663 : vector<104x128xi1>, vector<104x128xf32>
    %get3A_700 = arith.constant 19 : index
    %get3A_701 = arith.constant 0 : index
    %get3A_702 = vector.load %arg2[%get3A_700, %get3A_701] : memref<104x128xf32, #tpu.memory_space<vmem>>, vector<1x128xf32>
    %get3A_703 = arith.constant 19 : index
    %get3A_704 = arith.constant 0 : index
    %get3A_705 = vector.load %arg3[%get3A_703, %get3A_704] : memref<104x128xf32, #tpu.memory_space<vmem>>, vector<1x128xf32>
    %get3A_706 = arith.constant 19 : index
    %get3A_707 = arith.constant 0 : index
    %get3A_708 = vector.load %arg7[%get3A_706, %get3A_707] : memref<104x128xf32, #tpu.memory_space<vmem>>, vector<1x128xf32>
    %get3A_709 = arith.constant 19 : index
    %get3A_710 = arith.constant 0 : index
    %get3A_711 = vector.load %arg8[%get3A_709, %get3A_710] : memref<104x128xf32, #tpu.memory_space<vmem>>, vector<1x128xf32>
    %sub3A_712 = vector.broadcast %get3A_702 : vector<1x128xf32> to vector<104x128xf32>
    %sub3A_713 = arith.subf %sub3A_712, %get3A_1 : vector<104x128xf32>
    %sub3A_714 = vector.broadcast %get3A_705 : vector<1x128xf32> to vector<104x128xf32>
    %sub3A_715 = arith.subf %sub3A_714, %get3A_4 : vector<104x128xf32>
    %mul3A_716 = arith.mulf %sub3A_713, %cos3A : vector<104x128xf32>
    %mul3A_717 = arith.mulf %sub3A_715, %sin3A : vector<104x128xf32>
    %add3A_718 = arith.addf %mul3A_716, %mul3A_717 : vector<104x128xf32>
    %mul3A_719 = arith.mulf %sub3A_715, %cos3A : vector<104x128xf32>
    %mul3A_720 = arith.mulf %sub3A_713, %sin3A : vector<104x128xf32>
    %sub3A_721 = arith.subf %mul3A_719, %mul3A_720 : vector<104x128xf32>
    %abs3A_722 = math.absf %sub3A_721 : vector<104x128xf32>
    %mul3A_723 = arith.constant 0.36397022 : f32
    %mul3A_724 = vector.broadcast %mul3A_723 : f32 to vector<104x128xf32>
    %mul3A_725 = arith.mulf %add3A_718, %mul3A_724 : vector<104x128xf32>
    %lt3A_726 = arith.cmpf olt, %abs3A_722, %mul3A_725 : vector<104x128xf32>
    %lt3A_727 = arith.cmpf olt, %add3A_718, %select_n3A_693 : vector<104x128xf32>
    %and3A_728 = arith.andi %lt3A_726, %lt3A_727 : vector<104x128xi1>
    %select_n3A_729 = arith.select %and3A_728, %add3A_718, %select_n3A_693 : vector<104x128xi1>, vector<104x128xf32>
    %broadcast_in_dim3A_730 = vector.shape_cast %get3A_708 : vector<1x128xf32> to vector<1x128xf32>
    %broadcast_in_dim3A_731 = vector.broadcast %broadcast_in_dim3A_730 : vector<1x128xf32> to vector<104x128xf32>
    %select_n3A_732 = arith.select %and3A_728, %broadcast_in_dim3A_731, %select_n3A_696 : vector<104x128xi1>, vector<104x128xf32>
    %broadcast_in_dim3A_733 = vector.shape_cast %get3A_711 : vector<1x128xf32> to vector<1x128xf32>
    %broadcast_in_dim3A_734 = vector.broadcast %broadcast_in_dim3A_733 : vector<1x128xf32> to vector<104x128xf32>
    %select_n3A_735 = arith.select %and3A_728, %broadcast_in_dim3A_734, %select_n3A_699 : vector<104x128xi1>, vector<104x128xf32>
    %get3A_736 = arith.constant 20 : index
    %get3A_737 = arith.constant 0 : index
    %get3A_738 = vector.load %arg2[%get3A_736, %get3A_737] : memref<104x128xf32, #tpu.memory_space<vmem>>, vector<1x128xf32>
    %get3A_739 = arith.constant 20 : index
    %get3A_740 = arith.constant 0 : index
    %get3A_741 = vector.load %arg3[%get3A_739, %get3A_740] : memref<104x128xf32, #tpu.memory_space<vmem>>, vector<1x128xf32>
    %get3A_742 = arith.constant 20 : index
    %get3A_743 = arith.constant 0 : index
    %get3A_744 = vector.load %arg7[%get3A_742, %get3A_743] : memref<104x128xf32, #tpu.memory_space<vmem>>, vector<1x128xf32>
    %get3A_745 = arith.constant 20 : index
    %get3A_746 = arith.constant 0 : index
    %get3A_747 = vector.load %arg8[%get3A_745, %get3A_746] : memref<104x128xf32, #tpu.memory_space<vmem>>, vector<1x128xf32>
    %sub3A_748 = vector.broadcast %get3A_738 : vector<1x128xf32> to vector<104x128xf32>
    %sub3A_749 = arith.subf %sub3A_748, %get3A_1 : vector<104x128xf32>
    %sub3A_750 = vector.broadcast %get3A_741 : vector<1x128xf32> to vector<104x128xf32>
    %sub3A_751 = arith.subf %sub3A_750, %get3A_4 : vector<104x128xf32>
    %mul3A_752 = arith.mulf %sub3A_749, %cos3A : vector<104x128xf32>
    %mul3A_753 = arith.mulf %sub3A_751, %sin3A : vector<104x128xf32>
    %add3A_754 = arith.addf %mul3A_752, %mul3A_753 : vector<104x128xf32>
    %mul3A_755 = arith.mulf %sub3A_751, %cos3A : vector<104x128xf32>
    %mul3A_756 = arith.mulf %sub3A_749, %sin3A : vector<104x128xf32>
    %sub3A_757 = arith.subf %mul3A_755, %mul3A_756 : vector<104x128xf32>
    %abs3A_758 = math.absf %sub3A_757 : vector<104x128xf32>
    %mul3A_759 = arith.constant 0.36397022 : f32
    %mul3A_760 = vector.broadcast %mul3A_759 : f32 to vector<104x128xf32>
    %mul3A_761 = arith.mulf %add3A_754, %mul3A_760 : vector<104x128xf32>
    %lt3A_762 = arith.cmpf olt, %abs3A_758, %mul3A_761 : vector<104x128xf32>
    %lt3A_763 = arith.cmpf olt, %add3A_754, %select_n3A_729 : vector<104x128xf32>
    %and3A_764 = arith.andi %lt3A_762, %lt3A_763 : vector<104x128xi1>
    %select_n3A_765 = arith.select %and3A_764, %add3A_754, %select_n3A_729 : vector<104x128xi1>, vector<104x128xf32>
    %broadcast_in_dim3A_766 = vector.shape_cast %get3A_744 : vector<1x128xf32> to vector<1x128xf32>
    %broadcast_in_dim3A_767 = vector.broadcast %broadcast_in_dim3A_766 : vector<1x128xf32> to vector<104x128xf32>
    %select_n3A_768 = arith.select %and3A_764, %broadcast_in_dim3A_767, %select_n3A_732 : vector<104x128xi1>, vector<104x128xf32>
    %broadcast_in_dim3A_769 = vector.shape_cast %get3A_747 : vector<1x128xf32> to vector<1x128xf32>
    %broadcast_in_dim3A_770 = vector.broadcast %broadcast_in_dim3A_769 : vector<1x128xf32> to vector<104x128xf32>
    %select_n3A_771 = arith.select %and3A_764, %broadcast_in_dim3A_770, %select_n3A_735 : vector<104x128xi1>, vector<104x128xf32>
    %get3A_772 = arith.constant 21 : index
    %get3A_773 = arith.constant 0 : index
    %get3A_774 = vector.load %arg2[%get3A_772, %get3A_773] : memref<104x128xf32, #tpu.memory_space<vmem>>, vector<1x128xf32>
    %get3A_775 = arith.constant 21 : index
    %get3A_776 = arith.constant 0 : index
    %get3A_777 = vector.load %arg3[%get3A_775, %get3A_776] : memref<104x128xf32, #tpu.memory_space<vmem>>, vector<1x128xf32>
    %get3A_778 = arith.constant 21 : index
    %get3A_779 = arith.constant 0 : index
    %get3A_780 = vector.load %arg7[%get3A_778, %get3A_779] : memref<104x128xf32, #tpu.memory_space<vmem>>, vector<1x128xf32>
    %get3A_781 = arith.constant 21 : index
    %get3A_782 = arith.constant 0 : index
    %get3A_783 = vector.load %arg8[%get3A_781, %get3A_782] : memref<104x128xf32, #tpu.memory_space<vmem>>, vector<1x128xf32>
    %sub3A_784 = vector.broadcast %get3A_774 : vector<1x128xf32> to vector<104x128xf32>
    %sub3A_785 = arith.subf %sub3A_784, %get3A_1 : vector<104x128xf32>
    %sub3A_786 = vector.broadcast %get3A_777 : vector<1x128xf32> to vector<104x128xf32>
    %sub3A_787 = arith.subf %sub3A_786, %get3A_4 : vector<104x128xf32>
    %mul3A_788 = arith.mulf %sub3A_785, %cos3A : vector<104x128xf32>
    %mul3A_789 = arith.mulf %sub3A_787, %sin3A : vector<104x128xf32>
    %add3A_790 = arith.addf %mul3A_788, %mul3A_789 : vector<104x128xf32>
    %mul3A_791 = arith.mulf %sub3A_787, %cos3A : vector<104x128xf32>
    %mul3A_792 = arith.mulf %sub3A_785, %sin3A : vector<104x128xf32>
    %sub3A_793 = arith.subf %mul3A_791, %mul3A_792 : vector<104x128xf32>
    %abs3A_794 = math.absf %sub3A_793 : vector<104x128xf32>
    %mul3A_795 = arith.constant 0.36397022 : f32
    %mul3A_796 = vector.broadcast %mul3A_795 : f32 to vector<104x128xf32>
    %mul3A_797 = arith.mulf %add3A_790, %mul3A_796 : vector<104x128xf32>
    %lt3A_798 = arith.cmpf olt, %abs3A_794, %mul3A_797 : vector<104x128xf32>
    %lt3A_799 = arith.cmpf olt, %add3A_790, %select_n3A_765 : vector<104x128xf32>
    %and3A_800 = arith.andi %lt3A_798, %lt3A_799 : vector<104x128xi1>
    %select_n3A_801 = arith.select %and3A_800, %add3A_790, %select_n3A_765 : vector<104x128xi1>, vector<104x128xf32>
    %broadcast_in_dim3A_802 = vector.shape_cast %get3A_780 : vector<1x128xf32> to vector<1x128xf32>
    %broadcast_in_dim3A_803 = vector.broadcast %broadcast_in_dim3A_802 : vector<1x128xf32> to vector<104x128xf32>
    %select_n3A_804 = arith.select %and3A_800, %broadcast_in_dim3A_803, %select_n3A_768 : vector<104x128xi1>, vector<104x128xf32>
    %broadcast_in_dim3A_805 = vector.shape_cast %get3A_783 : vector<1x128xf32> to vector<1x128xf32>
    %broadcast_in_dim3A_806 = vector.broadcast %broadcast_in_dim3A_805 : vector<1x128xf32> to vector<104x128xf32>
    %select_n3A_807 = arith.select %and3A_800, %broadcast_in_dim3A_806, %select_n3A_771 : vector<104x128xi1>, vector<104x128xf32>
    %get3A_808 = arith.constant 22 : index
    %get3A_809 = arith.constant 0 : index
    %get3A_810 = vector.load %arg2[%get3A_808, %get3A_809] : memref<104x128xf32, #tpu.memory_space<vmem>>, vector<1x128xf32>
    %get3A_811 = arith.constant 22 : index
    %get3A_812 = arith.constant 0 : index
    %get3A_813 = vector.load %arg3[%get3A_811, %get3A_812] : memref<104x128xf32, #tpu.memory_space<vmem>>, vector<1x128xf32>
    %get3A_814 = arith.constant 22 : index
    %get3A_815 = arith.constant 0 : index
    %get3A_816 = vector.load %arg7[%get3A_814, %get3A_815] : memref<104x128xf32, #tpu.memory_space<vmem>>, vector<1x128xf32>
    %get3A_817 = arith.constant 22 : index
    %get3A_818 = arith.constant 0 : index
    %get3A_819 = vector.load %arg8[%get3A_817, %get3A_818] : memref<104x128xf32, #tpu.memory_space<vmem>>, vector<1x128xf32>
    %sub3A_820 = vector.broadcast %get3A_810 : vector<1x128xf32> to vector<104x128xf32>
    %sub3A_821 = arith.subf %sub3A_820, %get3A_1 : vector<104x128xf32>
    %sub3A_822 = vector.broadcast %get3A_813 : vector<1x128xf32> to vector<104x128xf32>
    %sub3A_823 = arith.subf %sub3A_822, %get3A_4 : vector<104x128xf32>
    %mul3A_824 = arith.mulf %sub3A_821, %cos3A : vector<104x128xf32>
    %mul3A_825 = arith.mulf %sub3A_823, %sin3A : vector<104x128xf32>
    %add3A_826 = arith.addf %mul3A_824, %mul3A_825 : vector<104x128xf32>
    %mul3A_827 = arith.mulf %sub3A_823, %cos3A : vector<104x128xf32>
    %mul3A_828 = arith.mulf %sub3A_821, %sin3A : vector<104x128xf32>
    %sub3A_829 = arith.subf %mul3A_827, %mul3A_828 : vector<104x128xf32>
    %abs3A_830 = math.absf %sub3A_829 : vector<104x128xf32>
    %mul3A_831 = arith.constant 0.36397022 : f32
    %mul3A_832 = vector.broadcast %mul3A_831 : f32 to vector<104x128xf32>
    %mul3A_833 = arith.mulf %add3A_826, %mul3A_832 : vector<104x128xf32>
    %lt3A_834 = arith.cmpf olt, %abs3A_830, %mul3A_833 : vector<104x128xf32>
    %lt3A_835 = arith.cmpf olt, %add3A_826, %select_n3A_801 : vector<104x128xf32>
    %and3A_836 = arith.andi %lt3A_834, %lt3A_835 : vector<104x128xi1>
    %select_n3A_837 = arith.select %and3A_836, %add3A_826, %select_n3A_801 : vector<104x128xi1>, vector<104x128xf32>
    %broadcast_in_dim3A_838 = vector.shape_cast %get3A_816 : vector<1x128xf32> to vector<1x128xf32>
    %broadcast_in_dim3A_839 = vector.broadcast %broadcast_in_dim3A_838 : vector<1x128xf32> to vector<104x128xf32>
    %select_n3A_840 = arith.select %and3A_836, %broadcast_in_dim3A_839, %select_n3A_804 : vector<104x128xi1>, vector<104x128xf32>
    %broadcast_in_dim3A_841 = vector.shape_cast %get3A_819 : vector<1x128xf32> to vector<1x128xf32>
    %broadcast_in_dim3A_842 = vector.broadcast %broadcast_in_dim3A_841 : vector<1x128xf32> to vector<104x128xf32>
    %select_n3A_843 = arith.select %and3A_836, %broadcast_in_dim3A_842, %select_n3A_807 : vector<104x128xi1>, vector<104x128xf32>
    %get3A_844 = arith.constant 23 : index
    %get3A_845 = arith.constant 0 : index
    %get3A_846 = vector.load %arg2[%get3A_844, %get3A_845] : memref<104x128xf32, #tpu.memory_space<vmem>>, vector<1x128xf32>
    %get3A_847 = arith.constant 23 : index
    %get3A_848 = arith.constant 0 : index
    %get3A_849 = vector.load %arg3[%get3A_847, %get3A_848] : memref<104x128xf32, #tpu.memory_space<vmem>>, vector<1x128xf32>
    %get3A_850 = arith.constant 23 : index
    %get3A_851 = arith.constant 0 : index
    %get3A_852 = vector.load %arg7[%get3A_850, %get3A_851] : memref<104x128xf32, #tpu.memory_space<vmem>>, vector<1x128xf32>
    %get3A_853 = arith.constant 23 : index
    %get3A_854 = arith.constant 0 : index
    %get3A_855 = vector.load %arg8[%get3A_853, %get3A_854] : memref<104x128xf32, #tpu.memory_space<vmem>>, vector<1x128xf32>
    %sub3A_856 = vector.broadcast %get3A_846 : vector<1x128xf32> to vector<104x128xf32>
    %sub3A_857 = arith.subf %sub3A_856, %get3A_1 : vector<104x128xf32>
    %sub3A_858 = vector.broadcast %get3A_849 : vector<1x128xf32> to vector<104x128xf32>
    %sub3A_859 = arith.subf %sub3A_858, %get3A_4 : vector<104x128xf32>
    %mul3A_860 = arith.mulf %sub3A_857, %cos3A : vector<104x128xf32>
    %mul3A_861 = arith.mulf %sub3A_859, %sin3A : vector<104x128xf32>
    %add3A_862 = arith.addf %mul3A_860, %mul3A_861 : vector<104x128xf32>
    %mul3A_863 = arith.mulf %sub3A_859, %cos3A : vector<104x128xf32>
    %mul3A_864 = arith.mulf %sub3A_857, %sin3A : vector<104x128xf32>
    %sub3A_865 = arith.subf %mul3A_863, %mul3A_864 : vector<104x128xf32>
    %abs3A_866 = math.absf %sub3A_865 : vector<104x128xf32>
    %mul3A_867 = arith.constant 0.36397022 : f32
    %mul3A_868 = vector.broadcast %mul3A_867 : f32 to vector<104x128xf32>
    %mul3A_869 = arith.mulf %add3A_862, %mul3A_868 : vector<104x128xf32>
    %lt3A_870 = arith.cmpf olt, %abs3A_866, %mul3A_869 : vector<104x128xf32>
    %lt3A_871 = arith.cmpf olt, %add3A_862, %select_n3A_837 : vector<104x128xf32>
    %and3A_872 = arith.andi %lt3A_870, %lt3A_871 : vector<104x128xi1>
    %select_n3A_873 = arith.select %and3A_872, %add3A_862, %select_n3A_837 : vector<104x128xi1>, vector<104x128xf32>
    %broadcast_in_dim3A_874 = vector.shape_cast %get3A_852 : vector<1x128xf32> to vector<1x128xf32>
    %broadcast_in_dim3A_875 = vector.broadcast %broadcast_in_dim3A_874 : vector<1x128xf32> to vector<104x128xf32>
    %select_n3A_876 = arith.select %and3A_872, %broadcast_in_dim3A_875, %select_n3A_840 : vector<104x128xi1>, vector<104x128xf32>
    %broadcast_in_dim3A_877 = vector.shape_cast %get3A_855 : vector<1x128xf32> to vector<1x128xf32>
    %broadcast_in_dim3A_878 = vector.broadcast %broadcast_in_dim3A_877 : vector<1x128xf32> to vector<104x128xf32>
    %select_n3A_879 = arith.select %and3A_872, %broadcast_in_dim3A_878, %select_n3A_843 : vector<104x128xi1>, vector<104x128xf32>
    %get3A_880 = arith.constant 24 : index
    %get3A_881 = arith.constant 0 : index
    %get3A_882 = vector.load %arg2[%get3A_880, %get3A_881] : memref<104x128xf32, #tpu.memory_space<vmem>>, vector<1x128xf32>
    %get3A_883 = arith.constant 24 : index
    %get3A_884 = arith.constant 0 : index
    %get3A_885 = vector.load %arg3[%get3A_883, %get3A_884] : memref<104x128xf32, #tpu.memory_space<vmem>>, vector<1x128xf32>
    %get3A_886 = arith.constant 24 : index
    %get3A_887 = arith.constant 0 : index
    %get3A_888 = vector.load %arg7[%get3A_886, %get3A_887] : memref<104x128xf32, #tpu.memory_space<vmem>>, vector<1x128xf32>
    %get3A_889 = arith.constant 24 : index
    %get3A_890 = arith.constant 0 : index
    %get3A_891 = vector.load %arg8[%get3A_889, %get3A_890] : memref<104x128xf32, #tpu.memory_space<vmem>>, vector<1x128xf32>
    %sub3A_892 = vector.broadcast %get3A_882 : vector<1x128xf32> to vector<104x128xf32>
    %sub3A_893 = arith.subf %sub3A_892, %get3A_1 : vector<104x128xf32>
    %sub3A_894 = vector.broadcast %get3A_885 : vector<1x128xf32> to vector<104x128xf32>
    %sub3A_895 = arith.subf %sub3A_894, %get3A_4 : vector<104x128xf32>
    %mul3A_896 = arith.mulf %sub3A_893, %cos3A : vector<104x128xf32>
    %mul3A_897 = arith.mulf %sub3A_895, %sin3A : vector<104x128xf32>
    %add3A_898 = arith.addf %mul3A_896, %mul3A_897 : vector<104x128xf32>
    %mul3A_899 = arith.mulf %sub3A_895, %cos3A : vector<104x128xf32>
    %mul3A_900 = arith.mulf %sub3A_893, %sin3A : vector<104x128xf32>
    %sub3A_901 = arith.subf %mul3A_899, %mul3A_900 : vector<104x128xf32>
    %abs3A_902 = math.absf %sub3A_901 : vector<104x128xf32>
    %mul3A_903 = arith.constant 0.36397022 : f32
    %mul3A_904 = vector.broadcast %mul3A_903 : f32 to vector<104x128xf32>
    %mul3A_905 = arith.mulf %add3A_898, %mul3A_904 : vector<104x128xf32>
    %lt3A_906 = arith.cmpf olt, %abs3A_902, %mul3A_905 : vector<104x128xf32>
    %lt3A_907 = arith.cmpf olt, %add3A_898, %select_n3A_873 : vector<104x128xf32>
    %and3A_908 = arith.andi %lt3A_906, %lt3A_907 : vector<104x128xi1>
    %select_n3A_909 = arith.select %and3A_908, %add3A_898, %select_n3A_873 : vector<104x128xi1>, vector<104x128xf32>
    %broadcast_in_dim3A_910 = vector.shape_cast %get3A_888 : vector<1x128xf32> to vector<1x128xf32>
    %broadcast_in_dim3A_911 = vector.broadcast %broadcast_in_dim3A_910 : vector<1x128xf32> to vector<104x128xf32>
    %select_n3A_912 = arith.select %and3A_908, %broadcast_in_dim3A_911, %select_n3A_876 : vector<104x128xi1>, vector<104x128xf32>
    %broadcast_in_dim3A_913 = vector.shape_cast %get3A_891 : vector<1x128xf32> to vector<1x128xf32>
    %broadcast_in_dim3A_914 = vector.broadcast %broadcast_in_dim3A_913 : vector<1x128xf32> to vector<104x128xf32>
    %select_n3A_915 = arith.select %and3A_908, %broadcast_in_dim3A_914, %select_n3A_879 : vector<104x128xi1>, vector<104x128xf32>
    %get3A_916 = arith.constant 25 : index
    %get3A_917 = arith.constant 0 : index
    %get3A_918 = vector.load %arg2[%get3A_916, %get3A_917] : memref<104x128xf32, #tpu.memory_space<vmem>>, vector<1x128xf32>
    %get3A_919 = arith.constant 25 : index
    %get3A_920 = arith.constant 0 : index
    %get3A_921 = vector.load %arg3[%get3A_919, %get3A_920] : memref<104x128xf32, #tpu.memory_space<vmem>>, vector<1x128xf32>
    %get3A_922 = arith.constant 25 : index
    %get3A_923 = arith.constant 0 : index
    %get3A_924 = vector.load %arg7[%get3A_922, %get3A_923] : memref<104x128xf32, #tpu.memory_space<vmem>>, vector<1x128xf32>
    %get3A_925 = arith.constant 25 : index
    %get3A_926 = arith.constant 0 : index
    %get3A_927 = vector.load %arg8[%get3A_925, %get3A_926] : memref<104x128xf32, #tpu.memory_space<vmem>>, vector<1x128xf32>
    %sub3A_928 = vector.broadcast %get3A_918 : vector<1x128xf32> to vector<104x128xf32>
    %sub3A_929 = arith.subf %sub3A_928, %get3A_1 : vector<104x128xf32>
    %sub3A_930 = vector.broadcast %get3A_921 : vector<1x128xf32> to vector<104x128xf32>
    %sub3A_931 = arith.subf %sub3A_930, %get3A_4 : vector<104x128xf32>
    %mul3A_932 = arith.mulf %sub3A_929, %cos3A : vector<104x128xf32>
    %mul3A_933 = arith.mulf %sub3A_931, %sin3A : vector<104x128xf32>
    %add3A_934 = arith.addf %mul3A_932, %mul3A_933 : vector<104x128xf32>
    %mul3A_935 = arith.mulf %sub3A_931, %cos3A : vector<104x128xf32>
    %mul3A_936 = arith.mulf %sub3A_929, %sin3A : vector<104x128xf32>
    %sub3A_937 = arith.subf %mul3A_935, %mul3A_936 : vector<104x128xf32>
    %abs3A_938 = math.absf %sub3A_937 : vector<104x128xf32>
    %mul3A_939 = arith.constant 0.36397022 : f32
    %mul3A_940 = vector.broadcast %mul3A_939 : f32 to vector<104x128xf32>
    %mul3A_941 = arith.mulf %add3A_934, %mul3A_940 : vector<104x128xf32>
    %lt3A_942 = arith.cmpf olt, %abs3A_938, %mul3A_941 : vector<104x128xf32>
    %lt3A_943 = arith.cmpf olt, %add3A_934, %select_n3A_909 : vector<104x128xf32>
    %and3A_944 = arith.andi %lt3A_942, %lt3A_943 : vector<104x128xi1>
    %select_n3A_945 = arith.select %and3A_944, %add3A_934, %select_n3A_909 : vector<104x128xi1>, vector<104x128xf32>
    %broadcast_in_dim3A_946 = vector.shape_cast %get3A_924 : vector<1x128xf32> to vector<1x128xf32>
    %broadcast_in_dim3A_947 = vector.broadcast %broadcast_in_dim3A_946 : vector<1x128xf32> to vector<104x128xf32>
    %select_n3A_948 = arith.select %and3A_944, %broadcast_in_dim3A_947, %select_n3A_912 : vector<104x128xi1>, vector<104x128xf32>
    %broadcast_in_dim3A_949 = vector.shape_cast %get3A_927 : vector<1x128xf32> to vector<1x128xf32>
    %broadcast_in_dim3A_950 = vector.broadcast %broadcast_in_dim3A_949 : vector<1x128xf32> to vector<104x128xf32>
    %select_n3A_951 = arith.select %and3A_944, %broadcast_in_dim3A_950, %select_n3A_915 : vector<104x128xi1>, vector<104x128xf32>
    %get3A_952 = arith.constant 26 : index
    %get3A_953 = arith.constant 0 : index
    %get3A_954 = vector.load %arg2[%get3A_952, %get3A_953] : memref<104x128xf32, #tpu.memory_space<vmem>>, vector<1x128xf32>
    %get3A_955 = arith.constant 26 : index
    %get3A_956 = arith.constant 0 : index
    %get3A_957 = vector.load %arg3[%get3A_955, %get3A_956] : memref<104x128xf32, #tpu.memory_space<vmem>>, vector<1x128xf32>
    %get3A_958 = arith.constant 26 : index
    %get3A_959 = arith.constant 0 : index
    %get3A_960 = vector.load %arg7[%get3A_958, %get3A_959] : memref<104x128xf32, #tpu.memory_space<vmem>>, vector<1x128xf32>
    %get3A_961 = arith.constant 26 : index
    %get3A_962 = arith.constant 0 : index
    %get3A_963 = vector.load %arg8[%get3A_961, %get3A_962] : memref<104x128xf32, #tpu.memory_space<vmem>>, vector<1x128xf32>
    %sub3A_964 = vector.broadcast %get3A_954 : vector<1x128xf32> to vector<104x128xf32>
    %sub3A_965 = arith.subf %sub3A_964, %get3A_1 : vector<104x128xf32>
    %sub3A_966 = vector.broadcast %get3A_957 : vector<1x128xf32> to vector<104x128xf32>
    %sub3A_967 = arith.subf %sub3A_966, %get3A_4 : vector<104x128xf32>
    %mul3A_968 = arith.mulf %sub3A_965, %cos3A : vector<104x128xf32>
    %mul3A_969 = arith.mulf %sub3A_967, %sin3A : vector<104x128xf32>
    %add3A_970 = arith.addf %mul3A_968, %mul3A_969 : vector<104x128xf32>
    %mul3A_971 = arith.mulf %sub3A_967, %cos3A : vector<104x128xf32>
    %mul3A_972 = arith.mulf %sub3A_965, %sin3A : vector<104x128xf32>
    %sub3A_973 = arith.subf %mul3A_971, %mul3A_972 : vector<104x128xf32>
    %abs3A_974 = math.absf %sub3A_973 : vector<104x128xf32>
    %mul3A_975 = arith.constant 0.36397022 : f32
    %mul3A_976 = vector.broadcast %mul3A_975 : f32 to vector<104x128xf32>
    %mul3A_977 = arith.mulf %add3A_970, %mul3A_976 : vector<104x128xf32>
    %lt3A_978 = arith.cmpf olt, %abs3A_974, %mul3A_977 : vector<104x128xf32>
    %lt3A_979 = arith.cmpf olt, %add3A_970, %select_n3A_945 : vector<104x128xf32>
    %and3A_980 = arith.andi %lt3A_978, %lt3A_979 : vector<104x128xi1>
    %select_n3A_981 = arith.select %and3A_980, %add3A_970, %select_n3A_945 : vector<104x128xi1>, vector<104x128xf32>
    %broadcast_in_dim3A_982 = vector.shape_cast %get3A_960 : vector<1x128xf32> to vector<1x128xf32>
    %broadcast_in_dim3A_983 = vector.broadcast %broadcast_in_dim3A_982 : vector<1x128xf32> to vector<104x128xf32>
    %select_n3A_984 = arith.select %and3A_980, %broadcast_in_dim3A_983, %select_n3A_948 : vector<104x128xi1>, vector<104x128xf32>
    %broadcast_in_dim3A_985 = vector.shape_cast %get3A_963 : vector<1x128xf32> to vector<1x128xf32>
    %broadcast_in_dim3A_986 = vector.broadcast %broadcast_in_dim3A_985 : vector<1x128xf32> to vector<104x128xf32>
    %select_n3A_987 = arith.select %and3A_980, %broadcast_in_dim3A_986, %select_n3A_951 : vector<104x128xi1>, vector<104x128xf32>
    %get3A_988 = arith.constant 27 : index
    %get3A_989 = arith.constant 0 : index
    %get3A_990 = vector.load %arg2[%get3A_988, %get3A_989] : memref<104x128xf32, #tpu.memory_space<vmem>>, vector<1x128xf32>
    %get3A_991 = arith.constant 27 : index
    %get3A_992 = arith.constant 0 : index
    %get3A_993 = vector.load %arg3[%get3A_991, %get3A_992] : memref<104x128xf32, #tpu.memory_space<vmem>>, vector<1x128xf32>
    %get3A_994 = arith.constant 27 : index
    %get3A_995 = arith.constant 0 : index
    %get3A_996 = vector.load %arg7[%get3A_994, %get3A_995] : memref<104x128xf32, #tpu.memory_space<vmem>>, vector<1x128xf32>
    %get3A_997 = arith.constant 27 : index
    %get3A_998 = arith.constant 0 : index
    %get3A_999 = vector.load %arg8[%get3A_997, %get3A_998] : memref<104x128xf32, #tpu.memory_space<vmem>>, vector<1x128xf32>
    %sub3A_1000 = vector.broadcast %get3A_990 : vector<1x128xf32> to vector<104x128xf32>
    %sub3A_1001 = arith.subf %sub3A_1000, %get3A_1 : vector<104x128xf32>
    %sub3A_1002 = vector.broadcast %get3A_993 : vector<1x128xf32> to vector<104x128xf32>
    %sub3A_1003 = arith.subf %sub3A_1002, %get3A_4 : vector<104x128xf32>
    %mul3A_1004 = arith.mulf %sub3A_1001, %cos3A : vector<104x128xf32>
    %mul3A_1005 = arith.mulf %sub3A_1003, %sin3A : vector<104x128xf32>
    %add3A_1006 = arith.addf %mul3A_1004, %mul3A_1005 : vector<104x128xf32>
    %mul3A_1007 = arith.mulf %sub3A_1003, %cos3A : vector<104x128xf32>
    %mul3A_1008 = arith.mulf %sub3A_1001, %sin3A : vector<104x128xf32>
    %sub3A_1009 = arith.subf %mul3A_1007, %mul3A_1008 : vector<104x128xf32>
    %abs3A_1010 = math.absf %sub3A_1009 : vector<104x128xf32>
    %mul3A_1011 = arith.constant 0.36397022 : f32
    %mul3A_1012 = vector.broadcast %mul3A_1011 : f32 to vector<104x128xf32>
    %mul3A_1013 = arith.mulf %add3A_1006, %mul3A_1012 : vector<104x128xf32>
    %lt3A_1014 = arith.cmpf olt, %abs3A_1010, %mul3A_1013 : vector<104x128xf32>
    %lt3A_1015 = arith.cmpf olt, %add3A_1006, %select_n3A_981 : vector<104x128xf32>
    %and3A_1016 = arith.andi %lt3A_1014, %lt3A_1015 : vector<104x128xi1>
    %select_n3A_1017 = arith.select %and3A_1016, %add3A_1006, %select_n3A_981 : vector<104x128xi1>, vector<104x128xf32>
    %broadcast_in_dim3A_1018 = vector.shape_cast %get3A_996 : vector<1x128xf32> to vector<1x128xf32>
    %broadcast_in_dim3A_1019 = vector.broadcast %broadcast_in_dim3A_1018 : vector<1x128xf32> to vector<104x128xf32>
    %select_n3A_1020 = arith.select %and3A_1016, %broadcast_in_dim3A_1019, %select_n3A_984 : vector<104x128xi1>, vector<104x128xf32>
    %broadcast_in_dim3A_1021 = vector.shape_cast %get3A_999 : vector<1x128xf32> to vector<1x128xf32>
    %broadcast_in_dim3A_1022 = vector.broadcast %broadcast_in_dim3A_1021 : vector<1x128xf32> to vector<104x128xf32>
    %select_n3A_1023 = arith.select %and3A_1016, %broadcast_in_dim3A_1022, %select_n3A_987 : vector<104x128xi1>, vector<104x128xf32>
    %get3A_1024 = arith.constant 28 : index
    %get3A_1025 = arith.constant 0 : index
    %get3A_1026 = vector.load %arg2[%get3A_1024, %get3A_1025] : memref<104x128xf32, #tpu.memory_space<vmem>>, vector<1x128xf32>
    %get3A_1027 = arith.constant 28 : index
    %get3A_1028 = arith.constant 0 : index
    %get3A_1029 = vector.load %arg3[%get3A_1027, %get3A_1028] : memref<104x128xf32, #tpu.memory_space<vmem>>, vector<1x128xf32>
    %get3A_1030 = arith.constant 28 : index
    %get3A_1031 = arith.constant 0 : index
    %get3A_1032 = vector.load %arg7[%get3A_1030, %get3A_1031] : memref<104x128xf32, #tpu.memory_space<vmem>>, vector<1x128xf32>
    %get3A_1033 = arith.constant 28 : index
    %get3A_1034 = arith.constant 0 : index
    %get3A_1035 = vector.load %arg8[%get3A_1033, %get3A_1034] : memref<104x128xf32, #tpu.memory_space<vmem>>, vector<1x128xf32>
    %sub3A_1036 = vector.broadcast %get3A_1026 : vector<1x128xf32> to vector<104x128xf32>
    %sub3A_1037 = arith.subf %sub3A_1036, %get3A_1 : vector<104x128xf32>
    %sub3A_1038 = vector.broadcast %get3A_1029 : vector<1x128xf32> to vector<104x128xf32>
    %sub3A_1039 = arith.subf %sub3A_1038, %get3A_4 : vector<104x128xf32>
    %mul3A_1040 = arith.mulf %sub3A_1037, %cos3A : vector<104x128xf32>
    %mul3A_1041 = arith.mulf %sub3A_1039, %sin3A : vector<104x128xf32>
    %add3A_1042 = arith.addf %mul3A_1040, %mul3A_1041 : vector<104x128xf32>
    %mul3A_1043 = arith.mulf %sub3A_1039, %cos3A : vector<104x128xf32>
    %mul3A_1044 = arith.mulf %sub3A_1037, %sin3A : vector<104x128xf32>
    %sub3A_1045 = arith.subf %mul3A_1043, %mul3A_1044 : vector<104x128xf32>
    %abs3A_1046 = math.absf %sub3A_1045 : vector<104x128xf32>
    %mul3A_1047 = arith.constant 0.36397022 : f32
    %mul3A_1048 = vector.broadcast %mul3A_1047 : f32 to vector<104x128xf32>
    %mul3A_1049 = arith.mulf %add3A_1042, %mul3A_1048 : vector<104x128xf32>
    %lt3A_1050 = arith.cmpf olt, %abs3A_1046, %mul3A_1049 : vector<104x128xf32>
    %lt3A_1051 = arith.cmpf olt, %add3A_1042, %select_n3A_1017 : vector<104x128xf32>
    %and3A_1052 = arith.andi %lt3A_1050, %lt3A_1051 : vector<104x128xi1>
    %select_n3A_1053 = arith.select %and3A_1052, %add3A_1042, %select_n3A_1017 : vector<104x128xi1>, vector<104x128xf32>
    %broadcast_in_dim3A_1054 = vector.shape_cast %get3A_1032 : vector<1x128xf32> to vector<1x128xf32>
    %broadcast_in_dim3A_1055 = vector.broadcast %broadcast_in_dim3A_1054 : vector<1x128xf32> to vector<104x128xf32>
    %select_n3A_1056 = arith.select %and3A_1052, %broadcast_in_dim3A_1055, %select_n3A_1020 : vector<104x128xi1>, vector<104x128xf32>
    %broadcast_in_dim3A_1057 = vector.shape_cast %get3A_1035 : vector<1x128xf32> to vector<1x128xf32>
    %broadcast_in_dim3A_1058 = vector.broadcast %broadcast_in_dim3A_1057 : vector<1x128xf32> to vector<104x128xf32>
    %select_n3A_1059 = arith.select %and3A_1052, %broadcast_in_dim3A_1058, %select_n3A_1023 : vector<104x128xi1>, vector<104x128xf32>
    %get3A_1060 = arith.constant 29 : index
    %get3A_1061 = arith.constant 0 : index
    %get3A_1062 = vector.load %arg2[%get3A_1060, %get3A_1061] : memref<104x128xf32, #tpu.memory_space<vmem>>, vector<1x128xf32>
    %get3A_1063 = arith.constant 29 : index
    %get3A_1064 = arith.constant 0 : index
    %get3A_1065 = vector.load %arg3[%get3A_1063, %get3A_1064] : memref<104x128xf32, #tpu.memory_space<vmem>>, vector<1x128xf32>
    %get3A_1066 = arith.constant 29 : index
    %get3A_1067 = arith.constant 0 : index
    %get3A_1068 = vector.load %arg7[%get3A_1066, %get3A_1067] : memref<104x128xf32, #tpu.memory_space<vmem>>, vector<1x128xf32>
    %get3A_1069 = arith.constant 29 : index
    %get3A_1070 = arith.constant 0 : index
    %get3A_1071 = vector.load %arg8[%get3A_1069, %get3A_1070] : memref<104x128xf32, #tpu.memory_space<vmem>>, vector<1x128xf32>
    %sub3A_1072 = vector.broadcast %get3A_1062 : vector<1x128xf32> to vector<104x128xf32>
    %sub3A_1073 = arith.subf %sub3A_1072, %get3A_1 : vector<104x128xf32>
    %sub3A_1074 = vector.broadcast %get3A_1065 : vector<1x128xf32> to vector<104x128xf32>
    %sub3A_1075 = arith.subf %sub3A_1074, %get3A_4 : vector<104x128xf32>
    %mul3A_1076 = arith.mulf %sub3A_1073, %cos3A : vector<104x128xf32>
    %mul3A_1077 = arith.mulf %sub3A_1075, %sin3A : vector<104x128xf32>
    %add3A_1078 = arith.addf %mul3A_1076, %mul3A_1077 : vector<104x128xf32>
    %mul3A_1079 = arith.mulf %sub3A_1075, %cos3A : vector<104x128xf32>
    %mul3A_1080 = arith.mulf %sub3A_1073, %sin3A : vector<104x128xf32>
    %sub3A_1081 = arith.subf %mul3A_1079, %mul3A_1080 : vector<104x128xf32>
    %abs3A_1082 = math.absf %sub3A_1081 : vector<104x128xf32>
    %mul3A_1083 = arith.constant 0.36397022 : f32
    %mul3A_1084 = vector.broadcast %mul3A_1083 : f32 to vector<104x128xf32>
    %mul3A_1085 = arith.mulf %add3A_1078, %mul3A_1084 : vector<104x128xf32>
    %lt3A_1086 = arith.cmpf olt, %abs3A_1082, %mul3A_1085 : vector<104x128xf32>
    %lt3A_1087 = arith.cmpf olt, %add3A_1078, %select_n3A_1053 : vector<104x128xf32>
    %and3A_1088 = arith.andi %lt3A_1086, %lt3A_1087 : vector<104x128xi1>
    %select_n3A_1089 = arith.select %and3A_1088, %add3A_1078, %select_n3A_1053 : vector<104x128xi1>, vector<104x128xf32>
    %broadcast_in_dim3A_1090 = vector.shape_cast %get3A_1068 : vector<1x128xf32> to vector<1x128xf32>
    %broadcast_in_dim3A_1091 = vector.broadcast %broadcast_in_dim3A_1090 : vector<1x128xf32> to vector<104x128xf32>
    %select_n3A_1092 = arith.select %and3A_1088, %broadcast_in_dim3A_1091, %select_n3A_1056 : vector<104x128xi1>, vector<104x128xf32>
    %broadcast_in_dim3A_1093 = vector.shape_cast %get3A_1071 : vector<1x128xf32> to vector<1x128xf32>
    %broadcast_in_dim3A_1094 = vector.broadcast %broadcast_in_dim3A_1093 : vector<1x128xf32> to vector<104x128xf32>
    %select_n3A_1095 = arith.select %and3A_1088, %broadcast_in_dim3A_1094, %select_n3A_1059 : vector<104x128xi1>, vector<104x128xf32>
    %get3A_1096 = arith.constant 30 : index
    %get3A_1097 = arith.constant 0 : index
    %get3A_1098 = vector.load %arg2[%get3A_1096, %get3A_1097] : memref<104x128xf32, #tpu.memory_space<vmem>>, vector<1x128xf32>
    %get3A_1099 = arith.constant 30 : index
    %get3A_1100 = arith.constant 0 : index
    %get3A_1101 = vector.load %arg3[%get3A_1099, %get3A_1100] : memref<104x128xf32, #tpu.memory_space<vmem>>, vector<1x128xf32>
    %get3A_1102 = arith.constant 30 : index
    %get3A_1103 = arith.constant 0 : index
    %get3A_1104 = vector.load %arg7[%get3A_1102, %get3A_1103] : memref<104x128xf32, #tpu.memory_space<vmem>>, vector<1x128xf32>
    %get3A_1105 = arith.constant 30 : index
    %get3A_1106 = arith.constant 0 : index
    %get3A_1107 = vector.load %arg8[%get3A_1105, %get3A_1106] : memref<104x128xf32, #tpu.memory_space<vmem>>, vector<1x128xf32>
    %sub3A_1108 = vector.broadcast %get3A_1098 : vector<1x128xf32> to vector<104x128xf32>
    %sub3A_1109 = arith.subf %sub3A_1108, %get3A_1 : vector<104x128xf32>
    %sub3A_1110 = vector.broadcast %get3A_1101 : vector<1x128xf32> to vector<104x128xf32>
    %sub3A_1111 = arith.subf %sub3A_1110, %get3A_4 : vector<104x128xf32>
    %mul3A_1112 = arith.mulf %sub3A_1109, %cos3A : vector<104x128xf32>
    %mul3A_1113 = arith.mulf %sub3A_1111, %sin3A : vector<104x128xf32>
    %add3A_1114 = arith.addf %mul3A_1112, %mul3A_1113 : vector<104x128xf32>
    %mul3A_1115 = arith.mulf %sub3A_1111, %cos3A : vector<104x128xf32>
    %mul3A_1116 = arith.mulf %sub3A_1109, %sin3A : vector<104x128xf32>
    %sub3A_1117 = arith.subf %mul3A_1115, %mul3A_1116 : vector<104x128xf32>
    %abs3A_1118 = math.absf %sub3A_1117 : vector<104x128xf32>
    %mul3A_1119 = arith.constant 0.36397022 : f32
    %mul3A_1120 = vector.broadcast %mul3A_1119 : f32 to vector<104x128xf32>
    %mul3A_1121 = arith.mulf %add3A_1114, %mul3A_1120 : vector<104x128xf32>
    %lt3A_1122 = arith.cmpf olt, %abs3A_1118, %mul3A_1121 : vector<104x128xf32>
    %lt3A_1123 = arith.cmpf olt, %add3A_1114, %select_n3A_1089 : vector<104x128xf32>
    %and3A_1124 = arith.andi %lt3A_1122, %lt3A_1123 : vector<104x128xi1>
    %select_n3A_1125 = arith.select %and3A_1124, %add3A_1114, %select_n3A_1089 : vector<104x128xi1>, vector<104x128xf32>
    %broadcast_in_dim3A_1126 = vector.shape_cast %get3A_1104 : vector<1x128xf32> to vector<1x128xf32>
    %broadcast_in_dim3A_1127 = vector.broadcast %broadcast_in_dim3A_1126 : vector<1x128xf32> to vector<104x128xf32>
    %select_n3A_1128 = arith.select %and3A_1124, %broadcast_in_dim3A_1127, %select_n3A_1092 : vector<104x128xi1>, vector<104x128xf32>
    %broadcast_in_dim3A_1129 = vector.shape_cast %get3A_1107 : vector<1x128xf32> to vector<1x128xf32>
    %broadcast_in_dim3A_1130 = vector.broadcast %broadcast_in_dim3A_1129 : vector<1x128xf32> to vector<104x128xf32>
    %select_n3A_1131 = arith.select %and3A_1124, %broadcast_in_dim3A_1130, %select_n3A_1095 : vector<104x128xi1>, vector<104x128xf32>
    %get3A_1132 = arith.constant 31 : index
    %get3A_1133 = arith.constant 0 : index
    %get3A_1134 = vector.load %arg2[%get3A_1132, %get3A_1133] : memref<104x128xf32, #tpu.memory_space<vmem>>, vector<1x128xf32>
    %get3A_1135 = arith.constant 31 : index
    %get3A_1136 = arith.constant 0 : index
    %get3A_1137 = vector.load %arg3[%get3A_1135, %get3A_1136] : memref<104x128xf32, #tpu.memory_space<vmem>>, vector<1x128xf32>
    %get3A_1138 = arith.constant 31 : index
    %get3A_1139 = arith.constant 0 : index
    %get3A_1140 = vector.load %arg7[%get3A_1138, %get3A_1139] : memref<104x128xf32, #tpu.memory_space<vmem>>, vector<1x128xf32>
    %get3A_1141 = arith.constant 31 : index
    %get3A_1142 = arith.constant 0 : index
    %get3A_1143 = vector.load %arg8[%get3A_1141, %get3A_1142] : memref<104x128xf32, #tpu.memory_space<vmem>>, vector<1x128xf32>
    %sub3A_1144 = vector.broadcast %get3A_1134 : vector<1x128xf32> to vector<104x128xf32>
    %sub3A_1145 = arith.subf %sub3A_1144, %get3A_1 : vector<104x128xf32>
    %sub3A_1146 = vector.broadcast %get3A_1137 : vector<1x128xf32> to vector<104x128xf32>
    %sub3A_1147 = arith.subf %sub3A_1146, %get3A_4 : vector<104x128xf32>
    %mul3A_1148 = arith.mulf %sub3A_1145, %cos3A : vector<104x128xf32>
    %mul3A_1149 = arith.mulf %sub3A_1147, %sin3A : vector<104x128xf32>
    %add3A_1150 = arith.addf %mul3A_1148, %mul3A_1149 : vector<104x128xf32>
    %mul3A_1151 = arith.mulf %sub3A_1147, %cos3A : vector<104x128xf32>
    %mul3A_1152 = arith.mulf %sub3A_1145, %sin3A : vector<104x128xf32>
    %sub3A_1153 = arith.subf %mul3A_1151, %mul3A_1152 : vector<104x128xf32>
    %abs3A_1154 = math.absf %sub3A_1153 : vector<104x128xf32>
    %mul3A_1155 = arith.constant 0.36397022 : f32
    %mul3A_1156 = vector.broadcast %mul3A_1155 : f32 to vector<104x128xf32>
    %mul3A_1157 = arith.mulf %add3A_1150, %mul3A_1156 : vector<104x128xf32>
    %lt3A_1158 = arith.cmpf olt, %abs3A_1154, %mul3A_1157 : vector<104x128xf32>
    %lt3A_1159 = arith.cmpf olt, %add3A_1150, %select_n3A_1125 : vector<104x128xf32>
    %and3A_1160 = arith.andi %lt3A_1158, %lt3A_1159 : vector<104x128xi1>
    %select_n3A_1161 = arith.select %and3A_1160, %add3A_1150, %select_n3A_1125 : vector<104x128xi1>, vector<104x128xf32>
    %broadcast_in_dim3A_1162 = vector.shape_cast %get3A_1140 : vector<1x128xf32> to vector<1x128xf32>
    %broadcast_in_dim3A_1163 = vector.broadcast %broadcast_in_dim3A_1162 : vector<1x128xf32> to vector<104x128xf32>
    %select_n3A_1164 = arith.select %and3A_1160, %broadcast_in_dim3A_1163, %select_n3A_1128 : vector<104x128xi1>, vector<104x128xf32>
    %broadcast_in_dim3A_1165 = vector.shape_cast %get3A_1143 : vector<1x128xf32> to vector<1x128xf32>
    %broadcast_in_dim3A_1166 = vector.broadcast %broadcast_in_dim3A_1165 : vector<1x128xf32> to vector<104x128xf32>
    %select_n3A_1167 = arith.select %and3A_1160, %broadcast_in_dim3A_1166, %select_n3A_1131 : vector<104x128xi1>, vector<104x128xf32>
    %get3A_1168 = arith.constant 32 : index
    %get3A_1169 = arith.constant 0 : index
    %get3A_1170 = vector.load %arg2[%get3A_1168, %get3A_1169] : memref<104x128xf32, #tpu.memory_space<vmem>>, vector<1x128xf32>
    %get3A_1171 = arith.constant 32 : index
    %get3A_1172 = arith.constant 0 : index
    %get3A_1173 = vector.load %arg3[%get3A_1171, %get3A_1172] : memref<104x128xf32, #tpu.memory_space<vmem>>, vector<1x128xf32>
    %get3A_1174 = arith.constant 32 : index
    %get3A_1175 = arith.constant 0 : index
    %get3A_1176 = vector.load %arg7[%get3A_1174, %get3A_1175] : memref<104x128xf32, #tpu.memory_space<vmem>>, vector<1x128xf32>
    %get3A_1177 = arith.constant 32 : index
    %get3A_1178 = arith.constant 0 : index
    %get3A_1179 = vector.load %arg8[%get3A_1177, %get3A_1178] : memref<104x128xf32, #tpu.memory_space<vmem>>, vector<1x128xf32>
    %sub3A_1180 = vector.broadcast %get3A_1170 : vector<1x128xf32> to vector<104x128xf32>
    %sub3A_1181 = arith.subf %sub3A_1180, %get3A_1 : vector<104x128xf32>
    %sub3A_1182 = vector.broadcast %get3A_1173 : vector<1x128xf32> to vector<104x128xf32>
    %sub3A_1183 = arith.subf %sub3A_1182, %get3A_4 : vector<104x128xf32>
    %mul3A_1184 = arith.mulf %sub3A_1181, %cos3A : vector<104x128xf32>
    %mul3A_1185 = arith.mulf %sub3A_1183, %sin3A : vector<104x128xf32>
    %add3A_1186 = arith.addf %mul3A_1184, %mul3A_1185 : vector<104x128xf32>
    %mul3A_1187 = arith.mulf %sub3A_1183, %cos3A : vector<104x128xf32>
    %mul3A_1188 = arith.mulf %sub3A_1181, %sin3A : vector<104x128xf32>
    %sub3A_1189 = arith.subf %mul3A_1187, %mul3A_1188 : vector<104x128xf32>
    %abs3A_1190 = math.absf %sub3A_1189 : vector<104x128xf32>
    %mul3A_1191 = arith.constant 0.36397022 : f32
    %mul3A_1192 = vector.broadcast %mul3A_1191 : f32 to vector<104x128xf32>
    %mul3A_1193 = arith.mulf %add3A_1186, %mul3A_1192 : vector<104x128xf32>
    %lt3A_1194 = arith.cmpf olt, %abs3A_1190, %mul3A_1193 : vector<104x128xf32>
    %lt3A_1195 = arith.cmpf olt, %add3A_1186, %select_n3A_1161 : vector<104x128xf32>
    %and3A_1196 = arith.andi %lt3A_1194, %lt3A_1195 : vector<104x128xi1>
    %select_n3A_1197 = arith.select %and3A_1196, %add3A_1186, %select_n3A_1161 : vector<104x128xi1>, vector<104x128xf32>
    %broadcast_in_dim3A_1198 = vector.shape_cast %get3A_1176 : vector<1x128xf32> to vector<1x128xf32>
    %broadcast_in_dim3A_1199 = vector.broadcast %broadcast_in_dim3A_1198 : vector<1x128xf32> to vector<104x128xf32>
    %select_n3A_1200 = arith.select %and3A_1196, %broadcast_in_dim3A_1199, %select_n3A_1164 : vector<104x128xi1>, vector<104x128xf32>
    %broadcast_in_dim3A_1201 = vector.shape_cast %get3A_1179 : vector<1x128xf32> to vector<1x128xf32>
    %broadcast_in_dim3A_1202 = vector.broadcast %broadcast_in_dim3A_1201 : vector<1x128xf32> to vector<104x128xf32>
    %select_n3A_1203 = arith.select %and3A_1196, %broadcast_in_dim3A_1202, %select_n3A_1167 : vector<104x128xi1>, vector<104x128xf32>
    %get3A_1204 = arith.constant 33 : index
    %get3A_1205 = arith.constant 0 : index
    %get3A_1206 = vector.load %arg2[%get3A_1204, %get3A_1205] : memref<104x128xf32, #tpu.memory_space<vmem>>, vector<1x128xf32>
    %get3A_1207 = arith.constant 33 : index
    %get3A_1208 = arith.constant 0 : index
    %get3A_1209 = vector.load %arg3[%get3A_1207, %get3A_1208] : memref<104x128xf32, #tpu.memory_space<vmem>>, vector<1x128xf32>
    %get3A_1210 = arith.constant 33 : index
    %get3A_1211 = arith.constant 0 : index
    %get3A_1212 = vector.load %arg7[%get3A_1210, %get3A_1211] : memref<104x128xf32, #tpu.memory_space<vmem>>, vector<1x128xf32>
    %get3A_1213 = arith.constant 33 : index
    %get3A_1214 = arith.constant 0 : index
    %get3A_1215 = vector.load %arg8[%get3A_1213, %get3A_1214] : memref<104x128xf32, #tpu.memory_space<vmem>>, vector<1x128xf32>
    %sub3A_1216 = vector.broadcast %get3A_1206 : vector<1x128xf32> to vector<104x128xf32>
    %sub3A_1217 = arith.subf %sub3A_1216, %get3A_1 : vector<104x128xf32>
    %sub3A_1218 = vector.broadcast %get3A_1209 : vector<1x128xf32> to vector<104x128xf32>
    %sub3A_1219 = arith.subf %sub3A_1218, %get3A_4 : vector<104x128xf32>
    %mul3A_1220 = arith.mulf %sub3A_1217, %cos3A : vector<104x128xf32>
    %mul3A_1221 = arith.mulf %sub3A_1219, %sin3A : vector<104x128xf32>
    %add3A_1222 = arith.addf %mul3A_1220, %mul3A_1221 : vector<104x128xf32>
    %mul3A_1223 = arith.mulf %sub3A_1219, %cos3A : vector<104x128xf32>
    %mul3A_1224 = arith.mulf %sub3A_1217, %sin3A : vector<104x128xf32>
    %sub3A_1225 = arith.subf %mul3A_1223, %mul3A_1224 : vector<104x128xf32>
    %abs3A_1226 = math.absf %sub3A_1225 : vector<104x128xf32>
    %mul3A_1227 = arith.constant 0.36397022 : f32
    %mul3A_1228 = vector.broadcast %mul3A_1227 : f32 to vector<104x128xf32>
    %mul3A_1229 = arith.mulf %add3A_1222, %mul3A_1228 : vector<104x128xf32>
    %lt3A_1230 = arith.cmpf olt, %abs3A_1226, %mul3A_1229 : vector<104x128xf32>
    %lt3A_1231 = arith.cmpf olt, %add3A_1222, %select_n3A_1197 : vector<104x128xf32>
    %and3A_1232 = arith.andi %lt3A_1230, %lt3A_1231 : vector<104x128xi1>
    %select_n3A_1233 = arith.select %and3A_1232, %add3A_1222, %select_n3A_1197 : vector<104x128xi1>, vector<104x128xf32>
    %broadcast_in_dim3A_1234 = vector.shape_cast %get3A_1212 : vector<1x128xf32> to vector<1x128xf32>
    %broadcast_in_dim3A_1235 = vector.broadcast %broadcast_in_dim3A_1234 : vector<1x128xf32> to vector<104x128xf32>
    %select_n3A_1236 = arith.select %and3A_1232, %broadcast_in_dim3A_1235, %select_n3A_1200 : vector<104x128xi1>, vector<104x128xf32>
    %broadcast_in_dim3A_1237 = vector.shape_cast %get3A_1215 : vector<1x128xf32> to vector<1x128xf32>
    %broadcast_in_dim3A_1238 = vector.broadcast %broadcast_in_dim3A_1237 : vector<1x128xf32> to vector<104x128xf32>
    %select_n3A_1239 = arith.select %and3A_1232, %broadcast_in_dim3A_1238, %select_n3A_1203 : vector<104x128xi1>, vector<104x128xf32>
    %get3A_1240 = arith.constant 34 : index
    %get3A_1241 = arith.constant 0 : index
    %get3A_1242 = vector.load %arg2[%get3A_1240, %get3A_1241] : memref<104x128xf32, #tpu.memory_space<vmem>>, vector<1x128xf32>
    %get3A_1243 = arith.constant 34 : index
    %get3A_1244 = arith.constant 0 : index
    %get3A_1245 = vector.load %arg3[%get3A_1243, %get3A_1244] : memref<104x128xf32, #tpu.memory_space<vmem>>, vector<1x128xf32>
    %get3A_1246 = arith.constant 34 : index
    %get3A_1247 = arith.constant 0 : index
    %get3A_1248 = vector.load %arg7[%get3A_1246, %get3A_1247] : memref<104x128xf32, #tpu.memory_space<vmem>>, vector<1x128xf32>
    %get3A_1249 = arith.constant 34 : index
    %get3A_1250 = arith.constant 0 : index
    %get3A_1251 = vector.load %arg8[%get3A_1249, %get3A_1250] : memref<104x128xf32, #tpu.memory_space<vmem>>, vector<1x128xf32>
    %sub3A_1252 = vector.broadcast %get3A_1242 : vector<1x128xf32> to vector<104x128xf32>
    %sub3A_1253 = arith.subf %sub3A_1252, %get3A_1 : vector<104x128xf32>
    %sub3A_1254 = vector.broadcast %get3A_1245 : vector<1x128xf32> to vector<104x128xf32>
    %sub3A_1255 = arith.subf %sub3A_1254, %get3A_4 : vector<104x128xf32>
    %mul3A_1256 = arith.mulf %sub3A_1253, %cos3A : vector<104x128xf32>
    %mul3A_1257 = arith.mulf %sub3A_1255, %sin3A : vector<104x128xf32>
    %add3A_1258 = arith.addf %mul3A_1256, %mul3A_1257 : vector<104x128xf32>
    %mul3A_1259 = arith.mulf %sub3A_1255, %cos3A : vector<104x128xf32>
    %mul3A_1260 = arith.mulf %sub3A_1253, %sin3A : vector<104x128xf32>
    %sub3A_1261 = arith.subf %mul3A_1259, %mul3A_1260 : vector<104x128xf32>
    %abs3A_1262 = math.absf %sub3A_1261 : vector<104x128xf32>
    %mul3A_1263 = arith.constant 0.36397022 : f32
    %mul3A_1264 = vector.broadcast %mul3A_1263 : f32 to vector<104x128xf32>
    %mul3A_1265 = arith.mulf %add3A_1258, %mul3A_1264 : vector<104x128xf32>
    %lt3A_1266 = arith.cmpf olt, %abs3A_1262, %mul3A_1265 : vector<104x128xf32>
    %lt3A_1267 = arith.cmpf olt, %add3A_1258, %select_n3A_1233 : vector<104x128xf32>
    %and3A_1268 = arith.andi %lt3A_1266, %lt3A_1267 : vector<104x128xi1>
    %select_n3A_1269 = arith.select %and3A_1268, %add3A_1258, %select_n3A_1233 : vector<104x128xi1>, vector<104x128xf32>
    %broadcast_in_dim3A_1270 = vector.shape_cast %get3A_1248 : vector<1x128xf32> to vector<1x128xf32>
    %broadcast_in_dim3A_1271 = vector.broadcast %broadcast_in_dim3A_1270 : vector<1x128xf32> to vector<104x128xf32>
    %select_n3A_1272 = arith.select %and3A_1268, %broadcast_in_dim3A_1271, %select_n3A_1236 : vector<104x128xi1>, vector<104x128xf32>
    %broadcast_in_dim3A_1273 = vector.shape_cast %get3A_1251 : vector<1x128xf32> to vector<1x128xf32>
    %broadcast_in_dim3A_1274 = vector.broadcast %broadcast_in_dim3A_1273 : vector<1x128xf32> to vector<104x128xf32>
    %select_n3A_1275 = arith.select %and3A_1268, %broadcast_in_dim3A_1274, %select_n3A_1239 : vector<104x128xi1>, vector<104x128xf32>
    %get3A_1276 = arith.constant 35 : index
    %get3A_1277 = arith.constant 0 : index
    %get3A_1278 = vector.load %arg2[%get3A_1276, %get3A_1277] : memref<104x128xf32, #tpu.memory_space<vmem>>, vector<1x128xf32>
    %get3A_1279 = arith.constant 35 : index
    %get3A_1280 = arith.constant 0 : index
    %get3A_1281 = vector.load %arg3[%get3A_1279, %get3A_1280] : memref<104x128xf32, #tpu.memory_space<vmem>>, vector<1x128xf32>
    %get3A_1282 = arith.constant 35 : index
    %get3A_1283 = arith.constant 0 : index
    %get3A_1284 = vector.load %arg7[%get3A_1282, %get3A_1283] : memref<104x128xf32, #tpu.memory_space<vmem>>, vector<1x128xf32>
    %get3A_1285 = arith.constant 35 : index
    %get3A_1286 = arith.constant 0 : index
    %get3A_1287 = vector.load %arg8[%get3A_1285, %get3A_1286] : memref<104x128xf32, #tpu.memory_space<vmem>>, vector<1x128xf32>
    %sub3A_1288 = vector.broadcast %get3A_1278 : vector<1x128xf32> to vector<104x128xf32>
    %sub3A_1289 = arith.subf %sub3A_1288, %get3A_1 : vector<104x128xf32>
    %sub3A_1290 = vector.broadcast %get3A_1281 : vector<1x128xf32> to vector<104x128xf32>
    %sub3A_1291 = arith.subf %sub3A_1290, %get3A_4 : vector<104x128xf32>
    %mul3A_1292 = arith.mulf %sub3A_1289, %cos3A : vector<104x128xf32>
    %mul3A_1293 = arith.mulf %sub3A_1291, %sin3A : vector<104x128xf32>
    %add3A_1294 = arith.addf %mul3A_1292, %mul3A_1293 : vector<104x128xf32>
    %mul3A_1295 = arith.mulf %sub3A_1291, %cos3A : vector<104x128xf32>
    %mul3A_1296 = arith.mulf %sub3A_1289, %sin3A : vector<104x128xf32>
    %sub3A_1297 = arith.subf %mul3A_1295, %mul3A_1296 : vector<104x128xf32>
    %abs3A_1298 = math.absf %sub3A_1297 : vector<104x128xf32>
    %mul3A_1299 = arith.constant 0.36397022 : f32
    %mul3A_1300 = vector.broadcast %mul3A_1299 : f32 to vector<104x128xf32>
    %mul3A_1301 = arith.mulf %add3A_1294, %mul3A_1300 : vector<104x128xf32>
    %lt3A_1302 = arith.cmpf olt, %abs3A_1298, %mul3A_1301 : vector<104x128xf32>
    %lt3A_1303 = arith.cmpf olt, %add3A_1294, %select_n3A_1269 : vector<104x128xf32>
    %and3A_1304 = arith.andi %lt3A_1302, %lt3A_1303 : vector<104x128xi1>
    %select_n3A_1305 = arith.select %and3A_1304, %add3A_1294, %select_n3A_1269 : vector<104x128xi1>, vector<104x128xf32>
    %broadcast_in_dim3A_1306 = vector.shape_cast %get3A_1284 : vector<1x128xf32> to vector<1x128xf32>
    %broadcast_in_dim3A_1307 = vector.broadcast %broadcast_in_dim3A_1306 : vector<1x128xf32> to vector<104x128xf32>
    %select_n3A_1308 = arith.select %and3A_1304, %broadcast_in_dim3A_1307, %select_n3A_1272 : vector<104x128xi1>, vector<104x128xf32>
    %broadcast_in_dim3A_1309 = vector.shape_cast %get3A_1287 : vector<1x128xf32> to vector<1x128xf32>
    %broadcast_in_dim3A_1310 = vector.broadcast %broadcast_in_dim3A_1309 : vector<1x128xf32> to vector<104x128xf32>
    %select_n3A_1311 = arith.select %and3A_1304, %broadcast_in_dim3A_1310, %select_n3A_1275 : vector<104x128xi1>, vector<104x128xf32>
    %get3A_1312 = arith.constant 36 : index
    %get3A_1313 = arith.constant 0 : index
    %get3A_1314 = vector.load %arg2[%get3A_1312, %get3A_1313] : memref<104x128xf32, #tpu.memory_space<vmem>>, vector<1x128xf32>
    %get3A_1315 = arith.constant 36 : index
    %get3A_1316 = arith.constant 0 : index
    %get3A_1317 = vector.load %arg3[%get3A_1315, %get3A_1316] : memref<104x128xf32, #tpu.memory_space<vmem>>, vector<1x128xf32>
    %get3A_1318 = arith.constant 36 : index
    %get3A_1319 = arith.constant 0 : index
    %get3A_1320 = vector.load %arg7[%get3A_1318, %get3A_1319] : memref<104x128xf32, #tpu.memory_space<vmem>>, vector<1x128xf32>
    %get3A_1321 = arith.constant 36 : index
    %get3A_1322 = arith.constant 0 : index
    %get3A_1323 = vector.load %arg8[%get3A_1321, %get3A_1322] : memref<104x128xf32, #tpu.memory_space<vmem>>, vector<1x128xf32>
    %sub3A_1324 = vector.broadcast %get3A_1314 : vector<1x128xf32> to vector<104x128xf32>
    %sub3A_1325 = arith.subf %sub3A_1324, %get3A_1 : vector<104x128xf32>
    %sub3A_1326 = vector.broadcast %get3A_1317 : vector<1x128xf32> to vector<104x128xf32>
    %sub3A_1327 = arith.subf %sub3A_1326, %get3A_4 : vector<104x128xf32>
    %mul3A_1328 = arith.mulf %sub3A_1325, %cos3A : vector<104x128xf32>
    %mul3A_1329 = arith.mulf %sub3A_1327, %sin3A : vector<104x128xf32>
    %add3A_1330 = arith.addf %mul3A_1328, %mul3A_1329 : vector<104x128xf32>
    %mul3A_1331 = arith.mulf %sub3A_1327, %cos3A : vector<104x128xf32>
    %mul3A_1332 = arith.mulf %sub3A_1325, %sin3A : vector<104x128xf32>
    %sub3A_1333 = arith.subf %mul3A_1331, %mul3A_1332 : vector<104x128xf32>
    %abs3A_1334 = math.absf %sub3A_1333 : vector<104x128xf32>
    %mul3A_1335 = arith.constant 0.36397022 : f32
    %mul3A_1336 = vector.broadcast %mul3A_1335 : f32 to vector<104x128xf32>
    %mul3A_1337 = arith.mulf %add3A_1330, %mul3A_1336 : vector<104x128xf32>
    %lt3A_1338 = arith.cmpf olt, %abs3A_1334, %mul3A_1337 : vector<104x128xf32>
    %lt3A_1339 = arith.cmpf olt, %add3A_1330, %select_n3A_1305 : vector<104x128xf32>
    %and3A_1340 = arith.andi %lt3A_1338, %lt3A_1339 : vector<104x128xi1>
    %select_n3A_1341 = arith.select %and3A_1340, %add3A_1330, %select_n3A_1305 : vector<104x128xi1>, vector<104x128xf32>
    %broadcast_in_dim3A_1342 = vector.shape_cast %get3A_1320 : vector<1x128xf32> to vector<1x128xf32>
    %broadcast_in_dim3A_1343 = vector.broadcast %broadcast_in_dim3A_1342 : vector<1x128xf32> to vector<104x128xf32>
    %select_n3A_1344 = arith.select %and3A_1340, %broadcast_in_dim3A_1343, %select_n3A_1308 : vector<104x128xi1>, vector<104x128xf32>
    %broadcast_in_dim3A_1345 = vector.shape_cast %get3A_1323 : vector<1x128xf32> to vector<1x128xf32>
    %broadcast_in_dim3A_1346 = vector.broadcast %broadcast_in_dim3A_1345 : vector<1x128xf32> to vector<104x128xf32>
    %select_n3A_1347 = arith.select %and3A_1340, %broadcast_in_dim3A_1346, %select_n3A_1311 : vector<104x128xi1>, vector<104x128xf32>
    %get3A_1348 = arith.constant 37 : index
    %get3A_1349 = arith.constant 0 : index
    %get3A_1350 = vector.load %arg2[%get3A_1348, %get3A_1349] : memref<104x128xf32, #tpu.memory_space<vmem>>, vector<1x128xf32>
    %get3A_1351 = arith.constant 37 : index
    %get3A_1352 = arith.constant 0 : index
    %get3A_1353 = vector.load %arg3[%get3A_1351, %get3A_1352] : memref<104x128xf32, #tpu.memory_space<vmem>>, vector<1x128xf32>
    %get3A_1354 = arith.constant 37 : index
    %get3A_1355 = arith.constant 0 : index
    %get3A_1356 = vector.load %arg7[%get3A_1354, %get3A_1355] : memref<104x128xf32, #tpu.memory_space<vmem>>, vector<1x128xf32>
    %get3A_1357 = arith.constant 37 : index
    %get3A_1358 = arith.constant 0 : index
    %get3A_1359 = vector.load %arg8[%get3A_1357, %get3A_1358] : memref<104x128xf32, #tpu.memory_space<vmem>>, vector<1x128xf32>
    %sub3A_1360 = vector.broadcast %get3A_1350 : vector<1x128xf32> to vector<104x128xf32>
    %sub3A_1361 = arith.subf %sub3A_1360, %get3A_1 : vector<104x128xf32>
    %sub3A_1362 = vector.broadcast %get3A_1353 : vector<1x128xf32> to vector<104x128xf32>
    %sub3A_1363 = arith.subf %sub3A_1362, %get3A_4 : vector<104x128xf32>
    %mul3A_1364 = arith.mulf %sub3A_1361, %cos3A : vector<104x128xf32>
    %mul3A_1365 = arith.mulf %sub3A_1363, %sin3A : vector<104x128xf32>
    %add3A_1366 = arith.addf %mul3A_1364, %mul3A_1365 : vector<104x128xf32>
    %mul3A_1367 = arith.mulf %sub3A_1363, %cos3A : vector<104x128xf32>
    %mul3A_1368 = arith.mulf %sub3A_1361, %sin3A : vector<104x128xf32>
    %sub3A_1369 = arith.subf %mul3A_1367, %mul3A_1368 : vector<104x128xf32>
    %abs3A_1370 = math.absf %sub3A_1369 : vector<104x128xf32>
    %mul3A_1371 = arith.constant 0.36397022 : f32
    %mul3A_1372 = vector.broadcast %mul3A_1371 : f32 to vector<104x128xf32>
    %mul3A_1373 = arith.mulf %add3A_1366, %mul3A_1372 : vector<104x128xf32>
    %lt3A_1374 = arith.cmpf olt, %abs3A_1370, %mul3A_1373 : vector<104x128xf32>
    %lt3A_1375 = arith.cmpf olt, %add3A_1366, %select_n3A_1341 : vector<104x128xf32>
    %and3A_1376 = arith.andi %lt3A_1374, %lt3A_1375 : vector<104x128xi1>
    %select_n3A_1377 = arith.select %and3A_1376, %add3A_1366, %select_n3A_1341 : vector<104x128xi1>, vector<104x128xf32>
    %broadcast_in_dim3A_1378 = vector.shape_cast %get3A_1356 : vector<1x128xf32> to vector<1x128xf32>
    %broadcast_in_dim3A_1379 = vector.broadcast %broadcast_in_dim3A_1378 : vector<1x128xf32> to vector<104x128xf32>
    %select_n3A_1380 = arith.select %and3A_1376, %broadcast_in_dim3A_1379, %select_n3A_1344 : vector<104x128xi1>, vector<104x128xf32>
    %broadcast_in_dim3A_1381 = vector.shape_cast %get3A_1359 : vector<1x128xf32> to vector<1x128xf32>
    %broadcast_in_dim3A_1382 = vector.broadcast %broadcast_in_dim3A_1381 : vector<1x128xf32> to vector<104x128xf32>
    %select_n3A_1383 = arith.select %and3A_1376, %broadcast_in_dim3A_1382, %select_n3A_1347 : vector<104x128xi1>, vector<104x128xf32>
    %get3A_1384 = arith.constant 38 : index
    %get3A_1385 = arith.constant 0 : index
    %get3A_1386 = vector.load %arg2[%get3A_1384, %get3A_1385] : memref<104x128xf32, #tpu.memory_space<vmem>>, vector<1x128xf32>
    %get3A_1387 = arith.constant 38 : index
    %get3A_1388 = arith.constant 0 : index
    %get3A_1389 = vector.load %arg3[%get3A_1387, %get3A_1388] : memref<104x128xf32, #tpu.memory_space<vmem>>, vector<1x128xf32>
    %get3A_1390 = arith.constant 38 : index
    %get3A_1391 = arith.constant 0 : index
    %get3A_1392 = vector.load %arg7[%get3A_1390, %get3A_1391] : memref<104x128xf32, #tpu.memory_space<vmem>>, vector<1x128xf32>
    %get3A_1393 = arith.constant 38 : index
    %get3A_1394 = arith.constant 0 : index
    %get3A_1395 = vector.load %arg8[%get3A_1393, %get3A_1394] : memref<104x128xf32, #tpu.memory_space<vmem>>, vector<1x128xf32>
    %sub3A_1396 = vector.broadcast %get3A_1386 : vector<1x128xf32> to vector<104x128xf32>
    %sub3A_1397 = arith.subf %sub3A_1396, %get3A_1 : vector<104x128xf32>
    %sub3A_1398 = vector.broadcast %get3A_1389 : vector<1x128xf32> to vector<104x128xf32>
    %sub3A_1399 = arith.subf %sub3A_1398, %get3A_4 : vector<104x128xf32>
    %mul3A_1400 = arith.mulf %sub3A_1397, %cos3A : vector<104x128xf32>
    %mul3A_1401 = arith.mulf %sub3A_1399, %sin3A : vector<104x128xf32>
    %add3A_1402 = arith.addf %mul3A_1400, %mul3A_1401 : vector<104x128xf32>
    %mul3A_1403 = arith.mulf %sub3A_1399, %cos3A : vector<104x128xf32>
    %mul3A_1404 = arith.mulf %sub3A_1397, %sin3A : vector<104x128xf32>
    %sub3A_1405 = arith.subf %mul3A_1403, %mul3A_1404 : vector<104x128xf32>
    %abs3A_1406 = math.absf %sub3A_1405 : vector<104x128xf32>
    %mul3A_1407 = arith.constant 0.36397022 : f32
    %mul3A_1408 = vector.broadcast %mul3A_1407 : f32 to vector<104x128xf32>
    %mul3A_1409 = arith.mulf %add3A_1402, %mul3A_1408 : vector<104x128xf32>
    %lt3A_1410 = arith.cmpf olt, %abs3A_1406, %mul3A_1409 : vector<104x128xf32>
    %lt3A_1411 = arith.cmpf olt, %add3A_1402, %select_n3A_1377 : vector<104x128xf32>
    %and3A_1412 = arith.andi %lt3A_1410, %lt3A_1411 : vector<104x128xi1>
    %select_n3A_1413 = arith.select %and3A_1412, %add3A_1402, %select_n3A_1377 : vector<104x128xi1>, vector<104x128xf32>
    %broadcast_in_dim3A_1414 = vector.shape_cast %get3A_1392 : vector<1x128xf32> to vector<1x128xf32>
    %broadcast_in_dim3A_1415 = vector.broadcast %broadcast_in_dim3A_1414 : vector<1x128xf32> to vector<104x128xf32>
    %select_n3A_1416 = arith.select %and3A_1412, %broadcast_in_dim3A_1415, %select_n3A_1380 : vector<104x128xi1>, vector<104x128xf32>
    %broadcast_in_dim3A_1417 = vector.shape_cast %get3A_1395 : vector<1x128xf32> to vector<1x128xf32>
    %broadcast_in_dim3A_1418 = vector.broadcast %broadcast_in_dim3A_1417 : vector<1x128xf32> to vector<104x128xf32>
    %select_n3A_1419 = arith.select %and3A_1412, %broadcast_in_dim3A_1418, %select_n3A_1383 : vector<104x128xi1>, vector<104x128xf32>
    %get3A_1420 = arith.constant 39 : index
    %get3A_1421 = arith.constant 0 : index
    %get3A_1422 = vector.load %arg2[%get3A_1420, %get3A_1421] : memref<104x128xf32, #tpu.memory_space<vmem>>, vector<1x128xf32>
    %get3A_1423 = arith.constant 39 : index
    %get3A_1424 = arith.constant 0 : index
    %get3A_1425 = vector.load %arg3[%get3A_1423, %get3A_1424] : memref<104x128xf32, #tpu.memory_space<vmem>>, vector<1x128xf32>
    %get3A_1426 = arith.constant 39 : index
    %get3A_1427 = arith.constant 0 : index
    %get3A_1428 = vector.load %arg7[%get3A_1426, %get3A_1427] : memref<104x128xf32, #tpu.memory_space<vmem>>, vector<1x128xf32>
    %get3A_1429 = arith.constant 39 : index
    %get3A_1430 = arith.constant 0 : index
    %get3A_1431 = vector.load %arg8[%get3A_1429, %get3A_1430] : memref<104x128xf32, #tpu.memory_space<vmem>>, vector<1x128xf32>
    %sub3A_1432 = vector.broadcast %get3A_1422 : vector<1x128xf32> to vector<104x128xf32>
    %sub3A_1433 = arith.subf %sub3A_1432, %get3A_1 : vector<104x128xf32>
    %sub3A_1434 = vector.broadcast %get3A_1425 : vector<1x128xf32> to vector<104x128xf32>
    %sub3A_1435 = arith.subf %sub3A_1434, %get3A_4 : vector<104x128xf32>
    %mul3A_1436 = arith.mulf %sub3A_1433, %cos3A : vector<104x128xf32>
    %mul3A_1437 = arith.mulf %sub3A_1435, %sin3A : vector<104x128xf32>
    %add3A_1438 = arith.addf %mul3A_1436, %mul3A_1437 : vector<104x128xf32>
    %mul3A_1439 = arith.mulf %sub3A_1435, %cos3A : vector<104x128xf32>
    %mul3A_1440 = arith.mulf %sub3A_1433, %sin3A : vector<104x128xf32>
    %sub3A_1441 = arith.subf %mul3A_1439, %mul3A_1440 : vector<104x128xf32>
    %abs3A_1442 = math.absf %sub3A_1441 : vector<104x128xf32>
    %mul3A_1443 = arith.constant 0.36397022 : f32
    %mul3A_1444 = vector.broadcast %mul3A_1443 : f32 to vector<104x128xf32>
    %mul3A_1445 = arith.mulf %add3A_1438, %mul3A_1444 : vector<104x128xf32>
    %lt3A_1446 = arith.cmpf olt, %abs3A_1442, %mul3A_1445 : vector<104x128xf32>
    %lt3A_1447 = arith.cmpf olt, %add3A_1438, %select_n3A_1413 : vector<104x128xf32>
    %and3A_1448 = arith.andi %lt3A_1446, %lt3A_1447 : vector<104x128xi1>
    %select_n3A_1449 = arith.select %and3A_1448, %add3A_1438, %select_n3A_1413 : vector<104x128xi1>, vector<104x128xf32>
    %broadcast_in_dim3A_1450 = vector.shape_cast %get3A_1428 : vector<1x128xf32> to vector<1x128xf32>
    %broadcast_in_dim3A_1451 = vector.broadcast %broadcast_in_dim3A_1450 : vector<1x128xf32> to vector<104x128xf32>
    %select_n3A_1452 = arith.select %and3A_1448, %broadcast_in_dim3A_1451, %select_n3A_1416 : vector<104x128xi1>, vector<104x128xf32>
    %broadcast_in_dim3A_1453 = vector.shape_cast %get3A_1431 : vector<1x128xf32> to vector<1x128xf32>
    %broadcast_in_dim3A_1454 = vector.broadcast %broadcast_in_dim3A_1453 : vector<1x128xf32> to vector<104x128xf32>
    %select_n3A_1455 = arith.select %and3A_1448, %broadcast_in_dim3A_1454, %select_n3A_1419 : vector<104x128xi1>, vector<104x128xf32>
    %get3A_1456 = arith.constant 40 : index
    %get3A_1457 = arith.constant 0 : index
    %get3A_1458 = vector.load %arg2[%get3A_1456, %get3A_1457] : memref<104x128xf32, #tpu.memory_space<vmem>>, vector<1x128xf32>
    %get3A_1459 = arith.constant 40 : index
    %get3A_1460 = arith.constant 0 : index
    %get3A_1461 = vector.load %arg3[%get3A_1459, %get3A_1460] : memref<104x128xf32, #tpu.memory_space<vmem>>, vector<1x128xf32>
    %get3A_1462 = arith.constant 40 : index
    %get3A_1463 = arith.constant 0 : index
    %get3A_1464 = vector.load %arg7[%get3A_1462, %get3A_1463] : memref<104x128xf32, #tpu.memory_space<vmem>>, vector<1x128xf32>
    %get3A_1465 = arith.constant 40 : index
    %get3A_1466 = arith.constant 0 : index
    %get3A_1467 = vector.load %arg8[%get3A_1465, %get3A_1466] : memref<104x128xf32, #tpu.memory_space<vmem>>, vector<1x128xf32>
    %sub3A_1468 = vector.broadcast %get3A_1458 : vector<1x128xf32> to vector<104x128xf32>
    %sub3A_1469 = arith.subf %sub3A_1468, %get3A_1 : vector<104x128xf32>
    %sub3A_1470 = vector.broadcast %get3A_1461 : vector<1x128xf32> to vector<104x128xf32>
    %sub3A_1471 = arith.subf %sub3A_1470, %get3A_4 : vector<104x128xf32>
    %mul3A_1472 = arith.mulf %sub3A_1469, %cos3A : vector<104x128xf32>
    %mul3A_1473 = arith.mulf %sub3A_1471, %sin3A : vector<104x128xf32>
    %add3A_1474 = arith.addf %mul3A_1472, %mul3A_1473 : vector<104x128xf32>
    %mul3A_1475 = arith.mulf %sub3A_1471, %cos3A : vector<104x128xf32>
    %mul3A_1476 = arith.mulf %sub3A_1469, %sin3A : vector<104x128xf32>
    %sub3A_1477 = arith.subf %mul3A_1475, %mul3A_1476 : vector<104x128xf32>
    %abs3A_1478 = math.absf %sub3A_1477 : vector<104x128xf32>
    %mul3A_1479 = arith.constant 0.36397022 : f32
    %mul3A_1480 = vector.broadcast %mul3A_1479 : f32 to vector<104x128xf32>
    %mul3A_1481 = arith.mulf %add3A_1474, %mul3A_1480 : vector<104x128xf32>
    %lt3A_1482 = arith.cmpf olt, %abs3A_1478, %mul3A_1481 : vector<104x128xf32>
    %lt3A_1483 = arith.cmpf olt, %add3A_1474, %select_n3A_1449 : vector<104x128xf32>
    %and3A_1484 = arith.andi %lt3A_1482, %lt3A_1483 : vector<104x128xi1>
    %select_n3A_1485 = arith.select %and3A_1484, %add3A_1474, %select_n3A_1449 : vector<104x128xi1>, vector<104x128xf32>
    %broadcast_in_dim3A_1486 = vector.shape_cast %get3A_1464 : vector<1x128xf32> to vector<1x128xf32>
    %broadcast_in_dim3A_1487 = vector.broadcast %broadcast_in_dim3A_1486 : vector<1x128xf32> to vector<104x128xf32>
    %select_n3A_1488 = arith.select %and3A_1484, %broadcast_in_dim3A_1487, %select_n3A_1452 : vector<104x128xi1>, vector<104x128xf32>
    %broadcast_in_dim3A_1489 = vector.shape_cast %get3A_1467 : vector<1x128xf32> to vector<1x128xf32>
    %broadcast_in_dim3A_1490 = vector.broadcast %broadcast_in_dim3A_1489 : vector<1x128xf32> to vector<104x128xf32>
    %select_n3A_1491 = arith.select %and3A_1484, %broadcast_in_dim3A_1490, %select_n3A_1455 : vector<104x128xi1>, vector<104x128xf32>
    %get3A_1492 = arith.constant 41 : index
    %get3A_1493 = arith.constant 0 : index
    %get3A_1494 = vector.load %arg2[%get3A_1492, %get3A_1493] : memref<104x128xf32, #tpu.memory_space<vmem>>, vector<1x128xf32>
    %get3A_1495 = arith.constant 41 : index
    %get3A_1496 = arith.constant 0 : index
    %get3A_1497 = vector.load %arg3[%get3A_1495, %get3A_1496] : memref<104x128xf32, #tpu.memory_space<vmem>>, vector<1x128xf32>
    %get3A_1498 = arith.constant 41 : index
    %get3A_1499 = arith.constant 0 : index
    %get3A_1500 = vector.load %arg7[%get3A_1498, %get3A_1499] : memref<104x128xf32, #tpu.memory_space<vmem>>, vector<1x128xf32>
    %get3A_1501 = arith.constant 41 : index
    %get3A_1502 = arith.constant 0 : index
    %get3A_1503 = vector.load %arg8[%get3A_1501, %get3A_1502] : memref<104x128xf32, #tpu.memory_space<vmem>>, vector<1x128xf32>
    %sub3A_1504 = vector.broadcast %get3A_1494 : vector<1x128xf32> to vector<104x128xf32>
    %sub3A_1505 = arith.subf %sub3A_1504, %get3A_1 : vector<104x128xf32>
    %sub3A_1506 = vector.broadcast %get3A_1497 : vector<1x128xf32> to vector<104x128xf32>
    %sub3A_1507 = arith.subf %sub3A_1506, %get3A_4 : vector<104x128xf32>
    %mul3A_1508 = arith.mulf %sub3A_1505, %cos3A : vector<104x128xf32>
    %mul3A_1509 = arith.mulf %sub3A_1507, %sin3A : vector<104x128xf32>
    %add3A_1510 = arith.addf %mul3A_1508, %mul3A_1509 : vector<104x128xf32>
    %mul3A_1511 = arith.mulf %sub3A_1507, %cos3A : vector<104x128xf32>
    %mul3A_1512 = arith.mulf %sub3A_1505, %sin3A : vector<104x128xf32>
    %sub3A_1513 = arith.subf %mul3A_1511, %mul3A_1512 : vector<104x128xf32>
    %abs3A_1514 = math.absf %sub3A_1513 : vector<104x128xf32>
    %mul3A_1515 = arith.constant 0.36397022 : f32
    %mul3A_1516 = vector.broadcast %mul3A_1515 : f32 to vector<104x128xf32>
    %mul3A_1517 = arith.mulf %add3A_1510, %mul3A_1516 : vector<104x128xf32>
    %lt3A_1518 = arith.cmpf olt, %abs3A_1514, %mul3A_1517 : vector<104x128xf32>
    %lt3A_1519 = arith.cmpf olt, %add3A_1510, %select_n3A_1485 : vector<104x128xf32>
    %and3A_1520 = arith.andi %lt3A_1518, %lt3A_1519 : vector<104x128xi1>
    %select_n3A_1521 = arith.select %and3A_1520, %add3A_1510, %select_n3A_1485 : vector<104x128xi1>, vector<104x128xf32>
    %broadcast_in_dim3A_1522 = vector.shape_cast %get3A_1500 : vector<1x128xf32> to vector<1x128xf32>
    %broadcast_in_dim3A_1523 = vector.broadcast %broadcast_in_dim3A_1522 : vector<1x128xf32> to vector<104x128xf32>
    %select_n3A_1524 = arith.select %and3A_1520, %broadcast_in_dim3A_1523, %select_n3A_1488 : vector<104x128xi1>, vector<104x128xf32>
    %broadcast_in_dim3A_1525 = vector.shape_cast %get3A_1503 : vector<1x128xf32> to vector<1x128xf32>
    %broadcast_in_dim3A_1526 = vector.broadcast %broadcast_in_dim3A_1525 : vector<1x128xf32> to vector<104x128xf32>
    %select_n3A_1527 = arith.select %and3A_1520, %broadcast_in_dim3A_1526, %select_n3A_1491 : vector<104x128xi1>, vector<104x128xf32>
    %get3A_1528 = arith.constant 42 : index
    %get3A_1529 = arith.constant 0 : index
    %get3A_1530 = vector.load %arg2[%get3A_1528, %get3A_1529] : memref<104x128xf32, #tpu.memory_space<vmem>>, vector<1x128xf32>
    %get3A_1531 = arith.constant 42 : index
    %get3A_1532 = arith.constant 0 : index
    %get3A_1533 = vector.load %arg3[%get3A_1531, %get3A_1532] : memref<104x128xf32, #tpu.memory_space<vmem>>, vector<1x128xf32>
    %get3A_1534 = arith.constant 42 : index
    %get3A_1535 = arith.constant 0 : index
    %get3A_1536 = vector.load %arg7[%get3A_1534, %get3A_1535] : memref<104x128xf32, #tpu.memory_space<vmem>>, vector<1x128xf32>
    %get3A_1537 = arith.constant 42 : index
    %get3A_1538 = arith.constant 0 : index
    %get3A_1539 = vector.load %arg8[%get3A_1537, %get3A_1538] : memref<104x128xf32, #tpu.memory_space<vmem>>, vector<1x128xf32>
    %sub3A_1540 = vector.broadcast %get3A_1530 : vector<1x128xf32> to vector<104x128xf32>
    %sub3A_1541 = arith.subf %sub3A_1540, %get3A_1 : vector<104x128xf32>
    %sub3A_1542 = vector.broadcast %get3A_1533 : vector<1x128xf32> to vector<104x128xf32>
    %sub3A_1543 = arith.subf %sub3A_1542, %get3A_4 : vector<104x128xf32>
    %mul3A_1544 = arith.mulf %sub3A_1541, %cos3A : vector<104x128xf32>
    %mul3A_1545 = arith.mulf %sub3A_1543, %sin3A : vector<104x128xf32>
    %add3A_1546 = arith.addf %mul3A_1544, %mul3A_1545 : vector<104x128xf32>
    %mul3A_1547 = arith.mulf %sub3A_1543, %cos3A : vector<104x128xf32>
    %mul3A_1548 = arith.mulf %sub3A_1541, %sin3A : vector<104x128xf32>
    %sub3A_1549 = arith.subf %mul3A_1547, %mul3A_1548 : vector<104x128xf32>
    %abs3A_1550 = math.absf %sub3A_1549 : vector<104x128xf32>
    %mul3A_1551 = arith.constant 0.36397022 : f32
    %mul3A_1552 = vector.broadcast %mul3A_1551 : f32 to vector<104x128xf32>
    %mul3A_1553 = arith.mulf %add3A_1546, %mul3A_1552 : vector<104x128xf32>
    %lt3A_1554 = arith.cmpf olt, %abs3A_1550, %mul3A_1553 : vector<104x128xf32>
    %lt3A_1555 = arith.cmpf olt, %add3A_1546, %select_n3A_1521 : vector<104x128xf32>
    %and3A_1556 = arith.andi %lt3A_1554, %lt3A_1555 : vector<104x128xi1>
    %select_n3A_1557 = arith.select %and3A_1556, %add3A_1546, %select_n3A_1521 : vector<104x128xi1>, vector<104x128xf32>
    %broadcast_in_dim3A_1558 = vector.shape_cast %get3A_1536 : vector<1x128xf32> to vector<1x128xf32>
    %broadcast_in_dim3A_1559 = vector.broadcast %broadcast_in_dim3A_1558 : vector<1x128xf32> to vector<104x128xf32>
    %select_n3A_1560 = arith.select %and3A_1556, %broadcast_in_dim3A_1559, %select_n3A_1524 : vector<104x128xi1>, vector<104x128xf32>
    %broadcast_in_dim3A_1561 = vector.shape_cast %get3A_1539 : vector<1x128xf32> to vector<1x128xf32>
    %broadcast_in_dim3A_1562 = vector.broadcast %broadcast_in_dim3A_1561 : vector<1x128xf32> to vector<104x128xf32>
    %select_n3A_1563 = arith.select %and3A_1556, %broadcast_in_dim3A_1562, %select_n3A_1527 : vector<104x128xi1>, vector<104x128xf32>
    %get3A_1564 = arith.constant 43 : index
    %get3A_1565 = arith.constant 0 : index
    %get3A_1566 = vector.load %arg2[%get3A_1564, %get3A_1565] : memref<104x128xf32, #tpu.memory_space<vmem>>, vector<1x128xf32>
    %get3A_1567 = arith.constant 43 : index
    %get3A_1568 = arith.constant 0 : index
    %get3A_1569 = vector.load %arg3[%get3A_1567, %get3A_1568] : memref<104x128xf32, #tpu.memory_space<vmem>>, vector<1x128xf32>
    %get3A_1570 = arith.constant 43 : index
    %get3A_1571 = arith.constant 0 : index
    %get3A_1572 = vector.load %arg7[%get3A_1570, %get3A_1571] : memref<104x128xf32, #tpu.memory_space<vmem>>, vector<1x128xf32>
    %get3A_1573 = arith.constant 43 : index
    %get3A_1574 = arith.constant 0 : index
    %get3A_1575 = vector.load %arg8[%get3A_1573, %get3A_1574] : memref<104x128xf32, #tpu.memory_space<vmem>>, vector<1x128xf32>
    %sub3A_1576 = vector.broadcast %get3A_1566 : vector<1x128xf32> to vector<104x128xf32>
    %sub3A_1577 = arith.subf %sub3A_1576, %get3A_1 : vector<104x128xf32>
    %sub3A_1578 = vector.broadcast %get3A_1569 : vector<1x128xf32> to vector<104x128xf32>
    %sub3A_1579 = arith.subf %sub3A_1578, %get3A_4 : vector<104x128xf32>
    %mul3A_1580 = arith.mulf %sub3A_1577, %cos3A : vector<104x128xf32>
    %mul3A_1581 = arith.mulf %sub3A_1579, %sin3A : vector<104x128xf32>
    %add3A_1582 = arith.addf %mul3A_1580, %mul3A_1581 : vector<104x128xf32>
    %mul3A_1583 = arith.mulf %sub3A_1579, %cos3A : vector<104x128xf32>
    %mul3A_1584 = arith.mulf %sub3A_1577, %sin3A : vector<104x128xf32>
    %sub3A_1585 = arith.subf %mul3A_1583, %mul3A_1584 : vector<104x128xf32>
    %abs3A_1586 = math.absf %sub3A_1585 : vector<104x128xf32>
    %mul3A_1587 = arith.constant 0.36397022 : f32
    %mul3A_1588 = vector.broadcast %mul3A_1587 : f32 to vector<104x128xf32>
    %mul3A_1589 = arith.mulf %add3A_1582, %mul3A_1588 : vector<104x128xf32>
    %lt3A_1590 = arith.cmpf olt, %abs3A_1586, %mul3A_1589 : vector<104x128xf32>
    %lt3A_1591 = arith.cmpf olt, %add3A_1582, %select_n3A_1557 : vector<104x128xf32>
    %and3A_1592 = arith.andi %lt3A_1590, %lt3A_1591 : vector<104x128xi1>
    %select_n3A_1593 = arith.select %and3A_1592, %add3A_1582, %select_n3A_1557 : vector<104x128xi1>, vector<104x128xf32>
    %broadcast_in_dim3A_1594 = vector.shape_cast %get3A_1572 : vector<1x128xf32> to vector<1x128xf32>
    %broadcast_in_dim3A_1595 = vector.broadcast %broadcast_in_dim3A_1594 : vector<1x128xf32> to vector<104x128xf32>
    %select_n3A_1596 = arith.select %and3A_1592, %broadcast_in_dim3A_1595, %select_n3A_1560 : vector<104x128xi1>, vector<104x128xf32>
    %broadcast_in_dim3A_1597 = vector.shape_cast %get3A_1575 : vector<1x128xf32> to vector<1x128xf32>
    %broadcast_in_dim3A_1598 = vector.broadcast %broadcast_in_dim3A_1597 : vector<1x128xf32> to vector<104x128xf32>
    %select_n3A_1599 = arith.select %and3A_1592, %broadcast_in_dim3A_1598, %select_n3A_1563 : vector<104x128xi1>, vector<104x128xf32>
    %get3A_1600 = arith.constant 44 : index
    %get3A_1601 = arith.constant 0 : index
    %get3A_1602 = vector.load %arg2[%get3A_1600, %get3A_1601] : memref<104x128xf32, #tpu.memory_space<vmem>>, vector<1x128xf32>
    %get3A_1603 = arith.constant 44 : index
    %get3A_1604 = arith.constant 0 : index
    %get3A_1605 = vector.load %arg3[%get3A_1603, %get3A_1604] : memref<104x128xf32, #tpu.memory_space<vmem>>, vector<1x128xf32>
    %get3A_1606 = arith.constant 44 : index
    %get3A_1607 = arith.constant 0 : index
    %get3A_1608 = vector.load %arg7[%get3A_1606, %get3A_1607] : memref<104x128xf32, #tpu.memory_space<vmem>>, vector<1x128xf32>
    %get3A_1609 = arith.constant 44 : index
    %get3A_1610 = arith.constant 0 : index
    %get3A_1611 = vector.load %arg8[%get3A_1609, %get3A_1610] : memref<104x128xf32, #tpu.memory_space<vmem>>, vector<1x128xf32>
    %sub3A_1612 = vector.broadcast %get3A_1602 : vector<1x128xf32> to vector<104x128xf32>
    %sub3A_1613 = arith.subf %sub3A_1612, %get3A_1 : vector<104x128xf32>
    %sub3A_1614 = vector.broadcast %get3A_1605 : vector<1x128xf32> to vector<104x128xf32>
    %sub3A_1615 = arith.subf %sub3A_1614, %get3A_4 : vector<104x128xf32>
    %mul3A_1616 = arith.mulf %sub3A_1613, %cos3A : vector<104x128xf32>
    %mul3A_1617 = arith.mulf %sub3A_1615, %sin3A : vector<104x128xf32>
    %add3A_1618 = arith.addf %mul3A_1616, %mul3A_1617 : vector<104x128xf32>
    %mul3A_1619 = arith.mulf %sub3A_1615, %cos3A : vector<104x128xf32>
    %mul3A_1620 = arith.mulf %sub3A_1613, %sin3A : vector<104x128xf32>
    %sub3A_1621 = arith.subf %mul3A_1619, %mul3A_1620 : vector<104x128xf32>
    %abs3A_1622 = math.absf %sub3A_1621 : vector<104x128xf32>
    %mul3A_1623 = arith.constant 0.36397022 : f32
    %mul3A_1624 = vector.broadcast %mul3A_1623 : f32 to vector<104x128xf32>
    %mul3A_1625 = arith.mulf %add3A_1618, %mul3A_1624 : vector<104x128xf32>
    %lt3A_1626 = arith.cmpf olt, %abs3A_1622, %mul3A_1625 : vector<104x128xf32>
    %lt3A_1627 = arith.cmpf olt, %add3A_1618, %select_n3A_1593 : vector<104x128xf32>
    %and3A_1628 = arith.andi %lt3A_1626, %lt3A_1627 : vector<104x128xi1>
    %select_n3A_1629 = arith.select %and3A_1628, %add3A_1618, %select_n3A_1593 : vector<104x128xi1>, vector<104x128xf32>
    %broadcast_in_dim3A_1630 = vector.shape_cast %get3A_1608 : vector<1x128xf32> to vector<1x128xf32>
    %broadcast_in_dim3A_1631 = vector.broadcast %broadcast_in_dim3A_1630 : vector<1x128xf32> to vector<104x128xf32>
    %select_n3A_1632 = arith.select %and3A_1628, %broadcast_in_dim3A_1631, %select_n3A_1596 : vector<104x128xi1>, vector<104x128xf32>
    %broadcast_in_dim3A_1633 = vector.shape_cast %get3A_1611 : vector<1x128xf32> to vector<1x128xf32>
    %broadcast_in_dim3A_1634 = vector.broadcast %broadcast_in_dim3A_1633 : vector<1x128xf32> to vector<104x128xf32>
    %select_n3A_1635 = arith.select %and3A_1628, %broadcast_in_dim3A_1634, %select_n3A_1599 : vector<104x128xi1>, vector<104x128xf32>
    %get3A_1636 = arith.constant 45 : index
    %get3A_1637 = arith.constant 0 : index
    %get3A_1638 = vector.load %arg2[%get3A_1636, %get3A_1637] : memref<104x128xf32, #tpu.memory_space<vmem>>, vector<1x128xf32>
    %get3A_1639 = arith.constant 45 : index
    %get3A_1640 = arith.constant 0 : index
    %get3A_1641 = vector.load %arg3[%get3A_1639, %get3A_1640] : memref<104x128xf32, #tpu.memory_space<vmem>>, vector<1x128xf32>
    %get3A_1642 = arith.constant 45 : index
    %get3A_1643 = arith.constant 0 : index
    %get3A_1644 = vector.load %arg7[%get3A_1642, %get3A_1643] : memref<104x128xf32, #tpu.memory_space<vmem>>, vector<1x128xf32>
    %get3A_1645 = arith.constant 45 : index
    %get3A_1646 = arith.constant 0 : index
    %get3A_1647 = vector.load %arg8[%get3A_1645, %get3A_1646] : memref<104x128xf32, #tpu.memory_space<vmem>>, vector<1x128xf32>
    %sub3A_1648 = vector.broadcast %get3A_1638 : vector<1x128xf32> to vector<104x128xf32>
    %sub3A_1649 = arith.subf %sub3A_1648, %get3A_1 : vector<104x128xf32>
    %sub3A_1650 = vector.broadcast %get3A_1641 : vector<1x128xf32> to vector<104x128xf32>
    %sub3A_1651 = arith.subf %sub3A_1650, %get3A_4 : vector<104x128xf32>
    %mul3A_1652 = arith.mulf %sub3A_1649, %cos3A : vector<104x128xf32>
    %mul3A_1653 = arith.mulf %sub3A_1651, %sin3A : vector<104x128xf32>
    %add3A_1654 = arith.addf %mul3A_1652, %mul3A_1653 : vector<104x128xf32>
    %mul3A_1655 = arith.mulf %sub3A_1651, %cos3A : vector<104x128xf32>
    %mul3A_1656 = arith.mulf %sub3A_1649, %sin3A : vector<104x128xf32>
    %sub3A_1657 = arith.subf %mul3A_1655, %mul3A_1656 : vector<104x128xf32>
    %abs3A_1658 = math.absf %sub3A_1657 : vector<104x128xf32>
    %mul3A_1659 = arith.constant 0.36397022 : f32
    %mul3A_1660 = vector.broadcast %mul3A_1659 : f32 to vector<104x128xf32>
    %mul3A_1661 = arith.mulf %add3A_1654, %mul3A_1660 : vector<104x128xf32>
    %lt3A_1662 = arith.cmpf olt, %abs3A_1658, %mul3A_1661 : vector<104x128xf32>
    %lt3A_1663 = arith.cmpf olt, %add3A_1654, %select_n3A_1629 : vector<104x128xf32>
    %and3A_1664 = arith.andi %lt3A_1662, %lt3A_1663 : vector<104x128xi1>
    %select_n3A_1665 = arith.select %and3A_1664, %add3A_1654, %select_n3A_1629 : vector<104x128xi1>, vector<104x128xf32>
    %broadcast_in_dim3A_1666 = vector.shape_cast %get3A_1644 : vector<1x128xf32> to vector<1x128xf32>
    %broadcast_in_dim3A_1667 = vector.broadcast %broadcast_in_dim3A_1666 : vector<1x128xf32> to vector<104x128xf32>
    %select_n3A_1668 = arith.select %and3A_1664, %broadcast_in_dim3A_1667, %select_n3A_1632 : vector<104x128xi1>, vector<104x128xf32>
    %broadcast_in_dim3A_1669 = vector.shape_cast %get3A_1647 : vector<1x128xf32> to vector<1x128xf32>
    %broadcast_in_dim3A_1670 = vector.broadcast %broadcast_in_dim3A_1669 : vector<1x128xf32> to vector<104x128xf32>
    %select_n3A_1671 = arith.select %and3A_1664, %broadcast_in_dim3A_1670, %select_n3A_1635 : vector<104x128xi1>, vector<104x128xf32>
    %get3A_1672 = arith.constant 46 : index
    %get3A_1673 = arith.constant 0 : index
    %get3A_1674 = vector.load %arg2[%get3A_1672, %get3A_1673] : memref<104x128xf32, #tpu.memory_space<vmem>>, vector<1x128xf32>
    %get3A_1675 = arith.constant 46 : index
    %get3A_1676 = arith.constant 0 : index
    %get3A_1677 = vector.load %arg3[%get3A_1675, %get3A_1676] : memref<104x128xf32, #tpu.memory_space<vmem>>, vector<1x128xf32>
    %get3A_1678 = arith.constant 46 : index
    %get3A_1679 = arith.constant 0 : index
    %get3A_1680 = vector.load %arg7[%get3A_1678, %get3A_1679] : memref<104x128xf32, #tpu.memory_space<vmem>>, vector<1x128xf32>
    %get3A_1681 = arith.constant 46 : index
    %get3A_1682 = arith.constant 0 : index
    %get3A_1683 = vector.load %arg8[%get3A_1681, %get3A_1682] : memref<104x128xf32, #tpu.memory_space<vmem>>, vector<1x128xf32>
    %sub3A_1684 = vector.broadcast %get3A_1674 : vector<1x128xf32> to vector<104x128xf32>
    %sub3A_1685 = arith.subf %sub3A_1684, %get3A_1 : vector<104x128xf32>
    %sub3A_1686 = vector.broadcast %get3A_1677 : vector<1x128xf32> to vector<104x128xf32>
    %sub3A_1687 = arith.subf %sub3A_1686, %get3A_4 : vector<104x128xf32>
    %mul3A_1688 = arith.mulf %sub3A_1685, %cos3A : vector<104x128xf32>
    %mul3A_1689 = arith.mulf %sub3A_1687, %sin3A : vector<104x128xf32>
    %add3A_1690 = arith.addf %mul3A_1688, %mul3A_1689 : vector<104x128xf32>
    %mul3A_1691 = arith.mulf %sub3A_1687, %cos3A : vector<104x128xf32>
    %mul3A_1692 = arith.mulf %sub3A_1685, %sin3A : vector<104x128xf32>
    %sub3A_1693 = arith.subf %mul3A_1691, %mul3A_1692 : vector<104x128xf32>
    %abs3A_1694 = math.absf %sub3A_1693 : vector<104x128xf32>
    %mul3A_1695 = arith.constant 0.36397022 : f32
    %mul3A_1696 = vector.broadcast %mul3A_1695 : f32 to vector<104x128xf32>
    %mul3A_1697 = arith.mulf %add3A_1690, %mul3A_1696 : vector<104x128xf32>
    %lt3A_1698 = arith.cmpf olt, %abs3A_1694, %mul3A_1697 : vector<104x128xf32>
    %lt3A_1699 = arith.cmpf olt, %add3A_1690, %select_n3A_1665 : vector<104x128xf32>
    %and3A_1700 = arith.andi %lt3A_1698, %lt3A_1699 : vector<104x128xi1>
    %select_n3A_1701 = arith.select %and3A_1700, %add3A_1690, %select_n3A_1665 : vector<104x128xi1>, vector<104x128xf32>
    %broadcast_in_dim3A_1702 = vector.shape_cast %get3A_1680 : vector<1x128xf32> to vector<1x128xf32>
    %broadcast_in_dim3A_1703 = vector.broadcast %broadcast_in_dim3A_1702 : vector<1x128xf32> to vector<104x128xf32>
    %select_n3A_1704 = arith.select %and3A_1700, %broadcast_in_dim3A_1703, %select_n3A_1668 : vector<104x128xi1>, vector<104x128xf32>
    %broadcast_in_dim3A_1705 = vector.shape_cast %get3A_1683 : vector<1x128xf32> to vector<1x128xf32>
    %broadcast_in_dim3A_1706 = vector.broadcast %broadcast_in_dim3A_1705 : vector<1x128xf32> to vector<104x128xf32>
    %select_n3A_1707 = arith.select %and3A_1700, %broadcast_in_dim3A_1706, %select_n3A_1671 : vector<104x128xi1>, vector<104x128xf32>
    %get3A_1708 = arith.constant 47 : index
    %get3A_1709 = arith.constant 0 : index
    %get3A_1710 = vector.load %arg2[%get3A_1708, %get3A_1709] : memref<104x128xf32, #tpu.memory_space<vmem>>, vector<1x128xf32>
    %get3A_1711 = arith.constant 47 : index
    %get3A_1712 = arith.constant 0 : index
    %get3A_1713 = vector.load %arg3[%get3A_1711, %get3A_1712] : memref<104x128xf32, #tpu.memory_space<vmem>>, vector<1x128xf32>
    %get3A_1714 = arith.constant 47 : index
    %get3A_1715 = arith.constant 0 : index
    %get3A_1716 = vector.load %arg7[%get3A_1714, %get3A_1715] : memref<104x128xf32, #tpu.memory_space<vmem>>, vector<1x128xf32>
    %get3A_1717 = arith.constant 47 : index
    %get3A_1718 = arith.constant 0 : index
    %get3A_1719 = vector.load %arg8[%get3A_1717, %get3A_1718] : memref<104x128xf32, #tpu.memory_space<vmem>>, vector<1x128xf32>
    %sub3A_1720 = vector.broadcast %get3A_1710 : vector<1x128xf32> to vector<104x128xf32>
    %sub3A_1721 = arith.subf %sub3A_1720, %get3A_1 : vector<104x128xf32>
    %sub3A_1722 = vector.broadcast %get3A_1713 : vector<1x128xf32> to vector<104x128xf32>
    %sub3A_1723 = arith.subf %sub3A_1722, %get3A_4 : vector<104x128xf32>
    %mul3A_1724 = arith.mulf %sub3A_1721, %cos3A : vector<104x128xf32>
    %mul3A_1725 = arith.mulf %sub3A_1723, %sin3A : vector<104x128xf32>
    %add3A_1726 = arith.addf %mul3A_1724, %mul3A_1725 : vector<104x128xf32>
    %mul3A_1727 = arith.mulf %sub3A_1723, %cos3A : vector<104x128xf32>
    %mul3A_1728 = arith.mulf %sub3A_1721, %sin3A : vector<104x128xf32>
    %sub3A_1729 = arith.subf %mul3A_1727, %mul3A_1728 : vector<104x128xf32>
    %abs3A_1730 = math.absf %sub3A_1729 : vector<104x128xf32>
    %mul3A_1731 = arith.constant 0.36397022 : f32
    %mul3A_1732 = vector.broadcast %mul3A_1731 : f32 to vector<104x128xf32>
    %mul3A_1733 = arith.mulf %add3A_1726, %mul3A_1732 : vector<104x128xf32>
    %lt3A_1734 = arith.cmpf olt, %abs3A_1730, %mul3A_1733 : vector<104x128xf32>
    %lt3A_1735 = arith.cmpf olt, %add3A_1726, %select_n3A_1701 : vector<104x128xf32>
    %and3A_1736 = arith.andi %lt3A_1734, %lt3A_1735 : vector<104x128xi1>
    %select_n3A_1737 = arith.select %and3A_1736, %add3A_1726, %select_n3A_1701 : vector<104x128xi1>, vector<104x128xf32>
    %broadcast_in_dim3A_1738 = vector.shape_cast %get3A_1716 : vector<1x128xf32> to vector<1x128xf32>
    %broadcast_in_dim3A_1739 = vector.broadcast %broadcast_in_dim3A_1738 : vector<1x128xf32> to vector<104x128xf32>
    %select_n3A_1740 = arith.select %and3A_1736, %broadcast_in_dim3A_1739, %select_n3A_1704 : vector<104x128xi1>, vector<104x128xf32>
    %broadcast_in_dim3A_1741 = vector.shape_cast %get3A_1719 : vector<1x128xf32> to vector<1x128xf32>
    %broadcast_in_dim3A_1742 = vector.broadcast %broadcast_in_dim3A_1741 : vector<1x128xf32> to vector<104x128xf32>
    %select_n3A_1743 = arith.select %and3A_1736, %broadcast_in_dim3A_1742, %select_n3A_1707 : vector<104x128xi1>, vector<104x128xf32>
    %get3A_1744 = arith.constant 48 : index
    %get3A_1745 = arith.constant 0 : index
    %get3A_1746 = vector.load %arg2[%get3A_1744, %get3A_1745] : memref<104x128xf32, #tpu.memory_space<vmem>>, vector<1x128xf32>
    %get3A_1747 = arith.constant 48 : index
    %get3A_1748 = arith.constant 0 : index
    %get3A_1749 = vector.load %arg3[%get3A_1747, %get3A_1748] : memref<104x128xf32, #tpu.memory_space<vmem>>, vector<1x128xf32>
    %get3A_1750 = arith.constant 48 : index
    %get3A_1751 = arith.constant 0 : index
    %get3A_1752 = vector.load %arg7[%get3A_1750, %get3A_1751] : memref<104x128xf32, #tpu.memory_space<vmem>>, vector<1x128xf32>
    %get3A_1753 = arith.constant 48 : index
    %get3A_1754 = arith.constant 0 : index
    %get3A_1755 = vector.load %arg8[%get3A_1753, %get3A_1754] : memref<104x128xf32, #tpu.memory_space<vmem>>, vector<1x128xf32>
    %sub3A_1756 = vector.broadcast %get3A_1746 : vector<1x128xf32> to vector<104x128xf32>
    %sub3A_1757 = arith.subf %sub3A_1756, %get3A_1 : vector<104x128xf32>
    %sub3A_1758 = vector.broadcast %get3A_1749 : vector<1x128xf32> to vector<104x128xf32>
    %sub3A_1759 = arith.subf %sub3A_1758, %get3A_4 : vector<104x128xf32>
    %mul3A_1760 = arith.mulf %sub3A_1757, %cos3A : vector<104x128xf32>
    %mul3A_1761 = arith.mulf %sub3A_1759, %sin3A : vector<104x128xf32>
    %add3A_1762 = arith.addf %mul3A_1760, %mul3A_1761 : vector<104x128xf32>
    %mul3A_1763 = arith.mulf %sub3A_1759, %cos3A : vector<104x128xf32>
    %mul3A_1764 = arith.mulf %sub3A_1757, %sin3A : vector<104x128xf32>
    %sub3A_1765 = arith.subf %mul3A_1763, %mul3A_1764 : vector<104x128xf32>
    %abs3A_1766 = math.absf %sub3A_1765 : vector<104x128xf32>
    %mul3A_1767 = arith.constant 0.36397022 : f32
    %mul3A_1768 = vector.broadcast %mul3A_1767 : f32 to vector<104x128xf32>
    %mul3A_1769 = arith.mulf %add3A_1762, %mul3A_1768 : vector<104x128xf32>
    %lt3A_1770 = arith.cmpf olt, %abs3A_1766, %mul3A_1769 : vector<104x128xf32>
    %lt3A_1771 = arith.cmpf olt, %add3A_1762, %select_n3A_1737 : vector<104x128xf32>
    %and3A_1772 = arith.andi %lt3A_1770, %lt3A_1771 : vector<104x128xi1>
    %select_n3A_1773 = arith.select %and3A_1772, %add3A_1762, %select_n3A_1737 : vector<104x128xi1>, vector<104x128xf32>
    %broadcast_in_dim3A_1774 = vector.shape_cast %get3A_1752 : vector<1x128xf32> to vector<1x128xf32>
    %broadcast_in_dim3A_1775 = vector.broadcast %broadcast_in_dim3A_1774 : vector<1x128xf32> to vector<104x128xf32>
    %select_n3A_1776 = arith.select %and3A_1772, %broadcast_in_dim3A_1775, %select_n3A_1740 : vector<104x128xi1>, vector<104x128xf32>
    %broadcast_in_dim3A_1777 = vector.shape_cast %get3A_1755 : vector<1x128xf32> to vector<1x128xf32>
    %broadcast_in_dim3A_1778 = vector.broadcast %broadcast_in_dim3A_1777 : vector<1x128xf32> to vector<104x128xf32>
    %select_n3A_1779 = arith.select %and3A_1772, %broadcast_in_dim3A_1778, %select_n3A_1743 : vector<104x128xi1>, vector<104x128xf32>
    %get3A_1780 = arith.constant 49 : index
    %get3A_1781 = arith.constant 0 : index
    %get3A_1782 = vector.load %arg2[%get3A_1780, %get3A_1781] : memref<104x128xf32, #tpu.memory_space<vmem>>, vector<1x128xf32>
    %get3A_1783 = arith.constant 49 : index
    %get3A_1784 = arith.constant 0 : index
    %get3A_1785 = vector.load %arg3[%get3A_1783, %get3A_1784] : memref<104x128xf32, #tpu.memory_space<vmem>>, vector<1x128xf32>
    %get3A_1786 = arith.constant 49 : index
    %get3A_1787 = arith.constant 0 : index
    %get3A_1788 = vector.load %arg7[%get3A_1786, %get3A_1787] : memref<104x128xf32, #tpu.memory_space<vmem>>, vector<1x128xf32>
    %get3A_1789 = arith.constant 49 : index
    %get3A_1790 = arith.constant 0 : index
    %get3A_1791 = vector.load %arg8[%get3A_1789, %get3A_1790] : memref<104x128xf32, #tpu.memory_space<vmem>>, vector<1x128xf32>
    %sub3A_1792 = vector.broadcast %get3A_1782 : vector<1x128xf32> to vector<104x128xf32>
    %sub3A_1793 = arith.subf %sub3A_1792, %get3A_1 : vector<104x128xf32>
    %sub3A_1794 = vector.broadcast %get3A_1785 : vector<1x128xf32> to vector<104x128xf32>
    %sub3A_1795 = arith.subf %sub3A_1794, %get3A_4 : vector<104x128xf32>
    %mul3A_1796 = arith.mulf %sub3A_1793, %cos3A : vector<104x128xf32>
    %mul3A_1797 = arith.mulf %sub3A_1795, %sin3A : vector<104x128xf32>
    %add3A_1798 = arith.addf %mul3A_1796, %mul3A_1797 : vector<104x128xf32>
    %mul3A_1799 = arith.mulf %sub3A_1795, %cos3A : vector<104x128xf32>
    %mul3A_1800 = arith.mulf %sub3A_1793, %sin3A : vector<104x128xf32>
    %sub3A_1801 = arith.subf %mul3A_1799, %mul3A_1800 : vector<104x128xf32>
    %abs3A_1802 = math.absf %sub3A_1801 : vector<104x128xf32>
    %mul3A_1803 = arith.constant 0.36397022 : f32
    %mul3A_1804 = vector.broadcast %mul3A_1803 : f32 to vector<104x128xf32>
    %mul3A_1805 = arith.mulf %add3A_1798, %mul3A_1804 : vector<104x128xf32>
    %lt3A_1806 = arith.cmpf olt, %abs3A_1802, %mul3A_1805 : vector<104x128xf32>
    %lt3A_1807 = arith.cmpf olt, %add3A_1798, %select_n3A_1773 : vector<104x128xf32>
    %and3A_1808 = arith.andi %lt3A_1806, %lt3A_1807 : vector<104x128xi1>
    %select_n3A_1809 = arith.select %and3A_1808, %add3A_1798, %select_n3A_1773 : vector<104x128xi1>, vector<104x128xf32>
    %broadcast_in_dim3A_1810 = vector.shape_cast %get3A_1788 : vector<1x128xf32> to vector<1x128xf32>
    %broadcast_in_dim3A_1811 = vector.broadcast %broadcast_in_dim3A_1810 : vector<1x128xf32> to vector<104x128xf32>
    %select_n3A_1812 = arith.select %and3A_1808, %broadcast_in_dim3A_1811, %select_n3A_1776 : vector<104x128xi1>, vector<104x128xf32>
    %broadcast_in_dim3A_1813 = vector.shape_cast %get3A_1791 : vector<1x128xf32> to vector<1x128xf32>
    %broadcast_in_dim3A_1814 = vector.broadcast %broadcast_in_dim3A_1813 : vector<1x128xf32> to vector<104x128xf32>
    %select_n3A_1815 = arith.select %and3A_1808, %broadcast_in_dim3A_1814, %select_n3A_1779 : vector<104x128xi1>, vector<104x128xf32>
    %get3A_1816 = arith.constant 50 : index
    %get3A_1817 = arith.constant 0 : index
    %get3A_1818 = vector.load %arg2[%get3A_1816, %get3A_1817] : memref<104x128xf32, #tpu.memory_space<vmem>>, vector<1x128xf32>
    %get3A_1819 = arith.constant 50 : index
    %get3A_1820 = arith.constant 0 : index
    %get3A_1821 = vector.load %arg3[%get3A_1819, %get3A_1820] : memref<104x128xf32, #tpu.memory_space<vmem>>, vector<1x128xf32>
    %get3A_1822 = arith.constant 50 : index
    %get3A_1823 = arith.constant 0 : index
    %get3A_1824 = vector.load %arg7[%get3A_1822, %get3A_1823] : memref<104x128xf32, #tpu.memory_space<vmem>>, vector<1x128xf32>
    %get3A_1825 = arith.constant 50 : index
    %get3A_1826 = arith.constant 0 : index
    %get3A_1827 = vector.load %arg8[%get3A_1825, %get3A_1826] : memref<104x128xf32, #tpu.memory_space<vmem>>, vector<1x128xf32>
    %sub3A_1828 = vector.broadcast %get3A_1818 : vector<1x128xf32> to vector<104x128xf32>
    %sub3A_1829 = arith.subf %sub3A_1828, %get3A_1 : vector<104x128xf32>
    %sub3A_1830 = vector.broadcast %get3A_1821 : vector<1x128xf32> to vector<104x128xf32>
    %sub3A_1831 = arith.subf %sub3A_1830, %get3A_4 : vector<104x128xf32>
    %mul3A_1832 = arith.mulf %sub3A_1829, %cos3A : vector<104x128xf32>
    %mul3A_1833 = arith.mulf %sub3A_1831, %sin3A : vector<104x128xf32>
    %add3A_1834 = arith.addf %mul3A_1832, %mul3A_1833 : vector<104x128xf32>
    %mul3A_1835 = arith.mulf %sub3A_1831, %cos3A : vector<104x128xf32>
    %mul3A_1836 = arith.mulf %sub3A_1829, %sin3A : vector<104x128xf32>
    %sub3A_1837 = arith.subf %mul3A_1835, %mul3A_1836 : vector<104x128xf32>
    %abs3A_1838 = math.absf %sub3A_1837 : vector<104x128xf32>
    %mul3A_1839 = arith.constant 0.36397022 : f32
    %mul3A_1840 = vector.broadcast %mul3A_1839 : f32 to vector<104x128xf32>
    %mul3A_1841 = arith.mulf %add3A_1834, %mul3A_1840 : vector<104x128xf32>
    %lt3A_1842 = arith.cmpf olt, %abs3A_1838, %mul3A_1841 : vector<104x128xf32>
    %lt3A_1843 = arith.cmpf olt, %add3A_1834, %select_n3A_1809 : vector<104x128xf32>
    %and3A_1844 = arith.andi %lt3A_1842, %lt3A_1843 : vector<104x128xi1>
    %select_n3A_1845 = arith.select %and3A_1844, %add3A_1834, %select_n3A_1809 : vector<104x128xi1>, vector<104x128xf32>
    %broadcast_in_dim3A_1846 = vector.shape_cast %get3A_1824 : vector<1x128xf32> to vector<1x128xf32>
    %broadcast_in_dim3A_1847 = vector.broadcast %broadcast_in_dim3A_1846 : vector<1x128xf32> to vector<104x128xf32>
    %select_n3A_1848 = arith.select %and3A_1844, %broadcast_in_dim3A_1847, %select_n3A_1812 : vector<104x128xi1>, vector<104x128xf32>
    %broadcast_in_dim3A_1849 = vector.shape_cast %get3A_1827 : vector<1x128xf32> to vector<1x128xf32>
    %broadcast_in_dim3A_1850 = vector.broadcast %broadcast_in_dim3A_1849 : vector<1x128xf32> to vector<104x128xf32>
    %select_n3A_1851 = arith.select %and3A_1844, %broadcast_in_dim3A_1850, %select_n3A_1815 : vector<104x128xi1>, vector<104x128xf32>
    %get3A_1852 = arith.constant 51 : index
    %get3A_1853 = arith.constant 0 : index
    %get3A_1854 = vector.load %arg2[%get3A_1852, %get3A_1853] : memref<104x128xf32, #tpu.memory_space<vmem>>, vector<1x128xf32>
    %get3A_1855 = arith.constant 51 : index
    %get3A_1856 = arith.constant 0 : index
    %get3A_1857 = vector.load %arg3[%get3A_1855, %get3A_1856] : memref<104x128xf32, #tpu.memory_space<vmem>>, vector<1x128xf32>
    %get3A_1858 = arith.constant 51 : index
    %get3A_1859 = arith.constant 0 : index
    %get3A_1860 = vector.load %arg7[%get3A_1858, %get3A_1859] : memref<104x128xf32, #tpu.memory_space<vmem>>, vector<1x128xf32>
    %get3A_1861 = arith.constant 51 : index
    %get3A_1862 = arith.constant 0 : index
    %get3A_1863 = vector.load %arg8[%get3A_1861, %get3A_1862] : memref<104x128xf32, #tpu.memory_space<vmem>>, vector<1x128xf32>
    %sub3A_1864 = vector.broadcast %get3A_1854 : vector<1x128xf32> to vector<104x128xf32>
    %sub3A_1865 = arith.subf %sub3A_1864, %get3A_1 : vector<104x128xf32>
    %sub3A_1866 = vector.broadcast %get3A_1857 : vector<1x128xf32> to vector<104x128xf32>
    %sub3A_1867 = arith.subf %sub3A_1866, %get3A_4 : vector<104x128xf32>
    %mul3A_1868 = arith.mulf %sub3A_1865, %cos3A : vector<104x128xf32>
    %mul3A_1869 = arith.mulf %sub3A_1867, %sin3A : vector<104x128xf32>
    %add3A_1870 = arith.addf %mul3A_1868, %mul3A_1869 : vector<104x128xf32>
    %mul3A_1871 = arith.mulf %sub3A_1867, %cos3A : vector<104x128xf32>
    %mul3A_1872 = arith.mulf %sub3A_1865, %sin3A : vector<104x128xf32>
    %sub3A_1873 = arith.subf %mul3A_1871, %mul3A_1872 : vector<104x128xf32>
    %abs3A_1874 = math.absf %sub3A_1873 : vector<104x128xf32>
    %mul3A_1875 = arith.constant 0.36397022 : f32
    %mul3A_1876 = vector.broadcast %mul3A_1875 : f32 to vector<104x128xf32>
    %mul3A_1877 = arith.mulf %add3A_1870, %mul3A_1876 : vector<104x128xf32>
    %lt3A_1878 = arith.cmpf olt, %abs3A_1874, %mul3A_1877 : vector<104x128xf32>
    %lt3A_1879 = arith.cmpf olt, %add3A_1870, %select_n3A_1845 : vector<104x128xf32>
    %and3A_1880 = arith.andi %lt3A_1878, %lt3A_1879 : vector<104x128xi1>
    %select_n3A_1881 = arith.select %and3A_1880, %add3A_1870, %select_n3A_1845 : vector<104x128xi1>, vector<104x128xf32>
    %broadcast_in_dim3A_1882 = vector.shape_cast %get3A_1860 : vector<1x128xf32> to vector<1x128xf32>
    %broadcast_in_dim3A_1883 = vector.broadcast %broadcast_in_dim3A_1882 : vector<1x128xf32> to vector<104x128xf32>
    %select_n3A_1884 = arith.select %and3A_1880, %broadcast_in_dim3A_1883, %select_n3A_1848 : vector<104x128xi1>, vector<104x128xf32>
    %broadcast_in_dim3A_1885 = vector.shape_cast %get3A_1863 : vector<1x128xf32> to vector<1x128xf32>
    %broadcast_in_dim3A_1886 = vector.broadcast %broadcast_in_dim3A_1885 : vector<1x128xf32> to vector<104x128xf32>
    %select_n3A_1887 = arith.select %and3A_1880, %broadcast_in_dim3A_1886, %select_n3A_1851 : vector<104x128xi1>, vector<104x128xf32>
    %get3A_1888 = arith.constant 52 : index
    %get3A_1889 = arith.constant 0 : index
    %get3A_1890 = vector.load %arg2[%get3A_1888, %get3A_1889] : memref<104x128xf32, #tpu.memory_space<vmem>>, vector<1x128xf32>
    %get3A_1891 = arith.constant 52 : index
    %get3A_1892 = arith.constant 0 : index
    %get3A_1893 = vector.load %arg3[%get3A_1891, %get3A_1892] : memref<104x128xf32, #tpu.memory_space<vmem>>, vector<1x128xf32>
    %get3A_1894 = arith.constant 52 : index
    %get3A_1895 = arith.constant 0 : index
    %get3A_1896 = vector.load %arg7[%get3A_1894, %get3A_1895] : memref<104x128xf32, #tpu.memory_space<vmem>>, vector<1x128xf32>
    %get3A_1897 = arith.constant 52 : index
    %get3A_1898 = arith.constant 0 : index
    %get3A_1899 = vector.load %arg8[%get3A_1897, %get3A_1898] : memref<104x128xf32, #tpu.memory_space<vmem>>, vector<1x128xf32>
    %sub3A_1900 = vector.broadcast %get3A_1890 : vector<1x128xf32> to vector<104x128xf32>
    %sub3A_1901 = arith.subf %sub3A_1900, %get3A_1 : vector<104x128xf32>
    %sub3A_1902 = vector.broadcast %get3A_1893 : vector<1x128xf32> to vector<104x128xf32>
    %sub3A_1903 = arith.subf %sub3A_1902, %get3A_4 : vector<104x128xf32>
    %mul3A_1904 = arith.mulf %sub3A_1901, %cos3A : vector<104x128xf32>
    %mul3A_1905 = arith.mulf %sub3A_1903, %sin3A : vector<104x128xf32>
    %add3A_1906 = arith.addf %mul3A_1904, %mul3A_1905 : vector<104x128xf32>
    %mul3A_1907 = arith.mulf %sub3A_1903, %cos3A : vector<104x128xf32>
    %mul3A_1908 = arith.mulf %sub3A_1901, %sin3A : vector<104x128xf32>
    %sub3A_1909 = arith.subf %mul3A_1907, %mul3A_1908 : vector<104x128xf32>
    %abs3A_1910 = math.absf %sub3A_1909 : vector<104x128xf32>
    %mul3A_1911 = arith.constant 0.36397022 : f32
    %mul3A_1912 = vector.broadcast %mul3A_1911 : f32 to vector<104x128xf32>
    %mul3A_1913 = arith.mulf %add3A_1906, %mul3A_1912 : vector<104x128xf32>
    %lt3A_1914 = arith.cmpf olt, %abs3A_1910, %mul3A_1913 : vector<104x128xf32>
    %lt3A_1915 = arith.cmpf olt, %add3A_1906, %select_n3A_1881 : vector<104x128xf32>
    %and3A_1916 = arith.andi %lt3A_1914, %lt3A_1915 : vector<104x128xi1>
    %select_n3A_1917 = arith.select %and3A_1916, %add3A_1906, %select_n3A_1881 : vector<104x128xi1>, vector<104x128xf32>
    %broadcast_in_dim3A_1918 = vector.shape_cast %get3A_1896 : vector<1x128xf32> to vector<1x128xf32>
    %broadcast_in_dim3A_1919 = vector.broadcast %broadcast_in_dim3A_1918 : vector<1x128xf32> to vector<104x128xf32>
    %select_n3A_1920 = arith.select %and3A_1916, %broadcast_in_dim3A_1919, %select_n3A_1884 : vector<104x128xi1>, vector<104x128xf32>
    %broadcast_in_dim3A_1921 = vector.shape_cast %get3A_1899 : vector<1x128xf32> to vector<1x128xf32>
    %broadcast_in_dim3A_1922 = vector.broadcast %broadcast_in_dim3A_1921 : vector<1x128xf32> to vector<104x128xf32>
    %select_n3A_1923 = arith.select %and3A_1916, %broadcast_in_dim3A_1922, %select_n3A_1887 : vector<104x128xi1>, vector<104x128xf32>
    %get3A_1924 = arith.constant 53 : index
    %get3A_1925 = arith.constant 0 : index
    %get3A_1926 = vector.load %arg2[%get3A_1924, %get3A_1925] : memref<104x128xf32, #tpu.memory_space<vmem>>, vector<1x128xf32>
    %get3A_1927 = arith.constant 53 : index
    %get3A_1928 = arith.constant 0 : index
    %get3A_1929 = vector.load %arg3[%get3A_1927, %get3A_1928] : memref<104x128xf32, #tpu.memory_space<vmem>>, vector<1x128xf32>
    %get3A_1930 = arith.constant 53 : index
    %get3A_1931 = arith.constant 0 : index
    %get3A_1932 = vector.load %arg7[%get3A_1930, %get3A_1931] : memref<104x128xf32, #tpu.memory_space<vmem>>, vector<1x128xf32>
    %get3A_1933 = arith.constant 53 : index
    %get3A_1934 = arith.constant 0 : index
    %get3A_1935 = vector.load %arg8[%get3A_1933, %get3A_1934] : memref<104x128xf32, #tpu.memory_space<vmem>>, vector<1x128xf32>
    %sub3A_1936 = vector.broadcast %get3A_1926 : vector<1x128xf32> to vector<104x128xf32>
    %sub3A_1937 = arith.subf %sub3A_1936, %get3A_1 : vector<104x128xf32>
    %sub3A_1938 = vector.broadcast %get3A_1929 : vector<1x128xf32> to vector<104x128xf32>
    %sub3A_1939 = arith.subf %sub3A_1938, %get3A_4 : vector<104x128xf32>
    %mul3A_1940 = arith.mulf %sub3A_1937, %cos3A : vector<104x128xf32>
    %mul3A_1941 = arith.mulf %sub3A_1939, %sin3A : vector<104x128xf32>
    %add3A_1942 = arith.addf %mul3A_1940, %mul3A_1941 : vector<104x128xf32>
    %mul3A_1943 = arith.mulf %sub3A_1939, %cos3A : vector<104x128xf32>
    %mul3A_1944 = arith.mulf %sub3A_1937, %sin3A : vector<104x128xf32>
    %sub3A_1945 = arith.subf %mul3A_1943, %mul3A_1944 : vector<104x128xf32>
    %abs3A_1946 = math.absf %sub3A_1945 : vector<104x128xf32>
    %mul3A_1947 = arith.constant 0.36397022 : f32
    %mul3A_1948 = vector.broadcast %mul3A_1947 : f32 to vector<104x128xf32>
    %mul3A_1949 = arith.mulf %add3A_1942, %mul3A_1948 : vector<104x128xf32>
    %lt3A_1950 = arith.cmpf olt, %abs3A_1946, %mul3A_1949 : vector<104x128xf32>
    %lt3A_1951 = arith.cmpf olt, %add3A_1942, %select_n3A_1917 : vector<104x128xf32>
    %and3A_1952 = arith.andi %lt3A_1950, %lt3A_1951 : vector<104x128xi1>
    %select_n3A_1953 = arith.select %and3A_1952, %add3A_1942, %select_n3A_1917 : vector<104x128xi1>, vector<104x128xf32>
    %broadcast_in_dim3A_1954 = vector.shape_cast %get3A_1932 : vector<1x128xf32> to vector<1x128xf32>
    %broadcast_in_dim3A_1955 = vector.broadcast %broadcast_in_dim3A_1954 : vector<1x128xf32> to vector<104x128xf32>
    %select_n3A_1956 = arith.select %and3A_1952, %broadcast_in_dim3A_1955, %select_n3A_1920 : vector<104x128xi1>, vector<104x128xf32>
    %broadcast_in_dim3A_1957 = vector.shape_cast %get3A_1935 : vector<1x128xf32> to vector<1x128xf32>
    %broadcast_in_dim3A_1958 = vector.broadcast %broadcast_in_dim3A_1957 : vector<1x128xf32> to vector<104x128xf32>
    %select_n3A_1959 = arith.select %and3A_1952, %broadcast_in_dim3A_1958, %select_n3A_1923 : vector<104x128xi1>, vector<104x128xf32>
    %get3A_1960 = arith.constant 54 : index
    %get3A_1961 = arith.constant 0 : index
    %get3A_1962 = vector.load %arg2[%get3A_1960, %get3A_1961] : memref<104x128xf32, #tpu.memory_space<vmem>>, vector<1x128xf32>
    %get3A_1963 = arith.constant 54 : index
    %get3A_1964 = arith.constant 0 : index
    %get3A_1965 = vector.load %arg3[%get3A_1963, %get3A_1964] : memref<104x128xf32, #tpu.memory_space<vmem>>, vector<1x128xf32>
    %get3A_1966 = arith.constant 54 : index
    %get3A_1967 = arith.constant 0 : index
    %get3A_1968 = vector.load %arg7[%get3A_1966, %get3A_1967] : memref<104x128xf32, #tpu.memory_space<vmem>>, vector<1x128xf32>
    %get3A_1969 = arith.constant 54 : index
    %get3A_1970 = arith.constant 0 : index
    %get3A_1971 = vector.load %arg8[%get3A_1969, %get3A_1970] : memref<104x128xf32, #tpu.memory_space<vmem>>, vector<1x128xf32>
    %sub3A_1972 = vector.broadcast %get3A_1962 : vector<1x128xf32> to vector<104x128xf32>
    %sub3A_1973 = arith.subf %sub3A_1972, %get3A_1 : vector<104x128xf32>
    %sub3A_1974 = vector.broadcast %get3A_1965 : vector<1x128xf32> to vector<104x128xf32>
    %sub3A_1975 = arith.subf %sub3A_1974, %get3A_4 : vector<104x128xf32>
    %mul3A_1976 = arith.mulf %sub3A_1973, %cos3A : vector<104x128xf32>
    %mul3A_1977 = arith.mulf %sub3A_1975, %sin3A : vector<104x128xf32>
    %add3A_1978 = arith.addf %mul3A_1976, %mul3A_1977 : vector<104x128xf32>
    %mul3A_1979 = arith.mulf %sub3A_1975, %cos3A : vector<104x128xf32>
    %mul3A_1980 = arith.mulf %sub3A_1973, %sin3A : vector<104x128xf32>
    %sub3A_1981 = arith.subf %mul3A_1979, %mul3A_1980 : vector<104x128xf32>
    %abs3A_1982 = math.absf %sub3A_1981 : vector<104x128xf32>
    %mul3A_1983 = arith.constant 0.36397022 : f32
    %mul3A_1984 = vector.broadcast %mul3A_1983 : f32 to vector<104x128xf32>
    %mul3A_1985 = arith.mulf %add3A_1978, %mul3A_1984 : vector<104x128xf32>
    %lt3A_1986 = arith.cmpf olt, %abs3A_1982, %mul3A_1985 : vector<104x128xf32>
    %lt3A_1987 = arith.cmpf olt, %add3A_1978, %select_n3A_1953 : vector<104x128xf32>
    %and3A_1988 = arith.andi %lt3A_1986, %lt3A_1987 : vector<104x128xi1>
    %select_n3A_1989 = arith.select %and3A_1988, %add3A_1978, %select_n3A_1953 : vector<104x128xi1>, vector<104x128xf32>
    %broadcast_in_dim3A_1990 = vector.shape_cast %get3A_1968 : vector<1x128xf32> to vector<1x128xf32>
    %broadcast_in_dim3A_1991 = vector.broadcast %broadcast_in_dim3A_1990 : vector<1x128xf32> to vector<104x128xf32>
    %select_n3A_1992 = arith.select %and3A_1988, %broadcast_in_dim3A_1991, %select_n3A_1956 : vector<104x128xi1>, vector<104x128xf32>
    %broadcast_in_dim3A_1993 = vector.shape_cast %get3A_1971 : vector<1x128xf32> to vector<1x128xf32>
    %broadcast_in_dim3A_1994 = vector.broadcast %broadcast_in_dim3A_1993 : vector<1x128xf32> to vector<104x128xf32>
    %select_n3A_1995 = arith.select %and3A_1988, %broadcast_in_dim3A_1994, %select_n3A_1959 : vector<104x128xi1>, vector<104x128xf32>
    %get3A_1996 = arith.constant 55 : index
    %get3A_1997 = arith.constant 0 : index
    %get3A_1998 = vector.load %arg2[%get3A_1996, %get3A_1997] : memref<104x128xf32, #tpu.memory_space<vmem>>, vector<1x128xf32>
    %get3A_1999 = arith.constant 55 : index
    %get3A_2000 = arith.constant 0 : index
    %get3A_2001 = vector.load %arg3[%get3A_1999, %get3A_2000] : memref<104x128xf32, #tpu.memory_space<vmem>>, vector<1x128xf32>
    %get3A_2002 = arith.constant 55 : index
    %get3A_2003 = arith.constant 0 : index
    %get3A_2004 = vector.load %arg7[%get3A_2002, %get3A_2003] : memref<104x128xf32, #tpu.memory_space<vmem>>, vector<1x128xf32>
    %get3A_2005 = arith.constant 55 : index
    %get3A_2006 = arith.constant 0 : index
    %get3A_2007 = vector.load %arg8[%get3A_2005, %get3A_2006] : memref<104x128xf32, #tpu.memory_space<vmem>>, vector<1x128xf32>
    %sub3A_2008 = vector.broadcast %get3A_1998 : vector<1x128xf32> to vector<104x128xf32>
    %sub3A_2009 = arith.subf %sub3A_2008, %get3A_1 : vector<104x128xf32>
    %sub3A_2010 = vector.broadcast %get3A_2001 : vector<1x128xf32> to vector<104x128xf32>
    %sub3A_2011 = arith.subf %sub3A_2010, %get3A_4 : vector<104x128xf32>
    %mul3A_2012 = arith.mulf %sub3A_2009, %cos3A : vector<104x128xf32>
    %mul3A_2013 = arith.mulf %sub3A_2011, %sin3A : vector<104x128xf32>
    %add3A_2014 = arith.addf %mul3A_2012, %mul3A_2013 : vector<104x128xf32>
    %mul3A_2015 = arith.mulf %sub3A_2011, %cos3A : vector<104x128xf32>
    %mul3A_2016 = arith.mulf %sub3A_2009, %sin3A : vector<104x128xf32>
    %sub3A_2017 = arith.subf %mul3A_2015, %mul3A_2016 : vector<104x128xf32>
    %abs3A_2018 = math.absf %sub3A_2017 : vector<104x128xf32>
    %mul3A_2019 = arith.constant 0.36397022 : f32
    %mul3A_2020 = vector.broadcast %mul3A_2019 : f32 to vector<104x128xf32>
    %mul3A_2021 = arith.mulf %add3A_2014, %mul3A_2020 : vector<104x128xf32>
    %lt3A_2022 = arith.cmpf olt, %abs3A_2018, %mul3A_2021 : vector<104x128xf32>
    %lt3A_2023 = arith.cmpf olt, %add3A_2014, %select_n3A_1989 : vector<104x128xf32>
    %and3A_2024 = arith.andi %lt3A_2022, %lt3A_2023 : vector<104x128xi1>
    %select_n3A_2025 = arith.select %and3A_2024, %add3A_2014, %select_n3A_1989 : vector<104x128xi1>, vector<104x128xf32>
    %broadcast_in_dim3A_2026 = vector.shape_cast %get3A_2004 : vector<1x128xf32> to vector<1x128xf32>
    %broadcast_in_dim3A_2027 = vector.broadcast %broadcast_in_dim3A_2026 : vector<1x128xf32> to vector<104x128xf32>
    %select_n3A_2028 = arith.select %and3A_2024, %broadcast_in_dim3A_2027, %select_n3A_1992 : vector<104x128xi1>, vector<104x128xf32>
    %broadcast_in_dim3A_2029 = vector.shape_cast %get3A_2007 : vector<1x128xf32> to vector<1x128xf32>
    %broadcast_in_dim3A_2030 = vector.broadcast %broadcast_in_dim3A_2029 : vector<1x128xf32> to vector<104x128xf32>
    %select_n3A_2031 = arith.select %and3A_2024, %broadcast_in_dim3A_2030, %select_n3A_1995 : vector<104x128xi1>, vector<104x128xf32>
    %get3A_2032 = arith.constant 56 : index
    %get3A_2033 = arith.constant 0 : index
    %get3A_2034 = vector.load %arg2[%get3A_2032, %get3A_2033] : memref<104x128xf32, #tpu.memory_space<vmem>>, vector<1x128xf32>
    %get3A_2035 = arith.constant 56 : index
    %get3A_2036 = arith.constant 0 : index
    %get3A_2037 = vector.load %arg3[%get3A_2035, %get3A_2036] : memref<104x128xf32, #tpu.memory_space<vmem>>, vector<1x128xf32>
    %get3A_2038 = arith.constant 56 : index
    %get3A_2039 = arith.constant 0 : index
    %get3A_2040 = vector.load %arg7[%get3A_2038, %get3A_2039] : memref<104x128xf32, #tpu.memory_space<vmem>>, vector<1x128xf32>
    %get3A_2041 = arith.constant 56 : index
    %get3A_2042 = arith.constant 0 : index
    %get3A_2043 = vector.load %arg8[%get3A_2041, %get3A_2042] : memref<104x128xf32, #tpu.memory_space<vmem>>, vector<1x128xf32>
    %sub3A_2044 = vector.broadcast %get3A_2034 : vector<1x128xf32> to vector<104x128xf32>
    %sub3A_2045 = arith.subf %sub3A_2044, %get3A_1 : vector<104x128xf32>
    %sub3A_2046 = vector.broadcast %get3A_2037 : vector<1x128xf32> to vector<104x128xf32>
    %sub3A_2047 = arith.subf %sub3A_2046, %get3A_4 : vector<104x128xf32>
    %mul3A_2048 = arith.mulf %sub3A_2045, %cos3A : vector<104x128xf32>
    %mul3A_2049 = arith.mulf %sub3A_2047, %sin3A : vector<104x128xf32>
    %add3A_2050 = arith.addf %mul3A_2048, %mul3A_2049 : vector<104x128xf32>
    %mul3A_2051 = arith.mulf %sub3A_2047, %cos3A : vector<104x128xf32>
    %mul3A_2052 = arith.mulf %sub3A_2045, %sin3A : vector<104x128xf32>
    %sub3A_2053 = arith.subf %mul3A_2051, %mul3A_2052 : vector<104x128xf32>
    %abs3A_2054 = math.absf %sub3A_2053 : vector<104x128xf32>
    %mul3A_2055 = arith.constant 0.36397022 : f32
    %mul3A_2056 = vector.broadcast %mul3A_2055 : f32 to vector<104x128xf32>
    %mul3A_2057 = arith.mulf %add3A_2050, %mul3A_2056 : vector<104x128xf32>
    %lt3A_2058 = arith.cmpf olt, %abs3A_2054, %mul3A_2057 : vector<104x128xf32>
    %lt3A_2059 = arith.cmpf olt, %add3A_2050, %select_n3A_2025 : vector<104x128xf32>
    %and3A_2060 = arith.andi %lt3A_2058, %lt3A_2059 : vector<104x128xi1>
    %select_n3A_2061 = arith.select %and3A_2060, %add3A_2050, %select_n3A_2025 : vector<104x128xi1>, vector<104x128xf32>
    %broadcast_in_dim3A_2062 = vector.shape_cast %get3A_2040 : vector<1x128xf32> to vector<1x128xf32>
    %broadcast_in_dim3A_2063 = vector.broadcast %broadcast_in_dim3A_2062 : vector<1x128xf32> to vector<104x128xf32>
    %select_n3A_2064 = arith.select %and3A_2060, %broadcast_in_dim3A_2063, %select_n3A_2028 : vector<104x128xi1>, vector<104x128xf32>
    %broadcast_in_dim3A_2065 = vector.shape_cast %get3A_2043 : vector<1x128xf32> to vector<1x128xf32>
    %broadcast_in_dim3A_2066 = vector.broadcast %broadcast_in_dim3A_2065 : vector<1x128xf32> to vector<104x128xf32>
    %select_n3A_2067 = arith.select %and3A_2060, %broadcast_in_dim3A_2066, %select_n3A_2031 : vector<104x128xi1>, vector<104x128xf32>
    %get3A_2068 = arith.constant 57 : index
    %get3A_2069 = arith.constant 0 : index
    %get3A_2070 = vector.load %arg2[%get3A_2068, %get3A_2069] : memref<104x128xf32, #tpu.memory_space<vmem>>, vector<1x128xf32>
    %get3A_2071 = arith.constant 57 : index
    %get3A_2072 = arith.constant 0 : index
    %get3A_2073 = vector.load %arg3[%get3A_2071, %get3A_2072] : memref<104x128xf32, #tpu.memory_space<vmem>>, vector<1x128xf32>
    %get3A_2074 = arith.constant 57 : index
    %get3A_2075 = arith.constant 0 : index
    %get3A_2076 = vector.load %arg7[%get3A_2074, %get3A_2075] : memref<104x128xf32, #tpu.memory_space<vmem>>, vector<1x128xf32>
    %get3A_2077 = arith.constant 57 : index
    %get3A_2078 = arith.constant 0 : index
    %get3A_2079 = vector.load %arg8[%get3A_2077, %get3A_2078] : memref<104x128xf32, #tpu.memory_space<vmem>>, vector<1x128xf32>
    %sub3A_2080 = vector.broadcast %get3A_2070 : vector<1x128xf32> to vector<104x128xf32>
    %sub3A_2081 = arith.subf %sub3A_2080, %get3A_1 : vector<104x128xf32>
    %sub3A_2082 = vector.broadcast %get3A_2073 : vector<1x128xf32> to vector<104x128xf32>
    %sub3A_2083 = arith.subf %sub3A_2082, %get3A_4 : vector<104x128xf32>
    %mul3A_2084 = arith.mulf %sub3A_2081, %cos3A : vector<104x128xf32>
    %mul3A_2085 = arith.mulf %sub3A_2083, %sin3A : vector<104x128xf32>
    %add3A_2086 = arith.addf %mul3A_2084, %mul3A_2085 : vector<104x128xf32>
    %mul3A_2087 = arith.mulf %sub3A_2083, %cos3A : vector<104x128xf32>
    %mul3A_2088 = arith.mulf %sub3A_2081, %sin3A : vector<104x128xf32>
    %sub3A_2089 = arith.subf %mul3A_2087, %mul3A_2088 : vector<104x128xf32>
    %abs3A_2090 = math.absf %sub3A_2089 : vector<104x128xf32>
    %mul3A_2091 = arith.constant 0.36397022 : f32
    %mul3A_2092 = vector.broadcast %mul3A_2091 : f32 to vector<104x128xf32>
    %mul3A_2093 = arith.mulf %add3A_2086, %mul3A_2092 : vector<104x128xf32>
    %lt3A_2094 = arith.cmpf olt, %abs3A_2090, %mul3A_2093 : vector<104x128xf32>
    %lt3A_2095 = arith.cmpf olt, %add3A_2086, %select_n3A_2061 : vector<104x128xf32>
    %and3A_2096 = arith.andi %lt3A_2094, %lt3A_2095 : vector<104x128xi1>
    %select_n3A_2097 = arith.select %and3A_2096, %add3A_2086, %select_n3A_2061 : vector<104x128xi1>, vector<104x128xf32>
    %broadcast_in_dim3A_2098 = vector.shape_cast %get3A_2076 : vector<1x128xf32> to vector<1x128xf32>
    %broadcast_in_dim3A_2099 = vector.broadcast %broadcast_in_dim3A_2098 : vector<1x128xf32> to vector<104x128xf32>
    %select_n3A_2100 = arith.select %and3A_2096, %broadcast_in_dim3A_2099, %select_n3A_2064 : vector<104x128xi1>, vector<104x128xf32>
    %broadcast_in_dim3A_2101 = vector.shape_cast %get3A_2079 : vector<1x128xf32> to vector<1x128xf32>
    %broadcast_in_dim3A_2102 = vector.broadcast %broadcast_in_dim3A_2101 : vector<1x128xf32> to vector<104x128xf32>
    %select_n3A_2103 = arith.select %and3A_2096, %broadcast_in_dim3A_2102, %select_n3A_2067 : vector<104x128xi1>, vector<104x128xf32>
    %get3A_2104 = arith.constant 58 : index
    %get3A_2105 = arith.constant 0 : index
    %get3A_2106 = vector.load %arg2[%get3A_2104, %get3A_2105] : memref<104x128xf32, #tpu.memory_space<vmem>>, vector<1x128xf32>
    %get3A_2107 = arith.constant 58 : index
    %get3A_2108 = arith.constant 0 : index
    %get3A_2109 = vector.load %arg3[%get3A_2107, %get3A_2108] : memref<104x128xf32, #tpu.memory_space<vmem>>, vector<1x128xf32>
    %get3A_2110 = arith.constant 58 : index
    %get3A_2111 = arith.constant 0 : index
    %get3A_2112 = vector.load %arg7[%get3A_2110, %get3A_2111] : memref<104x128xf32, #tpu.memory_space<vmem>>, vector<1x128xf32>
    %get3A_2113 = arith.constant 58 : index
    %get3A_2114 = arith.constant 0 : index
    %get3A_2115 = vector.load %arg8[%get3A_2113, %get3A_2114] : memref<104x128xf32, #tpu.memory_space<vmem>>, vector<1x128xf32>
    %sub3A_2116 = vector.broadcast %get3A_2106 : vector<1x128xf32> to vector<104x128xf32>
    %sub3A_2117 = arith.subf %sub3A_2116, %get3A_1 : vector<104x128xf32>
    %sub3A_2118 = vector.broadcast %get3A_2109 : vector<1x128xf32> to vector<104x128xf32>
    %sub3A_2119 = arith.subf %sub3A_2118, %get3A_4 : vector<104x128xf32>
    %mul3A_2120 = arith.mulf %sub3A_2117, %cos3A : vector<104x128xf32>
    %mul3A_2121 = arith.mulf %sub3A_2119, %sin3A : vector<104x128xf32>
    %add3A_2122 = arith.addf %mul3A_2120, %mul3A_2121 : vector<104x128xf32>
    %mul3A_2123 = arith.mulf %sub3A_2119, %cos3A : vector<104x128xf32>
    %mul3A_2124 = arith.mulf %sub3A_2117, %sin3A : vector<104x128xf32>
    %sub3A_2125 = arith.subf %mul3A_2123, %mul3A_2124 : vector<104x128xf32>
    %abs3A_2126 = math.absf %sub3A_2125 : vector<104x128xf32>
    %mul3A_2127 = arith.constant 0.36397022 : f32
    %mul3A_2128 = vector.broadcast %mul3A_2127 : f32 to vector<104x128xf32>
    %mul3A_2129 = arith.mulf %add3A_2122, %mul3A_2128 : vector<104x128xf32>
    %lt3A_2130 = arith.cmpf olt, %abs3A_2126, %mul3A_2129 : vector<104x128xf32>
    %lt3A_2131 = arith.cmpf olt, %add3A_2122, %select_n3A_2097 : vector<104x128xf32>
    %and3A_2132 = arith.andi %lt3A_2130, %lt3A_2131 : vector<104x128xi1>
    %select_n3A_2133 = arith.select %and3A_2132, %add3A_2122, %select_n3A_2097 : vector<104x128xi1>, vector<104x128xf32>
    %broadcast_in_dim3A_2134 = vector.shape_cast %get3A_2112 : vector<1x128xf32> to vector<1x128xf32>
    %broadcast_in_dim3A_2135 = vector.broadcast %broadcast_in_dim3A_2134 : vector<1x128xf32> to vector<104x128xf32>
    %select_n3A_2136 = arith.select %and3A_2132, %broadcast_in_dim3A_2135, %select_n3A_2100 : vector<104x128xi1>, vector<104x128xf32>
    %broadcast_in_dim3A_2137 = vector.shape_cast %get3A_2115 : vector<1x128xf32> to vector<1x128xf32>
    %broadcast_in_dim3A_2138 = vector.broadcast %broadcast_in_dim3A_2137 : vector<1x128xf32> to vector<104x128xf32>
    %select_n3A_2139 = arith.select %and3A_2132, %broadcast_in_dim3A_2138, %select_n3A_2103 : vector<104x128xi1>, vector<104x128xf32>
    %get3A_2140 = arith.constant 59 : index
    %get3A_2141 = arith.constant 0 : index
    %get3A_2142 = vector.load %arg2[%get3A_2140, %get3A_2141] : memref<104x128xf32, #tpu.memory_space<vmem>>, vector<1x128xf32>
    %get3A_2143 = arith.constant 59 : index
    %get3A_2144 = arith.constant 0 : index
    %get3A_2145 = vector.load %arg3[%get3A_2143, %get3A_2144] : memref<104x128xf32, #tpu.memory_space<vmem>>, vector<1x128xf32>
    %get3A_2146 = arith.constant 59 : index
    %get3A_2147 = arith.constant 0 : index
    %get3A_2148 = vector.load %arg7[%get3A_2146, %get3A_2147] : memref<104x128xf32, #tpu.memory_space<vmem>>, vector<1x128xf32>
    %get3A_2149 = arith.constant 59 : index
    %get3A_2150 = arith.constant 0 : index
    %get3A_2151 = vector.load %arg8[%get3A_2149, %get3A_2150] : memref<104x128xf32, #tpu.memory_space<vmem>>, vector<1x128xf32>
    %sub3A_2152 = vector.broadcast %get3A_2142 : vector<1x128xf32> to vector<104x128xf32>
    %sub3A_2153 = arith.subf %sub3A_2152, %get3A_1 : vector<104x128xf32>
    %sub3A_2154 = vector.broadcast %get3A_2145 : vector<1x128xf32> to vector<104x128xf32>
    %sub3A_2155 = arith.subf %sub3A_2154, %get3A_4 : vector<104x128xf32>
    %mul3A_2156 = arith.mulf %sub3A_2153, %cos3A : vector<104x128xf32>
    %mul3A_2157 = arith.mulf %sub3A_2155, %sin3A : vector<104x128xf32>
    %add3A_2158 = arith.addf %mul3A_2156, %mul3A_2157 : vector<104x128xf32>
    %mul3A_2159 = arith.mulf %sub3A_2155, %cos3A : vector<104x128xf32>
    %mul3A_2160 = arith.mulf %sub3A_2153, %sin3A : vector<104x128xf32>
    %sub3A_2161 = arith.subf %mul3A_2159, %mul3A_2160 : vector<104x128xf32>
    %abs3A_2162 = math.absf %sub3A_2161 : vector<104x128xf32>
    %mul3A_2163 = arith.constant 0.36397022 : f32
    %mul3A_2164 = vector.broadcast %mul3A_2163 : f32 to vector<104x128xf32>
    %mul3A_2165 = arith.mulf %add3A_2158, %mul3A_2164 : vector<104x128xf32>
    %lt3A_2166 = arith.cmpf olt, %abs3A_2162, %mul3A_2165 : vector<104x128xf32>
    %lt3A_2167 = arith.cmpf olt, %add3A_2158, %select_n3A_2133 : vector<104x128xf32>
    %and3A_2168 = arith.andi %lt3A_2166, %lt3A_2167 : vector<104x128xi1>
    %select_n3A_2169 = arith.select %and3A_2168, %add3A_2158, %select_n3A_2133 : vector<104x128xi1>, vector<104x128xf32>
    %broadcast_in_dim3A_2170 = vector.shape_cast %get3A_2148 : vector<1x128xf32> to vector<1x128xf32>
    %broadcast_in_dim3A_2171 = vector.broadcast %broadcast_in_dim3A_2170 : vector<1x128xf32> to vector<104x128xf32>
    %select_n3A_2172 = arith.select %and3A_2168, %broadcast_in_dim3A_2171, %select_n3A_2136 : vector<104x128xi1>, vector<104x128xf32>
    %broadcast_in_dim3A_2173 = vector.shape_cast %get3A_2151 : vector<1x128xf32> to vector<1x128xf32>
    %broadcast_in_dim3A_2174 = vector.broadcast %broadcast_in_dim3A_2173 : vector<1x128xf32> to vector<104x128xf32>
    %select_n3A_2175 = arith.select %and3A_2168, %broadcast_in_dim3A_2174, %select_n3A_2139 : vector<104x128xi1>, vector<104x128xf32>
    %get3A_2176 = arith.constant 60 : index
    %get3A_2177 = arith.constant 0 : index
    %get3A_2178 = vector.load %arg2[%get3A_2176, %get3A_2177] : memref<104x128xf32, #tpu.memory_space<vmem>>, vector<1x128xf32>
    %get3A_2179 = arith.constant 60 : index
    %get3A_2180 = arith.constant 0 : index
    %get3A_2181 = vector.load %arg3[%get3A_2179, %get3A_2180] : memref<104x128xf32, #tpu.memory_space<vmem>>, vector<1x128xf32>
    %get3A_2182 = arith.constant 60 : index
    %get3A_2183 = arith.constant 0 : index
    %get3A_2184 = vector.load %arg7[%get3A_2182, %get3A_2183] : memref<104x128xf32, #tpu.memory_space<vmem>>, vector<1x128xf32>
    %get3A_2185 = arith.constant 60 : index
    %get3A_2186 = arith.constant 0 : index
    %get3A_2187 = vector.load %arg8[%get3A_2185, %get3A_2186] : memref<104x128xf32, #tpu.memory_space<vmem>>, vector<1x128xf32>
    %sub3A_2188 = vector.broadcast %get3A_2178 : vector<1x128xf32> to vector<104x128xf32>
    %sub3A_2189 = arith.subf %sub3A_2188, %get3A_1 : vector<104x128xf32>
    %sub3A_2190 = vector.broadcast %get3A_2181 : vector<1x128xf32> to vector<104x128xf32>
    %sub3A_2191 = arith.subf %sub3A_2190, %get3A_4 : vector<104x128xf32>
    %mul3A_2192 = arith.mulf %sub3A_2189, %cos3A : vector<104x128xf32>
    %mul3A_2193 = arith.mulf %sub3A_2191, %sin3A : vector<104x128xf32>
    %add3A_2194 = arith.addf %mul3A_2192, %mul3A_2193 : vector<104x128xf32>
    %mul3A_2195 = arith.mulf %sub3A_2191, %cos3A : vector<104x128xf32>
    %mul3A_2196 = arith.mulf %sub3A_2189, %sin3A : vector<104x128xf32>
    %sub3A_2197 = arith.subf %mul3A_2195, %mul3A_2196 : vector<104x128xf32>
    %abs3A_2198 = math.absf %sub3A_2197 : vector<104x128xf32>
    %mul3A_2199 = arith.constant 0.36397022 : f32
    %mul3A_2200 = vector.broadcast %mul3A_2199 : f32 to vector<104x128xf32>
    %mul3A_2201 = arith.mulf %add3A_2194, %mul3A_2200 : vector<104x128xf32>
    %lt3A_2202 = arith.cmpf olt, %abs3A_2198, %mul3A_2201 : vector<104x128xf32>
    %lt3A_2203 = arith.cmpf olt, %add3A_2194, %select_n3A_2169 : vector<104x128xf32>
    %and3A_2204 = arith.andi %lt3A_2202, %lt3A_2203 : vector<104x128xi1>
    %select_n3A_2205 = arith.select %and3A_2204, %add3A_2194, %select_n3A_2169 : vector<104x128xi1>, vector<104x128xf32>
    %broadcast_in_dim3A_2206 = vector.shape_cast %get3A_2184 : vector<1x128xf32> to vector<1x128xf32>
    %broadcast_in_dim3A_2207 = vector.broadcast %broadcast_in_dim3A_2206 : vector<1x128xf32> to vector<104x128xf32>
    %select_n3A_2208 = arith.select %and3A_2204, %broadcast_in_dim3A_2207, %select_n3A_2172 : vector<104x128xi1>, vector<104x128xf32>
    %broadcast_in_dim3A_2209 = vector.shape_cast %get3A_2187 : vector<1x128xf32> to vector<1x128xf32>
    %broadcast_in_dim3A_2210 = vector.broadcast %broadcast_in_dim3A_2209 : vector<1x128xf32> to vector<104x128xf32>
    %select_n3A_2211 = arith.select %and3A_2204, %broadcast_in_dim3A_2210, %select_n3A_2175 : vector<104x128xi1>, vector<104x128xf32>
    %get3A_2212 = arith.constant 61 : index
    %get3A_2213 = arith.constant 0 : index
    %get3A_2214 = vector.load %arg2[%get3A_2212, %get3A_2213] : memref<104x128xf32, #tpu.memory_space<vmem>>, vector<1x128xf32>
    %get3A_2215 = arith.constant 61 : index
    %get3A_2216 = arith.constant 0 : index
    %get3A_2217 = vector.load %arg3[%get3A_2215, %get3A_2216] : memref<104x128xf32, #tpu.memory_space<vmem>>, vector<1x128xf32>
    %get3A_2218 = arith.constant 61 : index
    %get3A_2219 = arith.constant 0 : index
    %get3A_2220 = vector.load %arg7[%get3A_2218, %get3A_2219] : memref<104x128xf32, #tpu.memory_space<vmem>>, vector<1x128xf32>
    %get3A_2221 = arith.constant 61 : index
    %get3A_2222 = arith.constant 0 : index
    %get3A_2223 = vector.load %arg8[%get3A_2221, %get3A_2222] : memref<104x128xf32, #tpu.memory_space<vmem>>, vector<1x128xf32>
    %sub3A_2224 = vector.broadcast %get3A_2214 : vector<1x128xf32> to vector<104x128xf32>
    %sub3A_2225 = arith.subf %sub3A_2224, %get3A_1 : vector<104x128xf32>
    %sub3A_2226 = vector.broadcast %get3A_2217 : vector<1x128xf32> to vector<104x128xf32>
    %sub3A_2227 = arith.subf %sub3A_2226, %get3A_4 : vector<104x128xf32>
    %mul3A_2228 = arith.mulf %sub3A_2225, %cos3A : vector<104x128xf32>
    %mul3A_2229 = arith.mulf %sub3A_2227, %sin3A : vector<104x128xf32>
    %add3A_2230 = arith.addf %mul3A_2228, %mul3A_2229 : vector<104x128xf32>
    %mul3A_2231 = arith.mulf %sub3A_2227, %cos3A : vector<104x128xf32>
    %mul3A_2232 = arith.mulf %sub3A_2225, %sin3A : vector<104x128xf32>
    %sub3A_2233 = arith.subf %mul3A_2231, %mul3A_2232 : vector<104x128xf32>
    %abs3A_2234 = math.absf %sub3A_2233 : vector<104x128xf32>
    %mul3A_2235 = arith.constant 0.36397022 : f32
    %mul3A_2236 = vector.broadcast %mul3A_2235 : f32 to vector<104x128xf32>
    %mul3A_2237 = arith.mulf %add3A_2230, %mul3A_2236 : vector<104x128xf32>
    %lt3A_2238 = arith.cmpf olt, %abs3A_2234, %mul3A_2237 : vector<104x128xf32>
    %lt3A_2239 = arith.cmpf olt, %add3A_2230, %select_n3A_2205 : vector<104x128xf32>
    %and3A_2240 = arith.andi %lt3A_2238, %lt3A_2239 : vector<104x128xi1>
    %select_n3A_2241 = arith.select %and3A_2240, %add3A_2230, %select_n3A_2205 : vector<104x128xi1>, vector<104x128xf32>
    %broadcast_in_dim3A_2242 = vector.shape_cast %get3A_2220 : vector<1x128xf32> to vector<1x128xf32>
    %broadcast_in_dim3A_2243 = vector.broadcast %broadcast_in_dim3A_2242 : vector<1x128xf32> to vector<104x128xf32>
    %select_n3A_2244 = arith.select %and3A_2240, %broadcast_in_dim3A_2243, %select_n3A_2208 : vector<104x128xi1>, vector<104x128xf32>
    %broadcast_in_dim3A_2245 = vector.shape_cast %get3A_2223 : vector<1x128xf32> to vector<1x128xf32>
    %broadcast_in_dim3A_2246 = vector.broadcast %broadcast_in_dim3A_2245 : vector<1x128xf32> to vector<104x128xf32>
    %select_n3A_2247 = arith.select %and3A_2240, %broadcast_in_dim3A_2246, %select_n3A_2211 : vector<104x128xi1>, vector<104x128xf32>
    %get3A_2248 = arith.constant 62 : index
    %get3A_2249 = arith.constant 0 : index
    %get3A_2250 = vector.load %arg2[%get3A_2248, %get3A_2249] : memref<104x128xf32, #tpu.memory_space<vmem>>, vector<1x128xf32>
    %get3A_2251 = arith.constant 62 : index
    %get3A_2252 = arith.constant 0 : index
    %get3A_2253 = vector.load %arg3[%get3A_2251, %get3A_2252] : memref<104x128xf32, #tpu.memory_space<vmem>>, vector<1x128xf32>
    %get3A_2254 = arith.constant 62 : index
    %get3A_2255 = arith.constant 0 : index
    %get3A_2256 = vector.load %arg7[%get3A_2254, %get3A_2255] : memref<104x128xf32, #tpu.memory_space<vmem>>, vector<1x128xf32>
    %get3A_2257 = arith.constant 62 : index
    %get3A_2258 = arith.constant 0 : index
    %get3A_2259 = vector.load %arg8[%get3A_2257, %get3A_2258] : memref<104x128xf32, #tpu.memory_space<vmem>>, vector<1x128xf32>
    %sub3A_2260 = vector.broadcast %get3A_2250 : vector<1x128xf32> to vector<104x128xf32>
    %sub3A_2261 = arith.subf %sub3A_2260, %get3A_1 : vector<104x128xf32>
    %sub3A_2262 = vector.broadcast %get3A_2253 : vector<1x128xf32> to vector<104x128xf32>
    %sub3A_2263 = arith.subf %sub3A_2262, %get3A_4 : vector<104x128xf32>
    %mul3A_2264 = arith.mulf %sub3A_2261, %cos3A : vector<104x128xf32>
    %mul3A_2265 = arith.mulf %sub3A_2263, %sin3A : vector<104x128xf32>
    %add3A_2266 = arith.addf %mul3A_2264, %mul3A_2265 : vector<104x128xf32>
    %mul3A_2267 = arith.mulf %sub3A_2263, %cos3A : vector<104x128xf32>
    %mul3A_2268 = arith.mulf %sub3A_2261, %sin3A : vector<104x128xf32>
    %sub3A_2269 = arith.subf %mul3A_2267, %mul3A_2268 : vector<104x128xf32>
    %abs3A_2270 = math.absf %sub3A_2269 : vector<104x128xf32>
    %mul3A_2271 = arith.constant 0.36397022 : f32
    %mul3A_2272 = vector.broadcast %mul3A_2271 : f32 to vector<104x128xf32>
    %mul3A_2273 = arith.mulf %add3A_2266, %mul3A_2272 : vector<104x128xf32>
    %lt3A_2274 = arith.cmpf olt, %abs3A_2270, %mul3A_2273 : vector<104x128xf32>
    %lt3A_2275 = arith.cmpf olt, %add3A_2266, %select_n3A_2241 : vector<104x128xf32>
    %and3A_2276 = arith.andi %lt3A_2274, %lt3A_2275 : vector<104x128xi1>
    %select_n3A_2277 = arith.select %and3A_2276, %add3A_2266, %select_n3A_2241 : vector<104x128xi1>, vector<104x128xf32>
    %broadcast_in_dim3A_2278 = vector.shape_cast %get3A_2256 : vector<1x128xf32> to vector<1x128xf32>
    %broadcast_in_dim3A_2279 = vector.broadcast %broadcast_in_dim3A_2278 : vector<1x128xf32> to vector<104x128xf32>
    %select_n3A_2280 = arith.select %and3A_2276, %broadcast_in_dim3A_2279, %select_n3A_2244 : vector<104x128xi1>, vector<104x128xf32>
    %broadcast_in_dim3A_2281 = vector.shape_cast %get3A_2259 : vector<1x128xf32> to vector<1x128xf32>
    %broadcast_in_dim3A_2282 = vector.broadcast %broadcast_in_dim3A_2281 : vector<1x128xf32> to vector<104x128xf32>
    %select_n3A_2283 = arith.select %and3A_2276, %broadcast_in_dim3A_2282, %select_n3A_2247 : vector<104x128xi1>, vector<104x128xf32>
    %get3A_2284 = arith.constant 63 : index
    %get3A_2285 = arith.constant 0 : index
    %get3A_2286 = vector.load %arg2[%get3A_2284, %get3A_2285] : memref<104x128xf32, #tpu.memory_space<vmem>>, vector<1x128xf32>
    %get3A_2287 = arith.constant 63 : index
    %get3A_2288 = arith.constant 0 : index
    %get3A_2289 = vector.load %arg3[%get3A_2287, %get3A_2288] : memref<104x128xf32, #tpu.memory_space<vmem>>, vector<1x128xf32>
    %get3A_2290 = arith.constant 63 : index
    %get3A_2291 = arith.constant 0 : index
    %get3A_2292 = vector.load %arg7[%get3A_2290, %get3A_2291] : memref<104x128xf32, #tpu.memory_space<vmem>>, vector<1x128xf32>
    %get3A_2293 = arith.constant 63 : index
    %get3A_2294 = arith.constant 0 : index
    %get3A_2295 = vector.load %arg8[%get3A_2293, %get3A_2294] : memref<104x128xf32, #tpu.memory_space<vmem>>, vector<1x128xf32>
    %sub3A_2296 = vector.broadcast %get3A_2286 : vector<1x128xf32> to vector<104x128xf32>
    %sub3A_2297 = arith.subf %sub3A_2296, %get3A_1 : vector<104x128xf32>
    %sub3A_2298 = vector.broadcast %get3A_2289 : vector<1x128xf32> to vector<104x128xf32>
    %sub3A_2299 = arith.subf %sub3A_2298, %get3A_4 : vector<104x128xf32>
    %mul3A_2300 = arith.mulf %sub3A_2297, %cos3A : vector<104x128xf32>
    %mul3A_2301 = arith.mulf %sub3A_2299, %sin3A : vector<104x128xf32>
    %add3A_2302 = arith.addf %mul3A_2300, %mul3A_2301 : vector<104x128xf32>
    %mul3A_2303 = arith.mulf %sub3A_2299, %cos3A : vector<104x128xf32>
    %mul3A_2304 = arith.mulf %sub3A_2297, %sin3A : vector<104x128xf32>
    %sub3A_2305 = arith.subf %mul3A_2303, %mul3A_2304 : vector<104x128xf32>
    %abs3A_2306 = math.absf %sub3A_2305 : vector<104x128xf32>
    %mul3A_2307 = arith.constant 0.36397022 : f32
    %mul3A_2308 = vector.broadcast %mul3A_2307 : f32 to vector<104x128xf32>
    %mul3A_2309 = arith.mulf %add3A_2302, %mul3A_2308 : vector<104x128xf32>
    %lt3A_2310 = arith.cmpf olt, %abs3A_2306, %mul3A_2309 : vector<104x128xf32>
    %lt3A_2311 = arith.cmpf olt, %add3A_2302, %select_n3A_2277 : vector<104x128xf32>
    %and3A_2312 = arith.andi %lt3A_2310, %lt3A_2311 : vector<104x128xi1>
    %select_n3A_2313 = arith.select %and3A_2312, %add3A_2302, %select_n3A_2277 : vector<104x128xi1>, vector<104x128xf32>
    %broadcast_in_dim3A_2314 = vector.shape_cast %get3A_2292 : vector<1x128xf32> to vector<1x128xf32>
    %broadcast_in_dim3A_2315 = vector.broadcast %broadcast_in_dim3A_2314 : vector<1x128xf32> to vector<104x128xf32>
    %select_n3A_2316 = arith.select %and3A_2312, %broadcast_in_dim3A_2315, %select_n3A_2280 : vector<104x128xi1>, vector<104x128xf32>
    %broadcast_in_dim3A_2317 = vector.shape_cast %get3A_2295 : vector<1x128xf32> to vector<1x128xf32>
    %broadcast_in_dim3A_2318 = vector.broadcast %broadcast_in_dim3A_2317 : vector<1x128xf32> to vector<104x128xf32>
    %select_n3A_2319 = arith.select %and3A_2312, %broadcast_in_dim3A_2318, %select_n3A_2283 : vector<104x128xi1>, vector<104x128xf32>
    %get3A_2320 = arith.constant 64 : index
    %get3A_2321 = arith.constant 0 : index
    %get3A_2322 = vector.load %arg2[%get3A_2320, %get3A_2321] : memref<104x128xf32, #tpu.memory_space<vmem>>, vector<1x128xf32>
    %get3A_2323 = arith.constant 64 : index
    %get3A_2324 = arith.constant 0 : index
    %get3A_2325 = vector.load %arg3[%get3A_2323, %get3A_2324] : memref<104x128xf32, #tpu.memory_space<vmem>>, vector<1x128xf32>
    %get3A_2326 = arith.constant 64 : index
    %get3A_2327 = arith.constant 0 : index
    %get3A_2328 = vector.load %arg7[%get3A_2326, %get3A_2327] : memref<104x128xf32, #tpu.memory_space<vmem>>, vector<1x128xf32>
    %get3A_2329 = arith.constant 64 : index
    %get3A_2330 = arith.constant 0 : index
    %get3A_2331 = vector.load %arg8[%get3A_2329, %get3A_2330] : memref<104x128xf32, #tpu.memory_space<vmem>>, vector<1x128xf32>
    %sub3A_2332 = vector.broadcast %get3A_2322 : vector<1x128xf32> to vector<104x128xf32>
    %sub3A_2333 = arith.subf %sub3A_2332, %get3A_1 : vector<104x128xf32>
    %sub3A_2334 = vector.broadcast %get3A_2325 : vector<1x128xf32> to vector<104x128xf32>
    %sub3A_2335 = arith.subf %sub3A_2334, %get3A_4 : vector<104x128xf32>
    %mul3A_2336 = arith.mulf %sub3A_2333, %cos3A : vector<104x128xf32>
    %mul3A_2337 = arith.mulf %sub3A_2335, %sin3A : vector<104x128xf32>
    %add3A_2338 = arith.addf %mul3A_2336, %mul3A_2337 : vector<104x128xf32>
    %mul3A_2339 = arith.mulf %sub3A_2335, %cos3A : vector<104x128xf32>
    %mul3A_2340 = arith.mulf %sub3A_2333, %sin3A : vector<104x128xf32>
    %sub3A_2341 = arith.subf %mul3A_2339, %mul3A_2340 : vector<104x128xf32>
    %abs3A_2342 = math.absf %sub3A_2341 : vector<104x128xf32>
    %mul3A_2343 = arith.constant 0.36397022 : f32
    %mul3A_2344 = vector.broadcast %mul3A_2343 : f32 to vector<104x128xf32>
    %mul3A_2345 = arith.mulf %add3A_2338, %mul3A_2344 : vector<104x128xf32>
    %lt3A_2346 = arith.cmpf olt, %abs3A_2342, %mul3A_2345 : vector<104x128xf32>
    %lt3A_2347 = arith.cmpf olt, %add3A_2338, %select_n3A_2313 : vector<104x128xf32>
    %and3A_2348 = arith.andi %lt3A_2346, %lt3A_2347 : vector<104x128xi1>
    %select_n3A_2349 = arith.select %and3A_2348, %add3A_2338, %select_n3A_2313 : vector<104x128xi1>, vector<104x128xf32>
    %broadcast_in_dim3A_2350 = vector.shape_cast %get3A_2328 : vector<1x128xf32> to vector<1x128xf32>
    %broadcast_in_dim3A_2351 = vector.broadcast %broadcast_in_dim3A_2350 : vector<1x128xf32> to vector<104x128xf32>
    %select_n3A_2352 = arith.select %and3A_2348, %broadcast_in_dim3A_2351, %select_n3A_2316 : vector<104x128xi1>, vector<104x128xf32>
    %broadcast_in_dim3A_2353 = vector.shape_cast %get3A_2331 : vector<1x128xf32> to vector<1x128xf32>
    %broadcast_in_dim3A_2354 = vector.broadcast %broadcast_in_dim3A_2353 : vector<1x128xf32> to vector<104x128xf32>
    %select_n3A_2355 = arith.select %and3A_2348, %broadcast_in_dim3A_2354, %select_n3A_2319 : vector<104x128xi1>, vector<104x128xf32>
    %get3A_2356 = arith.constant 65 : index
    %get3A_2357 = arith.constant 0 : index
    %get3A_2358 = vector.load %arg2[%get3A_2356, %get3A_2357] : memref<104x128xf32, #tpu.memory_space<vmem>>, vector<1x128xf32>
    %get3A_2359 = arith.constant 65 : index
    %get3A_2360 = arith.constant 0 : index
    %get3A_2361 = vector.load %arg3[%get3A_2359, %get3A_2360] : memref<104x128xf32, #tpu.memory_space<vmem>>, vector<1x128xf32>
    %get3A_2362 = arith.constant 65 : index
    %get3A_2363 = arith.constant 0 : index
    %get3A_2364 = vector.load %arg7[%get3A_2362, %get3A_2363] : memref<104x128xf32, #tpu.memory_space<vmem>>, vector<1x128xf32>
    %get3A_2365 = arith.constant 65 : index
    %get3A_2366 = arith.constant 0 : index
    %get3A_2367 = vector.load %arg8[%get3A_2365, %get3A_2366] : memref<104x128xf32, #tpu.memory_space<vmem>>, vector<1x128xf32>
    %sub3A_2368 = vector.broadcast %get3A_2358 : vector<1x128xf32> to vector<104x128xf32>
    %sub3A_2369 = arith.subf %sub3A_2368, %get3A_1 : vector<104x128xf32>
    %sub3A_2370 = vector.broadcast %get3A_2361 : vector<1x128xf32> to vector<104x128xf32>
    %sub3A_2371 = arith.subf %sub3A_2370, %get3A_4 : vector<104x128xf32>
    %mul3A_2372 = arith.mulf %sub3A_2369, %cos3A : vector<104x128xf32>
    %mul3A_2373 = arith.mulf %sub3A_2371, %sin3A : vector<104x128xf32>
    %add3A_2374 = arith.addf %mul3A_2372, %mul3A_2373 : vector<104x128xf32>
    %mul3A_2375 = arith.mulf %sub3A_2371, %cos3A : vector<104x128xf32>
    %mul3A_2376 = arith.mulf %sub3A_2369, %sin3A : vector<104x128xf32>
    %sub3A_2377 = arith.subf %mul3A_2375, %mul3A_2376 : vector<104x128xf32>
    %abs3A_2378 = math.absf %sub3A_2377 : vector<104x128xf32>
    %mul3A_2379 = arith.constant 0.36397022 : f32
    %mul3A_2380 = vector.broadcast %mul3A_2379 : f32 to vector<104x128xf32>
    %mul3A_2381 = arith.mulf %add3A_2374, %mul3A_2380 : vector<104x128xf32>
    %lt3A_2382 = arith.cmpf olt, %abs3A_2378, %mul3A_2381 : vector<104x128xf32>
    %lt3A_2383 = arith.cmpf olt, %add3A_2374, %select_n3A_2349 : vector<104x128xf32>
    %and3A_2384 = arith.andi %lt3A_2382, %lt3A_2383 : vector<104x128xi1>
    %select_n3A_2385 = arith.select %and3A_2384, %add3A_2374, %select_n3A_2349 : vector<104x128xi1>, vector<104x128xf32>
    %broadcast_in_dim3A_2386 = vector.shape_cast %get3A_2364 : vector<1x128xf32> to vector<1x128xf32>
    %broadcast_in_dim3A_2387 = vector.broadcast %broadcast_in_dim3A_2386 : vector<1x128xf32> to vector<104x128xf32>
    %select_n3A_2388 = arith.select %and3A_2384, %broadcast_in_dim3A_2387, %select_n3A_2352 : vector<104x128xi1>, vector<104x128xf32>
    %broadcast_in_dim3A_2389 = vector.shape_cast %get3A_2367 : vector<1x128xf32> to vector<1x128xf32>
    %broadcast_in_dim3A_2390 = vector.broadcast %broadcast_in_dim3A_2389 : vector<1x128xf32> to vector<104x128xf32>
    %select_n3A_2391 = arith.select %and3A_2384, %broadcast_in_dim3A_2390, %select_n3A_2355 : vector<104x128xi1>, vector<104x128xf32>
    %get3A_2392 = arith.constant 66 : index
    %get3A_2393 = arith.constant 0 : index
    %get3A_2394 = vector.load %arg2[%get3A_2392, %get3A_2393] : memref<104x128xf32, #tpu.memory_space<vmem>>, vector<1x128xf32>
    %get3A_2395 = arith.constant 66 : index
    %get3A_2396 = arith.constant 0 : index
    %get3A_2397 = vector.load %arg3[%get3A_2395, %get3A_2396] : memref<104x128xf32, #tpu.memory_space<vmem>>, vector<1x128xf32>
    %get3A_2398 = arith.constant 66 : index
    %get3A_2399 = arith.constant 0 : index
    %get3A_2400 = vector.load %arg7[%get3A_2398, %get3A_2399] : memref<104x128xf32, #tpu.memory_space<vmem>>, vector<1x128xf32>
    %get3A_2401 = arith.constant 66 : index
    %get3A_2402 = arith.constant 0 : index
    %get3A_2403 = vector.load %arg8[%get3A_2401, %get3A_2402] : memref<104x128xf32, #tpu.memory_space<vmem>>, vector<1x128xf32>
    %sub3A_2404 = vector.broadcast %get3A_2394 : vector<1x128xf32> to vector<104x128xf32>
    %sub3A_2405 = arith.subf %sub3A_2404, %get3A_1 : vector<104x128xf32>
    %sub3A_2406 = vector.broadcast %get3A_2397 : vector<1x128xf32> to vector<104x128xf32>
    %sub3A_2407 = arith.subf %sub3A_2406, %get3A_4 : vector<104x128xf32>
    %mul3A_2408 = arith.mulf %sub3A_2405, %cos3A : vector<104x128xf32>
    %mul3A_2409 = arith.mulf %sub3A_2407, %sin3A : vector<104x128xf32>
    %add3A_2410 = arith.addf %mul3A_2408, %mul3A_2409 : vector<104x128xf32>
    %mul3A_2411 = arith.mulf %sub3A_2407, %cos3A : vector<104x128xf32>
    %mul3A_2412 = arith.mulf %sub3A_2405, %sin3A : vector<104x128xf32>
    %sub3A_2413 = arith.subf %mul3A_2411, %mul3A_2412 : vector<104x128xf32>
    %abs3A_2414 = math.absf %sub3A_2413 : vector<104x128xf32>
    %mul3A_2415 = arith.constant 0.36397022 : f32
    %mul3A_2416 = vector.broadcast %mul3A_2415 : f32 to vector<104x128xf32>
    %mul3A_2417 = arith.mulf %add3A_2410, %mul3A_2416 : vector<104x128xf32>
    %lt3A_2418 = arith.cmpf olt, %abs3A_2414, %mul3A_2417 : vector<104x128xf32>
    %lt3A_2419 = arith.cmpf olt, %add3A_2410, %select_n3A_2385 : vector<104x128xf32>
    %and3A_2420 = arith.andi %lt3A_2418, %lt3A_2419 : vector<104x128xi1>
    %select_n3A_2421 = arith.select %and3A_2420, %add3A_2410, %select_n3A_2385 : vector<104x128xi1>, vector<104x128xf32>
    %broadcast_in_dim3A_2422 = vector.shape_cast %get3A_2400 : vector<1x128xf32> to vector<1x128xf32>
    %broadcast_in_dim3A_2423 = vector.broadcast %broadcast_in_dim3A_2422 : vector<1x128xf32> to vector<104x128xf32>
    %select_n3A_2424 = arith.select %and3A_2420, %broadcast_in_dim3A_2423, %select_n3A_2388 : vector<104x128xi1>, vector<104x128xf32>
    %broadcast_in_dim3A_2425 = vector.shape_cast %get3A_2403 : vector<1x128xf32> to vector<1x128xf32>
    %broadcast_in_dim3A_2426 = vector.broadcast %broadcast_in_dim3A_2425 : vector<1x128xf32> to vector<104x128xf32>
    %select_n3A_2427 = arith.select %and3A_2420, %broadcast_in_dim3A_2426, %select_n3A_2391 : vector<104x128xi1>, vector<104x128xf32>
    %get3A_2428 = arith.constant 67 : index
    %get3A_2429 = arith.constant 0 : index
    %get3A_2430 = vector.load %arg2[%get3A_2428, %get3A_2429] : memref<104x128xf32, #tpu.memory_space<vmem>>, vector<1x128xf32>
    %get3A_2431 = arith.constant 67 : index
    %get3A_2432 = arith.constant 0 : index
    %get3A_2433 = vector.load %arg3[%get3A_2431, %get3A_2432] : memref<104x128xf32, #tpu.memory_space<vmem>>, vector<1x128xf32>
    %get3A_2434 = arith.constant 67 : index
    %get3A_2435 = arith.constant 0 : index
    %get3A_2436 = vector.load %arg7[%get3A_2434, %get3A_2435] : memref<104x128xf32, #tpu.memory_space<vmem>>, vector<1x128xf32>
    %get3A_2437 = arith.constant 67 : index
    %get3A_2438 = arith.constant 0 : index
    %get3A_2439 = vector.load %arg8[%get3A_2437, %get3A_2438] : memref<104x128xf32, #tpu.memory_space<vmem>>, vector<1x128xf32>
    %sub3A_2440 = vector.broadcast %get3A_2430 : vector<1x128xf32> to vector<104x128xf32>
    %sub3A_2441 = arith.subf %sub3A_2440, %get3A_1 : vector<104x128xf32>
    %sub3A_2442 = vector.broadcast %get3A_2433 : vector<1x128xf32> to vector<104x128xf32>
    %sub3A_2443 = arith.subf %sub3A_2442, %get3A_4 : vector<104x128xf32>
    %mul3A_2444 = arith.mulf %sub3A_2441, %cos3A : vector<104x128xf32>
    %mul3A_2445 = arith.mulf %sub3A_2443, %sin3A : vector<104x128xf32>
    %add3A_2446 = arith.addf %mul3A_2444, %mul3A_2445 : vector<104x128xf32>
    %mul3A_2447 = arith.mulf %sub3A_2443, %cos3A : vector<104x128xf32>
    %mul3A_2448 = arith.mulf %sub3A_2441, %sin3A : vector<104x128xf32>
    %sub3A_2449 = arith.subf %mul3A_2447, %mul3A_2448 : vector<104x128xf32>
    %abs3A_2450 = math.absf %sub3A_2449 : vector<104x128xf32>
    %mul3A_2451 = arith.constant 0.36397022 : f32
    %mul3A_2452 = vector.broadcast %mul3A_2451 : f32 to vector<104x128xf32>
    %mul3A_2453 = arith.mulf %add3A_2446, %mul3A_2452 : vector<104x128xf32>
    %lt3A_2454 = arith.cmpf olt, %abs3A_2450, %mul3A_2453 : vector<104x128xf32>
    %lt3A_2455 = arith.cmpf olt, %add3A_2446, %select_n3A_2421 : vector<104x128xf32>
    %and3A_2456 = arith.andi %lt3A_2454, %lt3A_2455 : vector<104x128xi1>
    %select_n3A_2457 = arith.select %and3A_2456, %add3A_2446, %select_n3A_2421 : vector<104x128xi1>, vector<104x128xf32>
    %broadcast_in_dim3A_2458 = vector.shape_cast %get3A_2436 : vector<1x128xf32> to vector<1x128xf32>
    %broadcast_in_dim3A_2459 = vector.broadcast %broadcast_in_dim3A_2458 : vector<1x128xf32> to vector<104x128xf32>
    %select_n3A_2460 = arith.select %and3A_2456, %broadcast_in_dim3A_2459, %select_n3A_2424 : vector<104x128xi1>, vector<104x128xf32>
    %broadcast_in_dim3A_2461 = vector.shape_cast %get3A_2439 : vector<1x128xf32> to vector<1x128xf32>
    %broadcast_in_dim3A_2462 = vector.broadcast %broadcast_in_dim3A_2461 : vector<1x128xf32> to vector<104x128xf32>
    %select_n3A_2463 = arith.select %and3A_2456, %broadcast_in_dim3A_2462, %select_n3A_2427 : vector<104x128xi1>, vector<104x128xf32>
    %get3A_2464 = arith.constant 68 : index
    %get3A_2465 = arith.constant 0 : index
    %get3A_2466 = vector.load %arg2[%get3A_2464, %get3A_2465] : memref<104x128xf32, #tpu.memory_space<vmem>>, vector<1x128xf32>
    %get3A_2467 = arith.constant 68 : index
    %get3A_2468 = arith.constant 0 : index
    %get3A_2469 = vector.load %arg3[%get3A_2467, %get3A_2468] : memref<104x128xf32, #tpu.memory_space<vmem>>, vector<1x128xf32>
    %get3A_2470 = arith.constant 68 : index
    %get3A_2471 = arith.constant 0 : index
    %get3A_2472 = vector.load %arg7[%get3A_2470, %get3A_2471] : memref<104x128xf32, #tpu.memory_space<vmem>>, vector<1x128xf32>
    %get3A_2473 = arith.constant 68 : index
    %get3A_2474 = arith.constant 0 : index
    %get3A_2475 = vector.load %arg8[%get3A_2473, %get3A_2474] : memref<104x128xf32, #tpu.memory_space<vmem>>, vector<1x128xf32>
    %sub3A_2476 = vector.broadcast %get3A_2466 : vector<1x128xf32> to vector<104x128xf32>
    %sub3A_2477 = arith.subf %sub3A_2476, %get3A_1 : vector<104x128xf32>
    %sub3A_2478 = vector.broadcast %get3A_2469 : vector<1x128xf32> to vector<104x128xf32>
    %sub3A_2479 = arith.subf %sub3A_2478, %get3A_4 : vector<104x128xf32>
    %mul3A_2480 = arith.mulf %sub3A_2477, %cos3A : vector<104x128xf32>
    %mul3A_2481 = arith.mulf %sub3A_2479, %sin3A : vector<104x128xf32>
    %add3A_2482 = arith.addf %mul3A_2480, %mul3A_2481 : vector<104x128xf32>
    %mul3A_2483 = arith.mulf %sub3A_2479, %cos3A : vector<104x128xf32>
    %mul3A_2484 = arith.mulf %sub3A_2477, %sin3A : vector<104x128xf32>
    %sub3A_2485 = arith.subf %mul3A_2483, %mul3A_2484 : vector<104x128xf32>
    %abs3A_2486 = math.absf %sub3A_2485 : vector<104x128xf32>
    %mul3A_2487 = arith.constant 0.36397022 : f32
    %mul3A_2488 = vector.broadcast %mul3A_2487 : f32 to vector<104x128xf32>
    %mul3A_2489 = arith.mulf %add3A_2482, %mul3A_2488 : vector<104x128xf32>
    %lt3A_2490 = arith.cmpf olt, %abs3A_2486, %mul3A_2489 : vector<104x128xf32>
    %lt3A_2491 = arith.cmpf olt, %add3A_2482, %select_n3A_2457 : vector<104x128xf32>
    %and3A_2492 = arith.andi %lt3A_2490, %lt3A_2491 : vector<104x128xi1>
    %select_n3A_2493 = arith.select %and3A_2492, %add3A_2482, %select_n3A_2457 : vector<104x128xi1>, vector<104x128xf32>
    %broadcast_in_dim3A_2494 = vector.shape_cast %get3A_2472 : vector<1x128xf32> to vector<1x128xf32>
    %broadcast_in_dim3A_2495 = vector.broadcast %broadcast_in_dim3A_2494 : vector<1x128xf32> to vector<104x128xf32>
    %select_n3A_2496 = arith.select %and3A_2492, %broadcast_in_dim3A_2495, %select_n3A_2460 : vector<104x128xi1>, vector<104x128xf32>
    %broadcast_in_dim3A_2497 = vector.shape_cast %get3A_2475 : vector<1x128xf32> to vector<1x128xf32>
    %broadcast_in_dim3A_2498 = vector.broadcast %broadcast_in_dim3A_2497 : vector<1x128xf32> to vector<104x128xf32>
    %select_n3A_2499 = arith.select %and3A_2492, %broadcast_in_dim3A_2498, %select_n3A_2463 : vector<104x128xi1>, vector<104x128xf32>
    %get3A_2500 = arith.constant 69 : index
    %get3A_2501 = arith.constant 0 : index
    %get3A_2502 = vector.load %arg2[%get3A_2500, %get3A_2501] : memref<104x128xf32, #tpu.memory_space<vmem>>, vector<1x128xf32>
    %get3A_2503 = arith.constant 69 : index
    %get3A_2504 = arith.constant 0 : index
    %get3A_2505 = vector.load %arg3[%get3A_2503, %get3A_2504] : memref<104x128xf32, #tpu.memory_space<vmem>>, vector<1x128xf32>
    %get3A_2506 = arith.constant 69 : index
    %get3A_2507 = arith.constant 0 : index
    %get3A_2508 = vector.load %arg7[%get3A_2506, %get3A_2507] : memref<104x128xf32, #tpu.memory_space<vmem>>, vector<1x128xf32>
    %get3A_2509 = arith.constant 69 : index
    %get3A_2510 = arith.constant 0 : index
    %get3A_2511 = vector.load %arg8[%get3A_2509, %get3A_2510] : memref<104x128xf32, #tpu.memory_space<vmem>>, vector<1x128xf32>
    %sub3A_2512 = vector.broadcast %get3A_2502 : vector<1x128xf32> to vector<104x128xf32>
    %sub3A_2513 = arith.subf %sub3A_2512, %get3A_1 : vector<104x128xf32>
    %sub3A_2514 = vector.broadcast %get3A_2505 : vector<1x128xf32> to vector<104x128xf32>
    %sub3A_2515 = arith.subf %sub3A_2514, %get3A_4 : vector<104x128xf32>
    %mul3A_2516 = arith.mulf %sub3A_2513, %cos3A : vector<104x128xf32>
    %mul3A_2517 = arith.mulf %sub3A_2515, %sin3A : vector<104x128xf32>
    %add3A_2518 = arith.addf %mul3A_2516, %mul3A_2517 : vector<104x128xf32>
    %mul3A_2519 = arith.mulf %sub3A_2515, %cos3A : vector<104x128xf32>
    %mul3A_2520 = arith.mulf %sub3A_2513, %sin3A : vector<104x128xf32>
    %sub3A_2521 = arith.subf %mul3A_2519, %mul3A_2520 : vector<104x128xf32>
    %abs3A_2522 = math.absf %sub3A_2521 : vector<104x128xf32>
    %mul3A_2523 = arith.constant 0.36397022 : f32
    %mul3A_2524 = vector.broadcast %mul3A_2523 : f32 to vector<104x128xf32>
    %mul3A_2525 = arith.mulf %add3A_2518, %mul3A_2524 : vector<104x128xf32>
    %lt3A_2526 = arith.cmpf olt, %abs3A_2522, %mul3A_2525 : vector<104x128xf32>
    %lt3A_2527 = arith.cmpf olt, %add3A_2518, %select_n3A_2493 : vector<104x128xf32>
    %and3A_2528 = arith.andi %lt3A_2526, %lt3A_2527 : vector<104x128xi1>
    %select_n3A_2529 = arith.select %and3A_2528, %add3A_2518, %select_n3A_2493 : vector<104x128xi1>, vector<104x128xf32>
    %broadcast_in_dim3A_2530 = vector.shape_cast %get3A_2508 : vector<1x128xf32> to vector<1x128xf32>
    %broadcast_in_dim3A_2531 = vector.broadcast %broadcast_in_dim3A_2530 : vector<1x128xf32> to vector<104x128xf32>
    %select_n3A_2532 = arith.select %and3A_2528, %broadcast_in_dim3A_2531, %select_n3A_2496 : vector<104x128xi1>, vector<104x128xf32>
    %broadcast_in_dim3A_2533 = vector.shape_cast %get3A_2511 : vector<1x128xf32> to vector<1x128xf32>
    %broadcast_in_dim3A_2534 = vector.broadcast %broadcast_in_dim3A_2533 : vector<1x128xf32> to vector<104x128xf32>
    %select_n3A_2535 = arith.select %and3A_2528, %broadcast_in_dim3A_2534, %select_n3A_2499 : vector<104x128xi1>, vector<104x128xf32>
    %get3A_2536 = arith.constant 70 : index
    %get3A_2537 = arith.constant 0 : index
    %get3A_2538 = vector.load %arg2[%get3A_2536, %get3A_2537] : memref<104x128xf32, #tpu.memory_space<vmem>>, vector<1x128xf32>
    %get3A_2539 = arith.constant 70 : index
    %get3A_2540 = arith.constant 0 : index
    %get3A_2541 = vector.load %arg3[%get3A_2539, %get3A_2540] : memref<104x128xf32, #tpu.memory_space<vmem>>, vector<1x128xf32>
    %get3A_2542 = arith.constant 70 : index
    %get3A_2543 = arith.constant 0 : index
    %get3A_2544 = vector.load %arg7[%get3A_2542, %get3A_2543] : memref<104x128xf32, #tpu.memory_space<vmem>>, vector<1x128xf32>
    %get3A_2545 = arith.constant 70 : index
    %get3A_2546 = arith.constant 0 : index
    %get3A_2547 = vector.load %arg8[%get3A_2545, %get3A_2546] : memref<104x128xf32, #tpu.memory_space<vmem>>, vector<1x128xf32>
    %sub3A_2548 = vector.broadcast %get3A_2538 : vector<1x128xf32> to vector<104x128xf32>
    %sub3A_2549 = arith.subf %sub3A_2548, %get3A_1 : vector<104x128xf32>
    %sub3A_2550 = vector.broadcast %get3A_2541 : vector<1x128xf32> to vector<104x128xf32>
    %sub3A_2551 = arith.subf %sub3A_2550, %get3A_4 : vector<104x128xf32>
    %mul3A_2552 = arith.mulf %sub3A_2549, %cos3A : vector<104x128xf32>
    %mul3A_2553 = arith.mulf %sub3A_2551, %sin3A : vector<104x128xf32>
    %add3A_2554 = arith.addf %mul3A_2552, %mul3A_2553 : vector<104x128xf32>
    %mul3A_2555 = arith.mulf %sub3A_2551, %cos3A : vector<104x128xf32>
    %mul3A_2556 = arith.mulf %sub3A_2549, %sin3A : vector<104x128xf32>
    %sub3A_2557 = arith.subf %mul3A_2555, %mul3A_2556 : vector<104x128xf32>
    %abs3A_2558 = math.absf %sub3A_2557 : vector<104x128xf32>
    %mul3A_2559 = arith.constant 0.36397022 : f32
    %mul3A_2560 = vector.broadcast %mul3A_2559 : f32 to vector<104x128xf32>
    %mul3A_2561 = arith.mulf %add3A_2554, %mul3A_2560 : vector<104x128xf32>
    %lt3A_2562 = arith.cmpf olt, %abs3A_2558, %mul3A_2561 : vector<104x128xf32>
    %lt3A_2563 = arith.cmpf olt, %add3A_2554, %select_n3A_2529 : vector<104x128xf32>
    %and3A_2564 = arith.andi %lt3A_2562, %lt3A_2563 : vector<104x128xi1>
    %select_n3A_2565 = arith.select %and3A_2564, %add3A_2554, %select_n3A_2529 : vector<104x128xi1>, vector<104x128xf32>
    %broadcast_in_dim3A_2566 = vector.shape_cast %get3A_2544 : vector<1x128xf32> to vector<1x128xf32>
    %broadcast_in_dim3A_2567 = vector.broadcast %broadcast_in_dim3A_2566 : vector<1x128xf32> to vector<104x128xf32>
    %select_n3A_2568 = arith.select %and3A_2564, %broadcast_in_dim3A_2567, %select_n3A_2532 : vector<104x128xi1>, vector<104x128xf32>
    %broadcast_in_dim3A_2569 = vector.shape_cast %get3A_2547 : vector<1x128xf32> to vector<1x128xf32>
    %broadcast_in_dim3A_2570 = vector.broadcast %broadcast_in_dim3A_2569 : vector<1x128xf32> to vector<104x128xf32>
    %select_n3A_2571 = arith.select %and3A_2564, %broadcast_in_dim3A_2570, %select_n3A_2535 : vector<104x128xi1>, vector<104x128xf32>
    %get3A_2572 = arith.constant 71 : index
    %get3A_2573 = arith.constant 0 : index
    %get3A_2574 = vector.load %arg2[%get3A_2572, %get3A_2573] : memref<104x128xf32, #tpu.memory_space<vmem>>, vector<1x128xf32>
    %get3A_2575 = arith.constant 71 : index
    %get3A_2576 = arith.constant 0 : index
    %get3A_2577 = vector.load %arg3[%get3A_2575, %get3A_2576] : memref<104x128xf32, #tpu.memory_space<vmem>>, vector<1x128xf32>
    %get3A_2578 = arith.constant 71 : index
    %get3A_2579 = arith.constant 0 : index
    %get3A_2580 = vector.load %arg7[%get3A_2578, %get3A_2579] : memref<104x128xf32, #tpu.memory_space<vmem>>, vector<1x128xf32>
    %get3A_2581 = arith.constant 71 : index
    %get3A_2582 = arith.constant 0 : index
    %get3A_2583 = vector.load %arg8[%get3A_2581, %get3A_2582] : memref<104x128xf32, #tpu.memory_space<vmem>>, vector<1x128xf32>
    %sub3A_2584 = vector.broadcast %get3A_2574 : vector<1x128xf32> to vector<104x128xf32>
    %sub3A_2585 = arith.subf %sub3A_2584, %get3A_1 : vector<104x128xf32>
    %sub3A_2586 = vector.broadcast %get3A_2577 : vector<1x128xf32> to vector<104x128xf32>
    %sub3A_2587 = arith.subf %sub3A_2586, %get3A_4 : vector<104x128xf32>
    %mul3A_2588 = arith.mulf %sub3A_2585, %cos3A : vector<104x128xf32>
    %mul3A_2589 = arith.mulf %sub3A_2587, %sin3A : vector<104x128xf32>
    %add3A_2590 = arith.addf %mul3A_2588, %mul3A_2589 : vector<104x128xf32>
    %mul3A_2591 = arith.mulf %sub3A_2587, %cos3A : vector<104x128xf32>
    %mul3A_2592 = arith.mulf %sub3A_2585, %sin3A : vector<104x128xf32>
    %sub3A_2593 = arith.subf %mul3A_2591, %mul3A_2592 : vector<104x128xf32>
    %abs3A_2594 = math.absf %sub3A_2593 : vector<104x128xf32>
    %mul3A_2595 = arith.constant 0.36397022 : f32
    %mul3A_2596 = vector.broadcast %mul3A_2595 : f32 to vector<104x128xf32>
    %mul3A_2597 = arith.mulf %add3A_2590, %mul3A_2596 : vector<104x128xf32>
    %lt3A_2598 = arith.cmpf olt, %abs3A_2594, %mul3A_2597 : vector<104x128xf32>
    %lt3A_2599 = arith.cmpf olt, %add3A_2590, %select_n3A_2565 : vector<104x128xf32>
    %and3A_2600 = arith.andi %lt3A_2598, %lt3A_2599 : vector<104x128xi1>
    %select_n3A_2601 = arith.select %and3A_2600, %add3A_2590, %select_n3A_2565 : vector<104x128xi1>, vector<104x128xf32>
    %broadcast_in_dim3A_2602 = vector.shape_cast %get3A_2580 : vector<1x128xf32> to vector<1x128xf32>
    %broadcast_in_dim3A_2603 = vector.broadcast %broadcast_in_dim3A_2602 : vector<1x128xf32> to vector<104x128xf32>
    %select_n3A_2604 = arith.select %and3A_2600, %broadcast_in_dim3A_2603, %select_n3A_2568 : vector<104x128xi1>, vector<104x128xf32>
    %broadcast_in_dim3A_2605 = vector.shape_cast %get3A_2583 : vector<1x128xf32> to vector<1x128xf32>
    %broadcast_in_dim3A_2606 = vector.broadcast %broadcast_in_dim3A_2605 : vector<1x128xf32> to vector<104x128xf32>
    %select_n3A_2607 = arith.select %and3A_2600, %broadcast_in_dim3A_2606, %select_n3A_2571 : vector<104x128xi1>, vector<104x128xf32>
    %get3A_2608 = arith.constant 72 : index
    %get3A_2609 = arith.constant 0 : index
    %get3A_2610 = vector.load %arg2[%get3A_2608, %get3A_2609] : memref<104x128xf32, #tpu.memory_space<vmem>>, vector<1x128xf32>
    %get3A_2611 = arith.constant 72 : index
    %get3A_2612 = arith.constant 0 : index
    %get3A_2613 = vector.load %arg3[%get3A_2611, %get3A_2612] : memref<104x128xf32, #tpu.memory_space<vmem>>, vector<1x128xf32>
    %get3A_2614 = arith.constant 72 : index
    %get3A_2615 = arith.constant 0 : index
    %get3A_2616 = vector.load %arg7[%get3A_2614, %get3A_2615] : memref<104x128xf32, #tpu.memory_space<vmem>>, vector<1x128xf32>
    %get3A_2617 = arith.constant 72 : index
    %get3A_2618 = arith.constant 0 : index
    %get3A_2619 = vector.load %arg8[%get3A_2617, %get3A_2618] : memref<104x128xf32, #tpu.memory_space<vmem>>, vector<1x128xf32>
    %sub3A_2620 = vector.broadcast %get3A_2610 : vector<1x128xf32> to vector<104x128xf32>
    %sub3A_2621 = arith.subf %sub3A_2620, %get3A_1 : vector<104x128xf32>
    %sub3A_2622 = vector.broadcast %get3A_2613 : vector<1x128xf32> to vector<104x128xf32>
    %sub3A_2623 = arith.subf %sub3A_2622, %get3A_4 : vector<104x128xf32>
    %mul3A_2624 = arith.mulf %sub3A_2621, %cos3A : vector<104x128xf32>
    %mul3A_2625 = arith.mulf %sub3A_2623, %sin3A : vector<104x128xf32>
    %add3A_2626 = arith.addf %mul3A_2624, %mul3A_2625 : vector<104x128xf32>
    %mul3A_2627 = arith.mulf %sub3A_2623, %cos3A : vector<104x128xf32>
    %mul3A_2628 = arith.mulf %sub3A_2621, %sin3A : vector<104x128xf32>
    %sub3A_2629 = arith.subf %mul3A_2627, %mul3A_2628 : vector<104x128xf32>
    %abs3A_2630 = math.absf %sub3A_2629 : vector<104x128xf32>
    %mul3A_2631 = arith.constant 0.36397022 : f32
    %mul3A_2632 = vector.broadcast %mul3A_2631 : f32 to vector<104x128xf32>
    %mul3A_2633 = arith.mulf %add3A_2626, %mul3A_2632 : vector<104x128xf32>
    %lt3A_2634 = arith.cmpf olt, %abs3A_2630, %mul3A_2633 : vector<104x128xf32>
    %lt3A_2635 = arith.cmpf olt, %add3A_2626, %select_n3A_2601 : vector<104x128xf32>
    %and3A_2636 = arith.andi %lt3A_2634, %lt3A_2635 : vector<104x128xi1>
    %select_n3A_2637 = arith.select %and3A_2636, %add3A_2626, %select_n3A_2601 : vector<104x128xi1>, vector<104x128xf32>
    %broadcast_in_dim3A_2638 = vector.shape_cast %get3A_2616 : vector<1x128xf32> to vector<1x128xf32>
    %broadcast_in_dim3A_2639 = vector.broadcast %broadcast_in_dim3A_2638 : vector<1x128xf32> to vector<104x128xf32>
    %select_n3A_2640 = arith.select %and3A_2636, %broadcast_in_dim3A_2639, %select_n3A_2604 : vector<104x128xi1>, vector<104x128xf32>
    %broadcast_in_dim3A_2641 = vector.shape_cast %get3A_2619 : vector<1x128xf32> to vector<1x128xf32>
    %broadcast_in_dim3A_2642 = vector.broadcast %broadcast_in_dim3A_2641 : vector<1x128xf32> to vector<104x128xf32>
    %select_n3A_2643 = arith.select %and3A_2636, %broadcast_in_dim3A_2642, %select_n3A_2607 : vector<104x128xi1>, vector<104x128xf32>
    %get3A_2644 = arith.constant 73 : index
    %get3A_2645 = arith.constant 0 : index
    %get3A_2646 = vector.load %arg2[%get3A_2644, %get3A_2645] : memref<104x128xf32, #tpu.memory_space<vmem>>, vector<1x128xf32>
    %get3A_2647 = arith.constant 73 : index
    %get3A_2648 = arith.constant 0 : index
    %get3A_2649 = vector.load %arg3[%get3A_2647, %get3A_2648] : memref<104x128xf32, #tpu.memory_space<vmem>>, vector<1x128xf32>
    %get3A_2650 = arith.constant 73 : index
    %get3A_2651 = arith.constant 0 : index
    %get3A_2652 = vector.load %arg7[%get3A_2650, %get3A_2651] : memref<104x128xf32, #tpu.memory_space<vmem>>, vector<1x128xf32>
    %get3A_2653 = arith.constant 73 : index
    %get3A_2654 = arith.constant 0 : index
    %get3A_2655 = vector.load %arg8[%get3A_2653, %get3A_2654] : memref<104x128xf32, #tpu.memory_space<vmem>>, vector<1x128xf32>
    %sub3A_2656 = vector.broadcast %get3A_2646 : vector<1x128xf32> to vector<104x128xf32>
    %sub3A_2657 = arith.subf %sub3A_2656, %get3A_1 : vector<104x128xf32>
    %sub3A_2658 = vector.broadcast %get3A_2649 : vector<1x128xf32> to vector<104x128xf32>
    %sub3A_2659 = arith.subf %sub3A_2658, %get3A_4 : vector<104x128xf32>
    %mul3A_2660 = arith.mulf %sub3A_2657, %cos3A : vector<104x128xf32>
    %mul3A_2661 = arith.mulf %sub3A_2659, %sin3A : vector<104x128xf32>
    %add3A_2662 = arith.addf %mul3A_2660, %mul3A_2661 : vector<104x128xf32>
    %mul3A_2663 = arith.mulf %sub3A_2659, %cos3A : vector<104x128xf32>
    %mul3A_2664 = arith.mulf %sub3A_2657, %sin3A : vector<104x128xf32>
    %sub3A_2665 = arith.subf %mul3A_2663, %mul3A_2664 : vector<104x128xf32>
    %abs3A_2666 = math.absf %sub3A_2665 : vector<104x128xf32>
    %mul3A_2667 = arith.constant 0.36397022 : f32
    %mul3A_2668 = vector.broadcast %mul3A_2667 : f32 to vector<104x128xf32>
    %mul3A_2669 = arith.mulf %add3A_2662, %mul3A_2668 : vector<104x128xf32>
    %lt3A_2670 = arith.cmpf olt, %abs3A_2666, %mul3A_2669 : vector<104x128xf32>
    %lt3A_2671 = arith.cmpf olt, %add3A_2662, %select_n3A_2637 : vector<104x128xf32>
    %and3A_2672 = arith.andi %lt3A_2670, %lt3A_2671 : vector<104x128xi1>
    %select_n3A_2673 = arith.select %and3A_2672, %add3A_2662, %select_n3A_2637 : vector<104x128xi1>, vector<104x128xf32>
    %broadcast_in_dim3A_2674 = vector.shape_cast %get3A_2652 : vector<1x128xf32> to vector<1x128xf32>
    %broadcast_in_dim3A_2675 = vector.broadcast %broadcast_in_dim3A_2674 : vector<1x128xf32> to vector<104x128xf32>
    %select_n3A_2676 = arith.select %and3A_2672, %broadcast_in_dim3A_2675, %select_n3A_2640 : vector<104x128xi1>, vector<104x128xf32>
    %broadcast_in_dim3A_2677 = vector.shape_cast %get3A_2655 : vector<1x128xf32> to vector<1x128xf32>
    %broadcast_in_dim3A_2678 = vector.broadcast %broadcast_in_dim3A_2677 : vector<1x128xf32> to vector<104x128xf32>
    %select_n3A_2679 = arith.select %and3A_2672, %broadcast_in_dim3A_2678, %select_n3A_2643 : vector<104x128xi1>, vector<104x128xf32>
    %get3A_2680 = arith.constant 74 : index
    %get3A_2681 = arith.constant 0 : index
    %get3A_2682 = vector.load %arg2[%get3A_2680, %get3A_2681] : memref<104x128xf32, #tpu.memory_space<vmem>>, vector<1x128xf32>
    %get3A_2683 = arith.constant 74 : index
    %get3A_2684 = arith.constant 0 : index
    %get3A_2685 = vector.load %arg3[%get3A_2683, %get3A_2684] : memref<104x128xf32, #tpu.memory_space<vmem>>, vector<1x128xf32>
    %get3A_2686 = arith.constant 74 : index
    %get3A_2687 = arith.constant 0 : index
    %get3A_2688 = vector.load %arg7[%get3A_2686, %get3A_2687] : memref<104x128xf32, #tpu.memory_space<vmem>>, vector<1x128xf32>
    %get3A_2689 = arith.constant 74 : index
    %get3A_2690 = arith.constant 0 : index
    %get3A_2691 = vector.load %arg8[%get3A_2689, %get3A_2690] : memref<104x128xf32, #tpu.memory_space<vmem>>, vector<1x128xf32>
    %sub3A_2692 = vector.broadcast %get3A_2682 : vector<1x128xf32> to vector<104x128xf32>
    %sub3A_2693 = arith.subf %sub3A_2692, %get3A_1 : vector<104x128xf32>
    %sub3A_2694 = vector.broadcast %get3A_2685 : vector<1x128xf32> to vector<104x128xf32>
    %sub3A_2695 = arith.subf %sub3A_2694, %get3A_4 : vector<104x128xf32>
    %mul3A_2696 = arith.mulf %sub3A_2693, %cos3A : vector<104x128xf32>
    %mul3A_2697 = arith.mulf %sub3A_2695, %sin3A : vector<104x128xf32>
    %add3A_2698 = arith.addf %mul3A_2696, %mul3A_2697 : vector<104x128xf32>
    %mul3A_2699 = arith.mulf %sub3A_2695, %cos3A : vector<104x128xf32>
    %mul3A_2700 = arith.mulf %sub3A_2693, %sin3A : vector<104x128xf32>
    %sub3A_2701 = arith.subf %mul3A_2699, %mul3A_2700 : vector<104x128xf32>
    %abs3A_2702 = math.absf %sub3A_2701 : vector<104x128xf32>
    %mul3A_2703 = arith.constant 0.36397022 : f32
    %mul3A_2704 = vector.broadcast %mul3A_2703 : f32 to vector<104x128xf32>
    %mul3A_2705 = arith.mulf %add3A_2698, %mul3A_2704 : vector<104x128xf32>
    %lt3A_2706 = arith.cmpf olt, %abs3A_2702, %mul3A_2705 : vector<104x128xf32>
    %lt3A_2707 = arith.cmpf olt, %add3A_2698, %select_n3A_2673 : vector<104x128xf32>
    %and3A_2708 = arith.andi %lt3A_2706, %lt3A_2707 : vector<104x128xi1>
    %select_n3A_2709 = arith.select %and3A_2708, %add3A_2698, %select_n3A_2673 : vector<104x128xi1>, vector<104x128xf32>
    %broadcast_in_dim3A_2710 = vector.shape_cast %get3A_2688 : vector<1x128xf32> to vector<1x128xf32>
    %broadcast_in_dim3A_2711 = vector.broadcast %broadcast_in_dim3A_2710 : vector<1x128xf32> to vector<104x128xf32>
    %select_n3A_2712 = arith.select %and3A_2708, %broadcast_in_dim3A_2711, %select_n3A_2676 : vector<104x128xi1>, vector<104x128xf32>
    %broadcast_in_dim3A_2713 = vector.shape_cast %get3A_2691 : vector<1x128xf32> to vector<1x128xf32>
    %broadcast_in_dim3A_2714 = vector.broadcast %broadcast_in_dim3A_2713 : vector<1x128xf32> to vector<104x128xf32>
    %select_n3A_2715 = arith.select %and3A_2708, %broadcast_in_dim3A_2714, %select_n3A_2679 : vector<104x128xi1>, vector<104x128xf32>
    %get3A_2716 = arith.constant 75 : index
    %get3A_2717 = arith.constant 0 : index
    %get3A_2718 = vector.load %arg2[%get3A_2716, %get3A_2717] : memref<104x128xf32, #tpu.memory_space<vmem>>, vector<1x128xf32>
    %get3A_2719 = arith.constant 75 : index
    %get3A_2720 = arith.constant 0 : index
    %get3A_2721 = vector.load %arg3[%get3A_2719, %get3A_2720] : memref<104x128xf32, #tpu.memory_space<vmem>>, vector<1x128xf32>
    %get3A_2722 = arith.constant 75 : index
    %get3A_2723 = arith.constant 0 : index
    %get3A_2724 = vector.load %arg7[%get3A_2722, %get3A_2723] : memref<104x128xf32, #tpu.memory_space<vmem>>, vector<1x128xf32>
    %get3A_2725 = arith.constant 75 : index
    %get3A_2726 = arith.constant 0 : index
    %get3A_2727 = vector.load %arg8[%get3A_2725, %get3A_2726] : memref<104x128xf32, #tpu.memory_space<vmem>>, vector<1x128xf32>
    %sub3A_2728 = vector.broadcast %get3A_2718 : vector<1x128xf32> to vector<104x128xf32>
    %sub3A_2729 = arith.subf %sub3A_2728, %get3A_1 : vector<104x128xf32>
    %sub3A_2730 = vector.broadcast %get3A_2721 : vector<1x128xf32> to vector<104x128xf32>
    %sub3A_2731 = arith.subf %sub3A_2730, %get3A_4 : vector<104x128xf32>
    %mul3A_2732 = arith.mulf %sub3A_2729, %cos3A : vector<104x128xf32>
    %mul3A_2733 = arith.mulf %sub3A_2731, %sin3A : vector<104x128xf32>
    %add3A_2734 = arith.addf %mul3A_2732, %mul3A_2733 : vector<104x128xf32>
    %mul3A_2735 = arith.mulf %sub3A_2731, %cos3A : vector<104x128xf32>
    %mul3A_2736 = arith.mulf %sub3A_2729, %sin3A : vector<104x128xf32>
    %sub3A_2737 = arith.subf %mul3A_2735, %mul3A_2736 : vector<104x128xf32>
    %abs3A_2738 = math.absf %sub3A_2737 : vector<104x128xf32>
    %mul3A_2739 = arith.constant 0.36397022 : f32
    %mul3A_2740 = vector.broadcast %mul3A_2739 : f32 to vector<104x128xf32>
    %mul3A_2741 = arith.mulf %add3A_2734, %mul3A_2740 : vector<104x128xf32>
    %lt3A_2742 = arith.cmpf olt, %abs3A_2738, %mul3A_2741 : vector<104x128xf32>
    %lt3A_2743 = arith.cmpf olt, %add3A_2734, %select_n3A_2709 : vector<104x128xf32>
    %and3A_2744 = arith.andi %lt3A_2742, %lt3A_2743 : vector<104x128xi1>
    %select_n3A_2745 = arith.select %and3A_2744, %add3A_2734, %select_n3A_2709 : vector<104x128xi1>, vector<104x128xf32>
    %broadcast_in_dim3A_2746 = vector.shape_cast %get3A_2724 : vector<1x128xf32> to vector<1x128xf32>
    %broadcast_in_dim3A_2747 = vector.broadcast %broadcast_in_dim3A_2746 : vector<1x128xf32> to vector<104x128xf32>
    %select_n3A_2748 = arith.select %and3A_2744, %broadcast_in_dim3A_2747, %select_n3A_2712 : vector<104x128xi1>, vector<104x128xf32>
    %broadcast_in_dim3A_2749 = vector.shape_cast %get3A_2727 : vector<1x128xf32> to vector<1x128xf32>
    %broadcast_in_dim3A_2750 = vector.broadcast %broadcast_in_dim3A_2749 : vector<1x128xf32> to vector<104x128xf32>
    %select_n3A_2751 = arith.select %and3A_2744, %broadcast_in_dim3A_2750, %select_n3A_2715 : vector<104x128xi1>, vector<104x128xf32>
    %get3A_2752 = arith.constant 76 : index
    %get3A_2753 = arith.constant 0 : index
    %get3A_2754 = vector.load %arg2[%get3A_2752, %get3A_2753] : memref<104x128xf32, #tpu.memory_space<vmem>>, vector<1x128xf32>
    %get3A_2755 = arith.constant 76 : index
    %get3A_2756 = arith.constant 0 : index
    %get3A_2757 = vector.load %arg3[%get3A_2755, %get3A_2756] : memref<104x128xf32, #tpu.memory_space<vmem>>, vector<1x128xf32>
    %get3A_2758 = arith.constant 76 : index
    %get3A_2759 = arith.constant 0 : index
    %get3A_2760 = vector.load %arg7[%get3A_2758, %get3A_2759] : memref<104x128xf32, #tpu.memory_space<vmem>>, vector<1x128xf32>
    %get3A_2761 = arith.constant 76 : index
    %get3A_2762 = arith.constant 0 : index
    %get3A_2763 = vector.load %arg8[%get3A_2761, %get3A_2762] : memref<104x128xf32, #tpu.memory_space<vmem>>, vector<1x128xf32>
    %sub3A_2764 = vector.broadcast %get3A_2754 : vector<1x128xf32> to vector<104x128xf32>
    %sub3A_2765 = arith.subf %sub3A_2764, %get3A_1 : vector<104x128xf32>
    %sub3A_2766 = vector.broadcast %get3A_2757 : vector<1x128xf32> to vector<104x128xf32>
    %sub3A_2767 = arith.subf %sub3A_2766, %get3A_4 : vector<104x128xf32>
    %mul3A_2768 = arith.mulf %sub3A_2765, %cos3A : vector<104x128xf32>
    %mul3A_2769 = arith.mulf %sub3A_2767, %sin3A : vector<104x128xf32>
    %add3A_2770 = arith.addf %mul3A_2768, %mul3A_2769 : vector<104x128xf32>
    %mul3A_2771 = arith.mulf %sub3A_2767, %cos3A : vector<104x128xf32>
    %mul3A_2772 = arith.mulf %sub3A_2765, %sin3A : vector<104x128xf32>
    %sub3A_2773 = arith.subf %mul3A_2771, %mul3A_2772 : vector<104x128xf32>
    %abs3A_2774 = math.absf %sub3A_2773 : vector<104x128xf32>
    %mul3A_2775 = arith.constant 0.36397022 : f32
    %mul3A_2776 = vector.broadcast %mul3A_2775 : f32 to vector<104x128xf32>
    %mul3A_2777 = arith.mulf %add3A_2770, %mul3A_2776 : vector<104x128xf32>
    %lt3A_2778 = arith.cmpf olt, %abs3A_2774, %mul3A_2777 : vector<104x128xf32>
    %lt3A_2779 = arith.cmpf olt, %add3A_2770, %select_n3A_2745 : vector<104x128xf32>
    %and3A_2780 = arith.andi %lt3A_2778, %lt3A_2779 : vector<104x128xi1>
    %select_n3A_2781 = arith.select %and3A_2780, %add3A_2770, %select_n3A_2745 : vector<104x128xi1>, vector<104x128xf32>
    %broadcast_in_dim3A_2782 = vector.shape_cast %get3A_2760 : vector<1x128xf32> to vector<1x128xf32>
    %broadcast_in_dim3A_2783 = vector.broadcast %broadcast_in_dim3A_2782 : vector<1x128xf32> to vector<104x128xf32>
    %select_n3A_2784 = arith.select %and3A_2780, %broadcast_in_dim3A_2783, %select_n3A_2748 : vector<104x128xi1>, vector<104x128xf32>
    %broadcast_in_dim3A_2785 = vector.shape_cast %get3A_2763 : vector<1x128xf32> to vector<1x128xf32>
    %broadcast_in_dim3A_2786 = vector.broadcast %broadcast_in_dim3A_2785 : vector<1x128xf32> to vector<104x128xf32>
    %select_n3A_2787 = arith.select %and3A_2780, %broadcast_in_dim3A_2786, %select_n3A_2751 : vector<104x128xi1>, vector<104x128xf32>
    %get3A_2788 = arith.constant 77 : index
    %get3A_2789 = arith.constant 0 : index
    %get3A_2790 = vector.load %arg2[%get3A_2788, %get3A_2789] : memref<104x128xf32, #tpu.memory_space<vmem>>, vector<1x128xf32>
    %get3A_2791 = arith.constant 77 : index
    %get3A_2792 = arith.constant 0 : index
    %get3A_2793 = vector.load %arg3[%get3A_2791, %get3A_2792] : memref<104x128xf32, #tpu.memory_space<vmem>>, vector<1x128xf32>
    %get3A_2794 = arith.constant 77 : index
    %get3A_2795 = arith.constant 0 : index
    %get3A_2796 = vector.load %arg7[%get3A_2794, %get3A_2795] : memref<104x128xf32, #tpu.memory_space<vmem>>, vector<1x128xf32>
    %get3A_2797 = arith.constant 77 : index
    %get3A_2798 = arith.constant 0 : index
    %get3A_2799 = vector.load %arg8[%get3A_2797, %get3A_2798] : memref<104x128xf32, #tpu.memory_space<vmem>>, vector<1x128xf32>
    %sub3A_2800 = vector.broadcast %get3A_2790 : vector<1x128xf32> to vector<104x128xf32>
    %sub3A_2801 = arith.subf %sub3A_2800, %get3A_1 : vector<104x128xf32>
    %sub3A_2802 = vector.broadcast %get3A_2793 : vector<1x128xf32> to vector<104x128xf32>
    %sub3A_2803 = arith.subf %sub3A_2802, %get3A_4 : vector<104x128xf32>
    %mul3A_2804 = arith.mulf %sub3A_2801, %cos3A : vector<104x128xf32>
    %mul3A_2805 = arith.mulf %sub3A_2803, %sin3A : vector<104x128xf32>
    %add3A_2806 = arith.addf %mul3A_2804, %mul3A_2805 : vector<104x128xf32>
    %mul3A_2807 = arith.mulf %sub3A_2803, %cos3A : vector<104x128xf32>
    %mul3A_2808 = arith.mulf %sub3A_2801, %sin3A : vector<104x128xf32>
    %sub3A_2809 = arith.subf %mul3A_2807, %mul3A_2808 : vector<104x128xf32>
    %abs3A_2810 = math.absf %sub3A_2809 : vector<104x128xf32>
    %mul3A_2811 = arith.constant 0.36397022 : f32
    %mul3A_2812 = vector.broadcast %mul3A_2811 : f32 to vector<104x128xf32>
    %mul3A_2813 = arith.mulf %add3A_2806, %mul3A_2812 : vector<104x128xf32>
    %lt3A_2814 = arith.cmpf olt, %abs3A_2810, %mul3A_2813 : vector<104x128xf32>
    %lt3A_2815 = arith.cmpf olt, %add3A_2806, %select_n3A_2781 : vector<104x128xf32>
    %and3A_2816 = arith.andi %lt3A_2814, %lt3A_2815 : vector<104x128xi1>
    %select_n3A_2817 = arith.select %and3A_2816, %add3A_2806, %select_n3A_2781 : vector<104x128xi1>, vector<104x128xf32>
    %broadcast_in_dim3A_2818 = vector.shape_cast %get3A_2796 : vector<1x128xf32> to vector<1x128xf32>
    %broadcast_in_dim3A_2819 = vector.broadcast %broadcast_in_dim3A_2818 : vector<1x128xf32> to vector<104x128xf32>
    %select_n3A_2820 = arith.select %and3A_2816, %broadcast_in_dim3A_2819, %select_n3A_2784 : vector<104x128xi1>, vector<104x128xf32>
    %broadcast_in_dim3A_2821 = vector.shape_cast %get3A_2799 : vector<1x128xf32> to vector<1x128xf32>
    %broadcast_in_dim3A_2822 = vector.broadcast %broadcast_in_dim3A_2821 : vector<1x128xf32> to vector<104x128xf32>
    %select_n3A_2823 = arith.select %and3A_2816, %broadcast_in_dim3A_2822, %select_n3A_2787 : vector<104x128xi1>, vector<104x128xf32>
    %get3A_2824 = arith.constant 78 : index
    %get3A_2825 = arith.constant 0 : index
    %get3A_2826 = vector.load %arg2[%get3A_2824, %get3A_2825] : memref<104x128xf32, #tpu.memory_space<vmem>>, vector<1x128xf32>
    %get3A_2827 = arith.constant 78 : index
    %get3A_2828 = arith.constant 0 : index
    %get3A_2829 = vector.load %arg3[%get3A_2827, %get3A_2828] : memref<104x128xf32, #tpu.memory_space<vmem>>, vector<1x128xf32>
    %get3A_2830 = arith.constant 78 : index
    %get3A_2831 = arith.constant 0 : index
    %get3A_2832 = vector.load %arg7[%get3A_2830, %get3A_2831] : memref<104x128xf32, #tpu.memory_space<vmem>>, vector<1x128xf32>
    %get3A_2833 = arith.constant 78 : index
    %get3A_2834 = arith.constant 0 : index
    %get3A_2835 = vector.load %arg8[%get3A_2833, %get3A_2834] : memref<104x128xf32, #tpu.memory_space<vmem>>, vector<1x128xf32>
    %sub3A_2836 = vector.broadcast %get3A_2826 : vector<1x128xf32> to vector<104x128xf32>
    %sub3A_2837 = arith.subf %sub3A_2836, %get3A_1 : vector<104x128xf32>
    %sub3A_2838 = vector.broadcast %get3A_2829 : vector<1x128xf32> to vector<104x128xf32>
    %sub3A_2839 = arith.subf %sub3A_2838, %get3A_4 : vector<104x128xf32>
    %mul3A_2840 = arith.mulf %sub3A_2837, %cos3A : vector<104x128xf32>
    %mul3A_2841 = arith.mulf %sub3A_2839, %sin3A : vector<104x128xf32>
    %add3A_2842 = arith.addf %mul3A_2840, %mul3A_2841 : vector<104x128xf32>
    %mul3A_2843 = arith.mulf %sub3A_2839, %cos3A : vector<104x128xf32>
    %mul3A_2844 = arith.mulf %sub3A_2837, %sin3A : vector<104x128xf32>
    %sub3A_2845 = arith.subf %mul3A_2843, %mul3A_2844 : vector<104x128xf32>
    %abs3A_2846 = math.absf %sub3A_2845 : vector<104x128xf32>
    %mul3A_2847 = arith.constant 0.36397022 : f32
    %mul3A_2848 = vector.broadcast %mul3A_2847 : f32 to vector<104x128xf32>
    %mul3A_2849 = arith.mulf %add3A_2842, %mul3A_2848 : vector<104x128xf32>
    %lt3A_2850 = arith.cmpf olt, %abs3A_2846, %mul3A_2849 : vector<104x128xf32>
    %lt3A_2851 = arith.cmpf olt, %add3A_2842, %select_n3A_2817 : vector<104x128xf32>
    %and3A_2852 = arith.andi %lt3A_2850, %lt3A_2851 : vector<104x128xi1>
    %select_n3A_2853 = arith.select %and3A_2852, %add3A_2842, %select_n3A_2817 : vector<104x128xi1>, vector<104x128xf32>
    %broadcast_in_dim3A_2854 = vector.shape_cast %get3A_2832 : vector<1x128xf32> to vector<1x128xf32>
    %broadcast_in_dim3A_2855 = vector.broadcast %broadcast_in_dim3A_2854 : vector<1x128xf32> to vector<104x128xf32>
    %select_n3A_2856 = arith.select %and3A_2852, %broadcast_in_dim3A_2855, %select_n3A_2820 : vector<104x128xi1>, vector<104x128xf32>
    %broadcast_in_dim3A_2857 = vector.shape_cast %get3A_2835 : vector<1x128xf32> to vector<1x128xf32>
    %broadcast_in_dim3A_2858 = vector.broadcast %broadcast_in_dim3A_2857 : vector<1x128xf32> to vector<104x128xf32>
    %select_n3A_2859 = arith.select %and3A_2852, %broadcast_in_dim3A_2858, %select_n3A_2823 : vector<104x128xi1>, vector<104x128xf32>
    %get3A_2860 = arith.constant 79 : index
    %get3A_2861 = arith.constant 0 : index
    %get3A_2862 = vector.load %arg2[%get3A_2860, %get3A_2861] : memref<104x128xf32, #tpu.memory_space<vmem>>, vector<1x128xf32>
    %get3A_2863 = arith.constant 79 : index
    %get3A_2864 = arith.constant 0 : index
    %get3A_2865 = vector.load %arg3[%get3A_2863, %get3A_2864] : memref<104x128xf32, #tpu.memory_space<vmem>>, vector<1x128xf32>
    %get3A_2866 = arith.constant 79 : index
    %get3A_2867 = arith.constant 0 : index
    %get3A_2868 = vector.load %arg7[%get3A_2866, %get3A_2867] : memref<104x128xf32, #tpu.memory_space<vmem>>, vector<1x128xf32>
    %get3A_2869 = arith.constant 79 : index
    %get3A_2870 = arith.constant 0 : index
    %get3A_2871 = vector.load %arg8[%get3A_2869, %get3A_2870] : memref<104x128xf32, #tpu.memory_space<vmem>>, vector<1x128xf32>
    %sub3A_2872 = vector.broadcast %get3A_2862 : vector<1x128xf32> to vector<104x128xf32>
    %sub3A_2873 = arith.subf %sub3A_2872, %get3A_1 : vector<104x128xf32>
    %sub3A_2874 = vector.broadcast %get3A_2865 : vector<1x128xf32> to vector<104x128xf32>
    %sub3A_2875 = arith.subf %sub3A_2874, %get3A_4 : vector<104x128xf32>
    %mul3A_2876 = arith.mulf %sub3A_2873, %cos3A : vector<104x128xf32>
    %mul3A_2877 = arith.mulf %sub3A_2875, %sin3A : vector<104x128xf32>
    %add3A_2878 = arith.addf %mul3A_2876, %mul3A_2877 : vector<104x128xf32>
    %mul3A_2879 = arith.mulf %sub3A_2875, %cos3A : vector<104x128xf32>
    %mul3A_2880 = arith.mulf %sub3A_2873, %sin3A : vector<104x128xf32>
    %sub3A_2881 = arith.subf %mul3A_2879, %mul3A_2880 : vector<104x128xf32>
    %abs3A_2882 = math.absf %sub3A_2881 : vector<104x128xf32>
    %mul3A_2883 = arith.constant 0.36397022 : f32
    %mul3A_2884 = vector.broadcast %mul3A_2883 : f32 to vector<104x128xf32>
    %mul3A_2885 = arith.mulf %add3A_2878, %mul3A_2884 : vector<104x128xf32>
    %lt3A_2886 = arith.cmpf olt, %abs3A_2882, %mul3A_2885 : vector<104x128xf32>
    %lt3A_2887 = arith.cmpf olt, %add3A_2878, %select_n3A_2853 : vector<104x128xf32>
    %and3A_2888 = arith.andi %lt3A_2886, %lt3A_2887 : vector<104x128xi1>
    %select_n3A_2889 = arith.select %and3A_2888, %add3A_2878, %select_n3A_2853 : vector<104x128xi1>, vector<104x128xf32>
    %broadcast_in_dim3A_2890 = vector.shape_cast %get3A_2868 : vector<1x128xf32> to vector<1x128xf32>
    %broadcast_in_dim3A_2891 = vector.broadcast %broadcast_in_dim3A_2890 : vector<1x128xf32> to vector<104x128xf32>
    %select_n3A_2892 = arith.select %and3A_2888, %broadcast_in_dim3A_2891, %select_n3A_2856 : vector<104x128xi1>, vector<104x128xf32>
    %broadcast_in_dim3A_2893 = vector.shape_cast %get3A_2871 : vector<1x128xf32> to vector<1x128xf32>
    %broadcast_in_dim3A_2894 = vector.broadcast %broadcast_in_dim3A_2893 : vector<1x128xf32> to vector<104x128xf32>
    %select_n3A_2895 = arith.select %and3A_2888, %broadcast_in_dim3A_2894, %select_n3A_2859 : vector<104x128xi1>, vector<104x128xf32>
    %get3A_2896 = arith.constant 80 : index
    %get3A_2897 = arith.constant 0 : index
    %get3A_2898 = vector.load %arg2[%get3A_2896, %get3A_2897] : memref<104x128xf32, #tpu.memory_space<vmem>>, vector<1x128xf32>
    %get3A_2899 = arith.constant 80 : index
    %get3A_2900 = arith.constant 0 : index
    %get3A_2901 = vector.load %arg3[%get3A_2899, %get3A_2900] : memref<104x128xf32, #tpu.memory_space<vmem>>, vector<1x128xf32>
    %get3A_2902 = arith.constant 80 : index
    %get3A_2903 = arith.constant 0 : index
    %get3A_2904 = vector.load %arg7[%get3A_2902, %get3A_2903] : memref<104x128xf32, #tpu.memory_space<vmem>>, vector<1x128xf32>
    %get3A_2905 = arith.constant 80 : index
    %get3A_2906 = arith.constant 0 : index
    %get3A_2907 = vector.load %arg8[%get3A_2905, %get3A_2906] : memref<104x128xf32, #tpu.memory_space<vmem>>, vector<1x128xf32>
    %sub3A_2908 = vector.broadcast %get3A_2898 : vector<1x128xf32> to vector<104x128xf32>
    %sub3A_2909 = arith.subf %sub3A_2908, %get3A_1 : vector<104x128xf32>
    %sub3A_2910 = vector.broadcast %get3A_2901 : vector<1x128xf32> to vector<104x128xf32>
    %sub3A_2911 = arith.subf %sub3A_2910, %get3A_4 : vector<104x128xf32>
    %mul3A_2912 = arith.mulf %sub3A_2909, %cos3A : vector<104x128xf32>
    %mul3A_2913 = arith.mulf %sub3A_2911, %sin3A : vector<104x128xf32>
    %add3A_2914 = arith.addf %mul3A_2912, %mul3A_2913 : vector<104x128xf32>
    %mul3A_2915 = arith.mulf %sub3A_2911, %cos3A : vector<104x128xf32>
    %mul3A_2916 = arith.mulf %sub3A_2909, %sin3A : vector<104x128xf32>
    %sub3A_2917 = arith.subf %mul3A_2915, %mul3A_2916 : vector<104x128xf32>
    %abs3A_2918 = math.absf %sub3A_2917 : vector<104x128xf32>
    %mul3A_2919 = arith.constant 0.36397022 : f32
    %mul3A_2920 = vector.broadcast %mul3A_2919 : f32 to vector<104x128xf32>
    %mul3A_2921 = arith.mulf %add3A_2914, %mul3A_2920 : vector<104x128xf32>
    %lt3A_2922 = arith.cmpf olt, %abs3A_2918, %mul3A_2921 : vector<104x128xf32>
    %lt3A_2923 = arith.cmpf olt, %add3A_2914, %select_n3A_2889 : vector<104x128xf32>
    %and3A_2924 = arith.andi %lt3A_2922, %lt3A_2923 : vector<104x128xi1>
    %select_n3A_2925 = arith.select %and3A_2924, %add3A_2914, %select_n3A_2889 : vector<104x128xi1>, vector<104x128xf32>
    %broadcast_in_dim3A_2926 = vector.shape_cast %get3A_2904 : vector<1x128xf32> to vector<1x128xf32>
    %broadcast_in_dim3A_2927 = vector.broadcast %broadcast_in_dim3A_2926 : vector<1x128xf32> to vector<104x128xf32>
    %select_n3A_2928 = arith.select %and3A_2924, %broadcast_in_dim3A_2927, %select_n3A_2892 : vector<104x128xi1>, vector<104x128xf32>
    %broadcast_in_dim3A_2929 = vector.shape_cast %get3A_2907 : vector<1x128xf32> to vector<1x128xf32>
    %broadcast_in_dim3A_2930 = vector.broadcast %broadcast_in_dim3A_2929 : vector<1x128xf32> to vector<104x128xf32>
    %select_n3A_2931 = arith.select %and3A_2924, %broadcast_in_dim3A_2930, %select_n3A_2895 : vector<104x128xi1>, vector<104x128xf32>
    %get3A_2932 = arith.constant 81 : index
    %get3A_2933 = arith.constant 0 : index
    %get3A_2934 = vector.load %arg2[%get3A_2932, %get3A_2933] : memref<104x128xf32, #tpu.memory_space<vmem>>, vector<1x128xf32>
    %get3A_2935 = arith.constant 81 : index
    %get3A_2936 = arith.constant 0 : index
    %get3A_2937 = vector.load %arg3[%get3A_2935, %get3A_2936] : memref<104x128xf32, #tpu.memory_space<vmem>>, vector<1x128xf32>
    %get3A_2938 = arith.constant 81 : index
    %get3A_2939 = arith.constant 0 : index
    %get3A_2940 = vector.load %arg7[%get3A_2938, %get3A_2939] : memref<104x128xf32, #tpu.memory_space<vmem>>, vector<1x128xf32>
    %get3A_2941 = arith.constant 81 : index
    %get3A_2942 = arith.constant 0 : index
    %get3A_2943 = vector.load %arg8[%get3A_2941, %get3A_2942] : memref<104x128xf32, #tpu.memory_space<vmem>>, vector<1x128xf32>
    %sub3A_2944 = vector.broadcast %get3A_2934 : vector<1x128xf32> to vector<104x128xf32>
    %sub3A_2945 = arith.subf %sub3A_2944, %get3A_1 : vector<104x128xf32>
    %sub3A_2946 = vector.broadcast %get3A_2937 : vector<1x128xf32> to vector<104x128xf32>
    %sub3A_2947 = arith.subf %sub3A_2946, %get3A_4 : vector<104x128xf32>
    %mul3A_2948 = arith.mulf %sub3A_2945, %cos3A : vector<104x128xf32>
    %mul3A_2949 = arith.mulf %sub3A_2947, %sin3A : vector<104x128xf32>
    %add3A_2950 = arith.addf %mul3A_2948, %mul3A_2949 : vector<104x128xf32>
    %mul3A_2951 = arith.mulf %sub3A_2947, %cos3A : vector<104x128xf32>
    %mul3A_2952 = arith.mulf %sub3A_2945, %sin3A : vector<104x128xf32>
    %sub3A_2953 = arith.subf %mul3A_2951, %mul3A_2952 : vector<104x128xf32>
    %abs3A_2954 = math.absf %sub3A_2953 : vector<104x128xf32>
    %mul3A_2955 = arith.constant 0.36397022 : f32
    %mul3A_2956 = vector.broadcast %mul3A_2955 : f32 to vector<104x128xf32>
    %mul3A_2957 = arith.mulf %add3A_2950, %mul3A_2956 : vector<104x128xf32>
    %lt3A_2958 = arith.cmpf olt, %abs3A_2954, %mul3A_2957 : vector<104x128xf32>
    %lt3A_2959 = arith.cmpf olt, %add3A_2950, %select_n3A_2925 : vector<104x128xf32>
    %and3A_2960 = arith.andi %lt3A_2958, %lt3A_2959 : vector<104x128xi1>
    %select_n3A_2961 = arith.select %and3A_2960, %add3A_2950, %select_n3A_2925 : vector<104x128xi1>, vector<104x128xf32>
    %broadcast_in_dim3A_2962 = vector.shape_cast %get3A_2940 : vector<1x128xf32> to vector<1x128xf32>
    %broadcast_in_dim3A_2963 = vector.broadcast %broadcast_in_dim3A_2962 : vector<1x128xf32> to vector<104x128xf32>
    %select_n3A_2964 = arith.select %and3A_2960, %broadcast_in_dim3A_2963, %select_n3A_2928 : vector<104x128xi1>, vector<104x128xf32>
    %broadcast_in_dim3A_2965 = vector.shape_cast %get3A_2943 : vector<1x128xf32> to vector<1x128xf32>
    %broadcast_in_dim3A_2966 = vector.broadcast %broadcast_in_dim3A_2965 : vector<1x128xf32> to vector<104x128xf32>
    %select_n3A_2967 = arith.select %and3A_2960, %broadcast_in_dim3A_2966, %select_n3A_2931 : vector<104x128xi1>, vector<104x128xf32>
    %get3A_2968 = arith.constant 82 : index
    %get3A_2969 = arith.constant 0 : index
    %get3A_2970 = vector.load %arg2[%get3A_2968, %get3A_2969] : memref<104x128xf32, #tpu.memory_space<vmem>>, vector<1x128xf32>
    %get3A_2971 = arith.constant 82 : index
    %get3A_2972 = arith.constant 0 : index
    %get3A_2973 = vector.load %arg3[%get3A_2971, %get3A_2972] : memref<104x128xf32, #tpu.memory_space<vmem>>, vector<1x128xf32>
    %get3A_2974 = arith.constant 82 : index
    %get3A_2975 = arith.constant 0 : index
    %get3A_2976 = vector.load %arg7[%get3A_2974, %get3A_2975] : memref<104x128xf32, #tpu.memory_space<vmem>>, vector<1x128xf32>
    %get3A_2977 = arith.constant 82 : index
    %get3A_2978 = arith.constant 0 : index
    %get3A_2979 = vector.load %arg8[%get3A_2977, %get3A_2978] : memref<104x128xf32, #tpu.memory_space<vmem>>, vector<1x128xf32>
    %sub3A_2980 = vector.broadcast %get3A_2970 : vector<1x128xf32> to vector<104x128xf32>
    %sub3A_2981 = arith.subf %sub3A_2980, %get3A_1 : vector<104x128xf32>
    %sub3A_2982 = vector.broadcast %get3A_2973 : vector<1x128xf32> to vector<104x128xf32>
    %sub3A_2983 = arith.subf %sub3A_2982, %get3A_4 : vector<104x128xf32>
    %mul3A_2984 = arith.mulf %sub3A_2981, %cos3A : vector<104x128xf32>
    %mul3A_2985 = arith.mulf %sub3A_2983, %sin3A : vector<104x128xf32>
    %add3A_2986 = arith.addf %mul3A_2984, %mul3A_2985 : vector<104x128xf32>
    %mul3A_2987 = arith.mulf %sub3A_2983, %cos3A : vector<104x128xf32>
    %mul3A_2988 = arith.mulf %sub3A_2981, %sin3A : vector<104x128xf32>
    %sub3A_2989 = arith.subf %mul3A_2987, %mul3A_2988 : vector<104x128xf32>
    %abs3A_2990 = math.absf %sub3A_2989 : vector<104x128xf32>
    %mul3A_2991 = arith.constant 0.36397022 : f32
    %mul3A_2992 = vector.broadcast %mul3A_2991 : f32 to vector<104x128xf32>
    %mul3A_2993 = arith.mulf %add3A_2986, %mul3A_2992 : vector<104x128xf32>
    %lt3A_2994 = arith.cmpf olt, %abs3A_2990, %mul3A_2993 : vector<104x128xf32>
    %lt3A_2995 = arith.cmpf olt, %add3A_2986, %select_n3A_2961 : vector<104x128xf32>
    %and3A_2996 = arith.andi %lt3A_2994, %lt3A_2995 : vector<104x128xi1>
    %select_n3A_2997 = arith.select %and3A_2996, %add3A_2986, %select_n3A_2961 : vector<104x128xi1>, vector<104x128xf32>
    %broadcast_in_dim3A_2998 = vector.shape_cast %get3A_2976 : vector<1x128xf32> to vector<1x128xf32>
    %broadcast_in_dim3A_2999 = vector.broadcast %broadcast_in_dim3A_2998 : vector<1x128xf32> to vector<104x128xf32>
    %select_n3A_3000 = arith.select %and3A_2996, %broadcast_in_dim3A_2999, %select_n3A_2964 : vector<104x128xi1>, vector<104x128xf32>
    %broadcast_in_dim3A_3001 = vector.shape_cast %get3A_2979 : vector<1x128xf32> to vector<1x128xf32>
    %broadcast_in_dim3A_3002 = vector.broadcast %broadcast_in_dim3A_3001 : vector<1x128xf32> to vector<104x128xf32>
    %select_n3A_3003 = arith.select %and3A_2996, %broadcast_in_dim3A_3002, %select_n3A_2967 : vector<104x128xi1>, vector<104x128xf32>
    %get3A_3004 = arith.constant 83 : index
    %get3A_3005 = arith.constant 0 : index
    %get3A_3006 = vector.load %arg2[%get3A_3004, %get3A_3005] : memref<104x128xf32, #tpu.memory_space<vmem>>, vector<1x128xf32>
    %get3A_3007 = arith.constant 83 : index
    %get3A_3008 = arith.constant 0 : index
    %get3A_3009 = vector.load %arg3[%get3A_3007, %get3A_3008] : memref<104x128xf32, #tpu.memory_space<vmem>>, vector<1x128xf32>
    %get3A_3010 = arith.constant 83 : index
    %get3A_3011 = arith.constant 0 : index
    %get3A_3012 = vector.load %arg7[%get3A_3010, %get3A_3011] : memref<104x128xf32, #tpu.memory_space<vmem>>, vector<1x128xf32>
    %get3A_3013 = arith.constant 83 : index
    %get3A_3014 = arith.constant 0 : index
    %get3A_3015 = vector.load %arg8[%get3A_3013, %get3A_3014] : memref<104x128xf32, #tpu.memory_space<vmem>>, vector<1x128xf32>
    %sub3A_3016 = vector.broadcast %get3A_3006 : vector<1x128xf32> to vector<104x128xf32>
    %sub3A_3017 = arith.subf %sub3A_3016, %get3A_1 : vector<104x128xf32>
    %sub3A_3018 = vector.broadcast %get3A_3009 : vector<1x128xf32> to vector<104x128xf32>
    %sub3A_3019 = arith.subf %sub3A_3018, %get3A_4 : vector<104x128xf32>
    %mul3A_3020 = arith.mulf %sub3A_3017, %cos3A : vector<104x128xf32>
    %mul3A_3021 = arith.mulf %sub3A_3019, %sin3A : vector<104x128xf32>
    %add3A_3022 = arith.addf %mul3A_3020, %mul3A_3021 : vector<104x128xf32>
    %mul3A_3023 = arith.mulf %sub3A_3019, %cos3A : vector<104x128xf32>
    %mul3A_3024 = arith.mulf %sub3A_3017, %sin3A : vector<104x128xf32>
    %sub3A_3025 = arith.subf %mul3A_3023, %mul3A_3024 : vector<104x128xf32>
    %abs3A_3026 = math.absf %sub3A_3025 : vector<104x128xf32>
    %mul3A_3027 = arith.constant 0.36397022 : f32
    %mul3A_3028 = vector.broadcast %mul3A_3027 : f32 to vector<104x128xf32>
    %mul3A_3029 = arith.mulf %add3A_3022, %mul3A_3028 : vector<104x128xf32>
    %lt3A_3030 = arith.cmpf olt, %abs3A_3026, %mul3A_3029 : vector<104x128xf32>
    %lt3A_3031 = arith.cmpf olt, %add3A_3022, %select_n3A_2997 : vector<104x128xf32>
    %and3A_3032 = arith.andi %lt3A_3030, %lt3A_3031 : vector<104x128xi1>
    %select_n3A_3033 = arith.select %and3A_3032, %add3A_3022, %select_n3A_2997 : vector<104x128xi1>, vector<104x128xf32>
    %broadcast_in_dim3A_3034 = vector.shape_cast %get3A_3012 : vector<1x128xf32> to vector<1x128xf32>
    %broadcast_in_dim3A_3035 = vector.broadcast %broadcast_in_dim3A_3034 : vector<1x128xf32> to vector<104x128xf32>
    %select_n3A_3036 = arith.select %and3A_3032, %broadcast_in_dim3A_3035, %select_n3A_3000 : vector<104x128xi1>, vector<104x128xf32>
    %broadcast_in_dim3A_3037 = vector.shape_cast %get3A_3015 : vector<1x128xf32> to vector<1x128xf32>
    %broadcast_in_dim3A_3038 = vector.broadcast %broadcast_in_dim3A_3037 : vector<1x128xf32> to vector<104x128xf32>
    %select_n3A_3039 = arith.select %and3A_3032, %broadcast_in_dim3A_3038, %select_n3A_3003 : vector<104x128xi1>, vector<104x128xf32>
    %get3A_3040 = arith.constant 84 : index
    %get3A_3041 = arith.constant 0 : index
    %get3A_3042 = vector.load %arg2[%get3A_3040, %get3A_3041] : memref<104x128xf32, #tpu.memory_space<vmem>>, vector<1x128xf32>
    %get3A_3043 = arith.constant 84 : index
    %get3A_3044 = arith.constant 0 : index
    %get3A_3045 = vector.load %arg3[%get3A_3043, %get3A_3044] : memref<104x128xf32, #tpu.memory_space<vmem>>, vector<1x128xf32>
    %get3A_3046 = arith.constant 84 : index
    %get3A_3047 = arith.constant 0 : index
    %get3A_3048 = vector.load %arg7[%get3A_3046, %get3A_3047] : memref<104x128xf32, #tpu.memory_space<vmem>>, vector<1x128xf32>
    %get3A_3049 = arith.constant 84 : index
    %get3A_3050 = arith.constant 0 : index
    %get3A_3051 = vector.load %arg8[%get3A_3049, %get3A_3050] : memref<104x128xf32, #tpu.memory_space<vmem>>, vector<1x128xf32>
    %sub3A_3052 = vector.broadcast %get3A_3042 : vector<1x128xf32> to vector<104x128xf32>
    %sub3A_3053 = arith.subf %sub3A_3052, %get3A_1 : vector<104x128xf32>
    %sub3A_3054 = vector.broadcast %get3A_3045 : vector<1x128xf32> to vector<104x128xf32>
    %sub3A_3055 = arith.subf %sub3A_3054, %get3A_4 : vector<104x128xf32>
    %mul3A_3056 = arith.mulf %sub3A_3053, %cos3A : vector<104x128xf32>
    %mul3A_3057 = arith.mulf %sub3A_3055, %sin3A : vector<104x128xf32>
    %add3A_3058 = arith.addf %mul3A_3056, %mul3A_3057 : vector<104x128xf32>
    %mul3A_3059 = arith.mulf %sub3A_3055, %cos3A : vector<104x128xf32>
    %mul3A_3060 = arith.mulf %sub3A_3053, %sin3A : vector<104x128xf32>
    %sub3A_3061 = arith.subf %mul3A_3059, %mul3A_3060 : vector<104x128xf32>
    %abs3A_3062 = math.absf %sub3A_3061 : vector<104x128xf32>
    %mul3A_3063 = arith.constant 0.36397022 : f32
    %mul3A_3064 = vector.broadcast %mul3A_3063 : f32 to vector<104x128xf32>
    %mul3A_3065 = arith.mulf %add3A_3058, %mul3A_3064 : vector<104x128xf32>
    %lt3A_3066 = arith.cmpf olt, %abs3A_3062, %mul3A_3065 : vector<104x128xf32>
    %lt3A_3067 = arith.cmpf olt, %add3A_3058, %select_n3A_3033 : vector<104x128xf32>
    %and3A_3068 = arith.andi %lt3A_3066, %lt3A_3067 : vector<104x128xi1>
    %select_n3A_3069 = arith.select %and3A_3068, %add3A_3058, %select_n3A_3033 : vector<104x128xi1>, vector<104x128xf32>
    %broadcast_in_dim3A_3070 = vector.shape_cast %get3A_3048 : vector<1x128xf32> to vector<1x128xf32>
    %broadcast_in_dim3A_3071 = vector.broadcast %broadcast_in_dim3A_3070 : vector<1x128xf32> to vector<104x128xf32>
    %select_n3A_3072 = arith.select %and3A_3068, %broadcast_in_dim3A_3071, %select_n3A_3036 : vector<104x128xi1>, vector<104x128xf32>
    %broadcast_in_dim3A_3073 = vector.shape_cast %get3A_3051 : vector<1x128xf32> to vector<1x128xf32>
    %broadcast_in_dim3A_3074 = vector.broadcast %broadcast_in_dim3A_3073 : vector<1x128xf32> to vector<104x128xf32>
    %select_n3A_3075 = arith.select %and3A_3068, %broadcast_in_dim3A_3074, %select_n3A_3039 : vector<104x128xi1>, vector<104x128xf32>
    %get3A_3076 = arith.constant 85 : index
    %get3A_3077 = arith.constant 0 : index
    %get3A_3078 = vector.load %arg2[%get3A_3076, %get3A_3077] : memref<104x128xf32, #tpu.memory_space<vmem>>, vector<1x128xf32>
    %get3A_3079 = arith.constant 85 : index
    %get3A_3080 = arith.constant 0 : index
    %get3A_3081 = vector.load %arg3[%get3A_3079, %get3A_3080] : memref<104x128xf32, #tpu.memory_space<vmem>>, vector<1x128xf32>
    %get3A_3082 = arith.constant 85 : index
    %get3A_3083 = arith.constant 0 : index
    %get3A_3084 = vector.load %arg7[%get3A_3082, %get3A_3083] : memref<104x128xf32, #tpu.memory_space<vmem>>, vector<1x128xf32>
    %get3A_3085 = arith.constant 85 : index
    %get3A_3086 = arith.constant 0 : index
    %get3A_3087 = vector.load %arg8[%get3A_3085, %get3A_3086] : memref<104x128xf32, #tpu.memory_space<vmem>>, vector<1x128xf32>
    %sub3A_3088 = vector.broadcast %get3A_3078 : vector<1x128xf32> to vector<104x128xf32>
    %sub3A_3089 = arith.subf %sub3A_3088, %get3A_1 : vector<104x128xf32>
    %sub3A_3090 = vector.broadcast %get3A_3081 : vector<1x128xf32> to vector<104x128xf32>
    %sub3A_3091 = arith.subf %sub3A_3090, %get3A_4 : vector<104x128xf32>
    %mul3A_3092 = arith.mulf %sub3A_3089, %cos3A : vector<104x128xf32>
    %mul3A_3093 = arith.mulf %sub3A_3091, %sin3A : vector<104x128xf32>
    %add3A_3094 = arith.addf %mul3A_3092, %mul3A_3093 : vector<104x128xf32>
    %mul3A_3095 = arith.mulf %sub3A_3091, %cos3A : vector<104x128xf32>
    %mul3A_3096 = arith.mulf %sub3A_3089, %sin3A : vector<104x128xf32>
    %sub3A_3097 = arith.subf %mul3A_3095, %mul3A_3096 : vector<104x128xf32>
    %abs3A_3098 = math.absf %sub3A_3097 : vector<104x128xf32>
    %mul3A_3099 = arith.constant 0.36397022 : f32
    %mul3A_3100 = vector.broadcast %mul3A_3099 : f32 to vector<104x128xf32>
    %mul3A_3101 = arith.mulf %add3A_3094, %mul3A_3100 : vector<104x128xf32>
    %lt3A_3102 = arith.cmpf olt, %abs3A_3098, %mul3A_3101 : vector<104x128xf32>
    %lt3A_3103 = arith.cmpf olt, %add3A_3094, %select_n3A_3069 : vector<104x128xf32>
    %and3A_3104 = arith.andi %lt3A_3102, %lt3A_3103 : vector<104x128xi1>
    %select_n3A_3105 = arith.select %and3A_3104, %add3A_3094, %select_n3A_3069 : vector<104x128xi1>, vector<104x128xf32>
    %broadcast_in_dim3A_3106 = vector.shape_cast %get3A_3084 : vector<1x128xf32> to vector<1x128xf32>
    %broadcast_in_dim3A_3107 = vector.broadcast %broadcast_in_dim3A_3106 : vector<1x128xf32> to vector<104x128xf32>
    %select_n3A_3108 = arith.select %and3A_3104, %broadcast_in_dim3A_3107, %select_n3A_3072 : vector<104x128xi1>, vector<104x128xf32>
    %broadcast_in_dim3A_3109 = vector.shape_cast %get3A_3087 : vector<1x128xf32> to vector<1x128xf32>
    %broadcast_in_dim3A_3110 = vector.broadcast %broadcast_in_dim3A_3109 : vector<1x128xf32> to vector<104x128xf32>
    %select_n3A_3111 = arith.select %and3A_3104, %broadcast_in_dim3A_3110, %select_n3A_3075 : vector<104x128xi1>, vector<104x128xf32>
    %get3A_3112 = arith.constant 86 : index
    %get3A_3113 = arith.constant 0 : index
    %get3A_3114 = vector.load %arg2[%get3A_3112, %get3A_3113] : memref<104x128xf32, #tpu.memory_space<vmem>>, vector<1x128xf32>
    %get3A_3115 = arith.constant 86 : index
    %get3A_3116 = arith.constant 0 : index
    %get3A_3117 = vector.load %arg3[%get3A_3115, %get3A_3116] : memref<104x128xf32, #tpu.memory_space<vmem>>, vector<1x128xf32>
    %get3A_3118 = arith.constant 86 : index
    %get3A_3119 = arith.constant 0 : index
    %get3A_3120 = vector.load %arg7[%get3A_3118, %get3A_3119] : memref<104x128xf32, #tpu.memory_space<vmem>>, vector<1x128xf32>
    %get3A_3121 = arith.constant 86 : index
    %get3A_3122 = arith.constant 0 : index
    %get3A_3123 = vector.load %arg8[%get3A_3121, %get3A_3122] : memref<104x128xf32, #tpu.memory_space<vmem>>, vector<1x128xf32>
    %sub3A_3124 = vector.broadcast %get3A_3114 : vector<1x128xf32> to vector<104x128xf32>
    %sub3A_3125 = arith.subf %sub3A_3124, %get3A_1 : vector<104x128xf32>
    %sub3A_3126 = vector.broadcast %get3A_3117 : vector<1x128xf32> to vector<104x128xf32>
    %sub3A_3127 = arith.subf %sub3A_3126, %get3A_4 : vector<104x128xf32>
    %mul3A_3128 = arith.mulf %sub3A_3125, %cos3A : vector<104x128xf32>
    %mul3A_3129 = arith.mulf %sub3A_3127, %sin3A : vector<104x128xf32>
    %add3A_3130 = arith.addf %mul3A_3128, %mul3A_3129 : vector<104x128xf32>
    %mul3A_3131 = arith.mulf %sub3A_3127, %cos3A : vector<104x128xf32>
    %mul3A_3132 = arith.mulf %sub3A_3125, %sin3A : vector<104x128xf32>
    %sub3A_3133 = arith.subf %mul3A_3131, %mul3A_3132 : vector<104x128xf32>
    %abs3A_3134 = math.absf %sub3A_3133 : vector<104x128xf32>
    %mul3A_3135 = arith.constant 0.36397022 : f32
    %mul3A_3136 = vector.broadcast %mul3A_3135 : f32 to vector<104x128xf32>
    %mul3A_3137 = arith.mulf %add3A_3130, %mul3A_3136 : vector<104x128xf32>
    %lt3A_3138 = arith.cmpf olt, %abs3A_3134, %mul3A_3137 : vector<104x128xf32>
    %lt3A_3139 = arith.cmpf olt, %add3A_3130, %select_n3A_3105 : vector<104x128xf32>
    %and3A_3140 = arith.andi %lt3A_3138, %lt3A_3139 : vector<104x128xi1>
    %select_n3A_3141 = arith.select %and3A_3140, %add3A_3130, %select_n3A_3105 : vector<104x128xi1>, vector<104x128xf32>
    %broadcast_in_dim3A_3142 = vector.shape_cast %get3A_3120 : vector<1x128xf32> to vector<1x128xf32>
    %broadcast_in_dim3A_3143 = vector.broadcast %broadcast_in_dim3A_3142 : vector<1x128xf32> to vector<104x128xf32>
    %select_n3A_3144 = arith.select %and3A_3140, %broadcast_in_dim3A_3143, %select_n3A_3108 : vector<104x128xi1>, vector<104x128xf32>
    %broadcast_in_dim3A_3145 = vector.shape_cast %get3A_3123 : vector<1x128xf32> to vector<1x128xf32>
    %broadcast_in_dim3A_3146 = vector.broadcast %broadcast_in_dim3A_3145 : vector<1x128xf32> to vector<104x128xf32>
    %select_n3A_3147 = arith.select %and3A_3140, %broadcast_in_dim3A_3146, %select_n3A_3111 : vector<104x128xi1>, vector<104x128xf32>
    %get3A_3148 = arith.constant 87 : index
    %get3A_3149 = arith.constant 0 : index
    %get3A_3150 = vector.load %arg2[%get3A_3148, %get3A_3149] : memref<104x128xf32, #tpu.memory_space<vmem>>, vector<1x128xf32>
    %get3A_3151 = arith.constant 87 : index
    %get3A_3152 = arith.constant 0 : index
    %get3A_3153 = vector.load %arg3[%get3A_3151, %get3A_3152] : memref<104x128xf32, #tpu.memory_space<vmem>>, vector<1x128xf32>
    %get3A_3154 = arith.constant 87 : index
    %get3A_3155 = arith.constant 0 : index
    %get3A_3156 = vector.load %arg7[%get3A_3154, %get3A_3155] : memref<104x128xf32, #tpu.memory_space<vmem>>, vector<1x128xf32>
    %get3A_3157 = arith.constant 87 : index
    %get3A_3158 = arith.constant 0 : index
    %get3A_3159 = vector.load %arg8[%get3A_3157, %get3A_3158] : memref<104x128xf32, #tpu.memory_space<vmem>>, vector<1x128xf32>
    %sub3A_3160 = vector.broadcast %get3A_3150 : vector<1x128xf32> to vector<104x128xf32>
    %sub3A_3161 = arith.subf %sub3A_3160, %get3A_1 : vector<104x128xf32>
    %sub3A_3162 = vector.broadcast %get3A_3153 : vector<1x128xf32> to vector<104x128xf32>
    %sub3A_3163 = arith.subf %sub3A_3162, %get3A_4 : vector<104x128xf32>
    %mul3A_3164 = arith.mulf %sub3A_3161, %cos3A : vector<104x128xf32>
    %mul3A_3165 = arith.mulf %sub3A_3163, %sin3A : vector<104x128xf32>
    %add3A_3166 = arith.addf %mul3A_3164, %mul3A_3165 : vector<104x128xf32>
    %mul3A_3167 = arith.mulf %sub3A_3163, %cos3A : vector<104x128xf32>
    %mul3A_3168 = arith.mulf %sub3A_3161, %sin3A : vector<104x128xf32>
    %sub3A_3169 = arith.subf %mul3A_3167, %mul3A_3168 : vector<104x128xf32>
    %abs3A_3170 = math.absf %sub3A_3169 : vector<104x128xf32>
    %mul3A_3171 = arith.constant 0.36397022 : f32
    %mul3A_3172 = vector.broadcast %mul3A_3171 : f32 to vector<104x128xf32>
    %mul3A_3173 = arith.mulf %add3A_3166, %mul3A_3172 : vector<104x128xf32>
    %lt3A_3174 = arith.cmpf olt, %abs3A_3170, %mul3A_3173 : vector<104x128xf32>
    %lt3A_3175 = arith.cmpf olt, %add3A_3166, %select_n3A_3141 : vector<104x128xf32>
    %and3A_3176 = arith.andi %lt3A_3174, %lt3A_3175 : vector<104x128xi1>
    %select_n3A_3177 = arith.select %and3A_3176, %add3A_3166, %select_n3A_3141 : vector<104x128xi1>, vector<104x128xf32>
    %broadcast_in_dim3A_3178 = vector.shape_cast %get3A_3156 : vector<1x128xf32> to vector<1x128xf32>
    %broadcast_in_dim3A_3179 = vector.broadcast %broadcast_in_dim3A_3178 : vector<1x128xf32> to vector<104x128xf32>
    %select_n3A_3180 = arith.select %and3A_3176, %broadcast_in_dim3A_3179, %select_n3A_3144 : vector<104x128xi1>, vector<104x128xf32>
    %broadcast_in_dim3A_3181 = vector.shape_cast %get3A_3159 : vector<1x128xf32> to vector<1x128xf32>
    %broadcast_in_dim3A_3182 = vector.broadcast %broadcast_in_dim3A_3181 : vector<1x128xf32> to vector<104x128xf32>
    %select_n3A_3183 = arith.select %and3A_3176, %broadcast_in_dim3A_3182, %select_n3A_3147 : vector<104x128xi1>, vector<104x128xf32>
    %get3A_3184 = arith.constant 88 : index
    %get3A_3185 = arith.constant 0 : index
    %get3A_3186 = vector.load %arg2[%get3A_3184, %get3A_3185] : memref<104x128xf32, #tpu.memory_space<vmem>>, vector<1x128xf32>
    %get3A_3187 = arith.constant 88 : index
    %get3A_3188 = arith.constant 0 : index
    %get3A_3189 = vector.load %arg3[%get3A_3187, %get3A_3188] : memref<104x128xf32, #tpu.memory_space<vmem>>, vector<1x128xf32>
    %get3A_3190 = arith.constant 88 : index
    %get3A_3191 = arith.constant 0 : index
    %get3A_3192 = vector.load %arg7[%get3A_3190, %get3A_3191] : memref<104x128xf32, #tpu.memory_space<vmem>>, vector<1x128xf32>
    %get3A_3193 = arith.constant 88 : index
    %get3A_3194 = arith.constant 0 : index
    %get3A_3195 = vector.load %arg8[%get3A_3193, %get3A_3194] : memref<104x128xf32, #tpu.memory_space<vmem>>, vector<1x128xf32>
    %sub3A_3196 = vector.broadcast %get3A_3186 : vector<1x128xf32> to vector<104x128xf32>
    %sub3A_3197 = arith.subf %sub3A_3196, %get3A_1 : vector<104x128xf32>
    %sub3A_3198 = vector.broadcast %get3A_3189 : vector<1x128xf32> to vector<104x128xf32>
    %sub3A_3199 = arith.subf %sub3A_3198, %get3A_4 : vector<104x128xf32>
    %mul3A_3200 = arith.mulf %sub3A_3197, %cos3A : vector<104x128xf32>
    %mul3A_3201 = arith.mulf %sub3A_3199, %sin3A : vector<104x128xf32>
    %add3A_3202 = arith.addf %mul3A_3200, %mul3A_3201 : vector<104x128xf32>
    %mul3A_3203 = arith.mulf %sub3A_3199, %cos3A : vector<104x128xf32>
    %mul3A_3204 = arith.mulf %sub3A_3197, %sin3A : vector<104x128xf32>
    %sub3A_3205 = arith.subf %mul3A_3203, %mul3A_3204 : vector<104x128xf32>
    %abs3A_3206 = math.absf %sub3A_3205 : vector<104x128xf32>
    %mul3A_3207 = arith.constant 0.36397022 : f32
    %mul3A_3208 = vector.broadcast %mul3A_3207 : f32 to vector<104x128xf32>
    %mul3A_3209 = arith.mulf %add3A_3202, %mul3A_3208 : vector<104x128xf32>
    %lt3A_3210 = arith.cmpf olt, %abs3A_3206, %mul3A_3209 : vector<104x128xf32>
    %lt3A_3211 = arith.cmpf olt, %add3A_3202, %select_n3A_3177 : vector<104x128xf32>
    %and3A_3212 = arith.andi %lt3A_3210, %lt3A_3211 : vector<104x128xi1>
    %select_n3A_3213 = arith.select %and3A_3212, %add3A_3202, %select_n3A_3177 : vector<104x128xi1>, vector<104x128xf32>
    %broadcast_in_dim3A_3214 = vector.shape_cast %get3A_3192 : vector<1x128xf32> to vector<1x128xf32>
    %broadcast_in_dim3A_3215 = vector.broadcast %broadcast_in_dim3A_3214 : vector<1x128xf32> to vector<104x128xf32>
    %select_n3A_3216 = arith.select %and3A_3212, %broadcast_in_dim3A_3215, %select_n3A_3180 : vector<104x128xi1>, vector<104x128xf32>
    %broadcast_in_dim3A_3217 = vector.shape_cast %get3A_3195 : vector<1x128xf32> to vector<1x128xf32>
    %broadcast_in_dim3A_3218 = vector.broadcast %broadcast_in_dim3A_3217 : vector<1x128xf32> to vector<104x128xf32>
    %select_n3A_3219 = arith.select %and3A_3212, %broadcast_in_dim3A_3218, %select_n3A_3183 : vector<104x128xi1>, vector<104x128xf32>
    %get3A_3220 = arith.constant 89 : index
    %get3A_3221 = arith.constant 0 : index
    %get3A_3222 = vector.load %arg2[%get3A_3220, %get3A_3221] : memref<104x128xf32, #tpu.memory_space<vmem>>, vector<1x128xf32>
    %get3A_3223 = arith.constant 89 : index
    %get3A_3224 = arith.constant 0 : index
    %get3A_3225 = vector.load %arg3[%get3A_3223, %get3A_3224] : memref<104x128xf32, #tpu.memory_space<vmem>>, vector<1x128xf32>
    %get3A_3226 = arith.constant 89 : index
    %get3A_3227 = arith.constant 0 : index
    %get3A_3228 = vector.load %arg7[%get3A_3226, %get3A_3227] : memref<104x128xf32, #tpu.memory_space<vmem>>, vector<1x128xf32>
    %get3A_3229 = arith.constant 89 : index
    %get3A_3230 = arith.constant 0 : index
    %get3A_3231 = vector.load %arg8[%get3A_3229, %get3A_3230] : memref<104x128xf32, #tpu.memory_space<vmem>>, vector<1x128xf32>
    %sub3A_3232 = vector.broadcast %get3A_3222 : vector<1x128xf32> to vector<104x128xf32>
    %sub3A_3233 = arith.subf %sub3A_3232, %get3A_1 : vector<104x128xf32>
    %sub3A_3234 = vector.broadcast %get3A_3225 : vector<1x128xf32> to vector<104x128xf32>
    %sub3A_3235 = arith.subf %sub3A_3234, %get3A_4 : vector<104x128xf32>
    %mul3A_3236 = arith.mulf %sub3A_3233, %cos3A : vector<104x128xf32>
    %mul3A_3237 = arith.mulf %sub3A_3235, %sin3A : vector<104x128xf32>
    %add3A_3238 = arith.addf %mul3A_3236, %mul3A_3237 : vector<104x128xf32>
    %mul3A_3239 = arith.mulf %sub3A_3235, %cos3A : vector<104x128xf32>
    %mul3A_3240 = arith.mulf %sub3A_3233, %sin3A : vector<104x128xf32>
    %sub3A_3241 = arith.subf %mul3A_3239, %mul3A_3240 : vector<104x128xf32>
    %abs3A_3242 = math.absf %sub3A_3241 : vector<104x128xf32>
    %mul3A_3243 = arith.constant 0.36397022 : f32
    %mul3A_3244 = vector.broadcast %mul3A_3243 : f32 to vector<104x128xf32>
    %mul3A_3245 = arith.mulf %add3A_3238, %mul3A_3244 : vector<104x128xf32>
    %lt3A_3246 = arith.cmpf olt, %abs3A_3242, %mul3A_3245 : vector<104x128xf32>
    %lt3A_3247 = arith.cmpf olt, %add3A_3238, %select_n3A_3213 : vector<104x128xf32>
    %and3A_3248 = arith.andi %lt3A_3246, %lt3A_3247 : vector<104x128xi1>
    %select_n3A_3249 = arith.select %and3A_3248, %add3A_3238, %select_n3A_3213 : vector<104x128xi1>, vector<104x128xf32>
    %broadcast_in_dim3A_3250 = vector.shape_cast %get3A_3228 : vector<1x128xf32> to vector<1x128xf32>
    %broadcast_in_dim3A_3251 = vector.broadcast %broadcast_in_dim3A_3250 : vector<1x128xf32> to vector<104x128xf32>
    %select_n3A_3252 = arith.select %and3A_3248, %broadcast_in_dim3A_3251, %select_n3A_3216 : vector<104x128xi1>, vector<104x128xf32>
    %broadcast_in_dim3A_3253 = vector.shape_cast %get3A_3231 : vector<1x128xf32> to vector<1x128xf32>
    %broadcast_in_dim3A_3254 = vector.broadcast %broadcast_in_dim3A_3253 : vector<1x128xf32> to vector<104x128xf32>
    %select_n3A_3255 = arith.select %and3A_3248, %broadcast_in_dim3A_3254, %select_n3A_3219 : vector<104x128xi1>, vector<104x128xf32>
    %get3A_3256 = arith.constant 90 : index
    %get3A_3257 = arith.constant 0 : index
    %get3A_3258 = vector.load %arg2[%get3A_3256, %get3A_3257] : memref<104x128xf32, #tpu.memory_space<vmem>>, vector<1x128xf32>
    %get3A_3259 = arith.constant 90 : index
    %get3A_3260 = arith.constant 0 : index
    %get3A_3261 = vector.load %arg3[%get3A_3259, %get3A_3260] : memref<104x128xf32, #tpu.memory_space<vmem>>, vector<1x128xf32>
    %get3A_3262 = arith.constant 90 : index
    %get3A_3263 = arith.constant 0 : index
    %get3A_3264 = vector.load %arg7[%get3A_3262, %get3A_3263] : memref<104x128xf32, #tpu.memory_space<vmem>>, vector<1x128xf32>
    %get3A_3265 = arith.constant 90 : index
    %get3A_3266 = arith.constant 0 : index
    %get3A_3267 = vector.load %arg8[%get3A_3265, %get3A_3266] : memref<104x128xf32, #tpu.memory_space<vmem>>, vector<1x128xf32>
    %sub3A_3268 = vector.broadcast %get3A_3258 : vector<1x128xf32> to vector<104x128xf32>
    %sub3A_3269 = arith.subf %sub3A_3268, %get3A_1 : vector<104x128xf32>
    %sub3A_3270 = vector.broadcast %get3A_3261 : vector<1x128xf32> to vector<104x128xf32>
    %sub3A_3271 = arith.subf %sub3A_3270, %get3A_4 : vector<104x128xf32>
    %mul3A_3272 = arith.mulf %sub3A_3269, %cos3A : vector<104x128xf32>
    %mul3A_3273 = arith.mulf %sub3A_3271, %sin3A : vector<104x128xf32>
    %add3A_3274 = arith.addf %mul3A_3272, %mul3A_3273 : vector<104x128xf32>
    %mul3A_3275 = arith.mulf %sub3A_3271, %cos3A : vector<104x128xf32>
    %mul3A_3276 = arith.mulf %sub3A_3269, %sin3A : vector<104x128xf32>
    %sub3A_3277 = arith.subf %mul3A_3275, %mul3A_3276 : vector<104x128xf32>
    %abs3A_3278 = math.absf %sub3A_3277 : vector<104x128xf32>
    %mul3A_3279 = arith.constant 0.36397022 : f32
    %mul3A_3280 = vector.broadcast %mul3A_3279 : f32 to vector<104x128xf32>
    %mul3A_3281 = arith.mulf %add3A_3274, %mul3A_3280 : vector<104x128xf32>
    %lt3A_3282 = arith.cmpf olt, %abs3A_3278, %mul3A_3281 : vector<104x128xf32>
    %lt3A_3283 = arith.cmpf olt, %add3A_3274, %select_n3A_3249 : vector<104x128xf32>
    %and3A_3284 = arith.andi %lt3A_3282, %lt3A_3283 : vector<104x128xi1>
    %select_n3A_3285 = arith.select %and3A_3284, %add3A_3274, %select_n3A_3249 : vector<104x128xi1>, vector<104x128xf32>
    %broadcast_in_dim3A_3286 = vector.shape_cast %get3A_3264 : vector<1x128xf32> to vector<1x128xf32>
    %broadcast_in_dim3A_3287 = vector.broadcast %broadcast_in_dim3A_3286 : vector<1x128xf32> to vector<104x128xf32>
    %select_n3A_3288 = arith.select %and3A_3284, %broadcast_in_dim3A_3287, %select_n3A_3252 : vector<104x128xi1>, vector<104x128xf32>
    %broadcast_in_dim3A_3289 = vector.shape_cast %get3A_3267 : vector<1x128xf32> to vector<1x128xf32>
    %broadcast_in_dim3A_3290 = vector.broadcast %broadcast_in_dim3A_3289 : vector<1x128xf32> to vector<104x128xf32>
    %select_n3A_3291 = arith.select %and3A_3284, %broadcast_in_dim3A_3290, %select_n3A_3255 : vector<104x128xi1>, vector<104x128xf32>
    %get3A_3292 = arith.constant 91 : index
    %get3A_3293 = arith.constant 0 : index
    %get3A_3294 = vector.load %arg2[%get3A_3292, %get3A_3293] : memref<104x128xf32, #tpu.memory_space<vmem>>, vector<1x128xf32>
    %get3A_3295 = arith.constant 91 : index
    %get3A_3296 = arith.constant 0 : index
    %get3A_3297 = vector.load %arg3[%get3A_3295, %get3A_3296] : memref<104x128xf32, #tpu.memory_space<vmem>>, vector<1x128xf32>
    %get3A_3298 = arith.constant 91 : index
    %get3A_3299 = arith.constant 0 : index
    %get3A_3300 = vector.load %arg7[%get3A_3298, %get3A_3299] : memref<104x128xf32, #tpu.memory_space<vmem>>, vector<1x128xf32>
    %get3A_3301 = arith.constant 91 : index
    %get3A_3302 = arith.constant 0 : index
    %get3A_3303 = vector.load %arg8[%get3A_3301, %get3A_3302] : memref<104x128xf32, #tpu.memory_space<vmem>>, vector<1x128xf32>
    %sub3A_3304 = vector.broadcast %get3A_3294 : vector<1x128xf32> to vector<104x128xf32>
    %sub3A_3305 = arith.subf %sub3A_3304, %get3A_1 : vector<104x128xf32>
    %sub3A_3306 = vector.broadcast %get3A_3297 : vector<1x128xf32> to vector<104x128xf32>
    %sub3A_3307 = arith.subf %sub3A_3306, %get3A_4 : vector<104x128xf32>
    %mul3A_3308 = arith.mulf %sub3A_3305, %cos3A : vector<104x128xf32>
    %mul3A_3309 = arith.mulf %sub3A_3307, %sin3A : vector<104x128xf32>
    %add3A_3310 = arith.addf %mul3A_3308, %mul3A_3309 : vector<104x128xf32>
    %mul3A_3311 = arith.mulf %sub3A_3307, %cos3A : vector<104x128xf32>
    %mul3A_3312 = arith.mulf %sub3A_3305, %sin3A : vector<104x128xf32>
    %sub3A_3313 = arith.subf %mul3A_3311, %mul3A_3312 : vector<104x128xf32>
    %abs3A_3314 = math.absf %sub3A_3313 : vector<104x128xf32>
    %mul3A_3315 = arith.constant 0.36397022 : f32
    %mul3A_3316 = vector.broadcast %mul3A_3315 : f32 to vector<104x128xf32>
    %mul3A_3317 = arith.mulf %add3A_3310, %mul3A_3316 : vector<104x128xf32>
    %lt3A_3318 = arith.cmpf olt, %abs3A_3314, %mul3A_3317 : vector<104x128xf32>
    %lt3A_3319 = arith.cmpf olt, %add3A_3310, %select_n3A_3285 : vector<104x128xf32>
    %and3A_3320 = arith.andi %lt3A_3318, %lt3A_3319 : vector<104x128xi1>
    %select_n3A_3321 = arith.select %and3A_3320, %add3A_3310, %select_n3A_3285 : vector<104x128xi1>, vector<104x128xf32>
    %broadcast_in_dim3A_3322 = vector.shape_cast %get3A_3300 : vector<1x128xf32> to vector<1x128xf32>
    %broadcast_in_dim3A_3323 = vector.broadcast %broadcast_in_dim3A_3322 : vector<1x128xf32> to vector<104x128xf32>
    %select_n3A_3324 = arith.select %and3A_3320, %broadcast_in_dim3A_3323, %select_n3A_3288 : vector<104x128xi1>, vector<104x128xf32>
    %broadcast_in_dim3A_3325 = vector.shape_cast %get3A_3303 : vector<1x128xf32> to vector<1x128xf32>
    %broadcast_in_dim3A_3326 = vector.broadcast %broadcast_in_dim3A_3325 : vector<1x128xf32> to vector<104x128xf32>
    %select_n3A_3327 = arith.select %and3A_3320, %broadcast_in_dim3A_3326, %select_n3A_3291 : vector<104x128xi1>, vector<104x128xf32>
    %get3A_3328 = arith.constant 92 : index
    %get3A_3329 = arith.constant 0 : index
    %get3A_3330 = vector.load %arg2[%get3A_3328, %get3A_3329] : memref<104x128xf32, #tpu.memory_space<vmem>>, vector<1x128xf32>
    %get3A_3331 = arith.constant 92 : index
    %get3A_3332 = arith.constant 0 : index
    %get3A_3333 = vector.load %arg3[%get3A_3331, %get3A_3332] : memref<104x128xf32, #tpu.memory_space<vmem>>, vector<1x128xf32>
    %get3A_3334 = arith.constant 92 : index
    %get3A_3335 = arith.constant 0 : index
    %get3A_3336 = vector.load %arg7[%get3A_3334, %get3A_3335] : memref<104x128xf32, #tpu.memory_space<vmem>>, vector<1x128xf32>
    %get3A_3337 = arith.constant 92 : index
    %get3A_3338 = arith.constant 0 : index
    %get3A_3339 = vector.load %arg8[%get3A_3337, %get3A_3338] : memref<104x128xf32, #tpu.memory_space<vmem>>, vector<1x128xf32>
    %sub3A_3340 = vector.broadcast %get3A_3330 : vector<1x128xf32> to vector<104x128xf32>
    %sub3A_3341 = arith.subf %sub3A_3340, %get3A_1 : vector<104x128xf32>
    %sub3A_3342 = vector.broadcast %get3A_3333 : vector<1x128xf32> to vector<104x128xf32>
    %sub3A_3343 = arith.subf %sub3A_3342, %get3A_4 : vector<104x128xf32>
    %mul3A_3344 = arith.mulf %sub3A_3341, %cos3A : vector<104x128xf32>
    %mul3A_3345 = arith.mulf %sub3A_3343, %sin3A : vector<104x128xf32>
    %add3A_3346 = arith.addf %mul3A_3344, %mul3A_3345 : vector<104x128xf32>
    %mul3A_3347 = arith.mulf %sub3A_3343, %cos3A : vector<104x128xf32>
    %mul3A_3348 = arith.mulf %sub3A_3341, %sin3A : vector<104x128xf32>
    %sub3A_3349 = arith.subf %mul3A_3347, %mul3A_3348 : vector<104x128xf32>
    %abs3A_3350 = math.absf %sub3A_3349 : vector<104x128xf32>
    %mul3A_3351 = arith.constant 0.36397022 : f32
    %mul3A_3352 = vector.broadcast %mul3A_3351 : f32 to vector<104x128xf32>
    %mul3A_3353 = arith.mulf %add3A_3346, %mul3A_3352 : vector<104x128xf32>
    %lt3A_3354 = arith.cmpf olt, %abs3A_3350, %mul3A_3353 : vector<104x128xf32>
    %lt3A_3355 = arith.cmpf olt, %add3A_3346, %select_n3A_3321 : vector<104x128xf32>
    %and3A_3356 = arith.andi %lt3A_3354, %lt3A_3355 : vector<104x128xi1>
    %select_n3A_3357 = arith.select %and3A_3356, %add3A_3346, %select_n3A_3321 : vector<104x128xi1>, vector<104x128xf32>
    %broadcast_in_dim3A_3358 = vector.shape_cast %get3A_3336 : vector<1x128xf32> to vector<1x128xf32>
    %broadcast_in_dim3A_3359 = vector.broadcast %broadcast_in_dim3A_3358 : vector<1x128xf32> to vector<104x128xf32>
    %select_n3A_3360 = arith.select %and3A_3356, %broadcast_in_dim3A_3359, %select_n3A_3324 : vector<104x128xi1>, vector<104x128xf32>
    %broadcast_in_dim3A_3361 = vector.shape_cast %get3A_3339 : vector<1x128xf32> to vector<1x128xf32>
    %broadcast_in_dim3A_3362 = vector.broadcast %broadcast_in_dim3A_3361 : vector<1x128xf32> to vector<104x128xf32>
    %select_n3A_3363 = arith.select %and3A_3356, %broadcast_in_dim3A_3362, %select_n3A_3327 : vector<104x128xi1>, vector<104x128xf32>
    %get3A_3364 = arith.constant 93 : index
    %get3A_3365 = arith.constant 0 : index
    %get3A_3366 = vector.load %arg2[%get3A_3364, %get3A_3365] : memref<104x128xf32, #tpu.memory_space<vmem>>, vector<1x128xf32>
    %get3A_3367 = arith.constant 93 : index
    %get3A_3368 = arith.constant 0 : index
    %get3A_3369 = vector.load %arg3[%get3A_3367, %get3A_3368] : memref<104x128xf32, #tpu.memory_space<vmem>>, vector<1x128xf32>
    %get3A_3370 = arith.constant 93 : index
    %get3A_3371 = arith.constant 0 : index
    %get3A_3372 = vector.load %arg7[%get3A_3370, %get3A_3371] : memref<104x128xf32, #tpu.memory_space<vmem>>, vector<1x128xf32>
    %get3A_3373 = arith.constant 93 : index
    %get3A_3374 = arith.constant 0 : index
    %get3A_3375 = vector.load %arg8[%get3A_3373, %get3A_3374] : memref<104x128xf32, #tpu.memory_space<vmem>>, vector<1x128xf32>
    %sub3A_3376 = vector.broadcast %get3A_3366 : vector<1x128xf32> to vector<104x128xf32>
    %sub3A_3377 = arith.subf %sub3A_3376, %get3A_1 : vector<104x128xf32>
    %sub3A_3378 = vector.broadcast %get3A_3369 : vector<1x128xf32> to vector<104x128xf32>
    %sub3A_3379 = arith.subf %sub3A_3378, %get3A_4 : vector<104x128xf32>
    %mul3A_3380 = arith.mulf %sub3A_3377, %cos3A : vector<104x128xf32>
    %mul3A_3381 = arith.mulf %sub3A_3379, %sin3A : vector<104x128xf32>
    %add3A_3382 = arith.addf %mul3A_3380, %mul3A_3381 : vector<104x128xf32>
    %mul3A_3383 = arith.mulf %sub3A_3379, %cos3A : vector<104x128xf32>
    %mul3A_3384 = arith.mulf %sub3A_3377, %sin3A : vector<104x128xf32>
    %sub3A_3385 = arith.subf %mul3A_3383, %mul3A_3384 : vector<104x128xf32>
    %abs3A_3386 = math.absf %sub3A_3385 : vector<104x128xf32>
    %mul3A_3387 = arith.constant 0.36397022 : f32
    %mul3A_3388 = vector.broadcast %mul3A_3387 : f32 to vector<104x128xf32>
    %mul3A_3389 = arith.mulf %add3A_3382, %mul3A_3388 : vector<104x128xf32>
    %lt3A_3390 = arith.cmpf olt, %abs3A_3386, %mul3A_3389 : vector<104x128xf32>
    %lt3A_3391 = arith.cmpf olt, %add3A_3382, %select_n3A_3357 : vector<104x128xf32>
    %and3A_3392 = arith.andi %lt3A_3390, %lt3A_3391 : vector<104x128xi1>
    %select_n3A_3393 = arith.select %and3A_3392, %add3A_3382, %select_n3A_3357 : vector<104x128xi1>, vector<104x128xf32>
    %broadcast_in_dim3A_3394 = vector.shape_cast %get3A_3372 : vector<1x128xf32> to vector<1x128xf32>
    %broadcast_in_dim3A_3395 = vector.broadcast %broadcast_in_dim3A_3394 : vector<1x128xf32> to vector<104x128xf32>
    %select_n3A_3396 = arith.select %and3A_3392, %broadcast_in_dim3A_3395, %select_n3A_3360 : vector<104x128xi1>, vector<104x128xf32>
    %broadcast_in_dim3A_3397 = vector.shape_cast %get3A_3375 : vector<1x128xf32> to vector<1x128xf32>
    %broadcast_in_dim3A_3398 = vector.broadcast %broadcast_in_dim3A_3397 : vector<1x128xf32> to vector<104x128xf32>
    %select_n3A_3399 = arith.select %and3A_3392, %broadcast_in_dim3A_3398, %select_n3A_3363 : vector<104x128xi1>, vector<104x128xf32>
    %get3A_3400 = arith.constant 94 : index
    %get3A_3401 = arith.constant 0 : index
    %get3A_3402 = vector.load %arg2[%get3A_3400, %get3A_3401] : memref<104x128xf32, #tpu.memory_space<vmem>>, vector<1x128xf32>
    %get3A_3403 = arith.constant 94 : index
    %get3A_3404 = arith.constant 0 : index
    %get3A_3405 = vector.load %arg3[%get3A_3403, %get3A_3404] : memref<104x128xf32, #tpu.memory_space<vmem>>, vector<1x128xf32>
    %get3A_3406 = arith.constant 94 : index
    %get3A_3407 = arith.constant 0 : index
    %get3A_3408 = vector.load %arg7[%get3A_3406, %get3A_3407] : memref<104x128xf32, #tpu.memory_space<vmem>>, vector<1x128xf32>
    %get3A_3409 = arith.constant 94 : index
    %get3A_3410 = arith.constant 0 : index
    %get3A_3411 = vector.load %arg8[%get3A_3409, %get3A_3410] : memref<104x128xf32, #tpu.memory_space<vmem>>, vector<1x128xf32>
    %sub3A_3412 = vector.broadcast %get3A_3402 : vector<1x128xf32> to vector<104x128xf32>
    %sub3A_3413 = arith.subf %sub3A_3412, %get3A_1 : vector<104x128xf32>
    %sub3A_3414 = vector.broadcast %get3A_3405 : vector<1x128xf32> to vector<104x128xf32>
    %sub3A_3415 = arith.subf %sub3A_3414, %get3A_4 : vector<104x128xf32>
    %mul3A_3416 = arith.mulf %sub3A_3413, %cos3A : vector<104x128xf32>
    %mul3A_3417 = arith.mulf %sub3A_3415, %sin3A : vector<104x128xf32>
    %add3A_3418 = arith.addf %mul3A_3416, %mul3A_3417 : vector<104x128xf32>
    %mul3A_3419 = arith.mulf %sub3A_3415, %cos3A : vector<104x128xf32>
    %mul3A_3420 = arith.mulf %sub3A_3413, %sin3A : vector<104x128xf32>
    %sub3A_3421 = arith.subf %mul3A_3419, %mul3A_3420 : vector<104x128xf32>
    %abs3A_3422 = math.absf %sub3A_3421 : vector<104x128xf32>
    %mul3A_3423 = arith.constant 0.36397022 : f32
    %mul3A_3424 = vector.broadcast %mul3A_3423 : f32 to vector<104x128xf32>
    %mul3A_3425 = arith.mulf %add3A_3418, %mul3A_3424 : vector<104x128xf32>
    %lt3A_3426 = arith.cmpf olt, %abs3A_3422, %mul3A_3425 : vector<104x128xf32>
    %lt3A_3427 = arith.cmpf olt, %add3A_3418, %select_n3A_3393 : vector<104x128xf32>
    %and3A_3428 = arith.andi %lt3A_3426, %lt3A_3427 : vector<104x128xi1>
    %select_n3A_3429 = arith.select %and3A_3428, %add3A_3418, %select_n3A_3393 : vector<104x128xi1>, vector<104x128xf32>
    %broadcast_in_dim3A_3430 = vector.shape_cast %get3A_3408 : vector<1x128xf32> to vector<1x128xf32>
    %broadcast_in_dim3A_3431 = vector.broadcast %broadcast_in_dim3A_3430 : vector<1x128xf32> to vector<104x128xf32>
    %select_n3A_3432 = arith.select %and3A_3428, %broadcast_in_dim3A_3431, %select_n3A_3396 : vector<104x128xi1>, vector<104x128xf32>
    %broadcast_in_dim3A_3433 = vector.shape_cast %get3A_3411 : vector<1x128xf32> to vector<1x128xf32>
    %broadcast_in_dim3A_3434 = vector.broadcast %broadcast_in_dim3A_3433 : vector<1x128xf32> to vector<104x128xf32>
    %select_n3A_3435 = arith.select %and3A_3428, %broadcast_in_dim3A_3434, %select_n3A_3399 : vector<104x128xi1>, vector<104x128xf32>
    %get3A_3436 = arith.constant 95 : index
    %get3A_3437 = arith.constant 0 : index
    %get3A_3438 = vector.load %arg2[%get3A_3436, %get3A_3437] : memref<104x128xf32, #tpu.memory_space<vmem>>, vector<1x128xf32>
    %get3A_3439 = arith.constant 95 : index
    %get3A_3440 = arith.constant 0 : index
    %get3A_3441 = vector.load %arg3[%get3A_3439, %get3A_3440] : memref<104x128xf32, #tpu.memory_space<vmem>>, vector<1x128xf32>
    %get3A_3442 = arith.constant 95 : index
    %get3A_3443 = arith.constant 0 : index
    %get3A_3444 = vector.load %arg7[%get3A_3442, %get3A_3443] : memref<104x128xf32, #tpu.memory_space<vmem>>, vector<1x128xf32>
    %get3A_3445 = arith.constant 95 : index
    %get3A_3446 = arith.constant 0 : index
    %get3A_3447 = vector.load %arg8[%get3A_3445, %get3A_3446] : memref<104x128xf32, #tpu.memory_space<vmem>>, vector<1x128xf32>
    %sub3A_3448 = vector.broadcast %get3A_3438 : vector<1x128xf32> to vector<104x128xf32>
    %sub3A_3449 = arith.subf %sub3A_3448, %get3A_1 : vector<104x128xf32>
    %sub3A_3450 = vector.broadcast %get3A_3441 : vector<1x128xf32> to vector<104x128xf32>
    %sub3A_3451 = arith.subf %sub3A_3450, %get3A_4 : vector<104x128xf32>
    %mul3A_3452 = arith.mulf %sub3A_3449, %cos3A : vector<104x128xf32>
    %mul3A_3453 = arith.mulf %sub3A_3451, %sin3A : vector<104x128xf32>
    %add3A_3454 = arith.addf %mul3A_3452, %mul3A_3453 : vector<104x128xf32>
    %mul3A_3455 = arith.mulf %sub3A_3451, %cos3A : vector<104x128xf32>
    %mul3A_3456 = arith.mulf %sub3A_3449, %sin3A : vector<104x128xf32>
    %sub3A_3457 = arith.subf %mul3A_3455, %mul3A_3456 : vector<104x128xf32>
    %abs3A_3458 = math.absf %sub3A_3457 : vector<104x128xf32>
    %mul3A_3459 = arith.constant 0.36397022 : f32
    %mul3A_3460 = vector.broadcast %mul3A_3459 : f32 to vector<104x128xf32>
    %mul3A_3461 = arith.mulf %add3A_3454, %mul3A_3460 : vector<104x128xf32>
    %lt3A_3462 = arith.cmpf olt, %abs3A_3458, %mul3A_3461 : vector<104x128xf32>
    %lt3A_3463 = arith.cmpf olt, %add3A_3454, %select_n3A_3429 : vector<104x128xf32>
    %and3A_3464 = arith.andi %lt3A_3462, %lt3A_3463 : vector<104x128xi1>
    %select_n3A_3465 = arith.select %and3A_3464, %add3A_3454, %select_n3A_3429 : vector<104x128xi1>, vector<104x128xf32>
    %broadcast_in_dim3A_3466 = vector.shape_cast %get3A_3444 : vector<1x128xf32> to vector<1x128xf32>
    %broadcast_in_dim3A_3467 = vector.broadcast %broadcast_in_dim3A_3466 : vector<1x128xf32> to vector<104x128xf32>
    %select_n3A_3468 = arith.select %and3A_3464, %broadcast_in_dim3A_3467, %select_n3A_3432 : vector<104x128xi1>, vector<104x128xf32>
    %broadcast_in_dim3A_3469 = vector.shape_cast %get3A_3447 : vector<1x128xf32> to vector<1x128xf32>
    %broadcast_in_dim3A_3470 = vector.broadcast %broadcast_in_dim3A_3469 : vector<1x128xf32> to vector<104x128xf32>
    %select_n3A_3471 = arith.select %and3A_3464, %broadcast_in_dim3A_3470, %select_n3A_3435 : vector<104x128xi1>, vector<104x128xf32>
    %get3A_3472 = arith.constant 96 : index
    %get3A_3473 = arith.constant 0 : index
    %get3A_3474 = vector.load %arg2[%get3A_3472, %get3A_3473] : memref<104x128xf32, #tpu.memory_space<vmem>>, vector<1x128xf32>
    %get3A_3475 = arith.constant 96 : index
    %get3A_3476 = arith.constant 0 : index
    %get3A_3477 = vector.load %arg3[%get3A_3475, %get3A_3476] : memref<104x128xf32, #tpu.memory_space<vmem>>, vector<1x128xf32>
    %get3A_3478 = arith.constant 96 : index
    %get3A_3479 = arith.constant 0 : index
    %get3A_3480 = vector.load %arg7[%get3A_3478, %get3A_3479] : memref<104x128xf32, #tpu.memory_space<vmem>>, vector<1x128xf32>
    %get3A_3481 = arith.constant 96 : index
    %get3A_3482 = arith.constant 0 : index
    %get3A_3483 = vector.load %arg8[%get3A_3481, %get3A_3482] : memref<104x128xf32, #tpu.memory_space<vmem>>, vector<1x128xf32>
    %sub3A_3484 = vector.broadcast %get3A_3474 : vector<1x128xf32> to vector<104x128xf32>
    %sub3A_3485 = arith.subf %sub3A_3484, %get3A_1 : vector<104x128xf32>
    %sub3A_3486 = vector.broadcast %get3A_3477 : vector<1x128xf32> to vector<104x128xf32>
    %sub3A_3487 = arith.subf %sub3A_3486, %get3A_4 : vector<104x128xf32>
    %mul3A_3488 = arith.mulf %sub3A_3485, %cos3A : vector<104x128xf32>
    %mul3A_3489 = arith.mulf %sub3A_3487, %sin3A : vector<104x128xf32>
    %add3A_3490 = arith.addf %mul3A_3488, %mul3A_3489 : vector<104x128xf32>
    %mul3A_3491 = arith.mulf %sub3A_3487, %cos3A : vector<104x128xf32>
    %mul3A_3492 = arith.mulf %sub3A_3485, %sin3A : vector<104x128xf32>
    %sub3A_3493 = arith.subf %mul3A_3491, %mul3A_3492 : vector<104x128xf32>
    %abs3A_3494 = math.absf %sub3A_3493 : vector<104x128xf32>
    %mul3A_3495 = arith.constant 0.36397022 : f32
    %mul3A_3496 = vector.broadcast %mul3A_3495 : f32 to vector<104x128xf32>
    %mul3A_3497 = arith.mulf %add3A_3490, %mul3A_3496 : vector<104x128xf32>
    %lt3A_3498 = arith.cmpf olt, %abs3A_3494, %mul3A_3497 : vector<104x128xf32>
    %lt3A_3499 = arith.cmpf olt, %add3A_3490, %select_n3A_3465 : vector<104x128xf32>
    %and3A_3500 = arith.andi %lt3A_3498, %lt3A_3499 : vector<104x128xi1>
    %select_n3A_3501 = arith.select %and3A_3500, %add3A_3490, %select_n3A_3465 : vector<104x128xi1>, vector<104x128xf32>
    %broadcast_in_dim3A_3502 = vector.shape_cast %get3A_3480 : vector<1x128xf32> to vector<1x128xf32>
    %broadcast_in_dim3A_3503 = vector.broadcast %broadcast_in_dim3A_3502 : vector<1x128xf32> to vector<104x128xf32>
    %select_n3A_3504 = arith.select %and3A_3500, %broadcast_in_dim3A_3503, %select_n3A_3468 : vector<104x128xi1>, vector<104x128xf32>
    %broadcast_in_dim3A_3505 = vector.shape_cast %get3A_3483 : vector<1x128xf32> to vector<1x128xf32>
    %broadcast_in_dim3A_3506 = vector.broadcast %broadcast_in_dim3A_3505 : vector<1x128xf32> to vector<104x128xf32>
    %select_n3A_3507 = arith.select %and3A_3500, %broadcast_in_dim3A_3506, %select_n3A_3471 : vector<104x128xi1>, vector<104x128xf32>
    %get3A_3508 = arith.constant 97 : index
    %get3A_3509 = arith.constant 0 : index
    %get3A_3510 = vector.load %arg2[%get3A_3508, %get3A_3509] : memref<104x128xf32, #tpu.memory_space<vmem>>, vector<1x128xf32>
    %get3A_3511 = arith.constant 97 : index
    %get3A_3512 = arith.constant 0 : index
    %get3A_3513 = vector.load %arg3[%get3A_3511, %get3A_3512] : memref<104x128xf32, #tpu.memory_space<vmem>>, vector<1x128xf32>
    %get3A_3514 = arith.constant 97 : index
    %get3A_3515 = arith.constant 0 : index
    %get3A_3516 = vector.load %arg7[%get3A_3514, %get3A_3515] : memref<104x128xf32, #tpu.memory_space<vmem>>, vector<1x128xf32>
    %get3A_3517 = arith.constant 97 : index
    %get3A_3518 = arith.constant 0 : index
    %get3A_3519 = vector.load %arg8[%get3A_3517, %get3A_3518] : memref<104x128xf32, #tpu.memory_space<vmem>>, vector<1x128xf32>
    %sub3A_3520 = vector.broadcast %get3A_3510 : vector<1x128xf32> to vector<104x128xf32>
    %sub3A_3521 = arith.subf %sub3A_3520, %get3A_1 : vector<104x128xf32>
    %sub3A_3522 = vector.broadcast %get3A_3513 : vector<1x128xf32> to vector<104x128xf32>
    %sub3A_3523 = arith.subf %sub3A_3522, %get3A_4 : vector<104x128xf32>
    %mul3A_3524 = arith.mulf %sub3A_3521, %cos3A : vector<104x128xf32>
    %mul3A_3525 = arith.mulf %sub3A_3523, %sin3A : vector<104x128xf32>
    %add3A_3526 = arith.addf %mul3A_3524, %mul3A_3525 : vector<104x128xf32>
    %mul3A_3527 = arith.mulf %sub3A_3523, %cos3A : vector<104x128xf32>
    %mul3A_3528 = arith.mulf %sub3A_3521, %sin3A : vector<104x128xf32>
    %sub3A_3529 = arith.subf %mul3A_3527, %mul3A_3528 : vector<104x128xf32>
    %abs3A_3530 = math.absf %sub3A_3529 : vector<104x128xf32>
    %mul3A_3531 = arith.constant 0.36397022 : f32
    %mul3A_3532 = vector.broadcast %mul3A_3531 : f32 to vector<104x128xf32>
    %mul3A_3533 = arith.mulf %add3A_3526, %mul3A_3532 : vector<104x128xf32>
    %lt3A_3534 = arith.cmpf olt, %abs3A_3530, %mul3A_3533 : vector<104x128xf32>
    %lt3A_3535 = arith.cmpf olt, %add3A_3526, %select_n3A_3501 : vector<104x128xf32>
    %and3A_3536 = arith.andi %lt3A_3534, %lt3A_3535 : vector<104x128xi1>
    %select_n3A_3537 = arith.select %and3A_3536, %add3A_3526, %select_n3A_3501 : vector<104x128xi1>, vector<104x128xf32>
    %broadcast_in_dim3A_3538 = vector.shape_cast %get3A_3516 : vector<1x128xf32> to vector<1x128xf32>
    %broadcast_in_dim3A_3539 = vector.broadcast %broadcast_in_dim3A_3538 : vector<1x128xf32> to vector<104x128xf32>
    %select_n3A_3540 = arith.select %and3A_3536, %broadcast_in_dim3A_3539, %select_n3A_3504 : vector<104x128xi1>, vector<104x128xf32>
    %broadcast_in_dim3A_3541 = vector.shape_cast %get3A_3519 : vector<1x128xf32> to vector<1x128xf32>
    %broadcast_in_dim3A_3542 = vector.broadcast %broadcast_in_dim3A_3541 : vector<1x128xf32> to vector<104x128xf32>
    %select_n3A_3543 = arith.select %and3A_3536, %broadcast_in_dim3A_3542, %select_n3A_3507 : vector<104x128xi1>, vector<104x128xf32>
    %get3A_3544 = arith.constant 98 : index
    %get3A_3545 = arith.constant 0 : index
    %get3A_3546 = vector.load %arg2[%get3A_3544, %get3A_3545] : memref<104x128xf32, #tpu.memory_space<vmem>>, vector<1x128xf32>
    %get3A_3547 = arith.constant 98 : index
    %get3A_3548 = arith.constant 0 : index
    %get3A_3549 = vector.load %arg3[%get3A_3547, %get3A_3548] : memref<104x128xf32, #tpu.memory_space<vmem>>, vector<1x128xf32>
    %get3A_3550 = arith.constant 98 : index
    %get3A_3551 = arith.constant 0 : index
    %get3A_3552 = vector.load %arg7[%get3A_3550, %get3A_3551] : memref<104x128xf32, #tpu.memory_space<vmem>>, vector<1x128xf32>
    %get3A_3553 = arith.constant 98 : index
    %get3A_3554 = arith.constant 0 : index
    %get3A_3555 = vector.load %arg8[%get3A_3553, %get3A_3554] : memref<104x128xf32, #tpu.memory_space<vmem>>, vector<1x128xf32>
    %sub3A_3556 = vector.broadcast %get3A_3546 : vector<1x128xf32> to vector<104x128xf32>
    %sub3A_3557 = arith.subf %sub3A_3556, %get3A_1 : vector<104x128xf32>
    %sub3A_3558 = vector.broadcast %get3A_3549 : vector<1x128xf32> to vector<104x128xf32>
    %sub3A_3559 = arith.subf %sub3A_3558, %get3A_4 : vector<104x128xf32>
    %mul3A_3560 = arith.mulf %sub3A_3557, %cos3A : vector<104x128xf32>
    %mul3A_3561 = arith.mulf %sub3A_3559, %sin3A : vector<104x128xf32>
    %add3A_3562 = arith.addf %mul3A_3560, %mul3A_3561 : vector<104x128xf32>
    %mul3A_3563 = arith.mulf %sub3A_3559, %cos3A : vector<104x128xf32>
    %mul3A_3564 = arith.mulf %sub3A_3557, %sin3A : vector<104x128xf32>
    %sub3A_3565 = arith.subf %mul3A_3563, %mul3A_3564 : vector<104x128xf32>
    %abs3A_3566 = math.absf %sub3A_3565 : vector<104x128xf32>
    %mul3A_3567 = arith.constant 0.36397022 : f32
    %mul3A_3568 = vector.broadcast %mul3A_3567 : f32 to vector<104x128xf32>
    %mul3A_3569 = arith.mulf %add3A_3562, %mul3A_3568 : vector<104x128xf32>
    %lt3A_3570 = arith.cmpf olt, %abs3A_3566, %mul3A_3569 : vector<104x128xf32>
    %lt3A_3571 = arith.cmpf olt, %add3A_3562, %select_n3A_3537 : vector<104x128xf32>
    %and3A_3572 = arith.andi %lt3A_3570, %lt3A_3571 : vector<104x128xi1>
    %select_n3A_3573 = arith.select %and3A_3572, %add3A_3562, %select_n3A_3537 : vector<104x128xi1>, vector<104x128xf32>
    %broadcast_in_dim3A_3574 = vector.shape_cast %get3A_3552 : vector<1x128xf32> to vector<1x128xf32>
    %broadcast_in_dim3A_3575 = vector.broadcast %broadcast_in_dim3A_3574 : vector<1x128xf32> to vector<104x128xf32>
    %select_n3A_3576 = arith.select %and3A_3572, %broadcast_in_dim3A_3575, %select_n3A_3540 : vector<104x128xi1>, vector<104x128xf32>
    %broadcast_in_dim3A_3577 = vector.shape_cast %get3A_3555 : vector<1x128xf32> to vector<1x128xf32>
    %broadcast_in_dim3A_3578 = vector.broadcast %broadcast_in_dim3A_3577 : vector<1x128xf32> to vector<104x128xf32>
    %select_n3A_3579 = arith.select %and3A_3572, %broadcast_in_dim3A_3578, %select_n3A_3543 : vector<104x128xi1>, vector<104x128xf32>
    %get3A_3580 = arith.constant 99 : index
    %get3A_3581 = arith.constant 0 : index
    %get3A_3582 = vector.load %arg2[%get3A_3580, %get3A_3581] : memref<104x128xf32, #tpu.memory_space<vmem>>, vector<1x128xf32>
    %get3A_3583 = arith.constant 99 : index
    %get3A_3584 = arith.constant 0 : index
    %get3A_3585 = vector.load %arg3[%get3A_3583, %get3A_3584] : memref<104x128xf32, #tpu.memory_space<vmem>>, vector<1x128xf32>
    %get3A_3586 = arith.constant 99 : index
    %get3A_3587 = arith.constant 0 : index
    %get3A_3588 = vector.load %arg7[%get3A_3586, %get3A_3587] : memref<104x128xf32, #tpu.memory_space<vmem>>, vector<1x128xf32>
    %get3A_3589 = arith.constant 99 : index
    %get3A_3590 = arith.constant 0 : index
    %get3A_3591 = vector.load %arg8[%get3A_3589, %get3A_3590] : memref<104x128xf32, #tpu.memory_space<vmem>>, vector<1x128xf32>
    %sub3A_3592 = vector.broadcast %get3A_3582 : vector<1x128xf32> to vector<104x128xf32>
    %sub3A_3593 = arith.subf %sub3A_3592, %get3A_1 : vector<104x128xf32>
    %sub3A_3594 = vector.broadcast %get3A_3585 : vector<1x128xf32> to vector<104x128xf32>
    %sub3A_3595 = arith.subf %sub3A_3594, %get3A_4 : vector<104x128xf32>
    %mul3A_3596 = arith.mulf %sub3A_3593, %cos3A : vector<104x128xf32>
    %mul3A_3597 = arith.mulf %sub3A_3595, %sin3A : vector<104x128xf32>
    %add3A_3598 = arith.addf %mul3A_3596, %mul3A_3597 : vector<104x128xf32>
    %mul3A_3599 = arith.mulf %sub3A_3595, %cos3A : vector<104x128xf32>
    %mul3A_3600 = arith.mulf %sub3A_3593, %sin3A : vector<104x128xf32>
    %sub3A_3601 = arith.subf %mul3A_3599, %mul3A_3600 : vector<104x128xf32>
    %abs3A_3602 = math.absf %sub3A_3601 : vector<104x128xf32>
    %mul3A_3603 = arith.constant 0.36397022 : f32
    %mul3A_3604 = vector.broadcast %mul3A_3603 : f32 to vector<104x128xf32>
    %mul3A_3605 = arith.mulf %add3A_3598, %mul3A_3604 : vector<104x128xf32>
    %lt3A_3606 = arith.cmpf olt, %abs3A_3602, %mul3A_3605 : vector<104x128xf32>
    %lt3A_3607 = arith.cmpf olt, %add3A_3598, %select_n3A_3573 : vector<104x128xf32>
    %and3A_3608 = arith.andi %lt3A_3606, %lt3A_3607 : vector<104x128xi1>
    %select_n3A_3609 = arith.select %and3A_3608, %add3A_3598, %select_n3A_3573 : vector<104x128xi1>, vector<104x128xf32>
    %broadcast_in_dim3A_3610 = vector.shape_cast %get3A_3588 : vector<1x128xf32> to vector<1x128xf32>
    %broadcast_in_dim3A_3611 = vector.broadcast %broadcast_in_dim3A_3610 : vector<1x128xf32> to vector<104x128xf32>
    %select_n3A_3612 = arith.select %and3A_3608, %broadcast_in_dim3A_3611, %select_n3A_3576 : vector<104x128xi1>, vector<104x128xf32>
    %broadcast_in_dim3A_3613 = vector.shape_cast %get3A_3591 : vector<1x128xf32> to vector<1x128xf32>
    %broadcast_in_dim3A_3614 = vector.broadcast %broadcast_in_dim3A_3613 : vector<1x128xf32> to vector<104x128xf32>
    %select_n3A_3615 = arith.select %and3A_3608, %broadcast_in_dim3A_3614, %select_n3A_3579 : vector<104x128xi1>, vector<104x128xf32>
    %get3A_3616 = arith.constant 0 : index
    %get3A_3617 = memref.load %arg1[%get3A_3616] : memref<6xf32, #tpu.memory_space<smem>>
    %get3A_3618 = arith.constant 1 : index
    %get3A_3619 = memref.load %arg1[%get3A_3618] : memref<6xf32, #tpu.memory_space<smem>>
    %get3A_3620 = arith.constant 2 : index
    %get3A_3621 = memref.load %arg1[%get3A_3620] : memref<6xf32, #tpu.memory_space<smem>>
    %get3A_3622 = arith.constant 3 : index
    %get3A_3623 = memref.load %arg1[%get3A_3622] : memref<6xf32, #tpu.memory_space<smem>>
    %get3A_3624 = arith.constant 4 : index
    %get3A_3625 = memref.load %arg1[%get3A_3624] : memref<6xf32, #tpu.memory_space<smem>>
    %get3A_3626 = arith.constant 5 : index
    %get3A_3627 = memref.load %arg1[%get3A_3626] : memref<6xf32, #tpu.memory_space<smem>>
    %mul3A_3628 = arith.mulf %get3A_3625, %get3A_3627 : f32
    %rsqrt3A = math.rsqrt %mul3A_3628 : f32
    %mul3A_3629 = arith.constant 5.000000e-01 : f32
    %mul3A_3630 = arith.mulf %mul3A_3629, %rsqrt3A : f32
    %sub3A_3631 = arith.subf %select_n3A_3612, %mul3A : vector<104x128xf32>
    %sub3A_3632 = arith.subf %select_n3A_3615, %mul3A_11 : vector<104x128xf32>
    %mul3A_3633 = arith.mulf %sub3A_3631, %cos3A : vector<104x128xf32>
    %mul3A_3634 = arith.mulf %sub3A_3632, %sin3A : vector<104x128xf32>
    %add3A_3635 = arith.addf %mul3A_3633, %mul3A_3634 : vector<104x128xf32>
    %mul3A_3636 = vector.broadcast %get3A_3623 : f32 to vector<104x128xf32>
    %mul3A_3637 = arith.mulf %get3A_7, %mul3A_3636 : vector<104x128xf32>
    %add3A_3638 = vector.broadcast %get3A_3621 : f32 to vector<104x128xf32>
    %add3A_3639 = arith.addf %add3A_3638, %mul3A_3637 : vector<104x128xf32>
    %mul3A_3640 = arith.mulf %get3A_7, %add3A_3635 : vector<104x128xf32>
    %mul3A_3641 = vector.broadcast %mul3A_3630 : f32 to vector<104x128xf32>
    %mul3A_3642 = arith.mulf %mul3A_3640, %mul3A_3641 : vector<104x128xf32>
    %add3A_3643 = arith.addf %add3A_3639, %mul3A_3642 : vector<104x128xf32>
    %sub3A_3644 = vector.broadcast %get3A_3617 : f32 to vector<104x128xf32>
    %sub3A_3645 = arith.subf %select_n3A_3609, %sub3A_3644 : vector<104x128xf32>
    %div3A = arith.constant 1.000000e+00 : f32
    %div3A_3646 = arith.divf %div3A, %get3A_3619 : f32
    %mul3A_3647 = vector.broadcast %div3A_3646 : f32 to vector<104x128xf32>
    %mul3A_3648 = arith.mulf %get3A_7, %mul3A_3647 : vector<104x128xf32>
    %mul3A_3649 = arith.mulf %mul3A_3648, %mul3A_3648 : vector<104x128xf32>
    %mul3A_3650 = arith.mulf %mul3A_3649, %mul3A_3649 : vector<104x128xf32>
    %sub3A_3651 = arith.constant 1.000000e+00 : f32
    %sub3A_3652 = vector.broadcast %sub3A_3651 : f32 to vector<104x128xf32>
    %sub3A_3653 = arith.subf %sub3A_3652, %mul3A_3650 : vector<104x128xf32>
    %mul3A_3654 = vector.broadcast %get3A_3625 : f32 to vector<104x128xf32>
    %mul3A_3655 = arith.mulf %mul3A_3654, %sub3A_3653 : vector<104x128xf32>
    %div3A_3656 = arith.divf %add3A_3643, %sub3A_3645 : vector<104x128xf32>
    %mul3A_3657 = arith.mulf %div3A_3656, %div3A_3656 : vector<104x128xf32>
    %mul3A_3658 = vector.broadcast %get3A_3625 : f32 to vector<104x128xf32>
    %mul3A_3659 = arith.mulf %mul3A_3658, %mul3A_3657 : vector<104x128xf32>
    %sub3A_3660 = arith.subf %mul3A_3655, %mul3A_3659 : vector<104x128xf32>
    %eq3A = arith.constant 0x7F800000 : f32
    %eq3A_3661 = vector.broadcast %eq3A : f32 to vector<104x128xf32>
    %eq3A_3662 = arith.cmpf oeq, %sub3A_3645, %eq3A_3661 : vector<104x128xf32>
    %select_n3A_3663 = arith.select %eq3A_3662, %mul3A_3655, %sub3A_3660 : vector<104x128xi1>, vector<104x128xf32>
    %swap3A_3664 = arith.constant 0 : index
    %swap3A_3665 = arith.constant 0 : index
    %swap3A_3666 = vector.load %arg6[%swap3A_3664, %swap3A_3665] : memref<104x128xf32, #tpu.memory_space<vmem>>, vector<104x128xf32>
    tpu.vector_store %arg6[%swap3A_3664, %swap3A_3665], %select_n3A_3663 {strides = array<i32>} : memref<104x128xf32, #tpu.memory_space<vmem>>, vector<104x128xf32>,
    return
  }
  func.func @transform_0(%arg0: i32) -> i32 {
    %c0_i32 = arith.constant 0 : i32
    %c0_i32_0 = arith.constant 0 : i32
    return %c0_i32 : i32
  }
  func.func @transform_1(%arg0: i32) -> (i32, i32) {
    %c0_i32 = arith.constant 0 : i32
    %c0_i32_0 = arith.constant 0 : i32
    return %c0_i32, %arg0 : i32, i32
  }
  func.func @transform_2(%arg0: i32) -> (i32, i32) {
    %c0_i32 = arith.constant 0 : i32
    %c0_i32_0 = arith.constant 0 : i32
    return %c0_i32, %arg0 : i32, i32
  }
  func.func @transform_3(%arg0: i32) -> (i32, i32) {
    %c0_i32 = arith.constant 0 : i32
    %c0_i32_0 = arith.constant 0 : i32
    return %c0_i32, %arg0 : i32, i32
  }
  func.func @transform_4(%arg0: i32) -> (i32, i32) {
    %c0_i32 = arith.constant 0 : i32
    %c0_i32_0 = arith.constant 0 : i32
    return %c0_i32, %arg0 : i32, i32
  }
  func.func @transform_5(%arg0: i32) -> (i32, i32) {
    %c0_i32 = arith.constant 0 : i32
    %c0_i32_0 = arith.constant 0 : i32
    return %c0_i32, %arg0 : i32, i32
  }
}

</mosaic_0001>

<sc_bundles>
// kernel: kernel.5.cloned.1.call-start
scs
__scs_entry_jumppad:
0x0: {  	(pc) =	sbr.rel $0x88, $3  }
0x1: {  	(tag) =	ssettag $0x0;
	lr =	simm.s32 $0x1  }
0x2: {  	[smem:$0x3F9A] =	sst lr;
	_ =	strace $0xD0000000  }
0x3: {  	_ = 	snop  }
0x4: {  	_ = 	snop  }
0x5: {  	_ = 	snop  }
0x6: {  	_ = 	snop  }
0x7: {  	_ = 	snop  }
__scs_overlays_trampoline_lowered:
0x8: {  	[smem:$0x3FA9] =	sst s0  }
0x9: {  	[smem:$0x3FAA] =	sst s1  }
0xa: {  	[smem:$0x3FAB] =	sst s2  }
0xb: {  	[smem:$0x3FAC] =	sst s3  }
0xc: {  	[smem:$0x3FAD] =	sst s4  }
0xd: {  	[smem:$0x3FAE] =	sst s5  }
0xe: {  	[smem:$0x3FAF] =	sst s6  }
0xf: {  	[smem:$0x3FB0] =	sst s7  }
0x10: {  	[smem:$0x3FB1] =	sst s8  }
0x11: {  	[smem:$0x3FB2] =	sst s9;
	s0 =	simm.s32 @!p0 $0x0  }
0x12: {  	s1 =	sld [smem:$0x3F98];
	s0 =	simm.s32 @p0 $0x1  }
0x13: {  	[smem:$0x3FB3] =	sst s0;
	s0 =	simm.s32 @!p1 $0x0  }
0x14: {  	s2 =	sld [smem:$0x3F97];
	s0 =	simm.s32 @p1 $0x1  }
0x15: {  	[smem:$0x3FB4] =	sst s0;
	s0 =	simm.s32 @!p2 $0x0  }
0x16: {  	s3 =	sld [smem:$0x3FDB];
	s0 =	simm.s32 @p2 $0x1  }
0x17: {  	s4 =	simm.s32 $0x1BF5;
	[smem:$0x3FB6] =	sst s0  }
0x18: {  	s0 =	sld [smem:$0x3F99];
	_ =	swait.ge [sflag:s4], $0x0  }
0x19: {  	s7 =	sld [smem:$0x3F9A]  }
0x1a: {  	s8 =	sadd.s32 $0xFFFFE003, lr  }
0x1b: {  	s9 =	sadd.s32 $0xFFFFFEF7, lr;
	s5 =	simm.s32 $0xFFFFFFFF;
	p2 =	slt.u32 s8, $0xFFFFF086  }
0x1c: {  	p1 =	slt.u32 s9, $0xF7A;
	s5 =	simm.s32 @!p2 $0x0  }
0x1d: {  	s5 =	simm.s32 @p1 $0x1;
	p0 =	seq.s32 s7, s2  }
0x1e: {  	s7 =	smul.u32 @!p0 $0xF7A, s2;
	p2 =	seq.s32 @!p0 s5, $0x0  }
0x1f: {  	s9 =	smul.u32 $0xF7A, s1;
	s8 =	simm.s32 @!p0 $0x1BF5;
	p2 =	por !p2, p0  }
0x20: {  	[sflag:s8] =	ssyncset.s32 @!p0 $0xFFFFF086;
	s6 =	sadd.s32 @!p0 s3, s7;
	s7 =	simm.s32 @!p0 $0x108  }
0x21: {  	s3 =	sadd.s32 s3, s9;
	s6 =	sadd.s32 @!p0 $0x88, s6;
	s7 =	simm.s32 @p2 $0x1082  }
0x22: {  	[simem:s7], [sflag:s8] =	dma.local @!p0 [hbm:s6], $0xF7A  }
0x23: {  	s9 =	sor.u32 $0xD0000000, s2;
	s6 =	simm.s32 $0x108;
	_ =	swait.ge @!p0 [sflag:s8], $0x0  }
0x24: {  	s3 =	sadd.s32 $0x88, s3;
	s6 =	simm.s32 @!p1 $0x1082;
	[sflag:s4] =	ssyncset.s32 $0xFFFFF086  }
0x25: {  	[simem:s6], [sflag:s4] =	dma.local [hbm:s3], $0xF7A  }
0x26: {  	[smem:$0x3F9A] =	sst s1;
	(tag) =	ssettag s2;
	_ =	strace s9  }
0x27: {  	s1 =	sld [smem:$0x3FAA]  }
0x28: {  	s2 =	sld [smem:$0x3FAB]  }
0x29: {  	s4 =	sld [smem:$0x3FAD]  }
0x2a: {  	p0 =	seq.s32 s5, $0x0;
	s5 =	sld [smem:$0x3FAE]  }
0x2b: {  	s6 =	sld [smem:$0x3FAF]  }
0x2c: {  	s7 =	sld [smem:$0x3FB0]  }
0x2d: {  	s3 =	simm.s32 $0x108;
	s8 =	sld [smem:$0x3FB1]  }
0x2e: {  	s3 =	simm.s32 @!p0 $0x1082;
	s9 =	sld [smem:$0x3FB2]  }
0x2f: {  	lr =	sadd.s32 s0, s3;
	s0 =	sld [smem:$0x3FA9]  }
0x30: {  	s3 =	sld [smem:$0x3FAC]  }
0x31: {  	[smem:$0x3FB5] =	sst s10  }
0x32: {  	s10 =	sld [smem:$0x3FB3];
	_ =	sdelay $0x3  }
0x33: {  	p0 =	seq.s32 s10, $0x1;
	s10 =	sld [smem:$0x3FB5];
	_ =	sdelay $0x3  }
0x34: {  	[smem:$0x3FB5] =	sst s10  }
0x35: {  	s10 =	sld [smem:$0x3FB4];
	_ =	sdelay $0x3  }
0x36: {  	p1 =	seq.s32 s10, $0x1;
	s10 =	sld [smem:$0x3FB5];
	_ =	sdelay $0x3  }
0x37: {  	[smem:$0x3FB5] =	sst s10  }
0x38: {  	s10 =	sld [smem:$0x3FB6]  }
0x39: {  	_ = 	snop;
	(pc) =	sbr.ind lr, $3  }
0x3a: {  	_ = 	snop  }
0x3b: {  	_ = 	snop  }
0x3c: {  	p2 =	seq.s32 s10, $0x1;
	s10 =	sld [smem:$0x3FB5]  }
0x3d: {  	_ =	shalt  }
0x3e: {  	_ =	shalt  }
0x3f: {  	_ =	shalt  }
0x40: {  	_ =	shalt  }
0x41: {  	_ =	shalt  }
0x42: {  	_ =	shalt  }
0x43: {  	_ =	shalt  }
0x44: {  	_ =	shalt  }
0x45: {  	_ =	shalt  }
0x46: {  	_ =	shalt  }
0x47: {  	_ =	shalt  }
0x48: {  	_ =	shalt  }
0x49: {  	_ =	shalt  }
0x4a: {  	_ =	shalt  }
0x4b: {  	_ =	shalt  }
0x4c: {  	_ =	shalt  }
0x4d: {  	_ =	shalt  }
0x4e: {  	_ =	shalt  }
0x4f: {  	_ =	shalt  }
0x50: {  	_ =	shalt  }
0x51: {  	_ =	shalt  }
0x52: {  	_ =	shalt  }
0x53: {  	_ =	shalt  }
0x54: {  	_ =	shalt  }
0x55: {  	_ =	shalt  }
0x56: {  	_ =	shalt  }
0x57: {  	_ =	shalt  }
0x58: {  	_ =	shalt  }
0x59: {  	_ =	shalt  }
0x5a: {  	_ =	shalt  }
0x5b: {  	_ =	shalt  }
0x5c: {  	_ =	shalt  }
0x5d: {  	_ =	shalt  }
0x5e: {  	_ =	shalt  }
0x5f: {  	_ =	shalt  }
0x60: {  	_ =	shalt  }
0x61: {  	_ =	shalt  }
0x62: {  	_ =	shalt  }
0x63: {  	_ =	shalt  }
0x64: {  	_ =	shalt  }
0x65: {  	_ =	shalt  }
0x66: {  	_ =	shalt  }
0x67: {  	_ =	shalt  }
0x68: {  	_ =	shalt  }
0x69: {  	_ =	shalt  }
0x6a: {  	_ =	shalt  }
0x6b: {  	_ =	shalt  }
0x6c: {  	_ =	shalt  }
0x6d: {  	_ =	shalt  }
0x6e: {  	_ =	shalt  }
0x6f: {  	_ =	shalt  }
0x70: {  	_ =	shalt  }
0x71: {  	_ =	shalt  }
0x72: {  	_ =	shalt  }
0x73: {  	_ =	shalt  }
0x74: {  	_ =	shalt  }
0x75: {  	_ =	shalt  }
0x76: {  	_ =	shalt  }
0x77: {  	_ =	shalt  }
0x78: {  	_ =	shalt  }
0x79: {  	_ =	shalt  }
0x7a: {  	_ =	shalt  }
0x7b: {  	_ =	shalt  }
0x7c: {  	_ =	shalt  }
0x7d: {  	_ =	shalt  }
0x7e: {  	_ =	shalt  }
0x7f: {  	_ =	shalt  }
0x80: {  	_ =	shalt  }
0x81: {  	_ =	shalt  }
0x82: {  	_ =	shalt  }
0x83: {  	_ =	shalt  }
0x84: {  	_ =	shalt  }
0x85: {  	_ =	shalt  }
0x86: {  	_ =	shalt  }
0x87: {  	_ =	shalt  }
.Lfunc_end0:
.L_simem_size_0:
called_computation_lowered:
.L_overlay_start_0:
0x88: {  	s2 =	sld [smem:$0x3FD9]  }
0x89: {  	s3 =	sld [smem:$0x3FFE];
	_ =	sdelay $0x1  }
0x8a: {  	s1 =	srdreg.scid  }
0x8b: {  	s0 =	sand.u32 $0x1, s1  }
0x8c: {  	s17 =	sshll.u32 s0, $0xA;
	s2 =	sadd.s32 s3, s2  }
0x8d: {  	s2 =	sadd.s32 s2, s17  }
0x8e: {  	[smem:$0x3FC1] =	sst s2  }
0x8f: {  	_ = 	snop  }
0x90: {  	s2 =	sld [smem:$0x3FD0];
	(tm) =	ssettm $0x1  }
0x91: {  	s18 =	sld [smem:$0x3FFB];
	_ =	sdelay $0x3  }
0x92: {  	_ =	strace s18  }
0x93: {  	s3 =	sld [smem:$0x3FFC];
	_ =	sdelay $0x3  }
0x94: {  	_ =	strace s3  }
0x95: {  	s3 =	sld [smem:$0x3FFD];
	_ =	sdelay $0x3  }
0x96: {  	_ =	strace s3  }
0x97: {  	_ =	strace $0x8FFFFFFF  }
0x98: {  	s19 =	sld [smem:$0x3FDB];
	_ =	sdelay $0x1  }
0x99: {  	s4 =	simm.s32 $_scs_section_size  }
0x9a: {  	s5 =	simm.s32 $_size__tile_overlayer_lowered;
	s6 =	simm.s32 $_tile_overlayer_lowered  }
0x9b: {  	s22 =	simm.s32 $0x1BFF;
	s21 =	sshll.u32 s6, $0x1;
	s3 =	sadd.s32 s4, s19  }
0x9c: {  	s7 =	simm.s32 $0x0;
	s20 =	sshll.u32 s5, $0x1;
	s5 =	sadd.s32 s21, s3  }
0x9d: {  	[timem:s7], [sflag:s22] =	dma.local [hbm:s5], s20  }
0x9e: {  	_ =	swait.ge [sflag:s22], s20  }
0x9f: {  	s4 =	ssub.s32 $0x0, s20;
	[sflag:s22] =	ssyncset.done $0x0  }
0xa0: {  	[sflag:s22] =	ssyncadd.s32 s4;
	_ =	sdelay $0x1  }
0xa1: {  	s23 =	simm.s32 $0x1B8B  }
0xa2: {  	_ =	swait.ge [sflag:s23], $0x1  }
0xa3: {  	[sflag:s23] =	ssyncset.done $0x0  }
0xa4: {  	s25 =	simm.s32 $0x1B8E;
	s24 =	sld [smem:$0x3FFE];
	[sflag:s23] =	ssyncadd.s32 $0xFFFFFFFF  }
0xa5: {  	s26 =	simm.s32 $execute0_lowered;
	[smem:$0x3FD2] =	sst s25  }
0xa6: {  	s5 =	sshll.u32 s26, $0x1;
	_ =	strace $0x80000046;
	[dreg:$0x1] =	wrdreg $0xFFFFFFFF  }
0xa7: {  	s28 =	simm.s32 $_size_execute0_lowered;
	s3 =	sadd.s32 s3, s5;
	[dreg:$0x0] =	wrdreg $0x0  }
0xa8: {  	s5 =	sshll.u32 s28, $0x1;
	[dreg:$0x2] =	wrdreg s3  }
0xa9: {  	[dreg:$0x3] =	wrdreg s5  }
0xaa: {  	[dreg:$0x4] =	wrdreg $0xC0  }
0xab: {  	_ =	task [dreg:s7], $0x5FFFF  }
0xac: {  	[dreg:$0x1] =	wrdreg $0xFFFFFFFF  }
0xad: {  	[dreg:$0x0] =	wrdreg $0x60  }
0xae: {  	[dreg:$0x2] =	wrdreg s2  }
0xaf: {  	[dreg:$0x3] =	wrdreg s24  }
0xb0: {  	[dreg:$0x4] =	wrdreg $0x9  }
0xb1: {  	_ =	task.clear_ibuf [dreg:s7], $0x5FFFF;
	_ =	strace $0x90000046  }
0xb2: {  	s29 =	simm.s32 $0x9;
	_ =	strace $0x80000048  }
0xb3: {  	_ =	swait.ge [sflag:s29], $0x1  }
0xb4: {  	[sflag:s29] =	ssyncadd.s32 $0xFFFFFFFF  }
0xb5: {  	_ =	strace $0x90000048  }
0xb6: {  	_ =	sfence  }
0xb7: {  	s30 =	sld [smem:$0x0];
	_ =	sdelay $0x2  }
0xb8: {  	s31 =	sshll.u32 s1, $0xD;
	s1 =	sshrl.u32 s1, $0x2  }
0xb9: {  	s3 =	sand.u32 $0x4000, s31;
	s1 =	sadd.s32 s1, s30  }
0xba: {  	s0 =	sor.u32 s3, s0;
	s1 =	sshll.u32 s1, $0x11  }
0xbb: {  	s0 =	sor.u32 s1, s0  }
0xbc: {  	s0 =	sadd.s32 $0x8F2B, s0  }
0xbd: {  	[sflag:s0] =	ssyncadd.remote.s32 $0x1  }
0xbe: {  	_ =	sfence.sel $0xFFFF  }
0xbf: {  	[dreg:$0x0] =	wrdreg $0xFFFFFFFF;
	(pc) =	sbr.abs _section_cstart, $3  }
0xc0: {  	[dreg:$0x1] =	wrdreg $0xFFFFFFFF  }
0xc1: {  	_ =	task.clear_ibuf [dreg:s7], $0x2FFFF;
	_ =	strace $0x9FFFFFFF  }
0xc2: {  	(tm) =	ssettm $0x7FFFFFFF  }
0xc3: {  	_ =	shalt  }
tec
execute0_lowered:
.L_overlay_start_1:
0x0: {  	(tag) =	ssettag $0x1  }
0x1: {  	s0 =	rddreg [dreg:$0x0];
	s1 =	srdreg.scid  }
0x2: {  	s2 =	stileid.u32;
	s4 =	rddreg [dreg:$0x1]  }
0x3: {  	s16 =	simm.s32 $0x1;
	s17 =	simm.s32 $0x900;
	s20 =	simm.s32 $0x2400  }
0x4: {  	s21 =	simm.s32 $0x2D00;
	s24 =	simm.s32 $0x4800;
	s25 =	simm.s32 $0x5100  }
0x5: {  	s26 =	simm.s32 $0x0;
	s1 =	sand.u32 $0x1, s1;
	s3 =	sshll.u32 s2, $0x1  }
0x6: {  	s2 =	simm.s32 $0x0;
	s3 =	sor.u32 s1, s3;
	s1 =	ssub.s32 $0x2, s1  }
0x7: {  	[smem:$0x7FF] =	sst s2;
	s5 =	smul.u32 $0x118, s3;
	s31 =	sshrl.u32 s1, $0x1  }
0x8: {  	_ =	strace $0x80000047;
	s3 =	sadd.s32 $0x13800, s4;
	s1 =	ssub.s32 s1, s31  }
0x9: {  	s13 =	sadd.s32 s5, s4;
	s4 =	sadd.s32 s0, s5;
	s14 =	smax.u32 s1, $0x1  }
0xa: {  	s5 =	sadd.s32 $0x1800, s13;
	s6 =	sadd.s32 $0x3C00, s13;
	s7 =	sadd.s32 $0x6000, s13  }
0xb: {  	s8 =	sadd.s32 $0x8400, s13;
	s9 =	sadd.s32 $0xA800, s13;
	s10 =	sadd.s32 $0xCC00, s13  }
0xc: {  	s11 =	sadd.s32 $0xF000, s13;
	s12 =	sadd.s32 $0x11400, s13;
	s13 =	sadd.s32 $0x13A00, s13  }
.LBB2_1:
0xd: {  	s0 =	simm.s32 $0x5A00  }
0xe: {  	[tilespmem:s0], [sflag:$0x1] =	stream.linear.gather [hbm4b:s3+s2], $0x80, $0x38;
	[tilespmem:$0x5A80] =	vst v63  }
0xf: {  	_ =	swait.ge [sflag:s16], $0x80  }
0x10: {  	[sflag:s16] =	ssyncset.done $0x0  }
0x11: {  	[sflag:s16] =	ssyncadd.s32 $0xFFFFFF80  }
0x12: {  	v0 =	vld [tilespmem:$0x5A00];
	_ =	sdelay $0x3  }
0x13: {  	[tilespmem:s2], [sflag:$0x1] =	stream.linear.gather [hbm4b:s4+s2], $0x8C0, $0x38;
	[tilespmem:$0x5A80] =	vst v63  }
0x14: {  	[tilespmem:$0x1FFF0] =	vst v0  }
0x15: {  	_ =	swait.ge [sflag:s16], $0x8C0  }
0x16: {  	[sflag:s16] =	ssyncset.done $0x0  }
0x17: {  	[sflag:s16] =	ssyncadd.s32 $0xFFFFF740  }
0x18: {  	[tilespmem:s17], [sflag:$0x1] =	stream.linear.gather [hbm4b:s5+s2], $0x8C0, $0x38;
	[tilespmem:$0x5A80] =	vst v63  }
0x19: {  	_ =	swait.ge [sflag:s16], $0x8C0  }
0x1a: {  	[sflag:s16] =	ssyncset.done $0x0  }
0x1b: {  	s22 =	simm.s32 $0x1200;
	[sflag:s16] =	ssyncadd.s32 $0xFFFFF740  }
0x1c: {  	[tilespmem:s22], [sflag:$0x1] =	stream.linear.gather [hbm4b:s6+s2], $0x8C0, $0x38;
	[tilespmem:$0x5A80] =	vst v63  }
0x1d: {  	_ =	swait.ge [sflag:s16], $0x8C0  }
0x1e: {  	[sflag:s16] =	ssyncset.done $0x0  }
0x1f: {  	s23 =	simm.s32 $0x1B00;
	[sflag:s16] =	ssyncadd.s32 $0xFFFFF740  }
0x20: {  	[tilespmem:s23], [sflag:$0x1] =	stream.linear.gather [hbm4b:s7+s2], $0x8C0, $0x38;
	[tilespmem:$0x5A80] =	vst v63  }
0x21: {  	_ =	swait.ge [sflag:s16], $0x8C0  }
0x22: {  	[sflag:s16] =	ssyncset.done $0x0  }
0x23: {  	[sflag:s16] =	ssyncadd.s32 $0xFFFFF740  }
0x24: {  	[tilespmem:s20], [sflag:$0x1] =	stream.linear.gather [hbm4b:s8+s2], $0x8C0, $0x38;
	[tilespmem:$0x5A80] =	vst v63  }
0x25: {  	_ =	swait.ge [sflag:s16], $0x8C0  }
0x26: {  	[sflag:s16] =	ssyncset.done $0x0  }
0x27: {  	[sflag:s16] =	ssyncadd.s32 $0xFFFFF740  }
0x28: {  	[tilespmem:s21], [sflag:$0x1] =	stream.linear.gather [hbm4b:s9+s2], $0x8C0, $0x38;
	[tilespmem:$0x5A80] =	vst v63  }
0x29: {  	_ =	swait.ge [sflag:s16], $0x8C0  }
0x2a: {  	[sflag:s16] =	ssyncset.done $0x0  }
0x2b: {  	s30 =	simm.s32 $0x3600;
	[sflag:s16] =	ssyncadd.s32 $0xFFFFF740  }
0x2c: {  	[tilespmem:s30], [sflag:$0x1] =	stream.linear.gather [hbm4b:s10+s2], $0x8C0, $0x38;
	[tilespmem:$0x5A80] =	vst v63  }
0x2d: {  	_ =	swait.ge [sflag:s16], $0x8C0  }
0x2e: {  	[sflag:s16] =	ssyncset.done $0x0  }
0x2f: {  	s31 =	simm.s32 $0x3F00;
	[sflag:s16] =	ssyncadd.s32 $0xFFFFF740  }
0x30: {  	[tilespmem:s31], [sflag:$0x1] =	stream.linear.gather [hbm4b:s11+s2], $0x8C0, $0x38;
	[tilespmem:$0x5A80] =	vst v63  }
0x31: {  	_ =	swait.ge [sflag:s16], $0x8C0  }
0x32: {  	[sflag:s16] =	ssyncset.done $0x0  }
0x33: {  	[sflag:s16] =	ssyncadd.s32 $0xFFFFF740  }
0x34: {  	[tilespmem:s24], [sflag:$0x1] =	stream.linear.gather [hbm4b:s12+s2], $0x8C0, $0x38;
	[tilespmem:$0x5A80] =	vst v63  }
0x35: {  	_ =	swait.ge [sflag:s16], $0x8C0  }
0x36: {  	[sflag:s16] =	ssyncset.done $0x0  }
0x37: {  	s28 =	simm.s32 $0x0;
	s29 =	simm.s32 $0x0;
	[sflag:s16] =	ssyncadd.s32 $0xFFFFF740  }
.LBB2_2:
0x38: {  	s31 =	smul.u32 $0x70, s29;
	_ =	sdelay $0x1  }
0x39: {  	v0 =	vld [tilespmem:s31+$0x0]  }
0x3a: {  	v10 =	vld [tilespmem:s31+$0x900]  }
0x3b: {  	v8 =	vld [tilespmem:s31+$0x10]  }
0x3c: {  	v11 =	vld [tilespmem:s31+$0x1210]  }
0x3d: {  	v12 =	vld [tilespmem:s31+$0x20]  }
0x3e: {  	s0 =	sadd.s32 $0x0, s28;
	v13 =	vld [tilespmem:s31+$0x920]  }
0x3f: {  	v5 =	vmov s0;
	v14 =	vld [tilespmem:s31+$0x1B20]  }
0x40: {  	v15 =	vld [tilespmem:s31+$0x30]  }
0x41: {  	v16 =	vld [tilespmem:s31+$0x930]  }
0x42: {  	v9 =	vld [tilespmem:s31+$0x940]  }
0x43: {  	v1 =	vld [tilespmem:s31+$0x60]  }
0x44: {  	v3 =	vld.idx.msk [tilespmem:v5+s2+$0x0], $0xffff  }
0x45: {  	v18 =	vld [tilespmem:s31+$0x1260]  }
0x46: {  	v4 =	vld.idx.msk [tilespmem:v5+s17+$0x0], $0xffff  }
0x47: {  	v20 =	vld [tilespmem:s31+$0x40]  }
0x48: {  	v23 =	vld [tilespmem:s31+$0x950]  }
0x49: {  	v21 =	vld [tilespmem:s31+$0x50];
	v6 =	vsub.f32 v3, v1  }
0x4a: {  	v2 =	vimm.f32 $+Inf;
	v25 =	vld [tilespmem:s31+$0x1B50];
	[tilespmem:$0x1FF50] =	vst v8;
	v7 =	vsub.f32 v3, v0;
	v8 =	vsub.f32 v3, v8  }
0x4b: {  	v60 =	vld [tilespmem:s31+$0x960];
	[tilespmem:$0x1FF30] =	vst v1;
	v1 =	vimm.f32 $0.0e+00;
	v34 =	vsub.f32 v3, v12;
	v24 =	vsub.f32 v4, v16  }
0x4c: {  	v36 =	vld [tilespmem:s31+$0x1220];
	v37 =	vsub.f32 v3, v20;
	v22 =	vmul.f32 v18, v6;
	v6 =	vmul.f32 v6, v6  }
0x4d: {  	v46 =	vld [tilespmem:s31+$0x910];
	v40 =	vsub.f32 v4, v23;
	v33 =	vmul.f32 v7, v7;
	v35 =	vmul.f32 v8, v8  }
0x4e: {  	v39 =	vld [tilespmem:s31+$0x1240];
	v44 =	vsub.f32 v4, v13;
	v8 =	vmul.f32 v11, v8;
	v45 =	vmul.f32 v24, v24  }
0x4f: {  	v41 =	vld [tilespmem:s31+$0x1B40];
	v47 =	vsub.f32 v4, v10;
	v48 =	vmul.f32 v37, v37;
	v49 =	vmul.f32 v25, v40  }
0x50: {  	v17 =	vld [tilespmem:s31+$0x1230];
	[tilespmem:$0x1FF60] =	vst v9;
	v9 =	vsub.f32 v4, v9;
	v51 =	vmul.f32 v14, v44;
	v61 =	vmul.f32 v40, v40  }
0x51: {  	v19 =	vld [tilespmem:s31+$0x1B30];
	v50 =	vsub.f32 v4, v60;
	v52 =	vmul.f32 v47, v47;
	v53 =	vmul.f32 v34, v34  }
0x52: {  	v43 =	vld [tilespmem:s31+$0x1B60];
	v4 =	vsub.f32 v4, v46;
	v44 =	vmul.f32 v44, v44;
	v54 =	vmul.f32 v9, v9  }
0x53: {  	[tilespmem:$0x1FF70] =	vst v18;
	v18 =	vsub.f32 v3, v15;
	v34 =	vmul.f32 v36, v34;
	v62 =	vmul.f32 v50, v50  }
0x54: {  	[tilespmem:$0x1FF40] =	vst v0;
	v0 =	vld [tilespmem:s31+$0x1250];
	v3 =	vsub.f32 v3, v21;
	v37 =	vmul.f32 v39, v37;
	v9 =	vmul.f32 v41, v9  }
0x55: {  	v38 =	vmul.f32 v17, v18;
	v42 =	vmul.f32 v18, v18;
	v55 =	vadd.f32 v44, v53  }
0x56: {  	v18 =	vmul.f32 v19, v24;
	v6 =	vadd.f32 v62, v6;
	v33 =	vadd.f32 v52, v33  }
0x57: {  	v37 =	vadd.f32 v9, v37;
	v9 =	vmul.f32 v43, v50;
	v53 =	vadd.f32 v51, v34  }
0x58: {  	v50 =	vimm.f32 $0.0e+00;
	v51 =	vimm.f32 $0.0e+00;
	v34 =	vimm.f32 $0.0e+00  }
0x59: {  	v40 =	vld [tilespmem:s31+$0x1B00];
	v24 =	vmul.f32 v0, v3;
	v3 =	vmul.f32 v3, v3;
	v18 =	vadd.f32 v18, v38  }
0x5a: {  	v42 =	vadd.f32 v45, v42;
	v6 =	vmul.f32 $8.830222480e-01, v6;
	v59 =	vmul.f32 $8.830222480e-01, v33  }
0x5b: {  	[tilespmem:$0x1FF90] =	vst v12;
	v33 =	vmul.f32 $8.830222480e-01, v55;
	v12 =	vand.u32 $0x7FFFFFFF, v37;
	v22 =	vadd.f32 v9, v22  }
0x5c: {  	[tilespmem:$0x1FF80] =	vst v15;
	v9 =	vadd.f32 v54, v48;
	v15 =	vand.u32 $0x7FFFFFFF, v53;
	v54 =	vmul.f32 v4, v4  }
0x5d: {  	vm5 =	vlt.f32 v53, v2;
	v48 =	vimm.f32 $+Inf;
	v38 =	vimm.f32 $0.0e+00  }
0x5e: {  	v44 =	vld [tilespmem:s31+$0x1200];
	v24 =	vadd.f32 v49, v24;
	v63 =	vmul.f32 v40, v47;
	v3 =	vadd.f32 v61, v3  }
0x5f: {  	v32 =	vmovc v25;
	v25 =	vmovc v14;
	v52 =	vld [tilespmem:s31+$0x1B10];
	v14 =	vmul.f32 v12, v37;
	v49 =	vimm.f32 $+Inf;
	v47 =	vimm.f32 $0.0e+00  }
0x60: {  	v45 =	vand.u32 $0x7FFFFFFF, v18;
	vm2 =	vlt.f32 v18, v2;
	v55 =	vand.u32 $0x7FFFFFFF, v22  }
0x61: {  	v9 =	vmul.f32 $8.830222480e-01, v9;
	vm0 =	vlt.f32 v22, v2;
	v57 =	vmul.f32 $8.830222480e-01, v42  }
0x62: {  	v62 =	vadd.f32 v54, v35;
	v54 =	vimm.f32 $+Inf;
	v42 =	vimm.f32 $0.0e+00  }
0x63: {  	v56 =	vand.u32 $0x7FFFFFFF, v24;
	v7 =	vmul.f32 v44, v7;
	v3 =	vmul.f32 $8.830222480e-01, v3  }
0x64: {  	v35 =	vld.idx.msk [tilespmem:v5+s21+$0x0], $0xffff;
	vm1 =	vlt.f32 v24, v2;
	v4 =	vmul.f32 v52, v4;
	v58 =	vmul.f32 v45, v18  }
0x65: {  	v30 =	vmovc v13;
	v45 =	vld.idx.msk [tilespmem:v5+s20+$0x0], $0xffff;
	v5 =	vimm.f32 $0.0e+00;
	v13 =	vmul.f32 v56, v24;
	vm4 =	vgt.f32 v14, v9  }
0x66: {  	v9 =	vmul.f32 v15, v53;
	v56 =	vimm.f32 $0.0e+00;
	v61 =	vadd.f32 v63, v7  }
0x67: {  	[tilespmem:$0x1FFA0] =	vst v11;
	v28 =	vmovc v60;
	v7 =	vmul.f32 v55, v22;
	v60 =	vadd.f32 v4, v8;
	v8 =	vimm.f32 $0.0e+00  }
0x68: {  	[tilespmem:$0x1FFB0] =	vst v16;
	v4 =	vimm.f32 $+Inf;
	v55 =	vimm.f32 $0.0e+00;
	vm3 =	vgt.f32 v13, v3  }
0x69: {  	s22 =	simm.s32 $0x1;
	[tilespmem:$0x1FFC0] =	vst v20;
	vm6 =	vgt.f32 v9, v33;
	v3 =	vimm.f32 $0.0e+00;
	v9 =	vimm.f32 $0.0e+00  }
0x6a: {  	s19 =	sadd.s32 $0x10, s31;
	s18 =	sadd.s32 $0x20, s31;
	s15 =	sadd.s32 $0x30, s31;
	[tilespmem:$0x1FFD0] =	vst v17;
	v31 =	vmovc v23;
	v27 =	vmovc v19;
	v33 =	vimm.f32 $+Inf;
	v63 =	vand.u32 $0x7FFFFFFF, v61;
	vm3 =	vmand vm1, vm3  }
0x6b: {  	s0 =	sadd.s32 $0x40, s31;
	s1 =	sadd.s32 $0x50, s31;
	s30 =	sadd.s32 $0x60, s31;
	[tilespmem:$0x1FFE0] =	vst v21;
	v26 =	vmovc v10;
	v29 =	vmovc v0;
	vm1 =	vgt.f32 v7, v6;
	v7 =	vimm.f32 $+Inf;
	v6 =	vimm.f32 $0.0e+00  }
.LBB2_3:
0x6c: {  	s23 =	sadd.s32 s22, s28  }
0x6d: {  	vm7 =	vgt.f32 v58, v57;
	v57 =	vmov s23;
	_ =	sdelay $0x1  }
0x6e: {  	v2 =	vsel vm3, v24, v2  }
0x6f: {  	vm9 =	vlt.f32 v37, v7;
	v24 =	vmul.f32 v63, v61;
	vm5 =	vmand vm5, vm6  }
0x70: {  	vm0 =	vmand vm0, vm1;
	v10 =	vld [tilespmem:$0x1FF40];
	v0 =	vand.u32 $0x7FFFFFFF, v60;
	vm8 =	vlt.f32 v60, v49  }
0x71: {  	v63 =	vmul.f32 $8.830222480e-01, v62;
	vm4 =	vmand vm9, vm4;
	vm1 =	vgt.f32 v24, v59;
	v24 =	vld.idx.msk [tilespmem:v57+s2+$0x0], $0xffff  }
0x72: {  	v0 =	vmul.f32 v0, v60;
	v1 =	vsel vm3, v35, v1;
	v6 =	vsel vm3, v45, v6  }
0x73: {  	vm3 =	vlt.f32 v61, v54;
	v42 =	vsel vm5, v45, v42;
	v8 =	vsel vm4, v45, v8  }
0x74: {  	vm2 =	vmand vm2, vm7;
	v5 =	vsel vm0, v45, v5;
	vm6 =	vgt.f32 v0, v63  }
0x75: {  	vm1 =	vmand vm3, vm1;
	v34 =	vsel vm2, v45, v34;
	vm6 =	vmand vm8, vm6  }
0x76: {  	v55 =	vsel vm1, v45, v55;
	v50 =	vsel vm6, v45, v50;
	v45 =	vsub.f32 v24, v10;
	v10 =	vld [tilespmem:$0x1FF30];
	_ =	sdelay $0x4  }
0x77: {  	v33 =	vsel vm2, v18, v33;
	v18 =	vsub.f32 v24, v10;
	v10 =	vld [tilespmem:$0x1FF50];
	_ =	sdelay $0x3  }
0x78: {  	v0 =	vld.idx.msk [tilespmem:v57+s17+$0x0], $0xffff  }
0x79: {  	v4 =	vsel vm0, v22, v4;
	v22 =	vsub.f32 v24, v10;
	v10 =	vld [tilespmem:$0x1FF60];
	_ =	sdelay $0x4  }
0x7a: {  	v7 =	vsel vm4, v37, v7;
	v37 =	vsub.f32 v0, v10;
	v10 =	vld [tilespmem:$0x1FF90];
	_ =	sdelay $0x2  }
0x7b: {  	v3 =	vsel vm0, v35, v3  }
0x7c: {  	v9 =	vsel vm4, v35, v9;
	v47 =	vsel vm5, v35, v47;
	v38 =	vsel vm2, v35, v38  }
0x7d: {  	v56 =	vsel vm1, v35, v56;
	v51 =	vsel vm6, v35, v51;
	v35 =	vsub.f32 v24, v10;
	v10 =	vld [tilespmem:$0x1FF70];
	_ =	sdelay $0x4  }
0x7e: {  	v58 =	vmul.f32 v10, v18;
	v10 =	vld [tilespmem:$0x1FF80];
	_ =	sdelay $0x4  }
0x7f: {  	v48 =	vsel vm5, v53, v48;
	v53 =	vmul.f32 v18, v18;
	v18 =	vsub.f32 v24, v10;
	v10 =	vld [tilespmem:$0x1FFA0];
	_ =	sdelay $0x4  }
0x80: {  	v49 =	vsel vm6, v60, v49;
	v60 =	vmul.f32 v10, v22;
	v10 =	vld [tilespmem:$0x1FFB0];
	_ =	sdelay $0x4  }
0x81: {  	v62 =	vmul.f32 v22, v22;
	v22 =	vsub.f32 v0, v10;
	v10 =	vld [tilespmem:$0x1FFC0];
	_ =	sdelay $0x4  }
0x82: {  	v54 =	vsel vm1, v61, v54;
	v11 =	vsub.f32 v0, v30;
	v61 =	vsub.f32 v24, v10;
	v10 =	vld [tilespmem:$0x1FFD0]  }
0x83: {  	v14 =	vsub.f32 v0, v26  }
0x84: {  	v59 =	vmul.f32 v45, v45;
	v19 =	vmul.f32 v25, v11  }
0x85: {  	v20 =	vmul.f32 v14, v14;
	v11 =	vmul.f32 v11, v11  }
0x86: {  	v14 =	vmul.f32 v40, v14;
	v23 =	vmul.f32 v37, v37  }
0x87: {  	v21 =	vmul.f32 v35, v35;
	v63 =	vmul.f32 v10, v18;
	v10 =	vld [tilespmem:$0x1FFE0]  }
0x88: {  	v20 =	vadd.f32 v20, v59;
	v12 =	vmul.f32 v18, v18;
	v13 =	vmul.f32 v22, v22  }
0x89: {  	v17 =	vsub.f32 v0, v28;
	v15 =	vmul.f32 v61, v61;
	v18 =	vmul.f32 v27, v22  }
0x8a: {  	v59 =	vmul.f32 $8.830222480e-01, v20;
	v11 =	vadd.f32 v11, v21;
	v12 =	vadd.f32 v13, v12  }
0x8b: {  	v35 =	vmul.f32 v36, v35;
	v15 =	vadd.f32 v23, v15;
	v18 =	vadd.f32 v18, v63  }
0x8c: {  	v11 =	vmul.f32 $8.830222480e-01, v11;
	v10 =	vsub.f32 v24, v10;
	v24 =	vsub.f32 v0, v31  }
0x8d: {  	v21 =	vmul.f32 v39, v61;
	v15 =	vmul.f32 $8.830222480e-01, v15;
	v13 =	vand.u32 $0x7FFFFFFF, v18  }
0x8e: {  	v0 =	vsub.f32 v0, v46;
	v22 =	vmul.f32 v29, v10;
	v16 =	vmul.f32 v32, v24  }
0x8f: {  	vm2 =	vlt.f32 v18, v33;
	v63 =	vmul.f32 v24, v24;
	v10 =	vmul.f32 v10, v10  }
0x90: {  	v23 =	vmul.f32 v0, v0;
	v0 =	vmul.f32 v52, v0;
	v24 =	vadd.f32 v16, v22  }
0x91: {  	v16 =	vmul.f32 v17, v17;
	v22 =	vmul.f32 v41, v37;
	v10 =	vadd.f32 v63, v10  }
0x92: {  	v17 =	vmul.f32 v43, v17;
	v60 =	vadd.f32 v0, v60;
	v62 =	vadd.f32 v23, v62  }
0x93: {  	v61 =	vand.u32 $0x7FFFFFFF, v24;
	v16 =	vadd.f32 v16, v53;
	v37 =	vadd.f32 v22, v21  }
0x94: {  	v53 =	vadd.f32 v19, v35;
	v22 =	vadd.f32 v17, v58;
	v17 =	vmul.f32 v44, v45;
	v35 =	vld.idx.msk [tilespmem:v57+s21+$0x0], $0xffff  }
0x95: {  	vm1 =	vlt.f32 v24, v2;
	v10 =	vmul.f32 $8.830222480e-01, v10;
	v45 =	vld.idx.msk [tilespmem:v57+s20+$0x0], $0xffff;
	v57 =	vmul.f32 $8.830222480e-01, v12  }
0x96: {  	p0 =	sne.s32 s22, $0x63;
	v20 =	vmul.f32 v61, v24;
	v16 =	vmul.f32 $8.830222480e-01, v16;
	v19 =	vand.u32 $0x7FFFFFFF, v37  }
.Ltmp0:
0x97: {  	v21 =	vand.u32 $0x7FFFFFFF, v53;
	v58 =	vand.u32 $0x7FFFFFFF, v22;
	vm0 =	vlt.f32 v22, v4;
	(pc) =	sbr.rel @p0 .LBB2_3-.Ltmp0, $4  }
0x98: {  	v61 =	vadd.f32 v14, v17;
	vm5 =	vlt.f32 v53, v48;
	v19 =	vmul.f32 v19, v37  }
0x99: {  	v12 =	vmul.f32 v58, v22;
	v14 =	vmul.f32 v21, v53;
	vm3 =	vgt.f32 v20, v10  }
0x9a: {  	v58 =	vmul.f32 v13, v18;
	v63 =	vand.u32 $0x7FFFFFFF, v61;
	vm3 =	vmand vm1, vm3  }
0x9b: {  	s22 =	sadd.s32 $0x1, s22;
	vm4 =	vgt.f32 v19, v15;
	vm6 =	vgt.f32 v14, v11;
	vm1 =	vgt.f32 v12, v16  }
0x9c: {  	v0 =	vmul.f32 v63, v61;
	v16 =	vld [tilespmem:$0x1FFF0]  }
0x9d: {  	v10 =	vld [tilespmem:s31+$0x2400]  }
0x9e: {  	vm7 =	vlt.f32 v61, v54;
	v32 =	vld [tilespmem:s31+$0x2D00];
	vm8 =	vgt.f32 v0, v59  }
0x9f: {  	vm7 =	vmand vm7, vm8  }
0xa0: {  	v11 =	vsel vm7, v61, v54  }
0xa1: {  	v11 =	vsub.f32 v11, v16  }
0xa2: {  	v12 =	vsel vm7, v45, v55;
	v13 =	vsel vm7, v35, v56  }
0xa3: {  	v10 =	vsub.f32 v12, v10;
	v0 =	vsub.f32 v13, v32;
	(erf) = vrcp.f32 v11  }
0xa4: {  	v36 =	vld [tilespmem:s31+$0x3F00]  }
0xa5: {  	v10 =	vmul.f32 v44, v10;
	v0 =	vmul.f32 v40, v0  }
0xa6: {  	v39 =	vld [tilespmem:s31+$0x3600]  }
0xa7: {  	v0 =	vadd.f32 v0, v10;
	_ =	sdelay $0x1  }
0xa8: {  	v0 =	vmul.f32 v0, v36;
	_ =	sdelay $0x1  }
0xa9: {  	v0 =	vadd.f32 v0, v39  }
0xaa: {  	v41 =	vld [tilespmem:s31+$0x4800];
	v40 =	vpop (erf)  }
0xab: {  	v0 =	vmul.f32 v0, v40;
	_ =	sdelay $0x1  }
0xac: {  	v0 =	vmul.f32 v0, v0;
	_ =	sdelay $0x1  }
0xad: {  	v0 =	vsub.f32 v41, v0  }
0xae: {  	vm12 =	veq.f32 v11, $+Inf  }
0xaf: {  	v43 =	vand.u32 $0x7FFFFFFF, v60;
	v0 =	vsel vm12, v41, v0  }
0xb0: {  	v44 =	vmul.f32 $8.830222480e-01, v62;
	v10 =	vmul.f32 v43, v60;
	[tilespmem:s31+$0x5100] =	vst v0  }
0xb1: {  	v0 =	vld [tilespmem:s19+$0x2400]  }
0xb2: {  	vm13 =	vlt.f32 v60, v49;
	vm14 =	vgt.f32 v10, v44;
	v46 =	vld [tilespmem:s19+$0x2D00]  }
0xb3: {  	vm7 =	vmand vm13, vm14;
	v52 =	vld [tilespmem:s19+$0x1200]  }
0xb4: {  	v54 =	vsel vm7, v60, v49;
	v55 =	vld [tilespmem:s19+$0x1B00]  }
0xb5: {  	v12 =	vsub.f32 v54, v16  }
0xb6: {  	v14 =	vsel vm7, v45, v50;
	v15 =	vsel vm7, v35, v51  }
0xb7: {  	(erf) = vrcp.f32 v12;
	v0 =	vsub.f32 v14, v0;
	v10 =	vsub.f32 v15, v46  }
0xb8: {  	v56 =	vld [tilespmem:s19+$0x3F00]  }
0xb9: {  	v0 =	vmul.f32 v52, v0;
	v10 =	vmul.f32 v55, v10  }
0xba: {  	v59 =	vld [tilespmem:s19+$0x3600]  }
0xbb: {  	v0 =	vadd.f32 v10, v0;
	_ =	sdelay $0x1  }
0xbc: {  	v0 =	vmul.f32 v0, v56;
	_ =	sdelay $0x1  }
0xbd: {  	v0 =	vadd.f32 v0, v59  }
0xbe: {  	v60 =	vpop (erf);
	v61 =	vld [tilespmem:s19+$0x4800]  }
0xbf: {  	v0 =	vmul.f32 v0, v60;
	_ =	sdelay $0x1  }
0xc0: {  	v0 =	vmul.f32 v0, v0;
	_ =	sdelay $0x1  }
0xc1: {  	v0 =	vsub.f32 v61, v0  }
0xc2: {  	vm15 =	veq.f32 v12, $+Inf  }
0xc3: {  	v0 =	vsel vm15, v61, v0  }
0xc4: {  	[tilespmem:s19+$0x5100] =	vst v0  }
0xc5: {  	v0 =	vld [tilespmem:s18+$0x2400]  }
0xc6: {  	v62 =	vld [tilespmem:s18+$0x2D00]  }
0xc7: {  	vm5 =	vmand vm5, vm6;
	v63 =	vld [tilespmem:s18+$0x1200]  }
0xc8: {  	v17 =	vsel vm5, v53, v48;
	v19 =	vld [tilespmem:s18+$0x1B00]  }
0xc9: {  	v12 =	vsub.f32 v17, v16  }
0xca: {  	v20 =	vsel vm5, v45, v42;
	v21 =	vsel vm5, v35, v47  }
0xcb: {  	(erf) = vrcp.f32 v12;
	v0 =	vsub.f32 v20, v0;
	v10 =	vsub.f32 v21, v62  }
0xcc: {  	v23 =	vld [tilespmem:s18+$0x3F00]  }
0xcd: {  	v0 =	vmul.f32 v63, v0;
	v10 =	vmul.f32 v19, v10  }
0xce: {  	v25 =	vld [tilespmem:s18+$0x3600]  }
0xcf: {  	v0 =	vadd.f32 v10, v0;
	_ =	sdelay $0x1  }
0xd0: {  	v0 =	vmul.f32 v0, v23;
	_ =	sdelay $0x1  }
0xd1: {  	v0 =	vadd.f32 v0, v25  }
0xd2: {  	v26 =	vpop (erf);
	v27 =	vld [tilespmem:s18+$0x4800]  }
0xd3: {  	v0 =	vmul.f32 v0, v26;
	_ =	sdelay $0x1  }
0xd4: {  	v0 =	vmul.f32 v0, v0;
	_ =	sdelay $0x1  }
0xd5: {  	v0 =	vsub.f32 v27, v0  }
0xd6: {  	vm9 =	veq.f32 v12, $+Inf  }
0xd7: {  	v0 =	vsel vm9, v27, v0  }
0xd8: {  	[tilespmem:s18+$0x5100] =	vst v0  }
0xd9: {  	v0 =	vld [tilespmem:s15+$0x2400]  }
0xda: {  	vm10 =	vgt.f32 v58, v57;
	v28 =	vld [tilespmem:s15+$0x2D00]  }
0xdb: {  	vm2 =	vmand vm2, vm10;
	v29 =	vld [tilespmem:s15+$0x1200]  }
0xdc: {  	v30 =	vsel vm2, v18, v33;
	v31 =	vld [tilespmem:s15+$0x1B00]  }
0xdd: {  	v12 =	vsub.f32 v30, v16  }
0xde: {  	v33 =	vsel vm2, v35, v38;
	v32 =	vsel vm2, v45, v34  }
0xdf: {  	(erf) = vrcp.f32 v12;
	v0 =	vsub.f32 v32, v0;
	v10 =	vsub.f32 v33, v28  }
0xe0: {  	v34 =	vld [tilespmem:s15+$0x3F00]  }
0xe1: {  	v0 =	vmul.f32 v29, v0;
	v10 =	vmul.f32 v31, v10  }
0xe2: {  	v36 =	vld [tilespmem:s15+$0x3600]  }
0xe3: {  	v0 =	vadd.f32 v10, v0;
	_ =	sdelay $0x1  }
0xe4: {  	v0 =	vmul.f32 v0, v34;
	_ =	sdelay $0x1  }
0xe5: {  	v0 =	vadd.f32 v0, v36  }
0xe6: {  	v38 =	vpop (erf);
	v39 =	vld [tilespmem:s15+$0x4800]  }
0xe7: {  	v0 =	vmul.f32 v0, v38;
	_ =	sdelay $0x1  }
0xe8: {  	v0 =	vmul.f32 v0, v0;
	_ =	sdelay $0x1  }
0xe9: {  	v0 =	vsub.f32 v39, v0  }
0xea: {  	vm11 =	veq.f32 v12, $+Inf  }
0xeb: {  	v0 =	vsel vm11, v39, v0  }
0xec: {  	[tilespmem:s15+$0x5100] =	vst v0  }
0xed: {  	v0 =	vld [tilespmem:s0+$0x2400]  }
0xee: {  	vm12 =	vlt.f32 v37, v7;
	v40 =	vld [tilespmem:s0+$0x2D00]  }
0xef: {  	vm2 =	vmand vm12, vm4;
	v41 =	vld [tilespmem:s0+$0x1200]  }
0xf0: {  	v42 =	vsel vm2, v37, v7;
	v43 =	vld [tilespmem:s0+$0x1B00]  }
0xf1: {  	v7 =	vsub.f32 v42, v16  }
0xf2: {  	v8 =	vsel vm2, v45, v8;
	v9 =	vsel vm2, v35, v9  }
0xf3: {  	(erf) = vrcp.f32 v7;
	v0 =	vsub.f32 v8, v0;
	v44 =	vsub.f32 v9, v40  }
0xf4: {  	v46 =	vld [tilespmem:s0+$0x3F00]  }
0xf5: {  	v0 =	vmul.f32 v41, v0;
	v8 =	vmul.f32 v43, v44  }
0xf6: {  	v47 =	vld [tilespmem:s0+$0x3600]  }
0xf7: {  	v0 =	vadd.f32 v8, v0;
	_ =	sdelay $0x1  }
0xf8: {  	v0 =	vmul.f32 v0, v46;
	_ =	sdelay $0x1  }
0xf9: {  	v0 =	vadd.f32 v0, v47  }
0xfa: {  	v48 =	vpop (erf);
	v49 =	vld [tilespmem:s0+$0x4800]  }
0xfb: {  	v0 =	vmul.f32 v0, v48;
	_ =	sdelay $0x1  }
0xfc: {  	v0 =	vmul.f32 v0, v0;
	_ =	sdelay $0x1  }
0xfd: {  	v0 =	vsub.f32 v49, v0  }
0xfe: {  	vm13 =	veq.f32 v7, $+Inf  }
0xff: {  	v0 =	vsel vm13, v49, v0  }
0x100: {  	[tilespmem:s0+$0x5100] =	vst v0  }
0x101: {  	v0 =	vld [tilespmem:s1+$0x2400]  }
0x102: {  	v50 =	vld [tilespmem:s1+$0x2D00]  }
0x103: {  	v51 =	vld [tilespmem:s1+$0x1200]  }
0x104: {  	v2 =	vsel vm3, v24, v2;
	v52 =	vld [tilespmem:s1+$0x1B00]  }
0x105: {  	v2 =	vsub.f32 v2, v16  }
0x106: {  	v1 =	vsel vm3, v35, v1;
	v6 =	vsel vm3, v45, v6  }
0x107: {  	(erf) = vrcp.f32 v2;
	v0 =	vsub.f32 v6, v0;
	v1 =	vsub.f32 v1, v50  }
0x108: {  	v53 =	vld [tilespmem:s1+$0x3F00]  }
0x109: {  	v0 =	vmul.f32 v51, v0;
	v1 =	vmul.f32 v52, v1  }
0x10a: {  	v54 =	vld [tilespmem:s1+$0x3600]  }
0x10b: {  	v0 =	vadd.f32 v1, v0;
	_ =	sdelay $0x1  }
0x10c: {  	v0 =	vmul.f32 v0, v53;
	_ =	sdelay $0x1  }
0x10d: {  	v0 =	vadd.f32 v0, v54  }
0x10e: {  	v55 =	vpop (erf);
	v56 =	vld [tilespmem:s1+$0x4800]  }
0x10f: {  	v0 =	vmul.f32 v0, v55;
	_ =	sdelay $0x1  }
0x110: {  	v0 =	vmul.f32 v0, v0;
	_ =	sdelay $0x1  }
0x111: {  	v0 =	vsub.f32 v56, v0  }
0x112: {  	vm14 =	veq.f32 v2, $+Inf  }
0x113: {  	v0 =	vsel vm14, v56, v0  }
0x114: {  	[tilespmem:s1+$0x5100] =	vst v0  }
0x115: {  	v0 =	vld [tilespmem:s30+$0x2400]  }
0x116: {  	v57 =	vld [tilespmem:s30+$0x2D00]  }
0x117: {  	vm0 =	vmand vm0, vm1;
	v58 =	vld [tilespmem:s30+$0x1200]  }
0x118: {  	v4 =	vsel vm0, v22, v4;
	v59 =	vld [tilespmem:s30+$0x1B00]  }
0x119: {  	v4 =	vsub.f32 v4, v16  }
0x11a: {  	v3 =	vsel vm0, v35, v3;
	v5 =	vsel vm0, v45, v5  }
0x11b: {  	(erf) = vrcp.f32 v4;
	v0 =	vsub.f32 v5, v0;
	v1 =	vsub.f32 v3, v57  }
0x11c: {  	v60 =	vld [tilespmem:s30+$0x3F00]  }
0x11d: {  	v0 =	vmul.f32 v58, v0;
	v1 =	vmul.f32 v59, v1  }
0x11e: {  	v61 =	vld [tilespmem:s30+$0x3600]  }
0x11f: {  	v0 =	vadd.f32 v1, v0;
	_ =	sdelay $0x1  }
0x120: {  	v0 =	vmul.f32 v0, v60;
	_ =	sdelay $0x1  }
0x121: {  	v0 =	vadd.f32 v0, v61  }
0x122: {  	v62 =	vpop (erf);
	v63 =	vld [tilespmem:s30+$0x4800]  }
0x123: {  	v0 =	vmul.f32 v0, v62  }
0x124: {  	s29 =	sadd.s32 $0x1, s29  }
0x125: {  	p0 =	sne.s32 s29, $0x14;
	v0 =	vmul.f32 v0, v0  }
.Ltmp1:
0x126: {  	_ = 	snop;
	(pc) =	sbr.rel @p0 .LBB2_2-.Ltmp1, $4  }
0x127: {  	v0 =	vsub.f32 v63, v0  }
0x128: {  	vm15 =	veq.f32 v4, $+Inf  }
0x129: {  	v0 =	vsel vm15, v63, v0  }
0x12a: {  	s28 =	sadd.s32 $0x70, s28;
	[tilespmem:s30+$0x5100] =	vst v0  }
0x12b: {  	s26 =	sadd.s32 $0x1, s26  }
0x12c: {  	p0 =	sne.s32 s26, s14  }
.Ltmp2:
0x12d: {  	_ = 	snop;
	(pc) =	sbr.rel @p0 .LBB2_1-.Ltmp2, $4  }
0x12e: {  	[hbm4b:s13+s2] =	stream.linear.scatter [tilespmem:s25], [sflag:$0x1], $0x8C0, $0x38;
	[tilespmem:$0x5A80] =	vst v63  }
0x12f: {  	_ =	swait.ge [sflag:s16], $0x8C0  }
0x130: {  	[sflag:s16] =	ssyncset.done $0x0  }
0x131: {  	[sflag:s16] =	ssyncadd.s32 $0xFFFFF740  }
0x132: {  	_ =	sfence.sel $0x180000  }
0x133: {  	[bflag:$0x0] =	sbarrier.arrive $0xFFFF  }
0x134: {  	_ =	strace $0x90000047  }
0x135: {  	s0 =	stileid.u32;
	[bflag:$0x2] =	sbarrier.arrive $0xFFFF  }
0x136: {  	p0 =	sne.s32 s0, $0x0;
	s0 =	rddreg [dreg:$0x2]  }
0x137: {  	s0 =	sadd.s32 @!p0 $0x100000, s0  }
0x138: {  	[sflag:s0] =	ssyncadd.tile.s32 @!p0 $0x1;
	_ =	shalt  }
.Lfunc_end2:
_tile_overlayer_lowered:
.L_overlay_start_2:
0x139: {  	(tag) =	ssettag $0x2  }
0x13a: {  	s0 =	rddreg [dreg:$0x0];
	s2 =	stileid.u32  }
0x13b: {  	s1 =	rddreg [dreg:$0x1];
	p0 =	sne.s32 s2, $0x0  }
0x13c: {  	s3 =	rddreg [dreg:$0x2];
	[bflag:$0x3] =	sbarrier.arrive $0xFFFF;
	s2 =	simm.s32 @!p0 $0x1C01  }
0x13d: {  	[timem:s3], [sflag:s2] =	dma.local @!p0 [hbm:s0], s1  }
0x13e: {  	s0 =	simm.s32 @!p0 $0x1  }
0x13f: {  	_ =	swait.ge @!p0 [sflag:s0], s1  }
0x140: {  	s1 =	ssub.s32 @!p0 $0x0, s1;
	[sflag:s0] =	ssyncset.done @!p0 $0x0  }
0x141: {  	[sflag:s0] =	ssyncadd.s32 @!p0 s1  }
0x142: {  	[bflag:$0x3] =	sbarrier.arrive $0xFFFF  }
0x143: {  	_ =	shalt  }

</sc_bundles>
